<compile_context>
chip_gen: v7x
topology: tpu7x:2x2x1
jax: 0.10.2.dev20260603
libtpu: 0.0.44.dev20260713+nightly
codegen_flags: <defaults>
</compile_context>

<pallas_src>
import functools

import jax
import jax.numpy as jnp
from jax import lax
from jax.experimental import pallas as pl
from jax.experimental.pallas import tpu as pltpu
from jax.experimental.pallas import tpu_sc as plsc

N = 100000
G = 512
BLK = 2048
GRID = 49
NP = BLK * GRID
E = 1600000
NW = 32
ROWS_W = 392
EP = NW * ROWS_W * 128
CHUNKS = 49
RPS = NP // 16


@functools.cache
def _mesh():
    return plsc.VectorSubcoreMesh(
        core_axis_name="c", subcore_axis_name="s",
        num_cores=2, num_subcores=16)


@functools.cache
def _make_deg():
    @functools.partial(
        pl.kernel,
        out_type=jax.ShapeDtypeStruct((2, NP, 16), jnp.float32),
        mesh=_mesh(),
        compiler_params=pltpu.CompilerParams(use_tc_tiling_on_sc=False),
        scratch_types=[
            pltpu.VMEM_SHARED((NP, 16), jnp.float32),
            pltpu.VMEM((8, 128), jnp.int32),
            pltpu.VMEM((128, 16), jnp.float32),
        ],
    )
    def _deg_kernel(dst_h, zeros_h, ones_h, out_h, acc, dstb, onesb):
        c = lax.axis_index("c")
        s = lax.axis_index("s")
        w = s * 2 + c
        pltpu.sync_copy(ones_h, onesb)
        pltpu.sync_copy(zeros_h.at[pl.ds(s * RPS, RPS)],
                        acc.at[pl.ds(s * RPS, RPS)])
        plsc.subcore_barrier()

        def chunk(i, carry):
            r0 = w * ROWS_W + i * 8
            pltpu.sync_copy(dst_h.at[pl.ds(r0, 8)], dstb)
            for k in range(8):
                pltpu.sync_copy(onesb, acc.at[dstb.at[k]], add=True)
            return carry

        lax.fori_loop(0, CHUNKS, chunk, 0)
        plsc.subcore_barrier()
        pltpu.sync_copy(acc.at[pl.ds(s * RPS, RPS)],
                        out_h.at[c, pl.ds(s * RPS, RPS)])

    return _deg_kernel


@functools.cache
def _make_agg(F):
    @functools.partial(
        pl.kernel,
        out_type=jax.ShapeDtypeStruct((2, NP, F), jnp.float32),
        mesh=_mesh(),
        compiler_params=pltpu.CompilerParams(use_tc_tiling_on_sc=False),
        scratch_types=[
            pltpu.VMEM_SHARED((NP, F), jnp.float32),
            pltpu.VMEM((8, 128), jnp.int32),
            pltpu.VMEM((8, 128), jnp.int32),
            pltpu.VMEM((8, 128, F), jnp.float32),
            pltpu.SemaphoreType.DMA,
            pltpu.SemaphoreType.DMA,
        ],
    )
    def _agg(table_h, src_h, dst_h, zeros_h, out_h, acc, srcb, dstb, rows,
             gsem, ssem):
        c = lax.axis_index("c")
        s = lax.axis_index("s")
        w = s * 2 + c
        pltpu.sync_copy(zeros_h.at[pl.ds(s * RPS, RPS)],
                        acc.at[pl.ds(s * RPS, RPS)])
        plsc.subcore_barrier()

        def chunk(i, carry):
            r0 = w * ROWS_W + i * 8
            pltpu.sync_copy(src_h.at[pl.ds(r0, 8)], srcb)
            pltpu.sync_copy(dst_h.at[pl.ds(r0, 8)], dstb)
            gets = [pltpu.async_copy(table_h.at[srcb.at[k]], rows.at[k], gsem)
                    for k in range(8)]
            for cp in gets:
                cp.wait()
            puts = [pltpu.async_copy(rows.at[k], acc.at[dstb.at[k]], ssem,
                                     add=True)
                    for k in range(8)]
            for cp in puts:
                cp.wait()
            return carry

        lax.fori_loop(0, CHUNKS, chunk, 0)
        plsc.subcore_barrier()
        pltpu.sync_copy(acc.at[pl.ds(s * RPS, RPS)],
                        out_h.at[c, pl.ds(s * RPS, RPS)])

    return _agg


def _sc_deg(dst2d, zeros16, ones128):
    return _make_deg()(dst2d, zeros16, ones128)


def _sc_agg(table, src2d, dst2d, zerosF):
    return _make_agg(table.shape[1])(table, src2d, dst2d, zerosF)



def _dot(a, b):
    return lax.dot_general(a, b, (((1,), (0,)), ((), ())),
                           precision=lax.Precision.HIGHEST,
                           preferred_element_type=jnp.float32)


def _b16(v):
    u = lax.bitcast_convert_type(v, jnp.uint32)
    return lax.bitcast_convert_type(u & jnp.uint32(0xFFFF0000), jnp.float32)


def _dotd(a, b):
    return lax.dot_general(a, b, (((1,), (0,)), ((), ())),
                           preferred_element_type=jnp.float32)


def _prep_body(d0_ref, d1_ref, valid_ref, x3_ref, w1_ref, dinv_ref, t1_ref):
    d = d0_ref[:, 0:1] + d1_ref[:, 0:1] + 1.0
    dinv = valid_ref[...] * lax.rsqrt(d)
    dinv_ref[...] = dinv
    h1 = _dotd(x3_ref[...], w1_ref[...])
    t1_ref[...] = dinv * h1


def _tc_prep(d0, d1, valid, x3, W1):
    return pl.pallas_call(
        _prep_body,
        grid=(GRID,),
        in_specs=[
            pl.BlockSpec((BLK, 16), lambda i: (i, 0)),
            pl.BlockSpec((BLK, 16), lambda i: (i, 0)),
            pl.BlockSpec((BLK, 1), lambda i: (i, 0)),
            pl.BlockSpec((BLK, 3), lambda i: (i, 0)),
            pl.BlockSpec((3, 16), lambda i: (0, 0)),
        ],
        out_specs=[
            pl.BlockSpec((BLK, 1), lambda i: (i, 0)),
            pl.BlockSpec((BLK, 16), lambda i: (i, 0)),
        ],
        out_shape=[
            jax.ShapeDtypeStruct((NP, 1), jnp.float32),
            jax.ShapeDtypeStruct((NP, 16), jnp.float32),
        ],
    )(d0, d1, valid, x3, W1)


def _stats_body(s0_ref, s1_ref, t_ref, dinv_ref, z_ref, m_ref):
    i = pl.program_id(0)
    z = dinv_ref[...] * (s0_ref[...] + s1_ref[...] + t_ref[...])
    z_ref[...] = z
    ze = jnp.concatenate([z, jnp.ones((BLK, 1), jnp.float32)], axis=1)
    m = lax.dot_general(ze, ze, (((0,), (0,)), ((), ())),
                        precision=lax.Precision.HIGHEST,
                        preferred_element_type=jnp.float32)

    @pl.when(i == 0)
    def _():
        m_ref[...] = m

    @pl.when(i > 0)
    def _():
        m_ref[...] += m


def _tc_stats(s0, s1, t, dinv):
    F = t.shape[1]
    return pl.pallas_call(
        _stats_body,
        grid=(GRID,),
        in_specs=[
            pl.BlockSpec((BLK, F), lambda i: (i, 0)),
            pl.BlockSpec((BLK, F), lambda i: (i, 0)),
            pl.BlockSpec((BLK, F), lambda i: (i, 0)),
            pl.BlockSpec((BLK, 1), lambda i: (i, 0)),
        ],
        out_specs=[
            pl.BlockSpec((BLK, F), lambda i: (i, 0)),
            pl.BlockSpec((F + 1, F + 1), lambda i: (0, 0)),
        ],
        out_shape=[
            jax.ShapeDtypeStruct((NP, F), jnp.float32),
            jax.ShapeDtypeStruct((F + 1, F + 1), jnp.float32),
        ],
    )(s0, s1, t, dinv)


def _stats2_body(s0a_ref, s1a_ref, ta_ref, s0b_ref, s1b_ref, tb_ref,
                 dinv_ref, z_ref, m_ref):
    i = pl.program_id(0)
    dinv = dinv_ref[...]
    za = dinv * (s0a_ref[...] + s1a_ref[...] + ta_ref[...])
    zb = dinv * (s0b_ref[...] + s1b_ref[...] + tb_ref[...])
    z = jnp.concatenate([za, zb], axis=1)
    z_ref[...] = z
    ze = jnp.concatenate([z, jnp.ones((BLK, 1), jnp.float32)], axis=1)
    m = lax.dot_general(ze, ze, (((0,), (0,)), ((), ())),
                        precision=lax.Precision.HIGHEST,
                        preferred_element_type=jnp.float32)

    @pl.when(i == 0)
    def _():
        m_ref[...] = m

    @pl.when(i > 0)
    def _():
        m_ref[...] += m


def _tc_stats2(s0a, s1a, ta, s0b, s1b, tb, dinv):
    spec16 = pl.BlockSpec((BLK, 16), lambda i: (i, 0))
    return pl.pallas_call(
        _stats2_body,
        grid=(GRID,),
        in_specs=[spec16, spec16, spec16, spec16, spec16, spec16,
                  pl.BlockSpec((BLK, 1), lambda i: (i, 0))],
        out_specs=[
            pl.BlockSpec((BLK, 32), lambda i: (i, 0)),
            pl.BlockSpec((33, 33), lambda i: (0, 0)),
        ],
        out_shape=[
            jax.ShapeDtypeStruct((NP, 32), jnp.float32),
            jax.ShapeDtypeStruct((33, 33), jnp.float32),
        ],
    )(s0a, s1a, ta, s0b, s1b, tb, dinv)


def _finalize_bn(M, W):
    F = W.shape[0]
    n = jnp.float32(N)
    mu_z = M[:F, F] / n
    cov = M[:F, :F] / n - jnp.outer(mu_z, mu_z)
    mu_c = (mu_z @ W).reshape(1, -1)
    var_c = jnp.einsum('if,ij,jf->f', W, cov, W)
    istd = lax.rsqrt(jnp.maximum(var_c, 0.0) + 1e-5).reshape(1, -1)
    return mu_c, istd


def _finalize_bn_direct(M):
    F = M.shape[0] - 1
    n = jnp.float32(N)
    mu_z = M[:F, F] / n
    var_c = M[:F, :F].diagonal() / n - mu_z * mu_z
    istd = lax.rsqrt(jnp.maximum(var_c, 0.0) + 1e-5).reshape(1, -1)
    return mu_z.reshape(1, -1), istd


def _applyI_body(z_ref, dinv_ref, mu_ref, istd_ref, g_ref, be_ref, t_ref):
    y = jnp.maximum((z_ref[...] - mu_ref[...]) * istd_ref[...] * g_ref[...]
                    + be_ref[...], 0.0)
    t_ref[...] = dinv_ref[...] * _b16(y)


def _tc_applyI(z, dinv, mu, istd, g, be):
    return pl.pallas_call(
        _applyI_body,
        grid=(GRID,),
        in_specs=[
            pl.BlockSpec((BLK, 16), lambda i: (i, 0)),
            pl.BlockSpec((BLK, 1), lambda i: (i, 0)),
            pl.BlockSpec((1, 16), lambda i: (0, 0)),
            pl.BlockSpec((1, 16), lambda i: (0, 0)),
            pl.BlockSpec((1, 16), lambda i: (0, 0)),
            pl.BlockSpec((1, 16), lambda i: (0, 0)),
        ],
        out_specs=pl.BlockSpec((BLK, 16), lambda i: (i, 0)),
        out_shape=jax.ShapeDtypeStruct((NP, 16), jnp.float32),
    )(z, dinv, mu, istd, g, be)


def _apply2_body(z_ref, dinv_ref, w_ref, mu_ref, istd_ref, g_ref, be_ref,
                 ta_ref, tb_ref):
    c = _dot(z_ref[...], w_ref[...])
    y = jnp.maximum((c - mu_ref[...]) * istd_ref[...] * g_ref[...]
                    + be_ref[...], 0.0)
    t = dinv_ref[...] * _b16(y)
    ta_ref[...] = t[:, :16]
    tb_ref[...] = t[:, 16:]


def _tc_apply2(z, dinv, W, mu, istd, g, be):
    return pl.pallas_call(
        _apply2_body,
        grid=(GRID,),
        in_specs=[
            pl.BlockSpec((BLK, 16), lambda i: (i, 0)),
            pl.BlockSpec((BLK, 1), lambda i: (i, 0)),
            pl.BlockSpec((16, 32), lambda i: (0, 0)),
            pl.BlockSpec((1, 32), lambda i: (0, 0)),
            pl.BlockSpec((1, 32), lambda i: (0, 0)),
            pl.BlockSpec((1, 32), lambda i: (0, 0)),
            pl.BlockSpec((1, 32), lambda i: (0, 0)),
        ],
        out_specs=[
            pl.BlockSpec((BLK, 16), lambda i: (i, 0)),
            pl.BlockSpec((BLK, 16), lambda i: (i, 0)),
        ],
        out_shape=[
            jax.ShapeDtypeStruct((NP, 16), jnp.float32),
            jax.ShapeDtypeStruct((NP, 16), jnp.float32),
        ],
    )(z, dinv, W, mu, istd, g, be)


def _pool_body(z_ref, b_ref, w_ref, mu_ref, istd_ref, g_ref, be_ref,
               wf_ref, bf_ref, out_ref, acc_ref):
    i = pl.program_id(0)
    c = _dot(z_ref[...], w_ref[...])
    y = jnp.maximum((c - mu_ref[...]) * istd_ref[...] * g_ref[...]
                    + be_ref[...], 0.0)
    ye = jnp.concatenate([y, jnp.ones((BLK, 1), jnp.float32)], axis=1)
    oh = (lax.broadcasted_iota(jnp.int32, (G, BLK), 0)
          == b_ref[...]).astype(jnp.float32)
    m = _dot(oh, ye)

    @pl.when(i == 0)
    def _():
        acc_ref[...] = m

    @pl.when(i > 0)
    def _():
        acc_ref[...] += m

    @pl.when(i == GRID - 1)
    def _():
        pooled = acc_ref[:, :64] / jnp.maximum(acc_ref[:, 64:65], 1.0)
        out_ref[...] = _dotd(pooled, wf_ref[...]) + bf_ref[...]


def _tc_pool(z, batch2d, W, mu, istd, g, be, Wf, bf2d):
    return pl.pallas_call(
        _pool_body,
        grid=(GRID,),
        in_specs=[
            pl.BlockSpec((BLK, 32), lambda i: (i, 0)),
            pl.BlockSpec((1, BLK), lambda i: (0, i)),
            pl.BlockSpec((32, 64), lambda i: (0, 0)),
            pl.BlockSpec((1, 64), lambda i: (0, 0)),
            pl.BlockSpec((1, 64), lambda i: (0, 0)),
            pl.BlockSpec((1, 64), lambda i: (0, 0)),
            pl.BlockSpec((1, 64), lambda i: (0, 0)),
            pl.BlockSpec((64, 10), lambda i: (0, 0)),
            pl.BlockSpec((1, 10), lambda i: (0, 0)),
        ],
        out_specs=pl.BlockSpec((G, 10), lambda i: (0, 0)),
        out_shape=jax.ShapeDtypeStruct((G, 10), jnp.float32),
        scratch_shapes=[pltpu.VMEM((G, 65), jnp.float32)],
    )(z, batch2d, W, mu, istd, g, be, Wf, bf2d)



def kernel(x, edge_index, batch, W1, b1, g1, be1, W2, b2, g2, be2,
           W3, b3, g3, be3, Wf, bf):
    f32 = jnp.float32
    npad = EP - E
    padrow = (N + (jnp.arange(npad, dtype=jnp.int32) % (NP - N)))
    src = jnp.concatenate([edge_index[0].astype(jnp.int32), padrow])
    dst = jnp.concatenate([edge_index[1].astype(jnp.int32), padrow])
    src2d = src.reshape(EP // 128, 128)
    dst2d = dst.reshape(EP // 128, 128)

    x3 = jnp.pad(x.astype(f32), ((0, NP - N), (0, 0)))
    valid = jnp.pad(jnp.ones((N, 1), f32), ((0, NP - N), (0, 0)))
    batch2d = jnp.pad(batch.astype(jnp.int32), (0, NP - N),
                      constant_values=G).reshape(1, NP)

    z16 = jnp.zeros((NP, 16), f32)
    ones128 = jnp.ones((128, 16), f32)

    def b16(w):
        u = lax.bitcast_convert_type(w.astype(f32), jnp.uint32)
        return lax.bitcast_convert_type(u & jnp.uint32(0xFFFF0000), f32)

    W1b, Wfb = W1.astype(f32), Wf.astype(f32)
    W2b, W3b = b16(W2), b16(W3)

    degp = _sc_deg(dst2d, z16, ones128)
    dinv, t1 = _tc_prep(degp[0], degp[1], valid, x3, W1b)

    s1 = _sc_agg(t1, src2d, dst2d, z16)
    z1, M1 = _tc_stats(s1[0], s1[1], t1, dinv)
    mu1, istd1 = _finalize_bn_direct(M1)
    t2 = _tc_applyI(z1, dinv, mu1, istd1,
                    g1.reshape(1, -1), be1.reshape(1, -1))

    s2 = _sc_agg(t2, src2d, dst2d, z16)
    z2, M2 = _tc_stats(s2[0], s2[1], t2, dinv)
    mu2, istd2 = _finalize_bn(M2, W2b)
    t3a, t3b = _tc_apply2(z2, dinv, W2b, mu2, istd2,
                          g2.reshape(1, -1), be2.reshape(1, -1))

    s3a = _sc_agg(t3a, src2d, dst2d, z16)
    t3b_dep, _ = lax.optimization_barrier((t3b, s3a))
    s3b = _sc_agg(t3b_dep, src2d, dst2d, z16)
    z3, M3 = _tc_stats2(s3a[0], s3a[1], t3a, s3b[0], s3b[1], t3b, dinv)
    mu3, istd3 = _finalize_bn(M3, W3b)

    return _tc_pool(z3, batch2d, W3b, mu3, istd3,
                    g3.reshape(1, -1), be3.reshape(1, -1),
                    Wfb, bf.reshape(1, -1))

# --- scband reference (transcript-rebuilt; emitter-appended) ---
"""Pipeline reference for scband-gcn-58506044506835 (READ-ONLY COPY).

The authoritative reference and input builder live on the scoring server;
editing this copy changes nothing except your own understanding.
"""

import jax, jax.numpy as jnp
import numpy as np

N = 100000
E = 1600000
G = 512


def setup_inputs(seed: int = 0):
    key = jax.random.key(seed)
    ks = jax.random.split(key, 8)
    x = jax.random.normal(ks[0], (N, 3), dtype=jnp.float32)
    edge_index = jax.random.randint(ks[1], (2, E), 0, N)
    batch = jnp.sort(jax.random.randint(ks[2], (N,), 0, G))

    def lin(k, fan_in, fan_out):
        return jax.random.normal(k, (fan_in, fan_out), dtype=jnp.float32) / np.sqrt(fan_in)

    W1 = lin(ks[3], 3, 16)
    W2 = lin(ks[4], 16, 32)
    W3 = lin(ks[5], 32, 64)
    Wf = lin(ks[6], 64, 10)
    return {
        'x': x, 'edge_index': edge_index, 'batch': batch,
        'W1': W1, 'b1': jnp.zeros(16, jnp.float32), 'g1': jnp.ones(16, jnp.float32), 'be1': jnp.zeros(16, jnp.float32),
        'W2': W2, 'b2': jnp.zeros(32, jnp.float32), 'g2': jnp.ones(32, jnp.float32), 'be2': jnp.zeros(32, jnp.float32),
        'W3': W3, 'b3': jnp.zeros(64, jnp.float32), 'g3': jnp.ones(64, jnp.float32), 'be3': jnp.zeros(64, jnp.float32),
        'Wf': Wf, 'bf': jnp.zeros(10, jnp.float32),
    }


def _gcn_conv(x, src, dst, W, b, n):
    # PyG GCNConv: linear transform, symmetric-normalized sum aggregation (self-loops already appended)
    h = x @ W
    deg = jax.ops.segment_sum(jnp.ones(src.shape[0], dtype=x.dtype), dst, num_segments=n)
    dinv = jnp.where(deg > 0, deg ** -0.5, 0.0)
    norm = dinv[src] * dinv[dst]
    msg = h[src] * norm[:, None]
    out = jax.ops.segment_sum(msg, dst, num_segments=n)
    return out + b


def _bn(x, g, b):
    # BatchNorm1d in training mode: per-feature batch statistics
    mu = x.mean(axis=0)
    var = x.var(axis=0)
    return g * (x - mu) * jax.lax.rsqrt(var + 1e-5) + b


def reference(x, edge_index, batch, W1, b1, g1, be1, W2, b2, g2, be2, W3, b3, g3, be3, Wf, bf):
    n = x.shape[0]
    loop = jnp.arange(n, dtype=edge_index.dtype)
    src = jnp.concatenate([edge_index[0], loop])
    dst = jnp.concatenate([edge_index[1], loop])
    h = jax.nn.relu(_bn(_gcn_conv(x, src, dst, W1, b1, n), g1, be1))
    h = jax.nn.relu(_bn(_gcn_conv(h, src, dst, W2, b2, n), g2, be2))
    h = jax.nn.relu(_bn(_gcn_conv(h, src, dst, W3, b3, n), g3, be3))
    sums = jax.ops.segment_sum(h, batch, num_segments=G)
    cnt = jax.ops.segment_sum(jnp.ones((n,), h.dtype), batch, num_segments=G)
    pooled = sums / jnp.maximum(cnt, 1.0)[:, None]
    return pooled @ Wf + bf

if __name__ == "__main__":
    import jax
    _d = setup_inputs()
    print(jax.jit(kernel)(*tuple(_d.values())))

</pallas_src>

<mosaic_0001>
#map = affine_map<(d0, d1) -> (0, 0)>
#map1 = affine_map<(d0, d1) -> (0, 0, 0)>
module attributes {stable_mosaic.version = 14 : i64} {
  func.func @_agg(%arg0: i32, %arg1: i32, %arg2: memref<100352x16xf32, #tpu.memory_space<hbm>>, %arg3: memref<12544x128xi32, #tpu.memory_space<hbm>>, %arg4: memref<12544x128xi32, #tpu.memory_space<hbm>>, %arg5: memref<100352x16xf32, #tpu.memory_space<hbm>>, %arg6: memref<2x100352x16xf32, #tpu.memory_space<hbm>>, %arg7: memref<100352x16xf32, #tpu.memory_space<vmem_shared>>, %arg8: memref<8x128xi32, #tpu.memory_space<vmem>>, %arg9: memref<8x128xi32, #tpu.memory_space<vmem>>, %arg10: memref<8x128x16xf32, #tpu.memory_space<vmem>>, %arg11: memref<!tpu.dma_semaphore, #tpu.memory_space<semaphore_mem>>, %arg12: memref<!tpu.dma_semaphore, #tpu.memory_space<semaphore_mem>>) attributes {dimension_semantics = [#tpu.dimension_semantics<core_parallel>, #tpu.dimension_semantics<subcore_parallel>], iteration_bounds = array<i64: 2, 16>, scalar_prefetch = 0 : i64, scratch_operands = 6 : i64, tpu.core_type = #tpu.core_type<sc_vector_subcore>, window_params = [{transform_indices = #map}, {transform_indices = #map}, {transform_indices = #map}, {transform_indices = #map}, {transform_indices = #map1}]} {
    %mul3A = arith.constant 2 : i32
    %mul3A_0 = arith.muli %arg1, %mul3A : i32
    %add3A = arith.addi %mul3A_0, %arg0 : i32
    %mul3A_1 = arith.constant 6272 : i32
    %mul3A_2 = arith.muli %arg1, %mul3A_1 : i32
    %mul3A_3 = arith.constant 6272 : i32
    %mul3A_4 = arith.muli %arg1, %mul3A_3 : i32
    "tpu.region"() ({
      %run_scoped3A = tpu.sem_alloc : memref<!tpu.dma_semaphore, #tpu.memory_space<semaphore_mem>>
      %dma_start3A = arith.constant 0 : i32
      %dma_start3A_15 = tpu.memref_slice %arg7[%mul3A_4, %dma_start3A] : memref<100352x16xf32, #tpu.memory_space<vmem_shared>> -> memref<6272x16xf32, #tpu.memory_space<vmem_shared>>
      %dma_start3A_16 = arith.constant 0 : i32
      %dma_start3A_17 = tpu.memref_slice %arg5[%mul3A_2, %dma_start3A_16] : memref<100352x16xf32, #tpu.memory_space<hbm>> -> memref<6272x16xf32, #tpu.memory_space<hbm>>
      tpu.enqueue_dma source(%dma_start3A_17 : memref<6272x16xf32, #tpu.memory_space<hbm>>) target(%dma_start3A_15 : memref<6272x16xf32, #tpu.memory_space<vmem_shared>>) target_semaphore(%run_scoped3A : memref<!tpu.dma_semaphore, #tpu.memory_space<semaphore_mem>>)
      %dma_wait3A = arith.constant 0 : i32
      %dma_wait3A_18 = tpu.memref_slice %arg7[%mul3A_4, %dma_wait3A] : memref<100352x16xf32, #tpu.memory_space<vmem_shared>> -> memref<6272x16xf32, #tpu.memory_space<vmem_shared>>
      %dma_wait3A_19 = arith.constant 0 : i32
      %dma_wait3A_20 = tpu.memref_slice %arg5[%mul3A_2, %dma_wait3A_19] : memref<100352x16xf32, #tpu.memory_space<hbm>> -> memref<6272x16xf32, #tpu.memory_space<hbm>>
      tpu.wait_dma2 semaphore(%run_scoped3A : memref<!tpu.dma_semaphore, #tpu.memory_space<semaphore_mem>>) src(%dma_wait3A_20 : memref<6272x16xf32, #tpu.memory_space<hbm>>) dst(%dma_wait3A_18 : memref<6272x16xf32, #tpu.memory_space<vmem_shared>>)
      tpu.yield
    }) : () -> ()
    %barrier3A = arith.constant 0 : index
    tpu.barrier barrier_id(%barrier3A)
    %scan3A = arith.constant 0 : i32
    %scan3A_5 = arith.constant 0 : i32
    %scan3A_6 = arith.constant 49 : i32
    %scan3A_7 = arith.addi %scan3A_5, %scan3A_6 : i32
    %scan3A_8 = arith.constant 1 : i32
    scf.for %scan3A_15 = %scan3A_5 to %scan3A_7 step %scan3A_8  : i32 {
      %mul3A_16 = arith.constant 392 : i32
      %mul3A_17 = arith.muli %add3A, %mul3A_16 : i32
      %mul3A_18 = arith.constant 8 : i32
      %mul3A_19 = arith.muli %scan3A_15, %mul3A_18 : i32
      %add3A_20 = arith.addi %mul3A_17, %mul3A_19 : i32
      "tpu.region"() ({
        %run_scoped3A = tpu.sem_alloc : memref<!tpu.dma_semaphore, #tpu.memory_space<semaphore_mem>>
        %dma_start3A_403 = arith.constant 0 : i32
        %dma_start3A_404 = tpu.memref_slice %arg3[%add3A_20, %dma_start3A_403] : memref<12544x128xi32, #tpu.memory_space<hbm>> -> memref<8x128xi32, #tpu.memory_space<hbm>>
        %dma_start3A_405 = arith.constant 0 : i32
        %dma_start3A_406 = tpu.memref_slice %arg3[%add3A_20, %dma_start3A_405] : memref<12544x128xi32, #tpu.memory_space<hbm>> -> memref<8x128xi32, #tpu.memory_space<hbm>>
        tpu.enqueue_dma source(%dma_start3A_406 : memref<8x128xi32, #tpu.memory_space<hbm>>) target(%arg8 : memref<8x128xi32, #tpu.memory_space<vmem>>) target_semaphore(%run_scoped3A : memref<!tpu.dma_semaphore, #tpu.memory_space<semaphore_mem>>)
        %dma_wait3A_407 = arith.constant 0 : i32
        %dma_wait3A_408 = tpu.memref_slice %arg3[%add3A_20, %dma_wait3A_407] : memref<12544x128xi32, #tpu.memory_space<hbm>> -> memref<8x128xi32, #tpu.memory_space<hbm>>
        %dma_wait3A_409 = arith.constant 0 : i32
        %dma_wait3A_410 = tpu.memref_slice %arg3[%add3A_20, %dma_wait3A_409] : memref<12544x128xi32, #tpu.memory_space<hbm>> -> memref<8x128xi32, #tpu.memory_space<hbm>>
        tpu.wait_dma2 semaphore(%run_scoped3A : memref<!tpu.dma_semaphore, #tpu.memory_space<semaphore_mem>>) src(%dma_wait3A_410 : memref<8x128xi32, #tpu.memory_space<hbm>>) dst(%arg8 : memref<8x128xi32, #tpu.memory_space<vmem>>)
        tpu.yield
      }) : () -> ()
      "tpu.region"() ({
        %run_scoped3A = tpu.sem_alloc : memref<!tpu.dma_semaphore, #tpu.memory_space<semaphore_mem>>
        %dma_start3A_403 = arith.constant 0 : i32
        %dma_start3A_404 = tpu.memref_slice %arg4[%add3A_20, %dma_start3A_403] : memref<12544x128xi32, #tpu.memory_space<hbm>> -> memref<8x128xi32, #tpu.memory_space<hbm>>
        %dma_start3A_405 = arith.constant 0 : i32
        %dma_start3A_406 = tpu.memref_slice %arg4[%add3A_20, %dma_start3A_405] : memref<12544x128xi32, #tpu.memory_space<hbm>> -> memref<8x128xi32, #tpu.memory_space<hbm>>
        tpu.enqueue_dma source(%dma_start3A_406 : memref<8x128xi32, #tpu.memory_space<hbm>>) target(%arg9 : memref<8x128xi32, #tpu.memory_space<vmem>>) target_semaphore(%run_scoped3A : memref<!tpu.dma_semaphore, #tpu.memory_space<semaphore_mem>>)
        %dma_wait3A_407 = arith.constant 0 : i32
        %dma_wait3A_408 = tpu.memref_slice %arg4[%add3A_20, %dma_wait3A_407] : memref<12544x128xi32, #tpu.memory_space<hbm>> -> memref<8x128xi32, #tpu.memory_space<hbm>>
        %dma_wait3A_409 = arith.constant 0 : i32
        %dma_wait3A_410 = tpu.memref_slice %arg4[%add3A_20, %dma_wait3A_409] : memref<12544x128xi32, #tpu.memory_space<hbm>> -> memref<8x128xi32, #tpu.memory_space<hbm>>
        tpu.wait_dma2 semaphore(%run_scoped3A : memref<!tpu.dma_semaphore, #tpu.memory_space<semaphore_mem>>) src(%dma_wait3A_410 : memref<8x128xi32, #tpu.memory_space<hbm>>) dst(%arg9 : memref<8x128xi32, #tpu.memory_space<vmem>>)
        tpu.yield
      }) : () -> ()
      %dma_start3A = arith.constant 0 : i32
      %dma_start3A_21 = arith.constant 0 : i32
      %dma_start3A_22 = arith.constant 0 : i32
      %dma_start3A_23 = arith.constant 0 : i32
      %dma_start3A_24 = tpu.memref_slice %arg10[%dma_start3A_21, %dma_start3A_22, %dma_start3A_23] : memref<8x128x16xf32, #tpu.memory_space<vmem>> -> memref<1x128x16xf32, #tpu.memory_space<vmem>>
      %dma_start3A_25 = tpu.memref_squeeze %dma_start3A_24 : memref<1x128x16xf32, #tpu.memory_space<vmem>> -> memref<128x16xf32, #tpu.memory_space<vmem>>
      %dma_start3A_26 = arith.constant 0 : i32
      %dma_start3A_27 = tpu.memref_slice %arg8[%dma_start3A, %dma_start3A_26] : memref<8x128xi32, #tpu.memory_space<vmem>> -> memref<1x128xi32, #tpu.memory_space<vmem>>
      %dma_start3A_28 = tpu.memref_squeeze %dma_start3A_27 : memref<1x128xi32, #tpu.memory_space<vmem>> -> memref<128xi32, #tpu.memory_space<vmem>>
      %dma_start3A_29 = arith.constant 0 : i32
      %dma_start3A_30 = arith.constant 0 : i32
      %dma_start3A_31 = tpu.memref_slice %arg2[%dma_start3A_29, %dma_start3A_30] : memref<100352x16xf32, #tpu.memory_space<hbm>> -> memref<100352x16xf32, #tpu.memory_space<hbm>>
      tpu.enqueue_indirect_dma source(%dma_start3A_31 : memref<100352x16xf32, #tpu.memory_space<hbm>>) target(%dma_start3A_25 : memref<128x16xf32, #tpu.memory_space<vmem>>) offsets(%dma_start3A_28 : memref<128xi32, #tpu.memory_space<vmem>>) semaphore(%arg11 : memref<!tpu.dma_semaphore, #tpu.memory_space<semaphore_mem>>)
      %dma_start3A_32 = arith.constant 1 : i32
      %dma_start3A_33 = arith.constant 1 : i32
      %dma_start3A_34 = arith.constant 0 : i32
      %dma_start3A_35 = arith.constant 0 : i32
      %dma_start3A_36 = tpu.memref_slice %arg10[%dma_start3A_33, %dma_start3A_34, %dma_start3A_35] : memref<8x128x16xf32, #tpu.memory_space<vmem>> -> memref<1x128x16xf32, #tpu.memory_space<vmem>>
      %dma_start3A_37 = tpu.memref_squeeze %dma_start3A_36 : memref<1x128x16xf32, #tpu.memory_space<vmem>> -> memref<128x16xf32, #tpu.memory_space<vmem>>
      %dma_start3A_38 = arith.constant 0 : i32
      %dma_start3A_39 = tpu.memref_slice %arg8[%dma_start3A_32, %dma_start3A_38] : memref<8x128xi32, #tpu.memory_space<vmem>> -> memref<1x128xi32, #tpu.memory_space<vmem>>
      %dma_start3A_40 = tpu.memref_squeeze %dma_start3A_39 : memref<1x128xi32, #tpu.memory_space<vmem>> -> memref<128xi32, #tpu.memory_space<vmem>>
      %dma_start3A_41 = arith.constant 0 : i32
      %dma_start3A_42 = arith.constant 0 : i32
      %dma_start3A_43 = tpu.memref_slice %arg2[%dma_start3A_41, %dma_start3A_42] : memref<100352x16xf32, #tpu.memory_space<hbm>> -> memref<100352x16xf32, #tpu.memory_space<hbm>>
      tpu.enqueue_indirect_dma source(%dma_start3A_43 : memref<100352x16xf32, #tpu.memory_space<hbm>>) target(%dma_start3A_37 : memref<128x16xf32, #tpu.memory_space<vmem>>) offsets(%dma_start3A_40 : memref<128xi32, #tpu.memory_space<vmem>>) semaphore(%arg11 : memref<!tpu.dma_semaphore, #tpu.memory_space<semaphore_mem>>)
      %dma_start3A_44 = arith.constant 2 : i32
      %dma_start3A_45 = arith.constant 2 : i32
      %dma_start3A_46 = arith.constant 0 : i32
      %dma_start3A_47 = arith.constant 0 : i32
      %dma_start3A_48 = tpu.memref_slice %arg10[%dma_start3A_45, %dma_start3A_46, %dma_start3A_47] : memref<8x128x16xf32, #tpu.memory_space<vmem>> -> memref<1x128x16xf32, #tpu.memory_space<vmem>>
      %dma_start3A_49 = tpu.memref_squeeze %dma_start3A_48 : memref<1x128x16xf32, #tpu.memory_space<vmem>> -> memref<128x16xf32, #tpu.memory_space<vmem>>
      %dma_start3A_50 = arith.constant 0 : i32
      %dma_start3A_51 = tpu.memref_slice %arg8[%dma_start3A_44, %dma_start3A_50] : memref<8x128xi32, #tpu.memory_space<vmem>> -> memref<1x128xi32, #tpu.memory_space<vmem>>
      %dma_start3A_52 = tpu.memref_squeeze %dma_start3A_51 : memref<1x128xi32, #tpu.memory_space<vmem>> -> memref<128xi32, #tpu.memory_space<vmem>>
      %dma_start3A_53 = arith.constant 0 : i32
      %dma_start3A_54 = arith.constant 0 : i32
      %dma_start3A_55 = tpu.memref_slice %arg2[%dma_start3A_53, %dma_start3A_54] : memref<100352x16xf32, #tpu.memory_space<hbm>> -> memref<100352x16xf32, #tpu.memory_space<hbm>>
      tpu.enqueue_indirect_dma source(%dma_start3A_55 : memref<100352x16xf32, #tpu.memory_space<hbm>>) target(%dma_start3A_49 : memref<128x16xf32, #tpu.memory_space<vmem>>) offsets(%dma_start3A_52 : memref<128xi32, #tpu.memory_space<vmem>>) semaphore(%arg11 : memref<!tpu.dma_semaphore, #tpu.memory_space<semaphore_mem>>)
      %dma_start3A_56 = arith.constant 3 : i32
      %dma_start3A_57 = arith.constant 3 : i32
      %dma_start3A_58 = arith.constant 0 : i32
      %dma_start3A_59 = arith.constant 0 : i32
      %dma_start3A_60 = tpu.memref_slice %arg10[%dma_start3A_57, %dma_start3A_58, %dma_start3A_59] : memref<8x128x16xf32, #tpu.memory_space<vmem>> -> memref<1x128x16xf32, #tpu.memory_space<vmem>>
      %dma_start3A_61 = tpu.memref_squeeze %dma_start3A_60 : memref<1x128x16xf32, #tpu.memory_space<vmem>> -> memref<128x16xf32, #tpu.memory_space<vmem>>
      %dma_start3A_62 = arith.constant 0 : i32
      %dma_start3A_63 = tpu.memref_slice %arg8[%dma_start3A_56, %dma_start3A_62] : memref<8x128xi32, #tpu.memory_space<vmem>> -> memref<1x128xi32, #tpu.memory_space<vmem>>
      %dma_start3A_64 = tpu.memref_squeeze %dma_start3A_63 : memref<1x128xi32, #tpu.memory_space<vmem>> -> memref<128xi32, #tpu.memory_space<vmem>>
      %dma_start3A_65 = arith.constant 0 : i32
      %dma_start3A_66 = arith.constant 0 : i32
      %dma_start3A_67 = tpu.memref_slice %arg2[%dma_start3A_65, %dma_start3A_66] : memref<100352x16xf32, #tpu.memory_space<hbm>> -> memref<100352x16xf32, #tpu.memory_space<hbm>>
      tpu.enqueue_indirect_dma source(%dma_start3A_67 : memref<100352x16xf32, #tpu.memory_space<hbm>>) target(%dma_start3A_61 : memref<128x16xf32, #tpu.memory_space<vmem>>) offsets(%dma_start3A_64 : memref<128xi32, #tpu.memory_space<vmem>>) semaphore(%arg11 : memref<!tpu.dma_semaphore, #tpu.memory_space<semaphore_mem>>)
      %dma_start3A_68 = arith.constant 4 : i32
      %dma_start3A_69 = arith.constant 4 : i32
      %dma_start3A_70 = arith.constant 0 : i32
      %dma_start3A_71 = arith.constant 0 : i32
      %dma_start3A_72 = tpu.memref_slice %arg10[%dma_start3A_69, %dma_start3A_70, %dma_start3A_71] : memref<8x128x16xf32, #tpu.memory_space<vmem>> -> memref<1x128x16xf32, #tpu.memory_space<vmem>>
      %dma_start3A_73 = tpu.memref_squeeze %dma_start3A_72 : memref<1x128x16xf32, #tpu.memory_space<vmem>> -> memref<128x16xf32, #tpu.memory_space<vmem>>
      %dma_start3A_74 = arith.constant 0 : i32
      %dma_start3A_75 = tpu.memref_slice %arg8[%dma_start3A_68, %dma_start3A_74] : memref<8x128xi32, #tpu.memory_space<vmem>> -> memref<1x128xi32, #tpu.memory_space<vmem>>
      %dma_start3A_76 = tpu.memref_squeeze %dma_start3A_75 : memref<1x128xi32, #tpu.memory_space<vmem>> -> memref<128xi32, #tpu.memory_space<vmem>>
      %dma_start3A_77 = arith.constant 0 : i32
      %dma_start3A_78 = arith.constant 0 : i32
      %dma_start3A_79 = tpu.memref_slice %arg2[%dma_start3A_77, %dma_start3A_78] : memref<100352x16xf32, #tpu.memory_space<hbm>> -> memref<100352x16xf32, #tpu.memory_space<hbm>>
      tpu.enqueue_indirect_dma source(%dma_start3A_79 : memref<100352x16xf32, #tpu.memory_space<hbm>>) target(%dma_start3A_73 : memref<128x16xf32, #tpu.memory_space<vmem>>) offsets(%dma_start3A_76 : memref<128xi32, #tpu.memory_space<vmem>>) semaphore(%arg11 : memref<!tpu.dma_semaphore, #tpu.memory_space<semaphore_mem>>)
      %dma_start3A_80 = arith.constant 5 : i32
      %dma_start3A_81 = arith.constant 5 : i32
      %dma_start3A_82 = arith.constant 0 : i32
      %dma_start3A_83 = arith.constant 0 : i32
      %dma_start3A_84 = tpu.memref_slice %arg10[%dma_start3A_81, %dma_start3A_82, %dma_start3A_83] : memref<8x128x16xf32, #tpu.memory_space<vmem>> -> memref<1x128x16xf32, #tpu.memory_space<vmem>>
      %dma_start3A_85 = tpu.memref_squeeze %dma_start3A_84 : memref<1x128x16xf32, #tpu.memory_space<vmem>> -> memref<128x16xf32, #tpu.memory_space<vmem>>
      %dma_start3A_86 = arith.constant 0 : i32
      %dma_start3A_87 = tpu.memref_slice %arg8[%dma_start3A_80, %dma_start3A_86] : memref<8x128xi32, #tpu.memory_space<vmem>> -> memref<1x128xi32, #tpu.memory_space<vmem>>
      %dma_start3A_88 = tpu.memref_squeeze %dma_start3A_87 : memref<1x128xi32, #tpu.memory_space<vmem>> -> memref<128xi32, #tpu.memory_space<vmem>>
      %dma_start3A_89 = arith.constant 0 : i32
      %dma_start3A_90 = arith.constant 0 : i32
      %dma_start3A_91 = tpu.memref_slice %arg2[%dma_start3A_89, %dma_start3A_90] : memref<100352x16xf32, #tpu.memory_space<hbm>> -> memref<100352x16xf32, #tpu.memory_space<hbm>>
      tpu.enqueue_indirect_dma source(%dma_start3A_91 : memref<100352x16xf32, #tpu.memory_space<hbm>>) target(%dma_start3A_85 : memref<128x16xf32, #tpu.memory_space<vmem>>) offsets(%dma_start3A_88 : memref<128xi32, #tpu.memory_space<vmem>>) semaphore(%arg11 : memref<!tpu.dma_semaphore, #tpu.memory_space<semaphore_mem>>)
      %dma_start3A_92 = arith.constant 6 : i32
      %dma_start3A_93 = arith.constant 6 : i32
      %dma_start3A_94 = arith.constant 0 : i32
      %dma_start3A_95 = arith.constant 0 : i32
      %dma_start3A_96 = tpu.memref_slice %arg10[%dma_start3A_93, %dma_start3A_94, %dma_start3A_95] : memref<8x128x16xf32, #tpu.memory_space<vmem>> -> memref<1x128x16xf32, #tpu.memory_space<vmem>>
      %dma_start3A_97 = tpu.memref_squeeze %dma_start3A_96 : memref<1x128x16xf32, #tpu.memory_space<vmem>> -> memref<128x16xf32, #tpu.memory_space<vmem>>
      %dma_start3A_98 = arith.constant 0 : i32
      %dma_start3A_99 = tpu.memref_slice %arg8[%dma_start3A_92, %dma_start3A_98] : memref<8x128xi32, #tpu.memory_space<vmem>> -> memref<1x128xi32, #tpu.memory_space<vmem>>
      %dma_start3A_100 = tpu.memref_squeeze %dma_start3A_99 : memref<1x128xi32, #tpu.memory_space<vmem>> -> memref<128xi32, #tpu.memory_space<vmem>>
      %dma_start3A_101 = arith.constant 0 : i32
      %dma_start3A_102 = arith.constant 0 : i32
      %dma_start3A_103 = tpu.memref_slice %arg2[%dma_start3A_101, %dma_start3A_102] : memref<100352x16xf32, #tpu.memory_space<hbm>> -> memref<100352x16xf32, #tpu.memory_space<hbm>>
      tpu.enqueue_indirect_dma source(%dma_start3A_103 : memref<100352x16xf32, #tpu.memory_space<hbm>>) target(%dma_start3A_97 : memref<128x16xf32, #tpu.memory_space<vmem>>) offsets(%dma_start3A_100 : memref<128xi32, #tpu.memory_space<vmem>>) semaphore(%arg11 : memref<!tpu.dma_semaphore, #tpu.memory_space<semaphore_mem>>)
      %dma_start3A_104 = arith.constant 7 : i32
      %dma_start3A_105 = arith.constant 7 : i32
      %dma_start3A_106 = arith.constant 0 : i32
      %dma_start3A_107 = arith.constant 0 : i32
      %dma_start3A_108 = tpu.memref_slice %arg10[%dma_start3A_105, %dma_start3A_106, %dma_start3A_107] : memref<8x128x16xf32, #tpu.memory_space<vmem>> -> memref<1x128x16xf32, #tpu.memory_space<vmem>>
      %dma_start3A_109 = tpu.memref_squeeze %dma_start3A_108 : memref<1x128x16xf32, #tpu.memory_space<vmem>> -> memref<128x16xf32, #tpu.memory_space<vmem>>
      %dma_start3A_110 = arith.constant 0 : i32
      %dma_start3A_111 = tpu.memref_slice %arg8[%dma_start3A_104, %dma_start3A_110] : memref<8x128xi32, #tpu.memory_space<vmem>> -> memref<1x128xi32, #tpu.memory_space<vmem>>
      %dma_start3A_112 = tpu.memref_squeeze %dma_start3A_111 : memref<1x128xi32, #tpu.memory_space<vmem>> -> memref<128xi32, #tpu.memory_space<vmem>>
      %dma_start3A_113 = arith.constant 0 : i32
      %dma_start3A_114 = arith.constant 0 : i32
      %dma_start3A_115 = tpu.memref_slice %arg2[%dma_start3A_113, %dma_start3A_114] : memref<100352x16xf32, #tpu.memory_space<hbm>> -> memref<100352x16xf32, #tpu.memory_space<hbm>>
      tpu.enqueue_indirect_dma source(%dma_start3A_115 : memref<100352x16xf32, #tpu.memory_space<hbm>>) target(%dma_start3A_109 : memref<128x16xf32, #tpu.memory_space<vmem>>) offsets(%dma_start3A_112 : memref<128xi32, #tpu.memory_space<vmem>>) semaphore(%arg11 : memref<!tpu.dma_semaphore, #tpu.memory_space<semaphore_mem>>)
      %dma_wait3A = arith.constant 0 : i32
      %dma_wait3A_116 = arith.constant 0 : i32
      %dma_wait3A_117 = arith.constant 0 : i32
      %dma_wait3A_118 = arith.constant 0 : i32
      %dma_wait3A_119 = tpu.memref_slice %arg10[%dma_wait3A_116, %dma_wait3A_117, %dma_wait3A_118] : memref<8x128x16xf32, #tpu.memory_space<vmem>> -> memref<1x128x16xf32, #tpu.memory_space<vmem>>
      %dma_wait3A_120 = tpu.memref_squeeze %dma_wait3A_119 : memref<1x128x16xf32, #tpu.memory_space<vmem>> -> memref<128x16xf32, #tpu.memory_space<vmem>>
      %dma_wait3A_121 = arith.constant 0 : i32
      %dma_wait3A_122 = tpu.memref_slice %arg8[%dma_wait3A, %dma_wait3A_121] : memref<8x128xi32, #tpu.memory_space<vmem>> -> memref<1x128xi32, #tpu.memory_space<vmem>>
      %dma_wait3A_123 = tpu.memref_squeeze %dma_wait3A_122 : memref<1x128xi32, #tpu.memory_space<vmem>> -> memref<128xi32, #tpu.memory_space<vmem>>
      %dma_wait3A_124 = arith.constant 0 : i32
      %dma_wait3A_125 = arith.constant 0 : i32
      %dma_wait3A_126 = tpu.memref_slice %arg2[%dma_wait3A_124, %dma_wait3A_125] : memref<100352x16xf32, #tpu.memory_space<hbm>> -> memref<100352x16xf32, #tpu.memory_space<hbm>>
      tpu.wait_indirect_dma semaphore(%arg11 : memref<!tpu.dma_semaphore, #tpu.memory_space<semaphore_mem>>) src(%dma_wait3A_126 : memref<100352x16xf32, #tpu.memory_space<hbm>>) dst(%dma_wait3A_120 : memref<128x16xf32, #tpu.memory_space<vmem>>)
      %dma_wait3A_127 = arith.constant 1 : i32
      %dma_wait3A_128 = arith.constant 1 : i32
      %dma_wait3A_129 = arith.constant 0 : i32
      %dma_wait3A_130 = arith.constant 0 : i32
      %dma_wait3A_131 = tpu.memref_slice %arg10[%dma_wait3A_128, %dma_wait3A_129, %dma_wait3A_130] : memref<8x128x16xf32, #tpu.memory_space<vmem>> -> memref<1x128x16xf32, #tpu.memory_space<vmem>>
      %dma_wait3A_132 = tpu.memref_squeeze %dma_wait3A_131 : memref<1x128x16xf32, #tpu.memory_space<vmem>> -> memref<128x16xf32, #tpu.memory_space<vmem>>
      %dma_wait3A_133 = arith.constant 0 : i32
      %dma_wait3A_134 = tpu.memref_slice %arg8[%dma_wait3A_127, %dma_wait3A_133] : memref<8x128xi32, #tpu.memory_space<vmem>> -> memref<1x128xi32, #tpu.memory_space<vmem>>
      %dma_wait3A_135 = tpu.memref_squeeze %dma_wait3A_134 : memref<1x128xi32, #tpu.memory_space<vmem>> -> memref<128xi32, #tpu.memory_space<vmem>>
      %dma_wait3A_136 = arith.constant 0 : i32
      %dma_wait3A_137 = arith.constant 0 : i32
      %dma_wait3A_138 = tpu.memref_slice %arg2[%dma_wait3A_136, %dma_wait3A_137] : memref<100352x16xf32, #tpu.memory_space<hbm>> -> memref<100352x16xf32, #tpu.memory_space<hbm>>
      tpu.wait_indirect_dma semaphore(%arg11 : memref<!tpu.dma_semaphore, #tpu.memory_space<semaphore_mem>>) src(%dma_wait3A_138 : memref<100352x16xf32, #tpu.memory_space<hbm>>) dst(%dma_wait3A_132 : memref<128x16xf32, #tpu.memory_space<vmem>>)
      %dma_wait3A_139 = arith.constant 2 : i32
      %dma_wait3A_140 = arith.constant 2 : i32
      %dma_wait3A_141 = arith.constant 0 : i32
      %dma_wait3A_142 = arith.constant 0 : i32
      %dma_wait3A_143 = tpu.memref_slice %arg10[%dma_wait3A_140, %dma_wait3A_141, %dma_wait3A_142] : memref<8x128x16xf32, #tpu.memory_space<vmem>> -> memref<1x128x16xf32, #tpu.memory_space<vmem>>
      %dma_wait3A_144 = tpu.memref_squeeze %dma_wait3A_143 : memref<1x128x16xf32, #tpu.memory_space<vmem>> -> memref<128x16xf32, #tpu.memory_space<vmem>>
      %dma_wait3A_145 = arith.constant 0 : i32
      %dma_wait3A_146 = tpu.memref_slice %arg8[%dma_wait3A_139, %dma_wait3A_145] : memref<8x128xi32, #tpu.memory_space<vmem>> -> memref<1x128xi32, #tpu.memory_space<vmem>>
      %dma_wait3A_147 = tpu.memref_squeeze %dma_wait3A_146 : memref<1x128xi32, #tpu.memory_space<vmem>> -> memref<128xi32, #tpu.memory_space<vmem>>
      %dma_wait3A_148 = arith.constant 0 : i32
      %dma_wait3A_149 = arith.constant 0 : i32
      %dma_wait3A_150 = tpu.memref_slice %arg2[%dma_wait3A_148, %dma_wait3A_149] : memref<100352x16xf32, #tpu.memory_space<hbm>> -> memref<100352x16xf32, #tpu.memory_space<hbm>>
      tpu.wait_indirect_dma semaphore(%arg11 : memref<!tpu.dma_semaphore, #tpu.memory_space<semaphore_mem>>) src(%dma_wait3A_150 : memref<100352x16xf32, #tpu.memory_space<hbm>>) dst(%dma_wait3A_144 : memref<128x16xf32, #tpu.memory_space<vmem>>)
      %dma_wait3A_151 = arith.constant 3 : i32
      %dma_wait3A_152 = arith.constant 3 : i32
      %dma_wait3A_153 = arith.constant 0 : i32
      %dma_wait3A_154 = arith.constant 0 : i32
      %dma_wait3A_155 = tpu.memref_slice %arg10[%dma_wait3A_152, %dma_wait3A_153, %dma_wait3A_154] : memref<8x128x16xf32, #tpu.memory_space<vmem>> -> memref<1x128x16xf32, #tpu.memory_space<vmem>>
      %dma_wait3A_156 = tpu.memref_squeeze %dma_wait3A_155 : memref<1x128x16xf32, #tpu.memory_space<vmem>> -> memref<128x16xf32, #tpu.memory_space<vmem>>
      %dma_wait3A_157 = arith.constant 0 : i32
      %dma_wait3A_158 = tpu.memref_slice %arg8[%dma_wait3A_151, %dma_wait3A_157] : memref<8x128xi32, #tpu.memory_space<vmem>> -> memref<1x128xi32, #tpu.memory_space<vmem>>
      %dma_wait3A_159 = tpu.memref_squeeze %dma_wait3A_158 : memref<1x128xi32, #tpu.memory_space<vmem>> -> memref<128xi32, #tpu.memory_space<vmem>>
      %dma_wait3A_160 = arith.constant 0 : i32
      %dma_wait3A_161 = arith.constant 0 : i32
      %dma_wait3A_162 = tpu.memref_slice %arg2[%dma_wait3A_160, %dma_wait3A_161] : memref<100352x16xf32, #tpu.memory_space<hbm>> -> memref<100352x16xf32, #tpu.memory_space<hbm>>
      tpu.wait_indirect_dma semaphore(%arg11 : memref<!tpu.dma_semaphore, #tpu.memory_space<semaphore_mem>>) src(%dma_wait3A_162 : memref<100352x16xf32, #tpu.memory_space<hbm>>) dst(%dma_wait3A_156 : memref<128x16xf32, #tpu.memory_space<vmem>>)
      %dma_wait3A_163 = arith.constant 4 : i32
      %dma_wait3A_164 = arith.constant 4 : i32
      %dma_wait3A_165 = arith.constant 0 : i32
      %dma_wait3A_166 = arith.constant 0 : i32
      %dma_wait3A_167 = tpu.memref_slice %arg10[%dma_wait3A_164, %dma_wait3A_165, %dma_wait3A_166] : memref<8x128x16xf32, #tpu.memory_space<vmem>> -> memref<1x128x16xf32, #tpu.memory_space<vmem>>
      %dma_wait3A_168 = tpu.memref_squeeze %dma_wait3A_167 : memref<1x128x16xf32, #tpu.memory_space<vmem>> -> memref<128x16xf32, #tpu.memory_space<vmem>>
      %dma_wait3A_169 = arith.constant 0 : i32
      %dma_wait3A_170 = tpu.memref_slice %arg8[%dma_wait3A_163, %dma_wait3A_169] : memref<8x128xi32, #tpu.memory_space<vmem>> -> memref<1x128xi32, #tpu.memory_space<vmem>>
      %dma_wait3A_171 = tpu.memref_squeeze %dma_wait3A_170 : memref<1x128xi32, #tpu.memory_space<vmem>> -> memref<128xi32, #tpu.memory_space<vmem>>
      %dma_wait3A_172 = arith.constant 0 : i32
      %dma_wait3A_173 = arith.constant 0 : i32
      %dma_wait3A_174 = tpu.memref_slice %arg2[%dma_wait3A_172, %dma_wait3A_173] : memref<100352x16xf32, #tpu.memory_space<hbm>> -> memref<100352x16xf32, #tpu.memory_space<hbm>>
      tpu.wait_indirect_dma semaphore(%arg11 : memref<!tpu.dma_semaphore, #tpu.memory_space<semaphore_mem>>) src(%dma_wait3A_174 : memref<100352x16xf32, #tpu.memory_space<hbm>>) dst(%dma_wait3A_168 : memref<128x16xf32, #tpu.memory_space<vmem>>)
      %dma_wait3A_175 = arith.constant 5 : i32
      %dma_wait3A_176 = arith.constant 5 : i32
      %dma_wait3A_177 = arith.constant 0 : i32
      %dma_wait3A_178 = arith.constant 0 : i32
      %dma_wait3A_179 = tpu.memref_slice %arg10[%dma_wait3A_176, %dma_wait3A_177, %dma_wait3A_178] : memref<8x128x16xf32, #tpu.memory_space<vmem>> -> memref<1x128x16xf32, #tpu.memory_space<vmem>>
      %dma_wait3A_180 = tpu.memref_squeeze %dma_wait3A_179 : memref<1x128x16xf32, #tpu.memory_space<vmem>> -> memref<128x16xf32, #tpu.memory_space<vmem>>
      %dma_wait3A_181 = arith.constant 0 : i32
      %dma_wait3A_182 = tpu.memref_slice %arg8[%dma_wait3A_175, %dma_wait3A_181] : memref<8x128xi32, #tpu.memory_space<vmem>> -> memref<1x128xi32, #tpu.memory_space<vmem>>
      %dma_wait3A_183 = tpu.memref_squeeze %dma_wait3A_182 : memref<1x128xi32, #tpu.memory_space<vmem>> -> memref<128xi32, #tpu.memory_space<vmem>>
      %dma_wait3A_184 = arith.constant 0 : i32
      %dma_wait3A_185 = arith.constant 0 : i32
      %dma_wait3A_186 = tpu.memref_slice %arg2[%dma_wait3A_184, %dma_wait3A_185] : memref<100352x16xf32, #tpu.memory_space<hbm>> -> memref<100352x16xf32, #tpu.memory_space<hbm>>
      tpu.wait_indirect_dma semaphore(%arg11 : memref<!tpu.dma_semaphore, #tpu.memory_space<semaphore_mem>>) src(%dma_wait3A_186 : memref<100352x16xf32, #tpu.memory_space<hbm>>) dst(%dma_wait3A_180 : memref<128x16xf32, #tpu.memory_space<vmem>>)
      %dma_wait3A_187 = arith.constant 6 : i32
      %dma_wait3A_188 = arith.constant 6 : i32
      %dma_wait3A_189 = arith.constant 0 : i32
      %dma_wait3A_190 = arith.constant 0 : i32
      %dma_wait3A_191 = tpu.memref_slice %arg10[%dma_wait3A_188, %dma_wait3A_189, %dma_wait3A_190] : memref<8x128x16xf32, #tpu.memory_space<vmem>> -> memref<1x128x16xf32, #tpu.memory_space<vmem>>
      %dma_wait3A_192 = tpu.memref_squeeze %dma_wait3A_191 : memref<1x128x16xf32, #tpu.memory_space<vmem>> -> memref<128x16xf32, #tpu.memory_space<vmem>>
      %dma_wait3A_193 = arith.constant 0 : i32
      %dma_wait3A_194 = tpu.memref_slice %arg8[%dma_wait3A_187, %dma_wait3A_193] : memref<8x128xi32, #tpu.memory_space<vmem>> -> memref<1x128xi32, #tpu.memory_space<vmem>>
      %dma_wait3A_195 = tpu.memref_squeeze %dma_wait3A_194 : memref<1x128xi32, #tpu.memory_space<vmem>> -> memref<128xi32, #tpu.memory_space<vmem>>
      %dma_wait3A_196 = arith.constant 0 : i32
      %dma_wait3A_197 = arith.constant 0 : i32
      %dma_wait3A_198 = tpu.memref_slice %arg2[%dma_wait3A_196, %dma_wait3A_197] : memref<100352x16xf32, #tpu.memory_space<hbm>> -> memref<100352x16xf32, #tpu.memory_space<hbm>>
      tpu.wait_indirect_dma semaphore(%arg11 : memref<!tpu.dma_semaphore, #tpu.memory_space<semaphore_mem>>) src(%dma_wait3A_198 : memref<100352x16xf32, #tpu.memory_space<hbm>>) dst(%dma_wait3A_192 : memref<128x16xf32, #tpu.memory_space<vmem>>)
      %dma_wait3A_199 = arith.constant 7 : i32
      %dma_wait3A_200 = arith.constant 7 : i32
      %dma_wait3A_201 = arith.constant 0 : i32
      %dma_wait3A_202 = arith.constant 0 : i32
      %dma_wait3A_203 = tpu.memref_slice %arg10[%dma_wait3A_200, %dma_wait3A_201, %dma_wait3A_202] : memref<8x128x16xf32, #tpu.memory_space<vmem>> -> memref<1x128x16xf32, #tpu.memory_space<vmem>>
      %dma_wait3A_204 = tpu.memref_squeeze %dma_wait3A_203 : memref<1x128x16xf32, #tpu.memory_space<vmem>> -> memref<128x16xf32, #tpu.memory_space<vmem>>
      %dma_wait3A_205 = arith.constant 0 : i32
      %dma_wait3A_206 = tpu.memref_slice %arg8[%dma_wait3A_199, %dma_wait3A_205] : memref<8x128xi32, #tpu.memory_space<vmem>> -> memref<1x128xi32, #tpu.memory_space<vmem>>
      %dma_wait3A_207 = tpu.memref_squeeze %dma_wait3A_206 : memref<1x128xi32, #tpu.memory_space<vmem>> -> memref<128xi32, #tpu.memory_space<vmem>>
      %dma_wait3A_208 = arith.constant 0 : i32
      %dma_wait3A_209 = arith.constant 0 : i32
      %dma_wait3A_210 = tpu.memref_slice %arg2[%dma_wait3A_208, %dma_wait3A_209] : memref<100352x16xf32, #tpu.memory_space<hbm>> -> memref<100352x16xf32, #tpu.memory_space<hbm>>
      tpu.wait_indirect_dma semaphore(%arg11 : memref<!tpu.dma_semaphore, #tpu.memory_space<semaphore_mem>>) src(%dma_wait3A_210 : memref<100352x16xf32, #tpu.memory_space<hbm>>) dst(%dma_wait3A_204 : memref<128x16xf32, #tpu.memory_space<vmem>>)
      %dma_start3A_211 = arith.constant 0 : i32
      %dma_start3A_212 = arith.constant 0 : i32
      %dma_start3A_213 = arith.constant 0 : i32
      %dma_start3A_214 = arith.constant 0 : i32
      %dma_start3A_215 = tpu.memref_slice %arg10[%dma_start3A_211, %dma_start3A_213, %dma_start3A_214] : memref<8x128x16xf32, #tpu.memory_space<vmem>> -> memref<1x128x16xf32, #tpu.memory_space<vmem>>
      %dma_start3A_216 = tpu.memref_squeeze %dma_start3A_215 : memref<1x128x16xf32, #tpu.memory_space<vmem>> -> memref<128x16xf32, #tpu.memory_space<vmem>>
      %dma_start3A_217 = arith.constant 0 : i32
      %dma_start3A_218 = tpu.memref_slice %arg9[%dma_start3A_212, %dma_start3A_217] : memref<8x128xi32, #tpu.memory_space<vmem>> -> memref<1x128xi32, #tpu.memory_space<vmem>>
      %dma_start3A_219 = tpu.memref_squeeze %dma_start3A_218 : memref<1x128xi32, #tpu.memory_space<vmem>> -> memref<128xi32, #tpu.memory_space<vmem>>
      %dma_start3A_220 = arith.constant 0 : i32
      %dma_start3A_221 = arith.constant 0 : i32
      %dma_start3A_222 = tpu.memref_slice %arg7[%dma_start3A_220, %dma_start3A_221] : memref<100352x16xf32, #tpu.memory_space<vmem_shared>> -> memref<100352x16xf32, #tpu.memory_space<vmem_shared>>
      tpu.enqueue_indirect_dma source(%dma_start3A_216 : memref<128x16xf32, #tpu.memory_space<vmem>>) target(%dma_start3A_222 : memref<100352x16xf32, #tpu.memory_space<vmem_shared>>) offsets(%dma_start3A_219 : memref<128xi32, #tpu.memory_space<vmem>>) semaphore(%arg12 : memref<!tpu.dma_semaphore, #tpu.memory_space<semaphore_mem>>) {add = true}
      %dma_start3A_223 = arith.constant 1 : i32
      %dma_start3A_224 = arith.constant 1 : i32
      %dma_start3A_225 = arith.constant 0 : i32
      %dma_start3A_226 = arith.constant 0 : i32
      %dma_start3A_227 = tpu.memref_slice %arg10[%dma_start3A_223, %dma_start3A_225, %dma_start3A_226] : memref<8x128x16xf32, #tpu.memory_space<vmem>> -> memref<1x128x16xf32, #tpu.memory_space<vmem>>
      %dma_start3A_228 = tpu.memref_squeeze %dma_start3A_227 : memref<1x128x16xf32, #tpu.memory_space<vmem>> -> memref<128x16xf32, #tpu.memory_space<vmem>>
      %dma_start3A_229 = arith.constant 0 : i32
      %dma_start3A_230 = tpu.memref_slice %arg9[%dma_start3A_224, %dma_start3A_229] : memref<8x128xi32, #tpu.memory_space<vmem>> -> memref<1x128xi32, #tpu.memory_space<vmem>>
      %dma_start3A_231 = tpu.memref_squeeze %dma_start3A_230 : memref<1x128xi32, #tpu.memory_space<vmem>> -> memref<128xi32, #tpu.memory_space<vmem>>
      %dma_start3A_232 = arith.constant 0 : i32
      %dma_start3A_233 = arith.constant 0 : i32
      %dma_start3A_234 = tpu.memref_slice %arg7[%dma_start3A_232, %dma_start3A_233] : memref<100352x16xf32, #tpu.memory_space<vmem_shared>> -> memref<100352x16xf32, #tpu.memory_space<vmem_shared>>
      tpu.enqueue_indirect_dma source(%dma_start3A_228 : memref<128x16xf32, #tpu.memory_space<vmem>>) target(%dma_start3A_234 : memref<100352x16xf32, #tpu.memory_space<vmem_shared>>) offsets(%dma_start3A_231 : memref<128xi32, #tpu.memory_space<vmem>>) semaphore(%arg12 : memref<!tpu.dma_semaphore, #tpu.memory_space<semaphore_mem>>) {add = true}
      %dma_start3A_235 = arith.constant 2 : i32
      %dma_start3A_236 = arith.constant 2 : i32
      %dma_start3A_237 = arith.constant 0 : i32
      %dma_start3A_238 = arith.constant 0 : i32
      %dma_start3A_239 = tpu.memref_slice %arg10[%dma_start3A_235, %dma_start3A_237, %dma_start3A_238] : memref<8x128x16xf32, #tpu.memory_space<vmem>> -> memref<1x128x16xf32, #tpu.memory_space<vmem>>
      %dma_start3A_240 = tpu.memref_squeeze %dma_start3A_239 : memref<1x128x16xf32, #tpu.memory_space<vmem>> -> memref<128x16xf32, #tpu.memory_space<vmem>>
      %dma_start3A_241 = arith.constant 0 : i32
      %dma_start3A_242 = tpu.memref_slice %arg9[%dma_start3A_236, %dma_start3A_241] : memref<8x128xi32, #tpu.memory_space<vmem>> -> memref<1x128xi32, #tpu.memory_space<vmem>>
      %dma_start3A_243 = tpu.memref_squeeze %dma_start3A_242 : memref<1x128xi32, #tpu.memory_space<vmem>> -> memref<128xi32, #tpu.memory_space<vmem>>
      %dma_start3A_244 = arith.constant 0 : i32
      %dma_start3A_245 = arith.constant 0 : i32
      %dma_start3A_246 = tpu.memref_slice %arg7[%dma_start3A_244, %dma_start3A_245] : memref<100352x16xf32, #tpu.memory_space<vmem_shared>> -> memref<100352x16xf32, #tpu.memory_space<vmem_shared>>
      tpu.enqueue_indirect_dma source(%dma_start3A_240 : memref<128x16xf32, #tpu.memory_space<vmem>>) target(%dma_start3A_246 : memref<100352x16xf32, #tpu.memory_space<vmem_shared>>) offsets(%dma_start3A_243 : memref<128xi32, #tpu.memory_space<vmem>>) semaphore(%arg12 : memref<!tpu.dma_semaphore, #tpu.memory_space<semaphore_mem>>) {add = true}
      %dma_start3A_247 = arith.constant 3 : i32
      %dma_start3A_248 = arith.constant 3 : i32
      %dma_start3A_249 = arith.constant 0 : i32
      %dma_start3A_250 = arith.constant 0 : i32
      %dma_start3A_251 = tpu.memref_slice %arg10[%dma_start3A_247, %dma_start3A_249, %dma_start3A_250] : memref<8x128x16xf32, #tpu.memory_space<vmem>> -> memref<1x128x16xf32, #tpu.memory_space<vmem>>
      %dma_start3A_252 = tpu.memref_squeeze %dma_start3A_251 : memref<1x128x16xf32, #tpu.memory_space<vmem>> -> memref<128x16xf32, #tpu.memory_space<vmem>>
      %dma_start3A_253 = arith.constant 0 : i32
      %dma_start3A_254 = tpu.memref_slice %arg9[%dma_start3A_248, %dma_start3A_253] : memref<8x128xi32, #tpu.memory_space<vmem>> -> memref<1x128xi32, #tpu.memory_space<vmem>>
      %dma_start3A_255 = tpu.memref_squeeze %dma_start3A_254 : memref<1x128xi32, #tpu.memory_space<vmem>> -> memref<128xi32, #tpu.memory_space<vmem>>
      %dma_start3A_256 = arith.constant 0 : i32
      %dma_start3A_257 = arith.constant 0 : i32
      %dma_start3A_258 = tpu.memref_slice %arg7[%dma_start3A_256, %dma_start3A_257] : memref<100352x16xf32, #tpu.memory_space<vmem_shared>> -> memref<100352x16xf32, #tpu.memory_space<vmem_shared>>
      tpu.enqueue_indirect_dma source(%dma_start3A_252 : memref<128x16xf32, #tpu.memory_space<vmem>>) target(%dma_start3A_258 : memref<100352x16xf32, #tpu.memory_space<vmem_shared>>) offsets(%dma_start3A_255 : memref<128xi32, #tpu.memory_space<vmem>>) semaphore(%arg12 : memref<!tpu.dma_semaphore, #tpu.memory_space<semaphore_mem>>) {add = true}
      %dma_start3A_259 = arith.constant 4 : i32
      %dma_start3A_260 = arith.constant 4 : i32
      %dma_start3A_261 = arith.constant 0 : i32
      %dma_start3A_262 = arith.constant 0 : i32
      %dma_start3A_263 = tpu.memref_slice %arg10[%dma_start3A_259, %dma_start3A_261, %dma_start3A_262] : memref<8x128x16xf32, #tpu.memory_space<vmem>> -> memref<1x128x16xf32, #tpu.memory_space<vmem>>
      %dma_start3A_264 = tpu.memref_squeeze %dma_start3A_263 : memref<1x128x16xf32, #tpu.memory_space<vmem>> -> memref<128x16xf32, #tpu.memory_space<vmem>>
      %dma_start3A_265 = arith.constant 0 : i32
      %dma_start3A_266 = tpu.memref_slice %arg9[%dma_start3A_260, %dma_start3A_265] : memref<8x128xi32, #tpu.memory_space<vmem>> -> memref<1x128xi32, #tpu.memory_space<vmem>>
      %dma_start3A_267 = tpu.memref_squeeze %dma_start3A_266 : memref<1x128xi32, #tpu.memory_space<vmem>> -> memref<128xi32, #tpu.memory_space<vmem>>
      %dma_start3A_268 = arith.constant 0 : i32
      %dma_start3A_269 = arith.constant 0 : i32
      %dma_start3A_270 = tpu.memref_slice %arg7[%dma_start3A_268, %dma_start3A_269] : memref<100352x16xf32, #tpu.memory_space<vmem_shared>> -> memref<100352x16xf32, #tpu.memory_space<vmem_shared>>
      tpu.enqueue_indirect_dma source(%dma_start3A_264 : memref<128x16xf32, #tpu.memory_space<vmem>>) target(%dma_start3A_270 : memref<100352x16xf32, #tpu.memory_space<vmem_shared>>) offsets(%dma_start3A_267 : memref<128xi32, #tpu.memory_space<vmem>>) semaphore(%arg12 : memref<!tpu.dma_semaphore, #tpu.memory_space<semaphore_mem>>) {add = true}
      %dma_start3A_271 = arith.constant 5 : i32
      %dma_start3A_272 = arith.constant 5 : i32
      %dma_start3A_273 = arith.constant 0 : i32
      %dma_start3A_274 = arith.constant 0 : i32
      %dma_start3A_275 = tpu.memref_slice %arg10[%dma_start3A_271, %dma_start3A_273, %dma_start3A_274] : memref<8x128x16xf32, #tpu.memory_space<vmem>> -> memref<1x128x16xf32, #tpu.memory_space<vmem>>
      %dma_start3A_276 = tpu.memref_squeeze %dma_start3A_275 : memref<1x128x16xf32, #tpu.memory_space<vmem>> -> memref<128x16xf32, #tpu.memory_space<vmem>>
      %dma_start3A_277 = arith.constant 0 : i32
      %dma_start3A_278 = tpu.memref_slice %arg9[%dma_start3A_272, %dma_start3A_277] : memref<8x128xi32, #tpu.memory_space<vmem>> -> memref<1x128xi32, #tpu.memory_space<vmem>>
      %dma_start3A_279 = tpu.memref_squeeze %dma_start3A_278 : memref<1x128xi32, #tpu.memory_space<vmem>> -> memref<128xi32, #tpu.memory_space<vmem>>
      %dma_start3A_280 = arith.constant 0 : i32
      %dma_start3A_281 = arith.constant 0 : i32
      %dma_start3A_282 = tpu.memref_slice %arg7[%dma_start3A_280, %dma_start3A_281] : memref<100352x16xf32, #tpu.memory_space<vmem_shared>> -> memref<100352x16xf32, #tpu.memory_space<vmem_shared>>
      tpu.enqueue_indirect_dma source(%dma_start3A_276 : memref<128x16xf32, #tpu.memory_space<vmem>>) target(%dma_start3A_282 : memref<100352x16xf32, #tpu.memory_space<vmem_shared>>) offsets(%dma_start3A_279 : memref<128xi32, #tpu.memory_space<vmem>>) semaphore(%arg12 : memref<!tpu.dma_semaphore, #tpu.memory_space<semaphore_mem>>) {add = true}
      %dma_start3A_283 = arith.constant 6 : i32
      %dma_start3A_284 = arith.constant 6 : i32
      %dma_start3A_285 = arith.constant 0 : i32
      %dma_start3A_286 = arith.constant 0 : i32
      %dma_start3A_287 = tpu.memref_slice %arg10[%dma_start3A_283, %dma_start3A_285, %dma_start3A_286] : memref<8x128x16xf32, #tpu.memory_space<vmem>> -> memref<1x128x16xf32, #tpu.memory_space<vmem>>
      %dma_start3A_288 = tpu.memref_squeeze %dma_start3A_287 : memref<1x128x16xf32, #tpu.memory_space<vmem>> -> memref<128x16xf32, #tpu.memory_space<vmem>>
      %dma_start3A_289 = arith.constant 0 : i32
      %dma_start3A_290 = tpu.memref_slice %arg9[%dma_start3A_284, %dma_start3A_289] : memref<8x128xi32, #tpu.memory_space<vmem>> -> memref<1x128xi32, #tpu.memory_space<vmem>>
      %dma_start3A_291 = tpu.memref_squeeze %dma_start3A_290 : memref<1x128xi32, #tpu.memory_space<vmem>> -> memref<128xi32, #tpu.memory_space<vmem>>
      %dma_start3A_292 = arith.constant 0 : i32
      %dma_start3A_293 = arith.constant 0 : i32
      %dma_start3A_294 = tpu.memref_slice %arg7[%dma_start3A_292, %dma_start3A_293] : memref<100352x16xf32, #tpu.memory_space<vmem_shared>> -> memref<100352x16xf32, #tpu.memory_space<vmem_shared>>
      tpu.enqueue_indirect_dma source(%dma_start3A_288 : memref<128x16xf32, #tpu.memory_space<vmem>>) target(%dma_start3A_294 : memref<100352x16xf32, #tpu.memory_space<vmem_shared>>) offsets(%dma_start3A_291 : memref<128xi32, #tpu.memory_space<vmem>>) semaphore(%arg12 : memref<!tpu.dma_semaphore, #tpu.memory_space<semaphore_mem>>) {add = true}
      %dma_start3A_295 = arith.constant 7 : i32
      %dma_start3A_296 = arith.constant 7 : i32
      %dma_start3A_297 = arith.constant 0 : i32
      %dma_start3A_298 = arith.constant 0 : i32
      %dma_start3A_299 = tpu.memref_slice %arg10[%dma_start3A_295, %dma_start3A_297, %dma_start3A_298] : memref<8x128x16xf32, #tpu.memory_space<vmem>> -> memref<1x128x16xf32, #tpu.memory_space<vmem>>
      %dma_start3A_300 = tpu.memref_squeeze %dma_start3A_299 : memref<1x128x16xf32, #tpu.memory_space<vmem>> -> memref<128x16xf32, #tpu.memory_space<vmem>>
      %dma_start3A_301 = arith.constant 0 : i32
      %dma_start3A_302 = tpu.memref_slice %arg9[%dma_start3A_296, %dma_start3A_301] : memref<8x128xi32, #tpu.memory_space<vmem>> -> memref<1x128xi32, #tpu.memory_space<vmem>>
      %dma_start3A_303 = tpu.memref_squeeze %dma_start3A_302 : memref<1x128xi32, #tpu.memory_space<vmem>> -> memref<128xi32, #tpu.memory_space<vmem>>
      %dma_start3A_304 = arith.constant 0 : i32
      %dma_start3A_305 = arith.constant 0 : i32
      %dma_start3A_306 = tpu.memref_slice %arg7[%dma_start3A_304, %dma_start3A_305] : memref<100352x16xf32, #tpu.memory_space<vmem_shared>> -> memref<100352x16xf32, #tpu.memory_space<vmem_shared>>
      tpu.enqueue_indirect_dma source(%dma_start3A_300 : memref<128x16xf32, #tpu.memory_space<vmem>>) target(%dma_start3A_306 : memref<100352x16xf32, #tpu.memory_space<vmem_shared>>) offsets(%dma_start3A_303 : memref<128xi32, #tpu.memory_space<vmem>>) semaphore(%arg12 : memref<!tpu.dma_semaphore, #tpu.memory_space<semaphore_mem>>) {add = true}
      %dma_wait3A_307 = arith.constant 0 : i32
      %dma_wait3A_308 = arith.constant 0 : i32
      %dma_wait3A_309 = arith.constant 0 : i32
      %dma_wait3A_310 = arith.constant 0 : i32
      %dma_wait3A_311 = tpu.memref_slice %arg10[%dma_wait3A_307, %dma_wait3A_309, %dma_wait3A_310] : memref<8x128x16xf32, #tpu.memory_space<vmem>> -> memref<1x128x16xf32, #tpu.memory_space<vmem>>
      %dma_wait3A_312 = tpu.memref_squeeze %dma_wait3A_311 : memref<1x128x16xf32, #tpu.memory_space<vmem>> -> memref<128x16xf32, #tpu.memory_space<vmem>>
      %dma_wait3A_313 = arith.constant 0 : i32
      %dma_wait3A_314 = tpu.memref_slice %arg9[%dma_wait3A_308, %dma_wait3A_313] : memref<8x128xi32, #tpu.memory_space<vmem>> -> memref<1x128xi32, #tpu.memory_space<vmem>>
      %dma_wait3A_315 = tpu.memref_squeeze %dma_wait3A_314 : memref<1x128xi32, #tpu.memory_space<vmem>> -> memref<128xi32, #tpu.memory_space<vmem>>
      %dma_wait3A_316 = arith.constant 0 : i32
      %dma_wait3A_317 = arith.constant 0 : i32
      %dma_wait3A_318 = tpu.memref_slice %arg7[%dma_wait3A_316, %dma_wait3A_317] : memref<100352x16xf32, #tpu.memory_space<vmem_shared>> -> memref<100352x16xf32, #tpu.memory_space<vmem_shared>>
      tpu.wait_indirect_dma semaphore(%arg12 : memref<!tpu.dma_semaphore, #tpu.memory_space<semaphore_mem>>) src(%dma_wait3A_312 : memref<128x16xf32, #tpu.memory_space<vmem>>) dst(%dma_wait3A_318 : memref<100352x16xf32, #tpu.memory_space<vmem_shared>>)
      %dma_wait3A_319 = arith.constant 1 : i32
      %dma_wait3A_320 = arith.constant 1 : i32
      %dma_wait3A_321 = arith.constant 0 : i32
      %dma_wait3A_322 = arith.constant 0 : i32
      %dma_wait3A_323 = tpu.memref_slice %arg10[%dma_wait3A_319, %dma_wait3A_321, %dma_wait3A_322] : memref<8x128x16xf32, #tpu.memory_space<vmem>> -> memref<1x128x16xf32, #tpu.memory_space<vmem>>
      %dma_wait3A_324 = tpu.memref_squeeze %dma_wait3A_323 : memref<1x128x16xf32, #tpu.memory_space<vmem>> -> memref<128x16xf32, #tpu.memory_space<vmem>>
      %dma_wait3A_325 = arith.constant 0 : i32
      %dma_wait3A_326 = tpu.memref_slice %arg9[%dma_wait3A_320, %dma_wait3A_325] : memref<8x128xi32, #tpu.memory_space<vmem>> -> memref<1x128xi32, #tpu.memory_space<vmem>>
      %dma_wait3A_327 = tpu.memref_squeeze %dma_wait3A_326 : memref<1x128xi32, #tpu.memory_space<vmem>> -> memref<128xi32, #tpu.memory_space<vmem>>
      %dma_wait3A_328 = arith.constant 0 : i32
      %dma_wait3A_329 = arith.constant 0 : i32
      %dma_wait3A_330 = tpu.memref_slice %arg7[%dma_wait3A_328, %dma_wait3A_329] : memref<100352x16xf32, #tpu.memory_space<vmem_shared>> -> memref<100352x16xf32, #tpu.memory_space<vmem_shared>>
      tpu.wait_indirect_dma semaphore(%arg12 : memref<!tpu.dma_semaphore, #tpu.memory_space<semaphore_mem>>) src(%dma_wait3A_324 : memref<128x16xf32, #tpu.memory_space<vmem>>) dst(%dma_wait3A_330 : memref<100352x16xf32, #tpu.memory_space<vmem_shared>>)
      %dma_wait3A_331 = arith.constant 2 : i32
      %dma_wait3A_332 = arith.constant 2 : i32
      %dma_wait3A_333 = arith.constant 0 : i32
      %dma_wait3A_334 = arith.constant 0 : i32
      %dma_wait3A_335 = tpu.memref_slice %arg10[%dma_wait3A_331, %dma_wait3A_333, %dma_wait3A_334] : memref<8x128x16xf32, #tpu.memory_space<vmem>> -> memref<1x128x16xf32, #tpu.memory_space<vmem>>
      %dma_wait3A_336 = tpu.memref_squeeze %dma_wait3A_335 : memref<1x128x16xf32, #tpu.memory_space<vmem>> -> memref<128x16xf32, #tpu.memory_space<vmem>>
      %dma_wait3A_337 = arith.constant 0 : i32
      %dma_wait3A_338 = tpu.memref_slice %arg9[%dma_wait3A_332, %dma_wait3A_337] : memref<8x128xi32, #tpu.memory_space<vmem>> -> memref<1x128xi32, #tpu.memory_space<vmem>>
      %dma_wait3A_339 = tpu.memref_squeeze %dma_wait3A_338 : memref<1x128xi32, #tpu.memory_space<vmem>> -> memref<128xi32, #tpu.memory_space<vmem>>
      %dma_wait3A_340 = arith.constant 0 : i32
      %dma_wait3A_341 = arith.constant 0 : i32
      %dma_wait3A_342 = tpu.memref_slice %arg7[%dma_wait3A_340, %dma_wait3A_341] : memref<100352x16xf32, #tpu.memory_space<vmem_shared>> -> memref<100352x16xf32, #tpu.memory_space<vmem_shared>>
      tpu.wait_indirect_dma semaphore(%arg12 : memref<!tpu.dma_semaphore, #tpu.memory_space<semaphore_mem>>) src(%dma_wait3A_336 : memref<128x16xf32, #tpu.memory_space<vmem>>) dst(%dma_wait3A_342 : memref<100352x16xf32, #tpu.memory_space<vmem_shared>>)
      %dma_wait3A_343 = arith.constant 3 : i32
      %dma_wait3A_344 = arith.constant 3 : i32
      %dma_wait3A_345 = arith.constant 0 : i32
      %dma_wait3A_346 = arith.constant 0 : i32
      %dma_wait3A_347 = tpu.memref_slice %arg10[%dma_wait3A_343, %dma_wait3A_345, %dma_wait3A_346] : memref<8x128x16xf32, #tpu.memory_space<vmem>> -> memref<1x128x16xf32, #tpu.memory_space<vmem>>
      %dma_wait3A_348 = tpu.memref_squeeze %dma_wait3A_347 : memref<1x128x16xf32, #tpu.memory_space<vmem>> -> memref<128x16xf32, #tpu.memory_space<vmem>>
      %dma_wait3A_349 = arith.constant 0 : i32
      %dma_wait3A_350 = tpu.memref_slice %arg9[%dma_wait3A_344, %dma_wait3A_349] : memref<8x128xi32, #tpu.memory_space<vmem>> -> memref<1x128xi32, #tpu.memory_space<vmem>>
      %dma_wait3A_351 = tpu.memref_squeeze %dma_wait3A_350 : memref<1x128xi32, #tpu.memory_space<vmem>> -> memref<128xi32, #tpu.memory_space<vmem>>
      %dma_wait3A_352 = arith.constant 0 : i32
      %dma_wait3A_353 = arith.constant 0 : i32
      %dma_wait3A_354 = tpu.memref_slice %arg7[%dma_wait3A_352, %dma_wait3A_353] : memref<100352x16xf32, #tpu.memory_space<vmem_shared>> -> memref<100352x16xf32, #tpu.memory_space<vmem_shared>>
      tpu.wait_indirect_dma semaphore(%arg12 : memref<!tpu.dma_semaphore, #tpu.memory_space<semaphore_mem>>) src(%dma_wait3A_348 : memref<128x16xf32, #tpu.memory_space<vmem>>) dst(%dma_wait3A_354 : memref<100352x16xf32, #tpu.memory_space<vmem_shared>>)
      %dma_wait3A_355 = arith.constant 4 : i32
      %dma_wait3A_356 = arith.constant 4 : i32
      %dma_wait3A_357 = arith.constant 0 : i32
      %dma_wait3A_358 = arith.constant 0 : i32
      %dma_wait3A_359 = tpu.memref_slice %arg10[%dma_wait3A_355, %dma_wait3A_357, %dma_wait3A_358] : memref<8x128x16xf32, #tpu.memory_space<vmem>> -> memref<1x128x16xf32, #tpu.memory_space<vmem>>
      %dma_wait3A_360 = tpu.memref_squeeze %dma_wait3A_359 : memref<1x128x16xf32, #tpu.memory_space<vmem>> -> memref<128x16xf32, #tpu.memory_space<vmem>>
      %dma_wait3A_361 = arith.constant 0 : i32
      %dma_wait3A_362 = tpu.memref_slice %arg9[%dma_wait3A_356, %dma_wait3A_361] : memref<8x128xi32, #tpu.memory_space<vmem>> -> memref<1x128xi32, #tpu.memory_space<vmem>>
      %dma_wait3A_363 = tpu.memref_squeeze %dma_wait3A_362 : memref<1x128xi32, #tpu.memory_space<vmem>> -> memref<128xi32, #tpu.memory_space<vmem>>
      %dma_wait3A_364 = arith.constant 0 : i32
      %dma_wait3A_365 = arith.constant 0 : i32
      %dma_wait3A_366 = tpu.memref_slice %arg7[%dma_wait3A_364, %dma_wait3A_365] : memref<100352x16xf32, #tpu.memory_space<vmem_shared>> -> memref<100352x16xf32, #tpu.memory_space<vmem_shared>>
      tpu.wait_indirect_dma semaphore(%arg12 : memref<!tpu.dma_semaphore, #tpu.memory_space<semaphore_mem>>) src(%dma_wait3A_360 : memref<128x16xf32, #tpu.memory_space<vmem>>) dst(%dma_wait3A_366 : memref<100352x16xf32, #tpu.memory_space<vmem_shared>>)
      %dma_wait3A_367 = arith.constant 5 : i32
      %dma_wait3A_368 = arith.constant 5 : i32
      %dma_wait3A_369 = arith.constant 0 : i32
      %dma_wait3A_370 = arith.constant 0 : i32
      %dma_wait3A_371 = tpu.memref_slice %arg10[%dma_wait3A_367, %dma_wait3A_369, %dma_wait3A_370] : memref<8x128x16xf32, #tpu.memory_space<vmem>> -> memref<1x128x16xf32, #tpu.memory_space<vmem>>
      %dma_wait3A_372 = tpu.memref_squeeze %dma_wait3A_371 : memref<1x128x16xf32, #tpu.memory_space<vmem>> -> memref<128x16xf32, #tpu.memory_space<vmem>>
      %dma_wait3A_373 = arith.constant 0 : i32
      %dma_wait3A_374 = tpu.memref_slice %arg9[%dma_wait3A_368, %dma_wait3A_373] : memref<8x128xi32, #tpu.memory_space<vmem>> -> memref<1x128xi32, #tpu.memory_space<vmem>>
      %dma_wait3A_375 = tpu.memref_squeeze %dma_wait3A_374 : memref<1x128xi32, #tpu.memory_space<vmem>> -> memref<128xi32, #tpu.memory_space<vmem>>
      %dma_wait3A_376 = arith.constant 0 : i32
      %dma_wait3A_377 = arith.constant 0 : i32
      %dma_wait3A_378 = tpu.memref_slice %arg7[%dma_wait3A_376, %dma_wait3A_377] : memref<100352x16xf32, #tpu.memory_space<vmem_shared>> -> memref<100352x16xf32, #tpu.memory_space<vmem_shared>>
      tpu.wait_indirect_dma semaphore(%arg12 : memref<!tpu.dma_semaphore, #tpu.memory_space<semaphore_mem>>) src(%dma_wait3A_372 : memref<128x16xf32, #tpu.memory_space<vmem>>) dst(%dma_wait3A_378 : memref<100352x16xf32, #tpu.memory_space<vmem_shared>>)
      %dma_wait3A_379 = arith.constant 6 : i32
      %dma_wait3A_380 = arith.constant 6 : i32
      %dma_wait3A_381 = arith.constant 0 : i32
      %dma_wait3A_382 = arith.constant 0 : i32
      %dma_wait3A_383 = tpu.memref_slice %arg10[%dma_wait3A_379, %dma_wait3A_381, %dma_wait3A_382] : memref<8x128x16xf32, #tpu.memory_space<vmem>> -> memref<1x128x16xf32, #tpu.memory_space<vmem>>
      %dma_wait3A_384 = tpu.memref_squeeze %dma_wait3A_383 : memref<1x128x16xf32, #tpu.memory_space<vmem>> -> memref<128x16xf32, #tpu.memory_space<vmem>>
      %dma_wait3A_385 = arith.constant 0 : i32
      %dma_wait3A_386 = tpu.memref_slice %arg9[%dma_wait3A_380, %dma_wait3A_385] : memref<8x128xi32, #tpu.memory_space<vmem>> -> memref<1x128xi32, #tpu.memory_space<vmem>>
      %dma_wait3A_387 = tpu.memref_squeeze %dma_wait3A_386 : memref<1x128xi32, #tpu.memory_space<vmem>> -> memref<128xi32, #tpu.memory_space<vmem>>
      %dma_wait3A_388 = arith.constant 0 : i32
      %dma_wait3A_389 = arith.constant 0 : i32
      %dma_wait3A_390 = tpu.memref_slice %arg7[%dma_wait3A_388, %dma_wait3A_389] : memref<100352x16xf32, #tpu.memory_space<vmem_shared>> -> memref<100352x16xf32, #tpu.memory_space<vmem_shared>>
      tpu.wait_indirect_dma semaphore(%arg12 : memref<!tpu.dma_semaphore, #tpu.memory_space<semaphore_mem>>) src(%dma_wait3A_384 : memref<128x16xf32, #tpu.memory_space<vmem>>) dst(%dma_wait3A_390 : memref<100352x16xf32, #tpu.memory_space<vmem_shared>>)
      %dma_wait3A_391 = arith.constant 7 : i32
      %dma_wait3A_392 = arith.constant 7 : i32
      %dma_wait3A_393 = arith.constant 0 : i32
      %dma_wait3A_394 = arith.constant 0 : i32
      %dma_wait3A_395 = tpu.memref_slice %arg10[%dma_wait3A_391, %dma_wait3A_393, %dma_wait3A_394] : memref<8x128x16xf32, #tpu.memory_space<vmem>> -> memref<1x128x16xf32, #tpu.memory_space<vmem>>
      %dma_wait3A_396 = tpu.memref_squeeze %dma_wait3A_395 : memref<1x128x16xf32, #tpu.memory_space<vmem>> -> memref<128x16xf32, #tpu.memory_space<vmem>>
      %dma_wait3A_397 = arith.constant 0 : i32
      %dma_wait3A_398 = tpu.memref_slice %arg9[%dma_wait3A_392, %dma_wait3A_397] : memref<8x128xi32, #tpu.memory_space<vmem>> -> memref<1x128xi32, #tpu.memory_space<vmem>>
      %dma_wait3A_399 = tpu.memref_squeeze %dma_wait3A_398 : memref<1x128xi32, #tpu.memory_space<vmem>> -> memref<128xi32, #tpu.memory_space<vmem>>
      %dma_wait3A_400 = arith.constant 0 : i32
      %dma_wait3A_401 = arith.constant 0 : i32
      %dma_wait3A_402 = tpu.memref_slice %arg7[%dma_wait3A_400, %dma_wait3A_401] : memref<100352x16xf32, #tpu.memory_space<vmem_shared>> -> memref<100352x16xf32, #tpu.memory_space<vmem_shared>>
      tpu.wait_indirect_dma semaphore(%arg12 : memref<!tpu.dma_semaphore, #tpu.memory_space<semaphore_mem>>) src(%dma_wait3A_396 : memref<128x16xf32, #tpu.memory_space<vmem>>) dst(%dma_wait3A_402 : memref<100352x16xf32, #tpu.memory_space<vmem_shared>>)
    }
    %scan3A_9 = arith.constant 49 : i32
    %barrier3A_10 = arith.constant 0 : index
    tpu.barrier barrier_id(%barrier3A_10)
    %mul3A_11 = arith.constant 6272 : i32
    %mul3A_12 = arith.muli %arg1, %mul3A_11 : i32
    %mul3A_13 = arith.constant 6272 : i32
    %mul3A_14 = arith.muli %arg1, %mul3A_13 : i32
    "tpu.region"() ({
      %run_scoped3A = tpu.sem_alloc : memref<!tpu.dma_semaphore, #tpu.memory_space<semaphore_mem>>
      %dma_start3A = arith.constant 0 : i32
      %dma_start3A_15 = tpu.memref_slice %arg6[%arg0, %mul3A_14, %dma_start3A] : memref<2x100352x16xf32, #tpu.memory_space<hbm>> -> memref<1x6272x16xf32, #tpu.memory_space<hbm>>
      %dma_start3A_16 = tpu.memref_squeeze %dma_start3A_15 : memref<1x6272x16xf32, #tpu.memory_space<hbm>> -> memref<6272x16xf32, #tpu.memory_space<hbm>>
      %dma_start3A_17 = arith.constant 0 : i32
      %dma_start3A_18 = tpu.memref_slice %arg7[%mul3A_12, %dma_start3A_17] : memref<100352x16xf32, #tpu.memory_space<vmem_shared>> -> memref<6272x16xf32, #tpu.memory_space<vmem_shared>>
      tpu.enqueue_dma source(%dma_start3A_18 : memref<6272x16xf32, #tpu.memory_space<vmem_shared>>) target(%dma_start3A_16 : memref<6272x16xf32, #tpu.memory_space<hbm>>) target_semaphore(%run_scoped3A : memref<!tpu.dma_semaphore, #tpu.memory_space<semaphore_mem>>)
      %dma_wait3A = arith.constant 0 : i32
      %dma_wait3A_19 = tpu.memref_slice %arg6[%arg0, %mul3A_14, %dma_wait3A] : memref<2x100352x16xf32, #tpu.memory_space<hbm>> -> memref<1x6272x16xf32, #tpu.memory_space<hbm>>
      %dma_wait3A_20 = tpu.memref_squeeze %dma_wait3A_19 : memref<1x6272x16xf32, #tpu.memory_space<hbm>> -> memref<6272x16xf32, #tpu.memory_space<hbm>>
      %dma_wait3A_21 = arith.constant 0 : i32
      %dma_wait3A_22 = tpu.memref_slice %arg7[%mul3A_12, %dma_wait3A_21] : memref<100352x16xf32, #tpu.memory_space<vmem_shared>> -> memref<6272x16xf32, #tpu.memory_space<vmem_shared>>
      tpu.wait_dma2 semaphore(%run_scoped3A : memref<!tpu.dma_semaphore, #tpu.memory_space<semaphore_mem>>) src(%dma_wait3A_22 : memref<6272x16xf32, #tpu.memory_space<vmem_shared>>) dst(%dma_wait3A_20 : memref<6272x16xf32, #tpu.memory_space<hbm>>)
      tpu.yield
    }) : () -> ()
    return
  }
}

#map = affine_map<(d0, d1) -> (0, 0)>
#map1 = affine_map<(d0, d1) -> (0, 0, 0)>
module attributes {stable_mosaic.version = 14 : i64} {
  func.func @_deg_kernel(%arg0: i32, %arg1: i32, %arg2: memref<12544x128xi32, #tpu.memory_space<hbm>>, %arg3: memref<100352x16xf32, #tpu.memory_space<hbm>>, %arg4: memref<128x16xf32, #tpu.memory_space<hbm>>, %arg5: memref<2x100352x16xf32, #tpu.memory_space<hbm>>, %arg6: memref<100352x16xf32, #tpu.memory_space<vmem_shared>>, %arg7: memref<8x128xi32, #tpu.memory_space<vmem>>, %arg8: memref<128x16xf32, #tpu.memory_space<vmem>>) attributes {dimension_semantics = [#tpu.dimension_semantics<core_parallel>, #tpu.dimension_semantics<subcore_parallel>], iteration_bounds = array<i64: 2, 16>, scalar_prefetch = 0 : i64, scratch_operands = 3 : i64, tpu.core_type = #tpu.core_type<sc_vector_subcore>, window_params = [{transform_indices = #map}, {transform_indices = #map}, {transform_indices = #map}, {transform_indices = #map1}]} {
    %mul3A = arith.constant 2 : i32
    %mul3A_0 = arith.muli %arg1, %mul3A : i32
    %add3A = arith.addi %mul3A_0, %arg0 : i32
    "tpu.region"() ({
      %run_scoped3A = tpu.sem_alloc : memref<!tpu.dma_semaphore, #tpu.memory_space<semaphore_mem>>
      tpu.enqueue_dma source(%arg4 : memref<128x16xf32, #tpu.memory_space<hbm>>) target(%arg8 : memref<128x16xf32, #tpu.memory_space<vmem>>) target_semaphore(%run_scoped3A : memref<!tpu.dma_semaphore, #tpu.memory_space<semaphore_mem>>)
      tpu.wait_dma2 semaphore(%run_scoped3A : memref<!tpu.dma_semaphore, #tpu.memory_space<semaphore_mem>>) src(%arg4 : memref<128x16xf32, #tpu.memory_space<hbm>>) dst(%arg8 : memref<128x16xf32, #tpu.memory_space<vmem>>)
      tpu.yield
    }) : () -> ()
    %mul3A_1 = arith.constant 6272 : i32
    %mul3A_2 = arith.muli %arg1, %mul3A_1 : i32
    %mul3A_3 = arith.constant 6272 : i32
    %mul3A_4 = arith.muli %arg1, %mul3A_3 : i32
    "tpu.region"() ({
      %run_scoped3A = tpu.sem_alloc : memref<!tpu.dma_semaphore, #tpu.memory_space<semaphore_mem>>
      %dma_start3A = arith.constant 0 : i32
      %dma_start3A_15 = tpu.memref_slice %arg6[%mul3A_4, %dma_start3A] : memref<100352x16xf32, #tpu.memory_space<vmem_shared>> -> memref<6272x16xf32, #tpu.memory_space<vmem_shared>>
      %dma_start3A_16 = arith.constant 0 : i32
      %dma_start3A_17 = tpu.memref_slice %arg3[%mul3A_2, %dma_start3A_16] : memref<100352x16xf32, #tpu.memory_space<hbm>> -> memref<6272x16xf32, #tpu.memory_space<hbm>>
      tpu.enqueue_dma source(%dma_start3A_17 : memref<6272x16xf32, #tpu.memory_space<hbm>>) target(%dma_start3A_15 : memref<6272x16xf32, #tpu.memory_space<vmem_shared>>) target_semaphore(%run_scoped3A : memref<!tpu.dma_semaphore, #tpu.memory_space<semaphore_mem>>)
      %dma_wait3A = arith.constant 0 : i32
      %dma_wait3A_18 = tpu.memref_slice %arg6[%mul3A_4, %dma_wait3A] : memref<100352x16xf32, #tpu.memory_space<vmem_shared>> -> memref<6272x16xf32, #tpu.memory_space<vmem_shared>>
      %dma_wait3A_19 = arith.constant 0 : i32
      %dma_wait3A_20 = tpu.memref_slice %arg3[%mul3A_2, %dma_wait3A_19] : memref<100352x16xf32, #tpu.memory_space<hbm>> -> memref<6272x16xf32, #tpu.memory_space<hbm>>
      tpu.wait_dma2 semaphore(%run_scoped3A : memref<!tpu.dma_semaphore, #tpu.memory_space<semaphore_mem>>) src(%dma_wait3A_20 : memref<6272x16xf32, #tpu.memory_space<hbm>>) dst(%dma_wait3A_18 : memref<6272x16xf32, #tpu.memory_space<vmem_shared>>)
      tpu.yield
    }) : () -> ()
    %barrier3A = arith.constant 0 : index
    tpu.barrier barrier_id(%barrier3A)
    %scan3A = arith.constant 0 : i32
    %scan3A_5 = arith.constant 0 : i32
    %scan3A_6 = arith.constant 49 : i32
    %scan3A_7 = arith.addi %scan3A_5, %scan3A_6 : i32
    %scan3A_8 = arith.constant 1 : i32
    scf.for %scan3A_15 = %scan3A_5 to %scan3A_7 step %scan3A_8  : i32 {
      %mul3A_16 = arith.constant 392 : i32
      %mul3A_17 = arith.muli %add3A, %mul3A_16 : i32
      %mul3A_18 = arith.constant 8 : i32
      %mul3A_19 = arith.muli %scan3A_15, %mul3A_18 : i32
      %add3A_20 = arith.addi %mul3A_17, %mul3A_19 : i32
      "tpu.region"() ({
        %run_scoped3A_28 = tpu.sem_alloc : memref<!tpu.dma_semaphore, #tpu.memory_space<semaphore_mem>>
        %dma_start3A = arith.constant 0 : i32
        %dma_start3A_29 = tpu.memref_slice %arg2[%add3A_20, %dma_start3A] : memref<12544x128xi32, #tpu.memory_space<hbm>> -> memref<8x128xi32, #tpu.memory_space<hbm>>
        %dma_start3A_30 = arith.constant 0 : i32
        %dma_start3A_31 = tpu.memref_slice %arg2[%add3A_20, %dma_start3A_30] : memref<12544x128xi32, #tpu.memory_space<hbm>> -> memref<8x128xi32, #tpu.memory_space<hbm>>
        tpu.enqueue_dma source(%dma_start3A_31 : memref<8x128xi32, #tpu.memory_space<hbm>>) target(%arg7 : memref<8x128xi32, #tpu.memory_space<vmem>>) target_semaphore(%run_scoped3A_28 : memref<!tpu.dma_semaphore, #tpu.memory_space<semaphore_mem>>)
        %dma_wait3A = arith.constant 0 : i32
        %dma_wait3A_32 = tpu.memref_slice %arg2[%add3A_20, %dma_wait3A] : memref<12544x128xi32, #tpu.memory_space<hbm>> -> memref<8x128xi32, #tpu.memory_space<hbm>>
        %dma_wait3A_33 = arith.constant 0 : i32
        %dma_wait3A_34 = tpu.memref_slice %arg2[%add3A_20, %dma_wait3A_33] : memref<12544x128xi32, #tpu.memory_space<hbm>> -> memref<8x128xi32, #tpu.memory_space<hbm>>
        tpu.wait_dma2 semaphore(%run_scoped3A_28 : memref<!tpu.dma_semaphore, #tpu.memory_space<semaphore_mem>>) src(%dma_wait3A_34 : memref<8x128xi32, #tpu.memory_space<hbm>>) dst(%arg7 : memref<8x128xi32, #tpu.memory_space<vmem>>)
        tpu.yield
      }) : () -> ()
      %run_scoped3A = arith.constant 0 : i32
      "tpu.region"() ({
        %run_scoped3A_28 = tpu.sem_alloc : memref<!tpu.dma_semaphore, #tpu.memory_space<semaphore_mem>>
        %dma_start3A = arith.constant 0 : i32
        %dma_start3A_29 = tpu.memref_slice %arg7[%run_scoped3A, %dma_start3A] : memref<8x128xi32, #tpu.memory_space<vmem>> -> memref<1x128xi32, #tpu.memory_space<vmem>>
        %dma_start3A_30 = tpu.memref_squeeze %dma_start3A_29 : memref<1x128xi32, #tpu.memory_space<vmem>> -> memref<128xi32, #tpu.memory_space<vmem>>
        %dma_start3A_31 = arith.constant 0 : i32
        %dma_start3A_32 = arith.constant 0 : i32
        %dma_start3A_33 = tpu.memref_slice %arg6[%dma_start3A_31, %dma_start3A_32] : memref<100352x16xf32, #tpu.memory_space<vmem_shared>> -> memref<100352x16xf32, #tpu.memory_space<vmem_shared>>
        tpu.enqueue_indirect_dma source(%arg8 : memref<128x16xf32, #tpu.memory_space<vmem>>) target(%dma_start3A_33 : memref<100352x16xf32, #tpu.memory_space<vmem_shared>>) offsets(%dma_start3A_30 : memref<128xi32, #tpu.memory_space<vmem>>) semaphore(%run_scoped3A_28 : memref<!tpu.dma_semaphore, #tpu.memory_space<semaphore_mem>>) {add = true}
        %dma_wait3A = arith.constant 0 : i32
        %dma_wait3A_34 = tpu.memref_slice %arg7[%run_scoped3A, %dma_wait3A] : memref<8x128xi32, #tpu.memory_space<vmem>> -> memref<1x128xi32, #tpu.memory_space<vmem>>
        %dma_wait3A_35 = tpu.memref_squeeze %dma_wait3A_34 : memref<1x128xi32, #tpu.memory_space<vmem>> -> memref<128xi32, #tpu.memory_space<vmem>>
        %dma_wait3A_36 = arith.constant 0 : i32
        %dma_wait3A_37 = arith.constant 0 : i32
        %dma_wait3A_38 = tpu.memref_slice %arg6[%dma_wait3A_36, %dma_wait3A_37] : memref<100352x16xf32, #tpu.memory_space<vmem_shared>> -> memref<100352x16xf32, #tpu.memory_space<vmem_shared>>
        tpu.wait_indirect_dma semaphore(%run_scoped3A_28 : memref<!tpu.dma_semaphore, #tpu.memory_space<semaphore_mem>>) src(%arg8 : memref<128x16xf32, #tpu.memory_space<vmem>>) dst(%dma_wait3A_38 : memref<100352x16xf32, #tpu.memory_space<vmem_shared>>)
        tpu.yield
      }) : () -> ()
      %run_scoped3A_21 = arith.constant 1 : i32
      "tpu.region"() ({
        %run_scoped3A_28 = tpu.sem_alloc : memref<!tpu.dma_semaphore, #tpu.memory_space<semaphore_mem>>
        %dma_start3A = arith.constant 0 : i32
        %dma_start3A_29 = tpu.memref_slice %arg7[%run_scoped3A_21, %dma_start3A] : memref<8x128xi32, #tpu.memory_space<vmem>> -> memref<1x128xi32, #tpu.memory_space<vmem>>
        %dma_start3A_30 = tpu.memref_squeeze %dma_start3A_29 : memref<1x128xi32, #tpu.memory_space<vmem>> -> memref<128xi32, #tpu.memory_space<vmem>>
        %dma_start3A_31 = arith.constant 0 : i32
        %dma_start3A_32 = arith.constant 0 : i32
        %dma_start3A_33 = tpu.memref_slice %arg6[%dma_start3A_31, %dma_start3A_32] : memref<100352x16xf32, #tpu.memory_space<vmem_shared>> -> memref<100352x16xf32, #tpu.memory_space<vmem_shared>>
        tpu.enqueue_indirect_dma source(%arg8 : memref<128x16xf32, #tpu.memory_space<vmem>>) target(%dma_start3A_33 : memref<100352x16xf32, #tpu.memory_space<vmem_shared>>) offsets(%dma_start3A_30 : memref<128xi32, #tpu.memory_space<vmem>>) semaphore(%run_scoped3A_28 : memref<!tpu.dma_semaphore, #tpu.memory_space<semaphore_mem>>) {add = true}
        %dma_wait3A = arith.constant 0 : i32
        %dma_wait3A_34 = tpu.memref_slice %arg7[%run_scoped3A_21, %dma_wait3A] : memref<8x128xi32, #tpu.memory_space<vmem>> -> memref<1x128xi32, #tpu.memory_space<vmem>>
        %dma_wait3A_35 = tpu.memref_squeeze %dma_wait3A_34 : memref<1x128xi32, #tpu.memory_space<vmem>> -> memref<128xi32, #tpu.memory_space<vmem>>
        %dma_wait3A_36 = arith.constant 0 : i32
        %dma_wait3A_37 = arith.constant 0 : i32
        %dma_wait3A_38 = tpu.memref_slice %arg6[%dma_wait3A_36, %dma_wait3A_37] : memref<100352x16xf32, #tpu.memory_space<vmem_shared>> -> memref<100352x16xf32, #tpu.memory_space<vmem_shared>>
        tpu.wait_indirect_dma semaphore(%run_scoped3A_28 : memref<!tpu.dma_semaphore, #tpu.memory_space<semaphore_mem>>) src(%arg8 : memref<128x16xf32, #tpu.memory_space<vmem>>) dst(%dma_wait3A_38 : memref<100352x16xf32, #tpu.memory_space<vmem_shared>>)
        tpu.yield
      }) : () -> ()
      %run_scoped3A_22 = arith.constant 2 : i32
      "tpu.region"() ({
        %run_scoped3A_28 = tpu.sem_alloc : memref<!tpu.dma_semaphore, #tpu.memory_space<semaphore_mem>>
        %dma_start3A = arith.constant 0 : i32
        %dma_start3A_29 = tpu.memref_slice %arg7[%run_scoped3A_22, %dma_start3A] : memref<8x128xi32, #tpu.memory_space<vmem>> -> memref<1x128xi32, #tpu.memory_space<vmem>>
        %dma_start3A_30 = tpu.memref_squeeze %dma_start3A_29 : memref<1x128xi32, #tpu.memory_space<vmem>> -> memref<128xi32, #tpu.memory_space<vmem>>
        %dma_start3A_31 = arith.constant 0 : i32
        %dma_start3A_32 = arith.constant 0 : i32
        %dma_start3A_33 = tpu.memref_slice %arg6[%dma_start3A_31, %dma_start3A_32] : memref<100352x16xf32, #tpu.memory_space<vmem_shared>> -> memref<100352x16xf32, #tpu.memory_space<vmem_shared>>
        tpu.enqueue_indirect_dma source(%arg8 : memref<128x16xf32, #tpu.memory_space<vmem>>) target(%dma_start3A_33 : memref<100352x16xf32, #tpu.memory_space<vmem_shared>>) offsets(%dma_start3A_30 : memref<128xi32, #tpu.memory_space<vmem>>) semaphore(%run_scoped3A_28 : memref<!tpu.dma_semaphore, #tpu.memory_space<semaphore_mem>>) {add = true}
        %dma_wait3A = arith.constant 0 : i32
        %dma_wait3A_34 = tpu.memref_slice %arg7[%run_scoped3A_22, %dma_wait3A] : memref<8x128xi32, #tpu.memory_space<vmem>> -> memref<1x128xi32, #tpu.memory_space<vmem>>
        %dma_wait3A_35 = tpu.memref_squeeze %dma_wait3A_34 : memref<1x128xi32, #tpu.memory_space<vmem>> -> memref<128xi32, #tpu.memory_space<vmem>>
        %dma_wait3A_36 = arith.constant 0 : i32
        %dma_wait3A_37 = arith.constant 0 : i32
        %dma_wait3A_38 = tpu.memref_slice %arg6[%dma_wait3A_36, %dma_wait3A_37] : memref<100352x16xf32, #tpu.memory_space<vmem_shared>> -> memref<100352x16xf32, #tpu.memory_space<vmem_shared>>
        tpu.wait_indirect_dma semaphore(%run_scoped3A_28 : memref<!tpu.dma_semaphore, #tpu.memory_space<semaphore_mem>>) src(%arg8 : memref<128x16xf32, #tpu.memory_space<vmem>>) dst(%dma_wait3A_38 : memref<100352x16xf32, #tpu.memory_space<vmem_shared>>)
        tpu.yield
      }) : () -> ()
      %run_scoped3A_23 = arith.constant 3 : i32
      "tpu.region"() ({
        %run_scoped3A_28 = tpu.sem_alloc : memref<!tpu.dma_semaphore, #tpu.memory_space<semaphore_mem>>
        %dma_start3A = arith.constant 0 : i32
        %dma_start3A_29 = tpu.memref_slice %arg7[%run_scoped3A_23, %dma_start3A] : memref<8x128xi32, #tpu.memory_space<vmem>> -> memref<1x128xi32, #tpu.memory_space<vmem>>
        %dma_start3A_30 = tpu.memref_squeeze %dma_start3A_29 : memref<1x128xi32, #tpu.memory_space<vmem>> -> memref<128xi32, #tpu.memory_space<vmem>>
        %dma_start3A_31 = arith.constant 0 : i32
        %dma_start3A_32 = arith.constant 0 : i32
        %dma_start3A_33 = tpu.memref_slice %arg6[%dma_start3A_31, %dma_start3A_32] : memref<100352x16xf32, #tpu.memory_space<vmem_shared>> -> memref<100352x16xf32, #tpu.memory_space<vmem_shared>>
        tpu.enqueue_indirect_dma source(%arg8 : memref<128x16xf32, #tpu.memory_space<vmem>>) target(%dma_start3A_33 : memref<100352x16xf32, #tpu.memory_space<vmem_shared>>) offsets(%dma_start3A_30 : memref<128xi32, #tpu.memory_space<vmem>>) semaphore(%run_scoped3A_28 : memref<!tpu.dma_semaphore, #tpu.memory_space<semaphore_mem>>) {add = true}
        %dma_wait3A = arith.constant 0 : i32
        %dma_wait3A_34 = tpu.memref_slice %arg7[%run_scoped3A_23, %dma_wait3A] : memref<8x128xi32, #tpu.memory_space<vmem>> -> memref<1x128xi32, #tpu.memory_space<vmem>>
        %dma_wait3A_35 = tpu.memref_squeeze %dma_wait3A_34 : memref<1x128xi32, #tpu.memory_space<vmem>> -> memref<128xi32, #tpu.memory_space<vmem>>
        %dma_wait3A_36 = arith.constant 0 : i32
        %dma_wait3A_37 = arith.constant 0 : i32
        %dma_wait3A_38 = tpu.memref_slice %arg6[%dma_wait3A_36, %dma_wait3A_37] : memref<100352x16xf32, #tpu.memory_space<vmem_shared>> -> memref<100352x16xf32, #tpu.memory_space<vmem_shared>>
        tpu.wait_indirect_dma semaphore(%run_scoped3A_28 : memref<!tpu.dma_semaphore, #tpu.memory_space<semaphore_mem>>) src(%arg8 : memref<128x16xf32, #tpu.memory_space<vmem>>) dst(%dma_wait3A_38 : memref<100352x16xf32, #tpu.memory_space<vmem_shared>>)
        tpu.yield
      }) : () -> ()
      %run_scoped3A_24 = arith.constant 4 : i32
      "tpu.region"() ({
        %run_scoped3A_28 = tpu.sem_alloc : memref<!tpu.dma_semaphore, #tpu.memory_space<semaphore_mem>>
        %dma_start3A = arith.constant 0 : i32
        %dma_start3A_29 = tpu.memref_slice %arg7[%run_scoped3A_24, %dma_start3A] : memref<8x128xi32, #tpu.memory_space<vmem>> -> memref<1x128xi32, #tpu.memory_space<vmem>>
        %dma_start3A_30 = tpu.memref_squeeze %dma_start3A_29 : memref<1x128xi32, #tpu.memory_space<vmem>> -> memref<128xi32, #tpu.memory_space<vmem>>
        %dma_start3A_31 = arith.constant 0 : i32
        %dma_start3A_32 = arith.constant 0 : i32
        %dma_start3A_33 = tpu.memref_slice %arg6[%dma_start3A_31, %dma_start3A_32] : memref<100352x16xf32, #tpu.memory_space<vmem_shared>> -> memref<100352x16xf32, #tpu.memory_space<vmem_shared>>
        tpu.enqueue_indirect_dma source(%arg8 : memref<128x16xf32, #tpu.memory_space<vmem>>) target(%dma_start3A_33 : memref<100352x16xf32, #tpu.memory_space<vmem_shared>>) offsets(%dma_start3A_30 : memref<128xi32, #tpu.memory_space<vmem>>) semaphore(%run_scoped3A_28 : memref<!tpu.dma_semaphore, #tpu.memory_space<semaphore_mem>>) {add = true}
        %dma_wait3A = arith.constant 0 : i32
        %dma_wait3A_34 = tpu.memref_slice %arg7[%run_scoped3A_24, %dma_wait3A] : memref<8x128xi32, #tpu.memory_space<vmem>> -> memref<1x128xi32, #tpu.memory_space<vmem>>
        %dma_wait3A_35 = tpu.memref_squeeze %dma_wait3A_34 : memref<1x128xi32, #tpu.memory_space<vmem>> -> memref<128xi32, #tpu.memory_space<vmem>>
        %dma_wait3A_36 = arith.constant 0 : i32
        %dma_wait3A_37 = arith.constant 0 : i32
        %dma_wait3A_38 = tpu.memref_slice %arg6[%dma_wait3A_36, %dma_wait3A_37] : memref<100352x16xf32, #tpu.memory_space<vmem_shared>> -> memref<100352x16xf32, #tpu.memory_space<vmem_shared>>
        tpu.wait_indirect_dma semaphore(%run_scoped3A_28 : memref<!tpu.dma_semaphore, #tpu.memory_space<semaphore_mem>>) src(%arg8 : memref<128x16xf32, #tpu.memory_space<vmem>>) dst(%dma_wait3A_38 : memref<100352x16xf32, #tpu.memory_space<vmem_shared>>)
        tpu.yield
      }) : () -> ()
      %run_scoped3A_25 = arith.constant 5 : i32
      "tpu.region"() ({
        %run_scoped3A_28 = tpu.sem_alloc : memref<!tpu.dma_semaphore, #tpu.memory_space<semaphore_mem>>
        %dma_start3A = arith.constant 0 : i32
        %dma_start3A_29 = tpu.memref_slice %arg7[%run_scoped3A_25, %dma_start3A] : memref<8x128xi32, #tpu.memory_space<vmem>> -> memref<1x128xi32, #tpu.memory_space<vmem>>
        %dma_start3A_30 = tpu.memref_squeeze %dma_start3A_29 : memref<1x128xi32, #tpu.memory_space<vmem>> -> memref<128xi32, #tpu.memory_space<vmem>>
        %dma_start3A_31 = arith.constant 0 : i32
        %dma_start3A_32 = arith.constant 0 : i32
        %dma_start3A_33 = tpu.memref_slice %arg6[%dma_start3A_31, %dma_start3A_32] : memref<100352x16xf32, #tpu.memory_space<vmem_shared>> -> memref<100352x16xf32, #tpu.memory_space<vmem_shared>>
        tpu.enqueue_indirect_dma source(%arg8 : memref<128x16xf32, #tpu.memory_space<vmem>>) target(%dma_start3A_33 : memref<100352x16xf32, #tpu.memory_space<vmem_shared>>) offsets(%dma_start3A_30 : memref<128xi32, #tpu.memory_space<vmem>>) semaphore(%run_scoped3A_28 : memref<!tpu.dma_semaphore, #tpu.memory_space<semaphore_mem>>) {add = true}
        %dma_wait3A = arith.constant 0 : i32
        %dma_wait3A_34 = tpu.memref_slice %arg7[%run_scoped3A_25, %dma_wait3A] : memref<8x128xi32, #tpu.memory_space<vmem>> -> memref<1x128xi32, #tpu.memory_space<vmem>>
        %dma_wait3A_35 = tpu.memref_squeeze %dma_wait3A_34 : memref<1x128xi32, #tpu.memory_space<vmem>> -> memref<128xi32, #tpu.memory_space<vmem>>
        %dma_wait3A_36 = arith.constant 0 : i32
        %dma_wait3A_37 = arith.constant 0 : i32
        %dma_wait3A_38 = tpu.memref_slice %arg6[%dma_wait3A_36, %dma_wait3A_37] : memref<100352x16xf32, #tpu.memory_space<vmem_shared>> -> memref<100352x16xf32, #tpu.memory_space<vmem_shared>>
        tpu.wait_indirect_dma semaphore(%run_scoped3A_28 : memref<!tpu.dma_semaphore, #tpu.memory_space<semaphore_mem>>) src(%arg8 : memref<128x16xf32, #tpu.memory_space<vmem>>) dst(%dma_wait3A_38 : memref<100352x16xf32, #tpu.memory_space<vmem_shared>>)
        tpu.yield
      }) : () -> ()
      %run_scoped3A_26 = arith.constant 6 : i32
      "tpu.region"() ({
        %run_scoped3A_28 = tpu.sem_alloc : memref<!tpu.dma_semaphore, #tpu.memory_space<semaphore_mem>>
        %dma_start3A = arith.constant 0 : i32
        %dma_start3A_29 = tpu.memref_slice %arg7[%run_scoped3A_26, %dma_start3A] : memref<8x128xi32, #tpu.memory_space<vmem>> -> memref<1x128xi32, #tpu.memory_space<vmem>>
        %dma_start3A_30 = tpu.memref_squeeze %dma_start3A_29 : memref<1x128xi32, #tpu.memory_space<vmem>> -> memref<128xi32, #tpu.memory_space<vmem>>
        %dma_start3A_31 = arith.constant 0 : i32
        %dma_start3A_32 = arith.constant 0 : i32
        %dma_start3A_33 = tpu.memref_slice %arg6[%dma_start3A_31, %dma_start3A_32] : memref<100352x16xf32, #tpu.memory_space<vmem_shared>> -> memref<100352x16xf32, #tpu.memory_space<vmem_shared>>
        tpu.enqueue_indirect_dma source(%arg8 : memref<128x16xf32, #tpu.memory_space<vmem>>) target(%dma_start3A_33 : memref<100352x16xf32, #tpu.memory_space<vmem_shared>>) offsets(%dma_start3A_30 : memref<128xi32, #tpu.memory_space<vmem>>) semaphore(%run_scoped3A_28 : memref<!tpu.dma_semaphore, #tpu.memory_space<semaphore_mem>>) {add = true}
        %dma_wait3A = arith.constant 0 : i32
        %dma_wait3A_34 = tpu.memref_slice %arg7[%run_scoped3A_26, %dma_wait3A] : memref<8x128xi32, #tpu.memory_space<vmem>> -> memref<1x128xi32, #tpu.memory_space<vmem>>
        %dma_wait3A_35 = tpu.memref_squeeze %dma_wait3A_34 : memref<1x128xi32, #tpu.memory_space<vmem>> -> memref<128xi32, #tpu.memory_space<vmem>>
        %dma_wait3A_36 = arith.constant 0 : i32
        %dma_wait3A_37 = arith.constant 0 : i32
        %dma_wait3A_38 = tpu.memref_slice %arg6[%dma_wait3A_36, %dma_wait3A_37] : memref<100352x16xf32, #tpu.memory_space<vmem_shared>> -> memref<100352x16xf32, #tpu.memory_space<vmem_shared>>
        tpu.wait_indirect_dma semaphore(%run_scoped3A_28 : memref<!tpu.dma_semaphore, #tpu.memory_space<semaphore_mem>>) src(%arg8 : memref<128x16xf32, #tpu.memory_space<vmem>>) dst(%dma_wait3A_38 : memref<100352x16xf32, #tpu.memory_space<vmem_shared>>)
        tpu.yield
      }) : () -> ()
      %run_scoped3A_27 = arith.constant 7 : i32
      "tpu.region"() ({
        %run_scoped3A_28 = tpu.sem_alloc : memref<!tpu.dma_semaphore, #tpu.memory_space<semaphore_mem>>
        %dma_start3A = arith.constant 0 : i32
        %dma_start3A_29 = tpu.memref_slice %arg7[%run_scoped3A_27, %dma_start3A] : memref<8x128xi32, #tpu.memory_space<vmem>> -> memref<1x128xi32, #tpu.memory_space<vmem>>
        %dma_start3A_30 = tpu.memref_squeeze %dma_start3A_29 : memref<1x128xi32, #tpu.memory_space<vmem>> -> memref<128xi32, #tpu.memory_space<vmem>>
        %dma_start3A_31 = arith.constant 0 : i32
        %dma_start3A_32 = arith.constant 0 : i32
        %dma_start3A_33 = tpu.memref_slice %arg6[%dma_start3A_31, %dma_start3A_32] : memref<100352x16xf32, #tpu.memory_space<vmem_shared>> -> memref<100352x16xf32, #tpu.memory_space<vmem_shared>>
        tpu.enqueue_indirect_dma source(%arg8 : memref<128x16xf32, #tpu.memory_space<vmem>>) target(%dma_start3A_33 : memref<100352x16xf32, #tpu.memory_space<vmem_shared>>) offsets(%dma_start3A_30 : memref<128xi32, #tpu.memory_space<vmem>>) semaphore(%run_scoped3A_28 : memref<!tpu.dma_semaphore, #tpu.memory_space<semaphore_mem>>) {add = true}
        %dma_wait3A = arith.constant 0 : i32
        %dma_wait3A_34 = tpu.memref_slice %arg7[%run_scoped3A_27, %dma_wait3A] : memref<8x128xi32, #tpu.memory_space<vmem>> -> memref<1x128xi32, #tpu.memory_space<vmem>>
        %dma_wait3A_35 = tpu.memref_squeeze %dma_wait3A_34 : memref<1x128xi32, #tpu.memory_space<vmem>> -> memref<128xi32, #tpu.memory_space<vmem>>
        %dma_wait3A_36 = arith.constant 0 : i32
        %dma_wait3A_37 = arith.constant 0 : i32
        %dma_wait3A_38 = tpu.memref_slice %arg6[%dma_wait3A_36, %dma_wait3A_37] : memref<100352x16xf32, #tpu.memory_space<vmem_shared>> -> memref<100352x16xf32, #tpu.memory_space<vmem_shared>>
        tpu.wait_indirect_dma semaphore(%run_scoped3A_28 : memref<!tpu.dma_semaphore, #tpu.memory_space<semaphore_mem>>) src(%arg8 : memref<128x16xf32, #tpu.memory_space<vmem>>) dst(%dma_wait3A_38 : memref<100352x16xf32, #tpu.memory_space<vmem_shared>>)
        tpu.yield
      }) : () -> ()
    }
    %scan3A_9 = arith.constant 49 : i32
    %barrier3A_10 = arith.constant 0 : index
    tpu.barrier barrier_id(%barrier3A_10)
    %mul3A_11 = arith.constant 6272 : i32
    %mul3A_12 = arith.muli %arg1, %mul3A_11 : i32
    %mul3A_13 = arith.constant 6272 : i32
    %mul3A_14 = arith.muli %arg1, %mul3A_13 : i32
    "tpu.region"() ({
      %run_scoped3A = tpu.sem_alloc : memref<!tpu.dma_semaphore, #tpu.memory_space<semaphore_mem>>
      %dma_start3A = arith.constant 0 : i32
      %dma_start3A_15 = tpu.memref_slice %arg5[%arg0, %mul3A_14, %dma_start3A] : memref<2x100352x16xf32, #tpu.memory_space<hbm>> -> memref<1x6272x16xf32, #tpu.memory_space<hbm>>
      %dma_start3A_16 = tpu.memref_squeeze %dma_start3A_15 : memref<1x6272x16xf32, #tpu.memory_space<hbm>> -> memref<6272x16xf32, #tpu.memory_space<hbm>>
      %dma_start3A_17 = arith.constant 0 : i32
      %dma_start3A_18 = tpu.memref_slice %arg6[%mul3A_12, %dma_start3A_17] : memref<100352x16xf32, #tpu.memory_space<vmem_shared>> -> memref<6272x16xf32, #tpu.memory_space<vmem_shared>>
      tpu.enqueue_dma source(%dma_start3A_18 : memref<6272x16xf32, #tpu.memory_space<vmem_shared>>) target(%dma_start3A_16 : memref<6272x16xf32, #tpu.memory_space<hbm>>) target_semaphore(%run_scoped3A : memref<!tpu.dma_semaphore, #tpu.memory_space<semaphore_mem>>)
      %dma_wait3A = arith.constant 0 : i32
      %dma_wait3A_19 = tpu.memref_slice %arg5[%arg0, %mul3A_14, %dma_wait3A] : memref<2x100352x16xf32, #tpu.memory_space<hbm>> -> memref<1x6272x16xf32, #tpu.memory_space<hbm>>
      %dma_wait3A_20 = tpu.memref_squeeze %dma_wait3A_19 : memref<1x6272x16xf32, #tpu.memory_space<hbm>> -> memref<6272x16xf32, #tpu.memory_space<hbm>>
      %dma_wait3A_21 = arith.constant 0 : i32
      %dma_wait3A_22 = tpu.memref_slice %arg6[%mul3A_12, %dma_wait3A_21] : memref<100352x16xf32, #tpu.memory_space<vmem_shared>> -> memref<6272x16xf32, #tpu.memory_space<vmem_shared>>
      tpu.wait_dma2 semaphore(%run_scoped3A : memref<!tpu.dma_semaphore, #tpu.memory_space<semaphore_mem>>) src(%dma_wait3A_22 : memref<6272x16xf32, #tpu.memory_space<vmem_shared>>) dst(%dma_wait3A_20 : memref<6272x16xf32, #tpu.memory_space<hbm>>)
      tpu.yield
    }) : () -> ()
    return
  }
}

#map = affine_map<(d0, d1) -> (0, 0)>
#map1 = affine_map<(d0, d1) -> (0, 0, 0)>
module attributes {stable_mosaic.version = 14 : i64} {
  func.func @_agg(%arg0: i32, %arg1: i32, %arg2: memref<100352x16xf32, #tpu.memory_space<hbm>>, %arg3: memref<12544x128xi32, #tpu.memory_space<hbm>>, %arg4: memref<12544x128xi32, #tpu.memory_space<hbm>>, %arg5: memref<100352x16xf32, #tpu.memory_space<hbm>>, %arg6: memref<2x100352x16xf32, #tpu.memory_space<hbm>>, %arg7: memref<100352x16xf32, #tpu.memory_space<vmem_shared>>, %arg8: memref<8x128xi32, #tpu.memory_space<vmem>>, %arg9: memref<8x128xi32, #tpu.memory_space<vmem>>, %arg10: memref<8x128x16xf32, #tpu.memory_space<vmem>>, %arg11: memref<!tpu.dma_semaphore, #tpu.memory_space<semaphore_mem>>, %arg12: memref<!tpu.dma_semaphore, #tpu.memory_space<semaphore_mem>>) attributes {dimension_semantics = [#tpu.dimension_semantics<core_parallel>, #tpu.dimension_semantics<subcore_parallel>], iteration_bounds = array<i64: 2, 16>, scalar_prefetch = 0 : i64, scratch_operands = 6 : i64, tpu.core_type = #tpu.core_type<sc_vector_subcore>, window_params = [{transform_indices = #map}, {transform_indices = #map}, {transform_indices = #map}, {transform_indices = #map}, {transform_indices = #map1}]} {
    %mul3A = arith.constant 2 : i32
    %mul3A_0 = arith.muli %arg1, %mul3A : i32
    %add3A = arith.addi %mul3A_0, %arg0 : i32
    %mul3A_1 = arith.constant 6272 : i32
    %mul3A_2 = arith.muli %arg1, %mul3A_1 : i32
    %mul3A_3 = arith.constant 6272 : i32
    %mul3A_4 = arith.muli %arg1, %mul3A_3 : i32
    "tpu.region"() ({
      %run_scoped3A = tpu.sem_alloc : memref<!tpu.dma_semaphore, #tpu.memory_space<semaphore_mem>>
      %dma_start3A = arith.constant 0 : i32
      %dma_start3A_15 = tpu.memref_slice %arg7[%mul3A_4, %dma_start3A] : memref<100352x16xf32, #tpu.memory_space<vmem_shared>> -> memref<6272x16xf32, #tpu.memory_space<vmem_shared>>
      %dma_start3A_16 = arith.constant 0 : i32
      %dma_start3A_17 = tpu.memref_slice %arg5[%mul3A_2, %dma_start3A_16] : memref<100352x16xf32, #tpu.memory_space<hbm>> -> memref<6272x16xf32, #tpu.memory_space<hbm>>
      tpu.enqueue_dma source(%dma_start3A_17 : memref<6272x16xf32, #tpu.memory_space<hbm>>) target(%dma_start3A_15 : memref<6272x16xf32, #tpu.memory_space<vmem_shared>>) target_semaphore(%run_scoped3A : memref<!tpu.dma_semaphore, #tpu.memory_space<semaphore_mem>>)
      %dma_wait3A = arith.constant 0 : i32
      %dma_wait3A_18 = tpu.memref_slice %arg7[%mul3A_4, %dma_wait3A] : memref<100352x16xf32, #tpu.memory_space<vmem_shared>> -> memref<6272x16xf32, #tpu.memory_space<vmem_shared>>
      %dma_wait3A_19 = arith.constant 0 : i32
      %dma_wait3A_20 = tpu.memref_slice %arg5[%mul3A_2, %dma_wait3A_19] : memref<100352x16xf32, #tpu.memory_space<hbm>> -> memref<6272x16xf32, #tpu.memory_space<hbm>>
      tpu.wait_dma2 semaphore(%run_scoped3A : memref<!tpu.dma_semaphore, #tpu.memory_space<semaphore_mem>>) src(%dma_wait3A_20 : memref<6272x16xf32, #tpu.memory_space<hbm>>) dst(%dma_wait3A_18 : memref<6272x16xf32, #tpu.memory_space<vmem_shared>>)
      tpu.yield
    }) : () -> ()
    %barrier3A = arith.constant 0 : index
    tpu.barrier barrier_id(%barrier3A)
    %scan3A = arith.constant 0 : i32
    %scan3A_5 = arith.constant 0 : i32
    %scan3A_6 = arith.constant 49 : i32
    %scan3A_7 = arith.addi %scan3A_5, %scan3A_6 : i32
    %scan3A_8 = arith.constant 1 : i32
    scf.for %scan3A_15 = %scan3A_5 to %scan3A_7 step %scan3A_8  : i32 {
      %mul3A_16 = arith.constant 392 : i32
      %mul3A_17 = arith.muli %add3A, %mul3A_16 : i32
      %mul3A_18 = arith.constant 8 : i32
      %mul3A_19 = arith.muli %scan3A_15, %mul3A_18 : i32
      %add3A_20 = arith.addi %mul3A_17, %mul3A_19 : i32
      "tpu.region"() ({
        %run_scoped3A = tpu.sem_alloc : memref<!tpu.dma_semaphore, #tpu.memory_space<semaphore_mem>>
        %dma_start3A_403 = arith.constant 0 : i32
        %dma_start3A_404 = tpu.memref_slice %arg3[%add3A_20, %dma_start3A_403] : memref<12544x128xi32, #tpu.memory_space<hbm>> -> memref<8x128xi32, #tpu.memory_space<hbm>>
        %dma_start3A_405 = arith.constant 0 : i32
        %dma_start3A_406 = tpu.memref_slice %arg3[%add3A_20, %dma_start3A_405] : memref<12544x128xi32, #tpu.memory_space<hbm>> -> memref<8x128xi32, #tpu.memory_space<hbm>>
        tpu.enqueue_dma source(%dma_start3A_406 : memref<8x128xi32, #tpu.memory_space<hbm>>) target(%arg8 : memref<8x128xi32, #tpu.memory_space<vmem>>) target_semaphore(%run_scoped3A : memref<!tpu.dma_semaphore, #tpu.memory_space<semaphore_mem>>)
        %dma_wait3A_407 = arith.constant 0 : i32
        %dma_wait3A_408 = tpu.memref_slice %arg3[%add3A_20, %dma_wait3A_407] : memref<12544x128xi32, #tpu.memory_space<hbm>> -> memref<8x128xi32, #tpu.memory_space<hbm>>
        %dma_wait3A_409 = arith.constant 0 : i32
        %dma_wait3A_410 = tpu.memref_slice %arg3[%add3A_20, %dma_wait3A_409] : memref<12544x128xi32, #tpu.memory_space<hbm>> -> memref<8x128xi32, #tpu.memory_space<hbm>>
        tpu.wait_dma2 semaphore(%run_scoped3A : memref<!tpu.dma_semaphore, #tpu.memory_space<semaphore_mem>>) src(%dma_wait3A_410 : memref<8x128xi32, #tpu.memory_space<hbm>>) dst(%arg8 : memref<8x128xi32, #tpu.memory_space<vmem>>)
        tpu.yield
      }) : () -> ()
      "tpu.region"() ({
        %run_scoped3A = tpu.sem_alloc : memref<!tpu.dma_semaphore, #tpu.memory_space<semaphore_mem>>
        %dma_start3A_403 = arith.constant 0 : i32
        %dma_start3A_404 = tpu.memref_slice %arg4[%add3A_20, %dma_start3A_403] : memref<12544x128xi32, #tpu.memory_space<hbm>> -> memref<8x128xi32, #tpu.memory_space<hbm>>
        %dma_start3A_405 = arith.constant 0 : i32
        %dma_start3A_406 = tpu.memref_slice %arg4[%add3A_20, %dma_start3A_405] : memref<12544x128xi32, #tpu.memory_space<hbm>> -> memref<8x128xi32, #tpu.memory_space<hbm>>
        tpu.enqueue_dma source(%dma_start3A_406 : memref<8x128xi32, #tpu.memory_space<hbm>>) target(%arg9 : memref<8x128xi32, #tpu.memory_space<vmem>>) target_semaphore(%run_scoped3A : memref<!tpu.dma_semaphore, #tpu.memory_space<semaphore_mem>>)
        %dma_wait3A_407 = arith.constant 0 : i32
        %dma_wait3A_408 = tpu.memref_slice %arg4[%add3A_20, %dma_wait3A_407] : memref<12544x128xi32, #tpu.memory_space<hbm>> -> memref<8x128xi32, #tpu.memory_space<hbm>>
        %dma_wait3A_409 = arith.constant 0 : i32
        %dma_wait3A_410 = tpu.memref_slice %arg4[%add3A_20, %dma_wait3A_409] : memref<12544x128xi32, #tpu.memory_space<hbm>> -> memref<8x128xi32, #tpu.memory_space<hbm>>
        tpu.wait_dma2 semaphore(%run_scoped3A : memref<!tpu.dma_semaphore, #tpu.memory_space<semaphore_mem>>) src(%dma_wait3A_410 : memref<8x128xi32, #tpu.memory_space<hbm>>) dst(%arg9 : memref<8x128xi32, #tpu.memory_space<vmem>>)
        tpu.yield
      }) : () -> ()
      %dma_start3A = arith.constant 0 : i32
      %dma_start3A_21 = arith.constant 0 : i32
      %dma_start3A_22 = arith.constant 0 : i32
      %dma_start3A_23 = arith.constant 0 : i32
      %dma_start3A_24 = tpu.memref_slice %arg10[%dma_start3A_21, %dma_start3A_22, %dma_start3A_23] : memref<8x128x16xf32, #tpu.memory_space<vmem>> -> memref<1x128x16xf32, #tpu.memory_space<vmem>>
      %dma_start3A_25 = tpu.memref_squeeze %dma_start3A_24 : memref<1x128x16xf32, #tpu.memory_space<vmem>> -> memref<128x16xf32, #tpu.memory_space<vmem>>
      %dma_start3A_26 = arith.constant 0 : i32
      %dma_start3A_27 = tpu.memref_slice %arg8[%dma_start3A, %dma_start3A_26] : memref<8x128xi32, #tpu.memory_space<vmem>> -> memref<1x128xi32, #tpu.memory_space<vmem>>
      %dma_start3A_28 = tpu.memref_squeeze %dma_start3A_27 : memref<1x128xi32, #tpu.memory_space<vmem>> -> memref<128xi32, #tpu.memory_space<vmem>>
      %dma_start3A_29 = arith.constant 0 : i32
      %dma_start3A_30 = arith.constant 0 : i32
      %dma_start3A_31 = tpu.memref_slice %arg2[%dma_start3A_29, %dma_start3A_30] : memref<100352x16xf32, #tpu.memory_space<hbm>> -> memref<100352x16xf32, #tpu.memory_space<hbm>>
      tpu.enqueue_indirect_dma source(%dma_start3A_31 : memref<100352x16xf32, #tpu.memory_space<hbm>>) target(%dma_start3A_25 : memref<128x16xf32, #tpu.memory_space<vmem>>) offsets(%dma_start3A_28 : memref<128xi32, #tpu.memory_space<vmem>>) semaphore(%arg11 : memref<!tpu.dma_semaphore, #tpu.memory_space<semaphore_mem>>)
      %dma_start3A_32 = arith.constant 1 : i32
      %dma_start3A_33 = arith.constant 1 : i32
      %dma_start3A_34 = arith.constant 0 : i32
      %dma_start3A_35 = arith.constant 0 : i32
      %dma_start3A_36 = tpu.memref_slice %arg10[%dma_start3A_33, %dma_start3A_34, %dma_start3A_35] : memref<8x128x16xf32, #tpu.memory_space<vmem>> -> memref<1x128x16xf32, #tpu.memory_space<vmem>>
      %dma_start3A_37 = tpu.memref_squeeze %dma_start3A_36 : memref<1x128x16xf32, #tpu.memory_space<vmem>> -> memref<128x16xf32, #tpu.memory_space<vmem>>
      %dma_start3A_38 = arith.constant 0 : i32
      %dma_start3A_39 = tpu.memref_slice %arg8[%dma_start3A_32, %dma_start3A_38] : memref<8x128xi32, #tpu.memory_space<vmem>> -> memref<1x128xi32, #tpu.memory_space<vmem>>
      %dma_start3A_40 = tpu.memref_squeeze %dma_start3A_39 : memref<1x128xi32, #tpu.memory_space<vmem>> -> memref<128xi32, #tpu.memory_space<vmem>>
      %dma_start3A_41 = arith.constant 0 : i32
      %dma_start3A_42 = arith.constant 0 : i32
      %dma_start3A_43 = tpu.memref_slice %arg2[%dma_start3A_41, %dma_start3A_42] : memref<100352x16xf32, #tpu.memory_space<hbm>> -> memref<100352x16xf32, #tpu.memory_space<hbm>>
      tpu.enqueue_indirect_dma source(%dma_start3A_43 : memref<100352x16xf32, #tpu.memory_space<hbm>>) target(%dma_start3A_37 : memref<128x16xf32, #tpu.memory_space<vmem>>) offsets(%dma_start3A_40 : memref<128xi32, #tpu.memory_space<vmem>>) semaphore(%arg11 : memref<!tpu.dma_semaphore, #tpu.memory_space<semaphore_mem>>)
      %dma_start3A_44 = arith.constant 2 : i32
      %dma_start3A_45 = arith.constant 2 : i32
      %dma_start3A_46 = arith.constant 0 : i32
      %dma_start3A_47 = arith.constant 0 : i32
      %dma_start3A_48 = tpu.memref_slice %arg10[%dma_start3A_45, %dma_start3A_46, %dma_start3A_47] : memref<8x128x16xf32, #tpu.memory_space<vmem>> -> memref<1x128x16xf32, #tpu.memory_space<vmem>>
      %dma_start3A_49 = tpu.memref_squeeze %dma_start3A_48 : memref<1x128x16xf32, #tpu.memory_space<vmem>> -> memref<128x16xf32, #tpu.memory_space<vmem>>
      %dma_start3A_50 = arith.constant 0 : i32
      %dma_start3A_51 = tpu.memref_slice %arg8[%dma_start3A_44, %dma_start3A_50] : memref<8x128xi32, #tpu.memory_space<vmem>> -> memref<1x128xi32, #tpu.memory_space<vmem>>
      %dma_start3A_52 = tpu.memref_squeeze %dma_start3A_51 : memref<1x128xi32, #tpu.memory_space<vmem>> -> memref<128xi32, #tpu.memory_space<vmem>>
      %dma_start3A_53 = arith.constant 0 : i32
      %dma_start3A_54 = arith.constant 0 : i32
      %dma_start3A_55 = tpu.memref_slice %arg2[%dma_start3A_53, %dma_start3A_54] : memref<100352x16xf32, #tpu.memory_space<hbm>> -> memref<100352x16xf32, #tpu.memory_space<hbm>>
      tpu.enqueue_indirect_dma source(%dma_start3A_55 : memref<100352x16xf32, #tpu.memory_space<hbm>>) target(%dma_start3A_49 : memref<128x16xf32, #tpu.memory_space<vmem>>) offsets(%dma_start3A_52 : memref<128xi32, #tpu.memory_space<vmem>>) semaphore(%arg11 : memref<!tpu.dma_semaphore, #tpu.memory_space<semaphore_mem>>)
      %dma_start3A_56 = arith.constant 3 : i32
      %dma_start3A_57 = arith.constant 3 : i32
      %dma_start3A_58 = arith.constant 0 : i32
      %dma_start3A_59 = arith.constant 0 : i32
      %dma_start3A_60 = tpu.memref_slice %arg10[%dma_start3A_57, %dma_start3A_58, %dma_start3A_59] : memref<8x128x16xf32, #tpu.memory_space<vmem>> -> memref<1x128x16xf32, #tpu.memory_space<vmem>>
      %dma_start3A_61 = tpu.memref_squeeze %dma_start3A_60 : memref<1x128x16xf32, #tpu.memory_space<vmem>> -> memref<128x16xf32, #tpu.memory_space<vmem>>
      %dma_start3A_62 = arith.constant 0 : i32
      %dma_start3A_63 = tpu.memref_slice %arg8[%dma_start3A_56, %dma_start3A_62] : memref<8x128xi32, #tpu.memory_space<vmem>> -> memref<1x128xi32, #tpu.memory_space<vmem>>
      %dma_start3A_64 = tpu.memref_squeeze %dma_start3A_63 : memref<1x128xi32, #tpu.memory_space<vmem>> -> memref<128xi32, #tpu.memory_space<vmem>>
      %dma_start3A_65 = arith.constant 0 : i32
      %dma_start3A_66 = arith.constant 0 : i32
      %dma_start3A_67 = tpu.memref_slice %arg2[%dma_start3A_65, %dma_start3A_66] : memref<100352x16xf32, #tpu.memory_space<hbm>> -> memref<100352x16xf32, #tpu.memory_space<hbm>>
      tpu.enqueue_indirect_dma source(%dma_start3A_67 : memref<100352x16xf32, #tpu.memory_space<hbm>>) target(%dma_start3A_61 : memref<128x16xf32, #tpu.memory_space<vmem>>) offsets(%dma_start3A_64 : memref<128xi32, #tpu.memory_space<vmem>>) semaphore(%arg11 : memref<!tpu.dma_semaphore, #tpu.memory_space<semaphore_mem>>)
      %dma_start3A_68 = arith.constant 4 : i32
      %dma_start3A_69 = arith.constant 4 : i32
      %dma_start3A_70 = arith.constant 0 : i32
      %dma_start3A_71 = arith.constant 0 : i32
      %dma_start3A_72 = tpu.memref_slice %arg10[%dma_start3A_69, %dma_start3A_70, %dma_start3A_71] : memref<8x128x16xf32, #tpu.memory_space<vmem>> -> memref<1x128x16xf32, #tpu.memory_space<vmem>>
      %dma_start3A_73 = tpu.memref_squeeze %dma_start3A_72 : memref<1x128x16xf32, #tpu.memory_space<vmem>> -> memref<128x16xf32, #tpu.memory_space<vmem>>
      %dma_start3A_74 = arith.constant 0 : i32
      %dma_start3A_75 = tpu.memref_slice %arg8[%dma_start3A_68, %dma_start3A_74] : memref<8x128xi32, #tpu.memory_space<vmem>> -> memref<1x128xi32, #tpu.memory_space<vmem>>
      %dma_start3A_76 = tpu.memref_squeeze %dma_start3A_75 : memref<1x128xi32, #tpu.memory_space<vmem>> -> memref<128xi32, #tpu.memory_space<vmem>>
      %dma_start3A_77 = arith.constant 0 : i32
      %dma_start3A_78 = arith.constant 0 : i32
      %dma_start3A_79 = tpu.memref_slice %arg2[%dma_start3A_77, %dma_start3A_78] : memref<100352x16xf32, #tpu.memory_space<hbm>> -> memref<100352x16xf32, #tpu.memory_space<hbm>>
      tpu.enqueue_indirect_dma source(%dma_start3A_79 : memref<100352x16xf32, #tpu.memory_space<hbm>>) target(%dma_start3A_73 : memref<128x16xf32, #tpu.memory_space<vmem>>) offsets(%dma_start3A_76 : memref<128xi32, #tpu.memory_space<vmem>>) semaphore(%arg11 : memref<!tpu.dma_semaphore, #tpu.memory_space<semaphore_mem>>)
      %dma_start3A_80 = arith.constant 5 : i32
      %dma_start3A_81 = arith.constant 5 : i32
      %dma_start3A_82 = arith.constant 0 : i32
      %dma_start3A_83 = arith.constant 0 : i32
      %dma_start3A_84 = tpu.memref_slice %arg10[%dma_start3A_81, %dma_start3A_82, %dma_start3A_83] : memref<8x128x16xf32, #tpu.memory_space<vmem>> -> memref<1x128x16xf32, #tpu.memory_space<vmem>>
      %dma_start3A_85 = tpu.memref_squeeze %dma_start3A_84 : memref<1x128x16xf32, #tpu.memory_space<vmem>> -> memref<128x16xf32, #tpu.memory_space<vmem>>
      %dma_start3A_86 = arith.constant 0 : i32
      %dma_start3A_87 = tpu.memref_slice %arg8[%dma_start3A_80, %dma_start3A_86] : memref<8x128xi32, #tpu.memory_space<vmem>> -> memref<1x128xi32, #tpu.memory_space<vmem>>
      %dma_start3A_88 = tpu.memref_squeeze %dma_start3A_87 : memref<1x128xi32, #tpu.memory_space<vmem>> -> memref<128xi32, #tpu.memory_space<vmem>>
      %dma_start3A_89 = arith.constant 0 : i32
      %dma_start3A_90 = arith.constant 0 : i32
      %dma_start3A_91 = tpu.memref_slice %arg2[%dma_start3A_89, %dma_start3A_90] : memref<100352x16xf32, #tpu.memory_space<hbm>> -> memref<100352x16xf32, #tpu.memory_space<hbm>>
      tpu.enqueue_indirect_dma source(%dma_start3A_91 : memref<100352x16xf32, #tpu.memory_space<hbm>>) target(%dma_start3A_85 : memref<128x16xf32, #tpu.memory_space<vmem>>) offsets(%dma_start3A_88 : memref<128xi32, #tpu.memory_space<vmem>>) semaphore(%arg11 : memref<!tpu.dma_semaphore, #tpu.memory_space<semaphore_mem>>)
      %dma_start3A_92 = arith.constant 6 : i32
      %dma_start3A_93 = arith.constant 6 : i32
      %dma_start3A_94 = arith.constant 0 : i32
      %dma_start3A_95 = arith.constant 0 : i32
      %dma_start3A_96 = tpu.memref_slice %arg10[%dma_start3A_93, %dma_start3A_94, %dma_start3A_95] : memref<8x128x16xf32, #tpu.memory_space<vmem>> -> memref<1x128x16xf32, #tpu.memory_space<vmem>>
      %dma_start3A_97 = tpu.memref_squeeze %dma_start3A_96 : memref<1x128x16xf32, #tpu.memory_space<vmem>> -> memref<128x16xf32, #tpu.memory_space<vmem>>
      %dma_start3A_98 = arith.constant 0 : i32
      %dma_start3A_99 = tpu.memref_slice %arg8[%dma_start3A_92, %dma_start3A_98] : memref<8x128xi32, #tpu.memory_space<vmem>> -> memref<1x128xi32, #tpu.memory_space<vmem>>
      %dma_start3A_100 = tpu.memref_squeeze %dma_start3A_99 : memref<1x128xi32, #tpu.memory_space<vmem>> -> memref<128xi32, #tpu.memory_space<vmem>>
      %dma_start3A_101 = arith.constant 0 : i32
      %dma_start3A_102 = arith.constant 0 : i32
      %dma_start3A_103 = tpu.memref_slice %arg2[%dma_start3A_101, %dma_start3A_102] : memref<100352x16xf32, #tpu.memory_space<hbm>> -> memref<100352x16xf32, #tpu.memory_space<hbm>>
      tpu.enqueue_indirect_dma source(%dma_start3A_103 : memref<100352x16xf32, #tpu.memory_space<hbm>>) target(%dma_start3A_97 : memref<128x16xf32, #tpu.memory_space<vmem>>) offsets(%dma_start3A_100 : memref<128xi32, #tpu.memory_space<vmem>>) semaphore(%arg11 : memref<!tpu.dma_semaphore, #tpu.memory_space<semaphore_mem>>)
      %dma_start3A_104 = arith.constant 7 : i32
      %dma_start3A_105 = arith.constant 7 : i32
      %dma_start3A_106 = arith.constant 0 : i32
      %dma_start3A_107 = arith.constant 0 : i32
      %dma_start3A_108 = tpu.memref_slice %arg10[%dma_start3A_105, %dma_start3A_106, %dma_start3A_107] : memref<8x128x16xf32, #tpu.memory_space<vmem>> -> memref<1x128x16xf32, #tpu.memory_space<vmem>>
      %dma_start3A_109 = tpu.memref_squeeze %dma_start3A_108 : memref<1x128x16xf32, #tpu.memory_space<vmem>> -> memref<128x16xf32, #tpu.memory_space<vmem>>
      %dma_start3A_110 = arith.constant 0 : i32
      %dma_start3A_111 = tpu.memref_slice %arg8[%dma_start3A_104, %dma_start3A_110] : memref<8x128xi32, #tpu.memory_space<vmem>> -> memref<1x128xi32, #tpu.memory_space<vmem>>
      %dma_start3A_112 = tpu.memref_squeeze %dma_start3A_111 : memref<1x128xi32, #tpu.memory_space<vmem>> -> memref<128xi32, #tpu.memory_space<vmem>>
      %dma_start3A_113 = arith.constant 0 : i32
      %dma_start3A_114 = arith.constant 0 : i32
      %dma_start3A_115 = tpu.memref_slice %arg2[%dma_start3A_113, %dma_start3A_114] : memref<100352x16xf32, #tpu.memory_space<hbm>> -> memref<100352x16xf32, #tpu.memory_space<hbm>>
      tpu.enqueue_indirect_dma source(%dma_start3A_115 : memref<100352x16xf32, #tpu.memory_space<hbm>>) target(%dma_start3A_109 : memref<128x16xf32, #tpu.memory_space<vmem>>) offsets(%dma_start3A_112 : memref<128xi32, #tpu.memory_space<vmem>>) semaphore(%arg11 : memref<!tpu.dma_semaphore, #tpu.memory_space<semaphore_mem>>)
      %dma_wait3A = arith.constant 0 : i32
      %dma_wait3A_116 = arith.constant 0 : i32
      %dma_wait3A_117 = arith.constant 0 : i32
      %dma_wait3A_118 = arith.constant 0 : i32
      %dma_wait3A_119 = tpu.memref_slice %arg10[%dma_wait3A_116, %dma_wait3A_117, %dma_wait3A_118] : memref<8x128x16xf32, #tpu.memory_space<vmem>> -> memref<1x128x16xf32, #tpu.memory_space<vmem>>
      %dma_wait3A_120 = tpu.memref_squeeze %dma_wait3A_119 : memref<1x128x16xf32, #tpu.memory_space<vmem>> -> memref<128x16xf32, #tpu.memory_space<vmem>>
      %dma_wait3A_121 = arith.constant 0 : i32
      %dma_wait3A_122 = tpu.memref_slice %arg8[%dma_wait3A, %dma_wait3A_121] : memref<8x128xi32, #tpu.memory_space<vmem>> -> memref<1x128xi32, #tpu.memory_space<vmem>>
      %dma_wait3A_123 = tpu.memref_squeeze %dma_wait3A_122 : memref<1x128xi32, #tpu.memory_space<vmem>> -> memref<128xi32, #tpu.memory_space<vmem>>
      %dma_wait3A_124 = arith.constant 0 : i32
      %dma_wait3A_125 = arith.constant 0 : i32
      %dma_wait3A_126 = tpu.memref_slice %arg2[%dma_wait3A_124, %dma_wait3A_125] : memref<100352x16xf32, #tpu.memory_space<hbm>> -> memref<100352x16xf32, #tpu.memory_space<hbm>>
      tpu.wait_indirect_dma semaphore(%arg11 : memref<!tpu.dma_semaphore, #tpu.memory_space<semaphore_mem>>) src(%dma_wait3A_126 : memref<100352x16xf32, #tpu.memory_space<hbm>>) dst(%dma_wait3A_120 : memref<128x16xf32, #tpu.memory_space<vmem>>)
      %dma_wait3A_127 = arith.constant 1 : i32
      %dma_wait3A_128 = arith.constant 1 : i32
      %dma_wait3A_129 = arith.constant 0 : i32
      %dma_wait3A_130 = arith.constant 0 : i32
      %dma_wait3A_131 = tpu.memref_slice %arg10[%dma_wait3A_128, %dma_wait3A_129, %dma_wait3A_130] : memref<8x128x16xf32, #tpu.memory_space<vmem>> -> memref<1x128x16xf32, #tpu.memory_space<vmem>>
      %dma_wait3A_132 = tpu.memref_squeeze %dma_wait3A_131 : memref<1x128x16xf32, #tpu.memory_space<vmem>> -> memref<128x16xf32, #tpu.memory_space<vmem>>
      %dma_wait3A_133 = arith.constant 0 : i32
      %dma_wait3A_134 = tpu.memref_slice %arg8[%dma_wait3A_127, %dma_wait3A_133] : memref<8x128xi32, #tpu.memory_space<vmem>> -> memref<1x128xi32, #tpu.memory_space<vmem>>
      %dma_wait3A_135 = tpu.memref_squeeze %dma_wait3A_134 : memref<1x128xi32, #tpu.memory_space<vmem>> -> memref<128xi32, #tpu.memory_space<vmem>>
      %dma_wait3A_136 = arith.constant 0 : i32
      %dma_wait3A_137 = arith.constant 0 : i32
      %dma_wait3A_138 = tpu.memref_slice %arg2[%dma_wait3A_136, %dma_wait3A_137] : memref<100352x16xf32, #tpu.memory_space<hbm>> -> memref<100352x16xf32, #tpu.memory_space<hbm>>
      tpu.wait_indirect_dma semaphore(%arg11 : memref<!tpu.dma_semaphore, #tpu.memory_space<semaphore_mem>>) src(%dma_wait3A_138 : memref<100352x16xf32, #tpu.memory_space<hbm>>) dst(%dma_wait3A_132 : memref<128x16xf32, #tpu.memory_space<vmem>>)
      %dma_wait3A_139 = arith.constant 2 : i32
      %dma_wait3A_140 = arith.constant 2 : i32
      %dma_wait3A_141 = arith.constant 0 : i32
      %dma_wait3A_142 = arith.constant 0 : i32
      %dma_wait3A_143 = tpu.memref_slice %arg10[%dma_wait3A_140, %dma_wait3A_141, %dma_wait3A_142] : memref<8x128x16xf32, #tpu.memory_space<vmem>> -> memref<1x128x16xf32, #tpu.memory_space<vmem>>
      %dma_wait3A_144 = tpu.memref_squeeze %dma_wait3A_143 : memref<1x128x16xf32, #tpu.memory_space<vmem>> -> memref<128x16xf32, #tpu.memory_space<vmem>>
      %dma_wait3A_145 = arith.constant 0 : i32
      %dma_wait3A_146 = tpu.memref_slice %arg8[%dma_wait3A_139, %dma_wait3A_145] : memref<8x128xi32, #tpu.memory_space<vmem>> -> memref<1x128xi32, #tpu.memory_space<vmem>>
      %dma_wait3A_147 = tpu.memref_squeeze %dma_wait3A_146 : memref<1x128xi32, #tpu.memory_space<vmem>> -> memref<128xi32, #tpu.memory_space<vmem>>
      %dma_wait3A_148 = arith.constant 0 : i32
      %dma_wait3A_149 = arith.constant 0 : i32
      %dma_wait3A_150 = tpu.memref_slice %arg2[%dma_wait3A_148, %dma_wait3A_149] : memref<100352x16xf32, #tpu.memory_space<hbm>> -> memref<100352x16xf32, #tpu.memory_space<hbm>>
      tpu.wait_indirect_dma semaphore(%arg11 : memref<!tpu.dma_semaphore, #tpu.memory_space<semaphore_mem>>) src(%dma_wait3A_150 : memref<100352x16xf32, #tpu.memory_space<hbm>>) dst(%dma_wait3A_144 : memref<128x16xf32, #tpu.memory_space<vmem>>)
      %dma_wait3A_151 = arith.constant 3 : i32
      %dma_wait3A_152 = arith.constant 3 : i32
      %dma_wait3A_153 = arith.constant 0 : i32
      %dma_wait3A_154 = arith.constant 0 : i32
      %dma_wait3A_155 = tpu.memref_slice %arg10[%dma_wait3A_152, %dma_wait3A_153, %dma_wait3A_154] : memref<8x128x16xf32, #tpu.memory_space<vmem>> -> memref<1x128x16xf32, #tpu.memory_space<vmem>>
      %dma_wait3A_156 = tpu.memref_squeeze %dma_wait3A_155 : memref<1x128x16xf32, #tpu.memory_space<vmem>> -> memref<128x16xf32, #tpu.memory_space<vmem>>
      %dma_wait3A_157 = arith.constant 0 : i32
      %dma_wait3A_158 = tpu.memref_slice %arg8[%dma_wait3A_151, %dma_wait3A_157] : memref<8x128xi32, #tpu.memory_space<vmem>> -> memref<1x128xi32, #tpu.memory_space<vmem>>
      %dma_wait3A_159 = tpu.memref_squeeze %dma_wait3A_158 : memref<1x128xi32, #tpu.memory_space<vmem>> -> memref<128xi32, #tpu.memory_space<vmem>>
      %dma_wait3A_160 = arith.constant 0 : i32
      %dma_wait3A_161 = arith.constant 0 : i32
      %dma_wait3A_162 = tpu.memref_slice %arg2[%dma_wait3A_160, %dma_wait3A_161] : memref<100352x16xf32, #tpu.memory_space<hbm>> -> memref<100352x16xf32, #tpu.memory_space<hbm>>
      tpu.wait_indirect_dma semaphore(%arg11 : memref<!tpu.dma_semaphore, #tpu.memory_space<semaphore_mem>>) src(%dma_wait3A_162 : memref<100352x16xf32, #tpu.memory_space<hbm>>) dst(%dma_wait3A_156 : memref<128x16xf32, #tpu.memory_space<vmem>>)
      %dma_wait3A_163 = arith.constant 4 : i32
      %dma_wait3A_164 = arith.constant 4 : i32
      %dma_wait3A_165 = arith.constant 0 : i32
      %dma_wait3A_166 = arith.constant 0 : i32
      %dma_wait3A_167 = tpu.memref_slice %arg10[%dma_wait3A_164, %dma_wait3A_165, %dma_wait3A_166] : memref<8x128x16xf32, #tpu.memory_space<vmem>> -> memref<1x128x16xf32, #tpu.memory_space<vmem>>
      %dma_wait3A_168 = tpu.memref_squeeze %dma_wait3A_167 : memref<1x128x16xf32, #tpu.memory_space<vmem>> -> memref<128x16xf32, #tpu.memory_space<vmem>>
      %dma_wait3A_169 = arith.constant 0 : i32
      %dma_wait3A_170 = tpu.memref_slice %arg8[%dma_wait3A_163, %dma_wait3A_169] : memref<8x128xi32, #tpu.memory_space<vmem>> -> memref<1x128xi32, #tpu.memory_space<vmem>>
      %dma_wait3A_171 = tpu.memref_squeeze %dma_wait3A_170 : memref<1x128xi32, #tpu.memory_space<vmem>> -> memref<128xi32, #tpu.memory_space<vmem>>
      %dma_wait3A_172 = arith.constant 0 : i32
      %dma_wait3A_173 = arith.constant 0 : i32
      %dma_wait3A_174 = tpu.memref_slice %arg2[%dma_wait3A_172, %dma_wait3A_173] : memref<100352x16xf32, #tpu.memory_space<hbm>> -> memref<100352x16xf32, #tpu.memory_space<hbm>>
      tpu.wait_indirect_dma semaphore(%arg11 : memref<!tpu.dma_semaphore, #tpu.memory_space<semaphore_mem>>) src(%dma_wait3A_174 : memref<100352x16xf32, #tpu.memory_space<hbm>>) dst(%dma_wait3A_168 : memref<128x16xf32, #tpu.memory_space<vmem>>)
      %dma_wait3A_175 = arith.constant 5 : i32
      %dma_wait3A_176 = arith.constant 5 : i32
      %dma_wait3A_177 = arith.constant 0 : i32
      %dma_wait3A_178 = arith.constant 0 : i32
      %dma_wait3A_179 = tpu.memref_slice %arg10[%dma_wait3A_176, %dma_wait3A_177, %dma_wait3A_178] : memref<8x128x16xf32, #tpu.memory_space<vmem>> -> memref<1x128x16xf32, #tpu.memory_space<vmem>>
      %dma_wait3A_180 = tpu.memref_squeeze %dma_wait3A_179 : memref<1x128x16xf32, #tpu.memory_space<vmem>> -> memref<128x16xf32, #tpu.memory_space<vmem>>
      %dma_wait3A_181 = arith.constant 0 : i32
      %dma_wait3A_182 = tpu.memref_slice %arg8[%dma_wait3A_175, %dma_wait3A_181] : memref<8x128xi32, #tpu.memory_space<vmem>> -> memref<1x128xi32, #tpu.memory_space<vmem>>
      %dma_wait3A_183 = tpu.memref_squeeze %dma_wait3A_182 : memref<1x128xi32, #tpu.memory_space<vmem>> -> memref<128xi32, #tpu.memory_space<vmem>>
      %dma_wait3A_184 = arith.constant 0 : i32
      %dma_wait3A_185 = arith.constant 0 : i32
      %dma_wait3A_186 = tpu.memref_slice %arg2[%dma_wait3A_184, %dma_wait3A_185] : memref<100352x16xf32, #tpu.memory_space<hbm>> -> memref<100352x16xf32, #tpu.memory_space<hbm>>
      tpu.wait_indirect_dma semaphore(%arg11 : memref<!tpu.dma_semaphore, #tpu.memory_space<semaphore_mem>>) src(%dma_wait3A_186 : memref<100352x16xf32, #tpu.memory_space<hbm>>) dst(%dma_wait3A_180 : memref<128x16xf32, #tpu.memory_space<vmem>>)
      %dma_wait3A_187 = arith.constant 6 : i32
      %dma_wait3A_188 = arith.constant 6 : i32
      %dma_wait3A_189 = arith.constant 0 : i32
      %dma_wait3A_190 = arith.constant 0 : i32
      %dma_wait3A_191 = tpu.memref_slice %arg10[%dma_wait3A_188, %dma_wait3A_189, %dma_wait3A_190] : memref<8x128x16xf32, #tpu.memory_space<vmem>> -> memref<1x128x16xf32, #tpu.memory_space<vmem>>
      %dma_wait3A_192 = tpu.memref_squeeze %dma_wait3A_191 : memref<1x128x16xf32, #tpu.memory_space<vmem>> -> memref<128x16xf32, #tpu.memory_space<vmem>>
      %dma_wait3A_193 = arith.constant 0 : i32
      %dma_wait3A_194 = tpu.memref_slice %arg8[%dma_wait3A_187, %dma_wait3A_193] : memref<8x128xi32, #tpu.memory_space<vmem>> -> memref<1x128xi32, #tpu.memory_space<vmem>>
      %dma_wait3A_195 = tpu.memref_squeeze %dma_wait3A_194 : memref<1x128xi32, #tpu.memory_space<vmem>> -> memref<128xi32, #tpu.memory_space<vmem>>
      %dma_wait3A_196 = arith.constant 0 : i32
      %dma_wait3A_197 = arith.constant 0 : i32
      %dma_wait3A_198 = tpu.memref_slice %arg2[%dma_wait3A_196, %dma_wait3A_197] : memref<100352x16xf32, #tpu.memory_space<hbm>> -> memref<100352x16xf32, #tpu.memory_space<hbm>>
      tpu.wait_indirect_dma semaphore(%arg11 : memref<!tpu.dma_semaphore, #tpu.memory_space<semaphore_mem>>) src(%dma_wait3A_198 : memref<100352x16xf32, #tpu.memory_space<hbm>>) dst(%dma_wait3A_192 : memref<128x16xf32, #tpu.memory_space<vmem>>)
      %dma_wait3A_199 = arith.constant 7 : i32
      %dma_wait3A_200 = arith.constant 7 : i32
      %dma_wait3A_201 = arith.constant 0 : i32
      %dma_wait3A_202 = arith.constant 0 : i32
      %dma_wait3A_203 = tpu.memref_slice %arg10[%dma_wait3A_200, %dma_wait3A_201, %dma_wait3A_202] : memref<8x128x16xf32, #tpu.memory_space<vmem>> -> memref<1x128x16xf32, #tpu.memory_space<vmem>>
      %dma_wait3A_204 = tpu.memref_squeeze %dma_wait3A_203 : memref<1x128x16xf32, #tpu.memory_space<vmem>> -> memref<128x16xf32, #tpu.memory_space<vmem>>
      %dma_wait3A_205 = arith.constant 0 : i32
      %dma_wait3A_206 = tpu.memref_slice %arg8[%dma_wait3A_199, %dma_wait3A_205] : memref<8x128xi32, #tpu.memory_space<vmem>> -> memref<1x128xi32, #tpu.memory_space<vmem>>
      %dma_wait3A_207 = tpu.memref_squeeze %dma_wait3A_206 : memref<1x128xi32, #tpu.memory_space<vmem>> -> memref<128xi32, #tpu.memory_space<vmem>>
      %dma_wait3A_208 = arith.constant 0 : i32
      %dma_wait3A_209 = arith.constant 0 : i32
      %dma_wait3A_210 = tpu.memref_slice %arg2[%dma_wait3A_208, %dma_wait3A_209] : memref<100352x16xf32, #tpu.memory_space<hbm>> -> memref<100352x16xf32, #tpu.memory_space<hbm>>
      tpu.wait_indirect_dma semaphore(%arg11 : memref<!tpu.dma_semaphore, #tpu.memory_space<semaphore_mem>>) src(%dma_wait3A_210 : memref<100352x16xf32, #tpu.memory_space<hbm>>) dst(%dma_wait3A_204 : memref<128x16xf32, #tpu.memory_space<vmem>>)
      %dma_start3A_211 = arith.constant 0 : i32
      %dma_start3A_212 = arith.constant 0 : i32
      %dma_start3A_213 = arith.constant 0 : i32
      %dma_start3A_214 = arith.constant 0 : i32
      %dma_start3A_215 = tpu.memref_slice %arg10[%dma_start3A_211, %dma_start3A_213, %dma_start3A_214] : memref<8x128x16xf32, #tpu.memory_space<vmem>> -> memref<1x128x16xf32, #tpu.memory_space<vmem>>
      %dma_start3A_216 = tpu.memref_squeeze %dma_start3A_215 : memref<1x128x16xf32, #tpu.memory_space<vmem>> -> memref<128x16xf32, #tpu.memory_space<vmem>>
      %dma_start3A_217 = arith.constant 0 : i32
      %dma_start3A_218 = tpu.memref_slice %arg9[%dma_start3A_212, %dma_start3A_217] : memref<8x128xi32, #tpu.memory_space<vmem>> -> memref<1x128xi32, #tpu.memory_space<vmem>>
      %dma_start3A_219 = tpu.memref_squeeze %dma_start3A_218 : memref<1x128xi32, #tpu.memory_space<vmem>> -> memref<128xi32, #tpu.memory_space<vmem>>
      %dma_start3A_220 = arith.constant 0 : i32
      %dma_start3A_221 = arith.constant 0 : i32
      %dma_start3A_222 = tpu.memref_slice %arg7[%dma_start3A_220, %dma_start3A_221] : memref<100352x16xf32, #tpu.memory_space<vmem_shared>> -> memref<100352x16xf32, #tpu.memory_space<vmem_shared>>
      tpu.enqueue_indirect_dma source(%dma_start3A_216 : memref<128x16xf32, #tpu.memory_space<vmem>>) target(%dma_start3A_222 : memref<100352x16xf32, #tpu.memory_space<vmem_shared>>) offsets(%dma_start3A_219 : memref<128xi32, #tpu.memory_space<vmem>>) semaphore(%arg12 : memref<!tpu.dma_semaphore, #tpu.memory_space<semaphore_mem>>) {add = true}
      %dma_start3A_223 = arith.constant 1 : i32
      %dma_start3A_224 = arith.constant 1 : i32
      %dma_start3A_225 = arith.constant 0 : i32
      %dma_start3A_226 = arith.constant 0 : i32
      %dma_start3A_227 = tpu.memref_slice %arg10[%dma_start3A_223, %dma_start3A_225, %dma_start3A_226] : memref<8x128x16xf32, #tpu.memory_space<vmem>> -> memref<1x128x16xf32, #tpu.memory_space<vmem>>
      %dma_start3A_228 = tpu.memref_squeeze %dma_start3A_227 : memref<1x128x16xf32, #tpu.memory_space<vmem>> -> memref<128x16xf32, #tpu.memory_space<vmem>>
      %dma_start3A_229 = arith.constant 0 : i32
      %dma_start3A_230 = tpu.memref_slice %arg9[%dma_start3A_224, %dma_start3A_229] : memref<8x128xi32, #tpu.memory_space<vmem>> -> memref<1x128xi32, #tpu.memory_space<vmem>>
      %dma_start3A_231 = tpu.memref_squeeze %dma_start3A_230 : memref<1x128xi32, #tpu.memory_space<vmem>> -> memref<128xi32, #tpu.memory_space<vmem>>
      %dma_start3A_232 = arith.constant 0 : i32
      %dma_start3A_233 = arith.constant 0 : i32
      %dma_start3A_234 = tpu.memref_slice %arg7[%dma_start3A_232, %dma_start3A_233] : memref<100352x16xf32, #tpu.memory_space<vmem_shared>> -> memref<100352x16xf32, #tpu.memory_space<vmem_shared>>
      tpu.enqueue_indirect_dma source(%dma_start3A_228 : memref<128x16xf32, #tpu.memory_space<vmem>>) target(%dma_start3A_234 : memref<100352x16xf32, #tpu.memory_space<vmem_shared>>) offsets(%dma_start3A_231 : memref<128xi32, #tpu.memory_space<vmem>>) semaphore(%arg12 : memref<!tpu.dma_semaphore, #tpu.memory_space<semaphore_mem>>) {add = true}
      %dma_start3A_235 = arith.constant 2 : i32
      %dma_start3A_236 = arith.constant 2 : i32
      %dma_start3A_237 = arith.constant 0 : i32
      %dma_start3A_238 = arith.constant 0 : i32
      %dma_start3A_239 = tpu.memref_slice %arg10[%dma_start3A_235, %dma_start3A_237, %dma_start3A_238] : memref<8x128x16xf32, #tpu.memory_space<vmem>> -> memref<1x128x16xf32, #tpu.memory_space<vmem>>
      %dma_start3A_240 = tpu.memref_squeeze %dma_start3A_239 : memref<1x128x16xf32, #tpu.memory_space<vmem>> -> memref<128x16xf32, #tpu.memory_space<vmem>>
      %dma_start3A_241 = arith.constant 0 : i32
      %dma_start3A_242 = tpu.memref_slice %arg9[%dma_start3A_236, %dma_start3A_241] : memref<8x128xi32, #tpu.memory_space<vmem>> -> memref<1x128xi32, #tpu.memory_space<vmem>>
      %dma_start3A_243 = tpu.memref_squeeze %dma_start3A_242 : memref<1x128xi32, #tpu.memory_space<vmem>> -> memref<128xi32, #tpu.memory_space<vmem>>
      %dma_start3A_244 = arith.constant 0 : i32
      %dma_start3A_245 = arith.constant 0 : i32
      %dma_start3A_246 = tpu.memref_slice %arg7[%dma_start3A_244, %dma_start3A_245] : memref<100352x16xf32, #tpu.memory_space<vmem_shared>> -> memref<100352x16xf32, #tpu.memory_space<vmem_shared>>
      tpu.enqueue_indirect_dma source(%dma_start3A_240 : memref<128x16xf32, #tpu.memory_space<vmem>>) target(%dma_start3A_246 : memref<100352x16xf32, #tpu.memory_space<vmem_shared>>) offsets(%dma_start3A_243 : memref<128xi32, #tpu.memory_space<vmem>>) semaphore(%arg12 : memref<!tpu.dma_semaphore, #tpu.memory_space<semaphore_mem>>) {add = true}
      %dma_start3A_247 = arith.constant 3 : i32
      %dma_start3A_248 = arith.constant 3 : i32
      %dma_start3A_249 = arith.constant 0 : i32
      %dma_start3A_250 = arith.constant 0 : i32
      %dma_start3A_251 = tpu.memref_slice %arg10[%dma_start3A_247, %dma_start3A_249, %dma_start3A_250] : memref<8x128x16xf32, #tpu.memory_space<vmem>> -> memref<1x128x16xf32, #tpu.memory_space<vmem>>
      %dma_start3A_252 = tpu.memref_squeeze %dma_start3A_251 : memref<1x128x16xf32, #tpu.memory_space<vmem>> -> memref<128x16xf32, #tpu.memory_space<vmem>>
      %dma_start3A_253 = arith.constant 0 : i32
      %dma_start3A_254 = tpu.memref_slice %arg9[%dma_start3A_248, %dma_start3A_253] : memref<8x128xi32, #tpu.memory_space<vmem>> -> memref<1x128xi32, #tpu.memory_space<vmem>>
      %dma_start3A_255 = tpu.memref_squeeze %dma_start3A_254 : memref<1x128xi32, #tpu.memory_space<vmem>> -> memref<128xi32, #tpu.memory_space<vmem>>
      %dma_start3A_256 = arith.constant 0 : i32
      %dma_start3A_257 = arith.constant 0 : i32
      %dma_start3A_258 = tpu.memref_slice %arg7[%dma_start3A_256, %dma_start3A_257] : memref<100352x16xf32, #tpu.memory_space<vmem_shared>> -> memref<100352x16xf32, #tpu.memory_space<vmem_shared>>
      tpu.enqueue_indirect_dma source(%dma_start3A_252 : memref<128x16xf32, #tpu.memory_space<vmem>>) target(%dma_start3A_258 : memref<100352x16xf32, #tpu.memory_space<vmem_shared>>) offsets(%dma_start3A_255 : memref<128xi32, #tpu.memory_space<vmem>>) semaphore(%arg12 : memref<!tpu.dma_semaphore, #tpu.memory_space<semaphore_mem>>) {add = true}
      %dma_start3A_259 = arith.constant 4 : i32
      %dma_start3A_260 = arith.constant 4 : i32
      %dma_start3A_261 = arith.constant 0 : i32
      %dma_start3A_262 = arith.constant 0 : i32
      %dma_start3A_263 = tpu.memref_slice %arg10[%dma_start3A_259, %dma_start3A_261, %dma_start3A_262] : memref<8x128x16xf32, #tpu.memory_space<vmem>> -> memref<1x128x16xf32, #tpu.memory_space<vmem>>
      %dma_start3A_264 = tpu.memref_squeeze %dma_start3A_263 : memref<1x128x16xf32, #tpu.memory_space<vmem>> -> memref<128x16xf32, #tpu.memory_space<vmem>>
      %dma_start3A_265 = arith.constant 0 : i32
      %dma_start3A_266 = tpu.memref_slice %arg9[%dma_start3A_260, %dma_start3A_265] : memref<8x128xi32, #tpu.memory_space<vmem>> -> memref<1x128xi32, #tpu.memory_space<vmem>>
      %dma_start3A_267 = tpu.memref_squeeze %dma_start3A_266 : memref<1x128xi32, #tpu.memory_space<vmem>> -> memref<128xi32, #tpu.memory_space<vmem>>
      %dma_start3A_268 = arith.constant 0 : i32
      %dma_start3A_269 = arith.constant 0 : i32
      %dma_start3A_270 = tpu.memref_slice %arg7[%dma_start3A_268, %dma_start3A_269] : memref<100352x16xf32, #tpu.memory_space<vmem_shared>> -> memref<100352x16xf32, #tpu.memory_space<vmem_shared>>
      tpu.enqueue_indirect_dma source(%dma_start3A_264 : memref<128x16xf32, #tpu.memory_space<vmem>>) target(%dma_start3A_270 : memref<100352x16xf32, #tpu.memory_space<vmem_shared>>) offsets(%dma_start3A_267 : memref<128xi32, #tpu.memory_space<vmem>>) semaphore(%arg12 : memref<!tpu.dma_semaphore, #tpu.memory_space<semaphore_mem>>) {add = true}
      %dma_start3A_271 = arith.constant 5 : i32
      %dma_start3A_272 = arith.constant 5 : i32
      %dma_start3A_273 = arith.constant 0 : i32
      %dma_start3A_274 = arith.constant 0 : i32
      %dma_start3A_275 = tpu.memref_slice %arg10[%dma_start3A_271, %dma_start3A_273, %dma_start3A_274] : memref<8x128x16xf32, #tpu.memory_space<vmem>> -> memref<1x128x16xf32, #tpu.memory_space<vmem>>
      %dma_start3A_276 = tpu.memref_squeeze %dma_start3A_275 : memref<1x128x16xf32, #tpu.memory_space<vmem>> -> memref<128x16xf32, #tpu.memory_space<vmem>>
      %dma_start3A_277 = arith.constant 0 : i32
      %dma_start3A_278 = tpu.memref_slice %arg9[%dma_start3A_272, %dma_start3A_277] : memref<8x128xi32, #tpu.memory_space<vmem>> -> memref<1x128xi32, #tpu.memory_space<vmem>>
      %dma_start3A_279 = tpu.memref_squeeze %dma_start3A_278 : memref<1x128xi32, #tpu.memory_space<vmem>> -> memref<128xi32, #tpu.memory_space<vmem>>
      %dma_start3A_280 = arith.constant 0 : i32
      %dma_start3A_281 = arith.constant 0 : i32
      %dma_start3A_282 = tpu.memref_slice %arg7[%dma_start3A_280, %dma_start3A_281] : memref<100352x16xf32, #tpu.memory_space<vmem_shared>> -> memref<100352x16xf32, #tpu.memory_space<vmem_shared>>
      tpu.enqueue_indirect_dma source(%dma_start3A_276 : memref<128x16xf32, #tpu.memory_space<vmem>>) target(%dma_start3A_282 : memref<100352x16xf32, #tpu.memory_space<vmem_shared>>) offsets(%dma_start3A_279 : memref<128xi32, #tpu.memory_space<vmem>>) semaphore(%arg12 : memref<!tpu.dma_semaphore, #tpu.memory_space<semaphore_mem>>) {add = true}
      %dma_start3A_283 = arith.constant 6 : i32
      %dma_start3A_284 = arith.constant 6 : i32
      %dma_start3A_285 = arith.constant 0 : i32
      %dma_start3A_286 = arith.constant 0 : i32
      %dma_start3A_287 = tpu.memref_slice %arg10[%dma_start3A_283, %dma_start3A_285, %dma_start3A_286] : memref<8x128x16xf32, #tpu.memory_space<vmem>> -> memref<1x128x16xf32, #tpu.memory_space<vmem>>
      %dma_start3A_288 = tpu.memref_squeeze %dma_start3A_287 : memref<1x128x16xf32, #tpu.memory_space<vmem>> -> memref<128x16xf32, #tpu.memory_space<vmem>>
      %dma_start3A_289 = arith.constant 0 : i32
      %dma_start3A_290 = tpu.memref_slice %arg9[%dma_start3A_284, %dma_start3A_289] : memref<8x128xi32, #tpu.memory_space<vmem>> -> memref<1x128xi32, #tpu.memory_space<vmem>>
      %dma_start3A_291 = tpu.memref_squeeze %dma_start3A_290 : memref<1x128xi32, #tpu.memory_space<vmem>> -> memref<128xi32, #tpu.memory_space<vmem>>
      %dma_start3A_292 = arith.constant 0 : i32
      %dma_start3A_293 = arith.constant 0 : i32
      %dma_start3A_294 = tpu.memref_slice %arg7[%dma_start3A_292, %dma_start3A_293] : memref<100352x16xf32, #tpu.memory_space<vmem_shared>> -> memref<100352x16xf32, #tpu.memory_space<vmem_shared>>
      tpu.enqueue_indirect_dma source(%dma_start3A_288 : memref<128x16xf32, #tpu.memory_space<vmem>>) target(%dma_start3A_294 : memref<100352x16xf32, #tpu.memory_space<vmem_shared>>) offsets(%dma_start3A_291 : memref<128xi32, #tpu.memory_space<vmem>>) semaphore(%arg12 : memref<!tpu.dma_semaphore, #tpu.memory_space<semaphore_mem>>) {add = true}
      %dma_start3A_295 = arith.constant 7 : i32
      %dma_start3A_296 = arith.constant 7 : i32
      %dma_start3A_297 = arith.constant 0 : i32
      %dma_start3A_298 = arith.constant 0 : i32
      %dma_start3A_299 = tpu.memref_slice %arg10[%dma_start3A_295, %dma_start3A_297, %dma_start3A_298] : memref<8x128x16xf32, #tpu.memory_space<vmem>> -> memref<1x128x16xf32, #tpu.memory_space<vmem>>
      %dma_start3A_300 = tpu.memref_squeeze %dma_start3A_299 : memref<1x128x16xf32, #tpu.memory_space<vmem>> -> memref<128x16xf32, #tpu.memory_space<vmem>>
      %dma_start3A_301 = arith.constant 0 : i32
      %dma_start3A_302 = tpu.memref_slice %arg9[%dma_start3A_296, %dma_start3A_301] : memref<8x128xi32, #tpu.memory_space<vmem>> -> memref<1x128xi32, #tpu.memory_space<vmem>>
      %dma_start3A_303 = tpu.memref_squeeze %dma_start3A_302 : memref<1x128xi32, #tpu.memory_space<vmem>> -> memref<128xi32, #tpu.memory_space<vmem>>
      %dma_start3A_304 = arith.constant 0 : i32
      %dma_start3A_305 = arith.constant 0 : i32
      %dma_start3A_306 = tpu.memref_slice %arg7[%dma_start3A_304, %dma_start3A_305] : memref<100352x16xf32, #tpu.memory_space<vmem_shared>> -> memref<100352x16xf32, #tpu.memory_space<vmem_shared>>
      tpu.enqueue_indirect_dma source(%dma_start3A_300 : memref<128x16xf32, #tpu.memory_space<vmem>>) target(%dma_start3A_306 : memref<100352x16xf32, #tpu.memory_space<vmem_shared>>) offsets(%dma_start3A_303 : memref<128xi32, #tpu.memory_space<vmem>>) semaphore(%arg12 : memref<!tpu.dma_semaphore, #tpu.memory_space<semaphore_mem>>) {add = true}
      %dma_wait3A_307 = arith.constant 0 : i32
      %dma_wait3A_308 = arith.constant 0 : i32
      %dma_wait3A_309 = arith.constant 0 : i32
      %dma_wait3A_310 = arith.constant 0 : i32
      %dma_wait3A_311 = tpu.memref_slice %arg10[%dma_wait3A_307, %dma_wait3A_309, %dma_wait3A_310] : memref<8x128x16xf32, #tpu.memory_space<vmem>> -> memref<1x128x16xf32, #tpu.memory_space<vmem>>
      %dma_wait3A_312 = tpu.memref_squeeze %dma_wait3A_311 : memref<1x128x16xf32, #tpu.memory_space<vmem>> -> memref<128x16xf32, #tpu.memory_space<vmem>>
      %dma_wait3A_313 = arith.constant 0 : i32
      %dma_wait3A_314 = tpu.memref_slice %arg9[%dma_wait3A_308, %dma_wait3A_313] : memref<8x128xi32, #tpu.memory_space<vmem>> -> memref<1x128xi32, #tpu.memory_space<vmem>>
      %dma_wait3A_315 = tpu.memref_squeeze %dma_wait3A_314 : memref<1x128xi32, #tpu.memory_space<vmem>> -> memref<128xi32, #tpu.memory_space<vmem>>
      %dma_wait3A_316 = arith.constant 0 : i32
      %dma_wait3A_317 = arith.constant 0 : i32
      %dma_wait3A_318 = tpu.memref_slice %arg7[%dma_wait3A_316, %dma_wait3A_317] : memref<100352x16xf32, #tpu.memory_space<vmem_shared>> -> memref<100352x16xf32, #tpu.memory_space<vmem_shared>>
      tpu.wait_indirect_dma semaphore(%arg12 : memref<!tpu.dma_semaphore, #tpu.memory_space<semaphore_mem>>) src(%dma_wait3A_312 : memref<128x16xf32, #tpu.memory_space<vmem>>) dst(%dma_wait3A_318 : memref<100352x16xf32, #tpu.memory_space<vmem_shared>>)
      %dma_wait3A_319 = arith.constant 1 : i32
      %dma_wait3A_320 = arith.constant 1 : i32
      %dma_wait3A_321 = arith.constant 0 : i32
      %dma_wait3A_322 = arith.constant 0 : i32
      %dma_wait3A_323 = tpu.memref_slice %arg10[%dma_wait3A_319, %dma_wait3A_321, %dma_wait3A_322] : memref<8x128x16xf32, #tpu.memory_space<vmem>> -> memref<1x128x16xf32, #tpu.memory_space<vmem>>
      %dma_wait3A_324 = tpu.memref_squeeze %dma_wait3A_323 : memref<1x128x16xf32, #tpu.memory_space<vmem>> -> memref<128x16xf32, #tpu.memory_space<vmem>>
      %dma_wait3A_325 = arith.constant 0 : i32
      %dma_wait3A_326 = tpu.memref_slice %arg9[%dma_wait3A_320, %dma_wait3A_325] : memref<8x128xi32, #tpu.memory_space<vmem>> -> memref<1x128xi32, #tpu.memory_space<vmem>>
      %dma_wait3A_327 = tpu.memref_squeeze %dma_wait3A_326 : memref<1x128xi32, #tpu.memory_space<vmem>> -> memref<128xi32, #tpu.memory_space<vmem>>
      %dma_wait3A_328 = arith.constant 0 : i32
      %dma_wait3A_329 = arith.constant 0 : i32
      %dma_wait3A_330 = tpu.memref_slice %arg7[%dma_wait3A_328, %dma_wait3A_329] : memref<100352x16xf32, #tpu.memory_space<vmem_shared>> -> memref<100352x16xf32, #tpu.memory_space<vmem_shared>>
      tpu.wait_indirect_dma semaphore(%arg12 : memref<!tpu.dma_semaphore, #tpu.memory_space<semaphore_mem>>) src(%dma_wait3A_324 : memref<128x16xf32, #tpu.memory_space<vmem>>) dst(%dma_wait3A_330 : memref<100352x16xf32, #tpu.memory_space<vmem_shared>>)
      %dma_wait3A_331 = arith.constant 2 : i32
      %dma_wait3A_332 = arith.constant 2 : i32
      %dma_wait3A_333 = arith.constant 0 : i32
      %dma_wait3A_334 = arith.constant 0 : i32
      %dma_wait3A_335 = tpu.memref_slice %arg10[%dma_wait3A_331, %dma_wait3A_333, %dma_wait3A_334] : memref<8x128x16xf32, #tpu.memory_space<vmem>> -> memref<1x128x16xf32, #tpu.memory_space<vmem>>
      %dma_wait3A_336 = tpu.memref_squeeze %dma_wait3A_335 : memref<1x128x16xf32, #tpu.memory_space<vmem>> -> memref<128x16xf32, #tpu.memory_space<vmem>>
      %dma_wait3A_337 = arith.constant 0 : i32
      %dma_wait3A_338 = tpu.memref_slice %arg9[%dma_wait3A_332, %dma_wait3A_337] : memref<8x128xi32, #tpu.memory_space<vmem>> -> memref<1x128xi32, #tpu.memory_space<vmem>>
      %dma_wait3A_339 = tpu.memref_squeeze %dma_wait3A_338 : memref<1x128xi32, #tpu.memory_space<vmem>> -> memref<128xi32, #tpu.memory_space<vmem>>
      %dma_wait3A_340 = arith.constant 0 : i32
      %dma_wait3A_341 = arith.constant 0 : i32
      %dma_wait3A_342 = tpu.memref_slice %arg7[%dma_wait3A_340, %dma_wait3A_341] : memref<100352x16xf32, #tpu.memory_space<vmem_shared>> -> memref<100352x16xf32, #tpu.memory_space<vmem_shared>>
      tpu.wait_indirect_dma semaphore(%arg12 : memref<!tpu.dma_semaphore, #tpu.memory_space<semaphore_mem>>) src(%dma_wait3A_336 : memref<128x16xf32, #tpu.memory_space<vmem>>) dst(%dma_wait3A_342 : memref<100352x16xf32, #tpu.memory_space<vmem_shared>>)
      %dma_wait3A_343 = arith.constant 3 : i32
      %dma_wait3A_344 = arith.constant 3 : i32
      %dma_wait3A_345 = arith.constant 0 : i32
      %dma_wait3A_346 = arith.constant 0 : i32
      %dma_wait3A_347 = tpu.memref_slice %arg10[%dma_wait3A_343, %dma_wait3A_345, %dma_wait3A_346] : memref<8x128x16xf32, #tpu.memory_space<vmem>> -> memref<1x128x16xf32, #tpu.memory_space<vmem>>
      %dma_wait3A_348 = tpu.memref_squeeze %dma_wait3A_347 : memref<1x128x16xf32, #tpu.memory_space<vmem>> -> memref<128x16xf32, #tpu.memory_space<vmem>>
      %dma_wait3A_349 = arith.constant 0 : i32
      %dma_wait3A_350 = tpu.memref_slice %arg9[%dma_wait3A_344, %dma_wait3A_349] : memref<8x128xi32, #tpu.memory_space<vmem>> -> memref<1x128xi32, #tpu.memory_space<vmem>>
      %dma_wait3A_351 = tpu.memref_squeeze %dma_wait3A_350 : memref<1x128xi32, #tpu.memory_space<vmem>> -> memref<128xi32, #tpu.memory_space<vmem>>
      %dma_wait3A_352 = arith.constant 0 : i32
      %dma_wait3A_353 = arith.constant 0 : i32
      %dma_wait3A_354 = tpu.memref_slice %arg7[%dma_wait3A_352, %dma_wait3A_353] : memref<100352x16xf32, #tpu.memory_space<vmem_shared>> -> memref<100352x16xf32, #tpu.memory_space<vmem_shared>>
      tpu.wait_indirect_dma semaphore(%arg12 : memref<!tpu.dma_semaphore, #tpu.memory_space<semaphore_mem>>) src(%dma_wait3A_348 : memref<128x16xf32, #tpu.memory_space<vmem>>) dst(%dma_wait3A_354 : memref<100352x16xf32, #tpu.memory_space<vmem_shared>>)
      %dma_wait3A_355 = arith.constant 4 : i32
      %dma_wait3A_356 = arith.constant 4 : i32
      %dma_wait3A_357 = arith.constant 0 : i32
      %dma_wait3A_358 = arith.constant 0 : i32
      %dma_wait3A_359 = tpu.memref_slice %arg10[%dma_wait3A_355, %dma_wait3A_357, %dma_wait3A_358] : memref<8x128x16xf32, #tpu.memory_space<vmem>> -> memref<1x128x16xf32, #tpu.memory_space<vmem>>
      %dma_wait3A_360 = tpu.memref_squeeze %dma_wait3A_359 : memref<1x128x16xf32, #tpu.memory_space<vmem>> -> memref<128x16xf32, #tpu.memory_space<vmem>>
      %dma_wait3A_361 = arith.constant 0 : i32
      %dma_wait3A_362 = tpu.memref_slice %arg9[%dma_wait3A_356, %dma_wait3A_361] : memref<8x128xi32, #tpu.memory_space<vmem>> -> memref<1x128xi32, #tpu.memory_space<vmem>>
      %dma_wait3A_363 = tpu.memref_squeeze %dma_wait3A_362 : memref<1x128xi32, #tpu.memory_space<vmem>> -> memref<128xi32, #tpu.memory_space<vmem>>
      %dma_wait3A_364 = arith.constant 0 : i32
      %dma_wait3A_365 = arith.constant 0 : i32
      %dma_wait3A_366 = tpu.memref_slice %arg7[%dma_wait3A_364, %dma_wait3A_365] : memref<100352x16xf32, #tpu.memory_space<vmem_shared>> -> memref<100352x16xf32, #tpu.memory_space<vmem_shared>>
      tpu.wait_indirect_dma semaphore(%arg12 : memref<!tpu.dma_semaphore, #tpu.memory_space<semaphore_mem>>) src(%dma_wait3A_360 : memref<128x16xf32, #tpu.memory_space<vmem>>) dst(%dma_wait3A_366 : memref<100352x16xf32, #tpu.memory_space<vmem_shared>>)
      %dma_wait3A_367 = arith.constant 5 : i32
      %dma_wait3A_368 = arith.constant 5 : i32
      %dma_wait3A_369 = arith.constant 0 : i32
      %dma_wait3A_370 = arith.constant 0 : i32
      %dma_wait3A_371 = tpu.memref_slice %arg10[%dma_wait3A_367, %dma_wait3A_369, %dma_wait3A_370] : memref<8x128x16xf32, #tpu.memory_space<vmem>> -> memref<1x128x16xf32, #tpu.memory_space<vmem>>
      %dma_wait3A_372 = tpu.memref_squeeze %dma_wait3A_371 : memref<1x128x16xf32, #tpu.memory_space<vmem>> -> memref<128x16xf32, #tpu.memory_space<vmem>>
      %dma_wait3A_373 = arith.constant 0 : i32
      %dma_wait3A_374 = tpu.memref_slice %arg9[%dma_wait3A_368, %dma_wait3A_373] : memref<8x128xi32, #tpu.memory_space<vmem>> -> memref<1x128xi32, #tpu.memory_space<vmem>>
      %dma_wait3A_375 = tpu.memref_squeeze %dma_wait3A_374 : memref<1x128xi32, #tpu.memory_space<vmem>> -> memref<128xi32, #tpu.memory_space<vmem>>
      %dma_wait3A_376 = arith.constant 0 : i32
      %dma_wait3A_377 = arith.constant 0 : i32
      %dma_wait3A_378 = tpu.memref_slice %arg7[%dma_wait3A_376, %dma_wait3A_377] : memref<100352x16xf32, #tpu.memory_space<vmem_shared>> -> memref<100352x16xf32, #tpu.memory_space<vmem_shared>>
      tpu.wait_indirect_dma semaphore(%arg12 : memref<!tpu.dma_semaphore, #tpu.memory_space<semaphore_mem>>) src(%dma_wait3A_372 : memref<128x16xf32, #tpu.memory_space<vmem>>) dst(%dma_wait3A_378 : memref<100352x16xf32, #tpu.memory_space<vmem_shared>>)
      %dma_wait3A_379 = arith.constant 6 : i32
      %dma_wait3A_380 = arith.constant 6 : i32
      %dma_wait3A_381 = arith.constant 0 : i32
      %dma_wait3A_382 = arith.constant 0 : i32
      %dma_wait3A_383 = tpu.memref_slice %arg10[%dma_wait3A_379, %dma_wait3A_381, %dma_wait3A_382] : memref<8x128x16xf32, #tpu.memory_space<vmem>> -> memref<1x128x16xf32, #tpu.memory_space<vmem>>
      %dma_wait3A_384 = tpu.memref_squeeze %dma_wait3A_383 : memref<1x128x16xf32, #tpu.memory_space<vmem>> -> memref<128x16xf32, #tpu.memory_space<vmem>>
      %dma_wait3A_385 = arith.constant 0 : i32
      %dma_wait3A_386 = tpu.memref_slice %arg9[%dma_wait3A_380, %dma_wait3A_385] : memref<8x128xi32, #tpu.memory_space<vmem>> -> memref<1x128xi32, #tpu.memory_space<vmem>>
      %dma_wait3A_387 = tpu.memref_squeeze %dma_wait3A_386 : memref<1x128xi32, #tpu.memory_space<vmem>> -> memref<128xi32, #tpu.memory_space<vmem>>
      %dma_wait3A_388 = arith.constant 0 : i32
      %dma_wait3A_389 = arith.constant 0 : i32
      %dma_wait3A_390 = tpu.memref_slice %arg7[%dma_wait3A_388, %dma_wait3A_389] : memref<100352x16xf32, #tpu.memory_space<vmem_shared>> -> memref<100352x16xf32, #tpu.memory_space<vmem_shared>>
      tpu.wait_indirect_dma semaphore(%arg12 : memref<!tpu.dma_semaphore, #tpu.memory_space<semaphore_mem>>) src(%dma_wait3A_384 : memref<128x16xf32, #tpu.memory_space<vmem>>) dst(%dma_wait3A_390 : memref<100352x16xf32, #tpu.memory_space<vmem_shared>>)
      %dma_wait3A_391 = arith.constant 7 : i32
      %dma_wait3A_392 = arith.constant 7 : i32
      %dma_wait3A_393 = arith.constant 0 : i32
      %dma_wait3A_394 = arith.constant 0 : i32
      %dma_wait3A_395 = tpu.memref_slice %arg10[%dma_wait3A_391, %dma_wait3A_393, %dma_wait3A_394] : memref<8x128x16xf32, #tpu.memory_space<vmem>> -> memref<1x128x16xf32, #tpu.memory_space<vmem>>
      %dma_wait3A_396 = tpu.memref_squeeze %dma_wait3A_395 : memref<1x128x16xf32, #tpu.memory_space<vmem>> -> memref<128x16xf32, #tpu.memory_space<vmem>>
      %dma_wait3A_397 = arith.constant 0 : i32
      %dma_wait3A_398 = tpu.memref_slice %arg9[%dma_wait3A_392, %dma_wait3A_397] : memref<8x128xi32, #tpu.memory_space<vmem>> -> memref<1x128xi32, #tpu.memory_space<vmem>>
      %dma_wait3A_399 = tpu.memref_squeeze %dma_wait3A_398 : memref<1x128xi32, #tpu.memory_space<vmem>> -> memref<128xi32, #tpu.memory_space<vmem>>
      %dma_wait3A_400 = arith.constant 0 : i32
      %dma_wait3A_401 = arith.constant 0 : i32
      %dma_wait3A_402 = tpu.memref_slice %arg7[%dma_wait3A_400, %dma_wait3A_401] : memref<100352x16xf32, #tpu.memory_space<vmem_shared>> -> memref<100352x16xf32, #tpu.memory_space<vmem_shared>>
      tpu.wait_indirect_dma semaphore(%arg12 : memref<!tpu.dma_semaphore, #tpu.memory_space<semaphore_mem>>) src(%dma_wait3A_396 : memref<128x16xf32, #tpu.memory_space<vmem>>) dst(%dma_wait3A_402 : memref<100352x16xf32, #tpu.memory_space<vmem_shared>>)
    }
    %scan3A_9 = arith.constant 49 : i32
    %barrier3A_10 = arith.constant 0 : index
    tpu.barrier barrier_id(%barrier3A_10)
    %mul3A_11 = arith.constant 6272 : i32
    %mul3A_12 = arith.muli %arg1, %mul3A_11 : i32
    %mul3A_13 = arith.constant 6272 : i32
    %mul3A_14 = arith.muli %arg1, %mul3A_13 : i32
    "tpu.region"() ({
      %run_scoped3A = tpu.sem_alloc : memref<!tpu.dma_semaphore, #tpu.memory_space<semaphore_mem>>
      %dma_start3A = arith.constant 0 : i32
      %dma_start3A_15 = tpu.memref_slice %arg6[%arg0, %mul3A_14, %dma_start3A] : memref<2x100352x16xf32, #tpu.memory_space<hbm>> -> memref<1x6272x16xf32, #tpu.memory_space<hbm>>
      %dma_start3A_16 = tpu.memref_squeeze %dma_start3A_15 : memref<1x6272x16xf32, #tpu.memory_space<hbm>> -> memref<6272x16xf32, #tpu.memory_space<hbm>>
      %dma_start3A_17 = arith.constant 0 : i32
      %dma_start3A_18 = tpu.memref_slice %arg7[%mul3A_12, %dma_start3A_17] : memref<100352x16xf32, #tpu.memory_space<vmem_shared>> -> memref<6272x16xf32, #tpu.memory_space<vmem_shared>>
      tpu.enqueue_dma source(%dma_start3A_18 : memref<6272x16xf32, #tpu.memory_space<vmem_shared>>) target(%dma_start3A_16 : memref<6272x16xf32, #tpu.memory_space<hbm>>) target_semaphore(%run_scoped3A : memref<!tpu.dma_semaphore, #tpu.memory_space<semaphore_mem>>)
      %dma_wait3A = arith.constant 0 : i32
      %dma_wait3A_19 = tpu.memref_slice %arg6[%arg0, %mul3A_14, %dma_wait3A] : memref<2x100352x16xf32, #tpu.memory_space<hbm>> -> memref<1x6272x16xf32, #tpu.memory_space<hbm>>
      %dma_wait3A_20 = tpu.memref_squeeze %dma_wait3A_19 : memref<1x6272x16xf32, #tpu.memory_space<hbm>> -> memref<6272x16xf32, #tpu.memory_space<hbm>>
      %dma_wait3A_21 = arith.constant 0 : i32
      %dma_wait3A_22 = tpu.memref_slice %arg7[%mul3A_12, %dma_wait3A_21] : memref<100352x16xf32, #tpu.memory_space<vmem_shared>> -> memref<6272x16xf32, #tpu.memory_space<vmem_shared>>
      tpu.wait_dma2 semaphore(%run_scoped3A : memref<!tpu.dma_semaphore, #tpu.memory_space<semaphore_mem>>) src(%dma_wait3A_22 : memref<6272x16xf32, #tpu.memory_space<vmem_shared>>) dst(%dma_wait3A_20 : memref<6272x16xf32, #tpu.memory_space<hbm>>)
      tpu.yield
    }) : () -> ()
    return
  }
}

#map = affine_map<(d0, d1) -> (0, 0)>
#map1 = affine_map<(d0, d1) -> (0, 0, 0)>
module attributes {stable_mosaic.version = 14 : i64} {
  func.func @_agg(%arg0: i32, %arg1: i32, %arg2: memref<100352x16xf32, #tpu.memory_space<hbm>>, %arg3: memref<12544x128xi32, #tpu.memory_space<hbm>>, %arg4: memref<12544x128xi32, #tpu.memory_space<hbm>>, %arg5: memref<100352x16xf32, #tpu.memory_space<hbm>>, %arg6: memref<2x100352x16xf32, #tpu.memory_space<hbm>>, %arg7: memref<100352x16xf32, #tpu.memory_space<vmem_shared>>, %arg8: memref<8x128xi32, #tpu.memory_space<vmem>>, %arg9: memref<8x128xi32, #tpu.memory_space<vmem>>, %arg10: memref<8x128x16xf32, #tpu.memory_space<vmem>>, %arg11: memref<!tpu.dma_semaphore, #tpu.memory_space<semaphore_mem>>, %arg12: memref<!tpu.dma_semaphore, #tpu.memory_space<semaphore_mem>>) attributes {dimension_semantics = [#tpu.dimension_semantics<core_parallel>, #tpu.dimension_semantics<subcore_parallel>], iteration_bounds = array<i64: 2, 16>, scalar_prefetch = 0 : i64, scratch_operands = 6 : i64, tpu.core_type = #tpu.core_type<sc_vector_subcore>, window_params = [{transform_indices = #map}, {transform_indices = #map}, {transform_indices = #map}, {transform_indices = #map}, {transform_indices = #map1}]} {
    %mul3A = arith.constant 2 : i32
    %mul3A_0 = arith.muli %arg1, %mul3A : i32
    %add3A = arith.addi %mul3A_0, %arg0 : i32
    %mul3A_1 = arith.constant 6272 : i32
    %mul3A_2 = arith.muli %arg1, %mul3A_1 : i32
    %mul3A_3 = arith.constant 6272 : i32
    %mul3A_4 = arith.muli %arg1, %mul3A_3 : i32
    "tpu.region"() ({
      %run_scoped3A = tpu.sem_alloc : memref<!tpu.dma_semaphore, #tpu.memory_space<semaphore_mem>>
      %dma_start3A = arith.constant 0 : i32
      %dma_start3A_15 = tpu.memref_slice %arg7[%mul3A_4, %dma_start3A] : memref<100352x16xf32, #tpu.memory_space<vmem_shared>> -> memref<6272x16xf32, #tpu.memory_space<vmem_shared>>
      %dma_start3A_16 = arith.constant 0 : i32
      %dma_start3A_17 = tpu.memref_slice %arg5[%mul3A_2, %dma_start3A_16] : memref<100352x16xf32, #tpu.memory_space<hbm>> -> memref<6272x16xf32, #tpu.memory_space<hbm>>
      tpu.enqueue_dma source(%dma_start3A_17 : memref<6272x16xf32, #tpu.memory_space<hbm>>) target(%dma_start3A_15 : memref<6272x16xf32, #tpu.memory_space<vmem_shared>>) target_semaphore(%run_scoped3A : memref<!tpu.dma_semaphore, #tpu.memory_space<semaphore_mem>>)
      %dma_wait3A = arith.constant 0 : i32
      %dma_wait3A_18 = tpu.memref_slice %arg7[%mul3A_4, %dma_wait3A] : memref<100352x16xf32, #tpu.memory_space<vmem_shared>> -> memref<6272x16xf32, #tpu.memory_space<vmem_shared>>
      %dma_wait3A_19 = arith.constant 0 : i32
      %dma_wait3A_20 = tpu.memref_slice %arg5[%mul3A_2, %dma_wait3A_19] : memref<100352x16xf32, #tpu.memory_space<hbm>> -> memref<6272x16xf32, #tpu.memory_space<hbm>>
      tpu.wait_dma2 semaphore(%run_scoped3A : memref<!tpu.dma_semaphore, #tpu.memory_space<semaphore_mem>>) src(%dma_wait3A_20 : memref<6272x16xf32, #tpu.memory_space<hbm>>) dst(%dma_wait3A_18 : memref<6272x16xf32, #tpu.memory_space<vmem_shared>>)
      tpu.yield
    }) : () -> ()
    %barrier3A = arith.constant 0 : index
    tpu.barrier barrier_id(%barrier3A)
    %scan3A = arith.constant 0 : i32
    %scan3A_5 = arith.constant 0 : i32
    %scan3A_6 = arith.constant 49 : i32
    %scan3A_7 = arith.addi %scan3A_5, %scan3A_6 : i32
    %scan3A_8 = arith.constant 1 : i32
    scf.for %scan3A_15 = %scan3A_5 to %scan3A_7 step %scan3A_8  : i32 {
      %mul3A_16 = arith.constant 392 : i32
      %mul3A_17 = arith.muli %add3A, %mul3A_16 : i32
      %mul3A_18 = arith.constant 8 : i32
      %mul3A_19 = arith.muli %scan3A_15, %mul3A_18 : i32
      %add3A_20 = arith.addi %mul3A_17, %mul3A_19 : i32
      "tpu.region"() ({
        %run_scoped3A = tpu.sem_alloc : memref<!tpu.dma_semaphore, #tpu.memory_space<semaphore_mem>>
        %dma_start3A_403 = arith.constant 0 : i32
        %dma_start3A_404 = tpu.memref_slice %arg3[%add3A_20, %dma_start3A_403] : memref<12544x128xi32, #tpu.memory_space<hbm>> -> memref<8x128xi32, #tpu.memory_space<hbm>>
        %dma_start3A_405 = arith.constant 0 : i32
        %dma_start3A_406 = tpu.memref_slice %arg3[%add3A_20, %dma_start3A_405] : memref<12544x128xi32, #tpu.memory_space<hbm>> -> memref<8x128xi32, #tpu.memory_space<hbm>>
        tpu.enqueue_dma source(%dma_start3A_406 : memref<8x128xi32, #tpu.memory_space<hbm>>) target(%arg8 : memref<8x128xi32, #tpu.memory_space<vmem>>) target_semaphore(%run_scoped3A : memref<!tpu.dma_semaphore, #tpu.memory_space<semaphore_mem>>)
        %dma_wait3A_407 = arith.constant 0 : i32
        %dma_wait3A_408 = tpu.memref_slice %arg3[%add3A_20, %dma_wait3A_407] : memref<12544x128xi32, #tpu.memory_space<hbm>> -> memref<8x128xi32, #tpu.memory_space<hbm>>
        %dma_wait3A_409 = arith.constant 0 : i32
        %dma_wait3A_410 = tpu.memref_slice %arg3[%add3A_20, %dma_wait3A_409] : memref<12544x128xi32, #tpu.memory_space<hbm>> -> memref<8x128xi32, #tpu.memory_space<hbm>>
        tpu.wait_dma2 semaphore(%run_scoped3A : memref<!tpu.dma_semaphore, #tpu.memory_space<semaphore_mem>>) src(%dma_wait3A_410 : memref<8x128xi32, #tpu.memory_space<hbm>>) dst(%arg8 : memref<8x128xi32, #tpu.memory_space<vmem>>)
        tpu.yield
      }) : () -> ()
      "tpu.region"() ({
        %run_scoped3A = tpu.sem_alloc : memref<!tpu.dma_semaphore, #tpu.memory_space<semaphore_mem>>
        %dma_start3A_403 = arith.constant 0 : i32
        %dma_start3A_404 = tpu.memref_slice %arg4[%add3A_20, %dma_start3A_403] : memref<12544x128xi32, #tpu.memory_space<hbm>> -> memref<8x128xi32, #tpu.memory_space<hbm>>
        %dma_start3A_405 = arith.constant 0 : i32
        %dma_start3A_406 = tpu.memref_slice %arg4[%add3A_20, %dma_start3A_405] : memref<12544x128xi32, #tpu.memory_space<hbm>> -> memref<8x128xi32, #tpu.memory_space<hbm>>
        tpu.enqueue_dma source(%dma_start3A_406 : memref<8x128xi32, #tpu.memory_space<hbm>>) target(%arg9 : memref<8x128xi32, #tpu.memory_space<vmem>>) target_semaphore(%run_scoped3A : memref<!tpu.dma_semaphore, #tpu.memory_space<semaphore_mem>>)
        %dma_wait3A_407 = arith.constant 0 : i32
        %dma_wait3A_408 = tpu.memref_slice %arg4[%add3A_20, %dma_wait3A_407] : memref<12544x128xi32, #tpu.memory_space<hbm>> -> memref<8x128xi32, #tpu.memory_space<hbm>>
        %dma_wait3A_409 = arith.constant 0 : i32
        %dma_wait3A_410 = tpu.memref_slice %arg4[%add3A_20, %dma_wait3A_409] : memref<12544x128xi32, #tpu.memory_space<hbm>> -> memref<8x128xi32, #tpu.memory_space<hbm>>
        tpu.wait_dma2 semaphore(%run_scoped3A : memref<!tpu.dma_semaphore, #tpu.memory_space<semaphore_mem>>) src(%dma_wait3A_410 : memref<8x128xi32, #tpu.memory_space<hbm>>) dst(%arg9 : memref<8x128xi32, #tpu.memory_space<vmem>>)
        tpu.yield
      }) : () -> ()
      %dma_start3A = arith.constant 0 : i32
      %dma_start3A_21 = arith.constant 0 : i32
      %dma_start3A_22 = arith.constant 0 : i32
      %dma_start3A_23 = arith.constant 0 : i32
      %dma_start3A_24 = tpu.memref_slice %arg10[%dma_start3A_21, %dma_start3A_22, %dma_start3A_23] : memref<8x128x16xf32, #tpu.memory_space<vmem>> -> memref<1x128x16xf32, #tpu.memory_space<vmem>>
      %dma_start3A_25 = tpu.memref_squeeze %dma_start3A_24 : memref<1x128x16xf32, #tpu.memory_space<vmem>> -> memref<128x16xf32, #tpu.memory_space<vmem>>
      %dma_start3A_26 = arith.constant 0 : i32
      %dma_start3A_27 = tpu.memref_slice %arg8[%dma_start3A, %dma_start3A_26] : memref<8x128xi32, #tpu.memory_space<vmem>> -> memref<1x128xi32, #tpu.memory_space<vmem>>
      %dma_start3A_28 = tpu.memref_squeeze %dma_start3A_27 : memref<1x128xi32, #tpu.memory_space<vmem>> -> memref<128xi32, #tpu.memory_space<vmem>>
      %dma_start3A_29 = arith.constant 0 : i32
      %dma_start3A_30 = arith.constant 0 : i32
      %dma_start3A_31 = tpu.memref_slice %arg2[%dma_start3A_29, %dma_start3A_30] : memref<100352x16xf32, #tpu.memory_space<hbm>> -> memref<100352x16xf32, #tpu.memory_space<hbm>>
      tpu.enqueue_indirect_dma source(%dma_start3A_31 : memref<100352x16xf32, #tpu.memory_space<hbm>>) target(%dma_start3A_25 : memref<128x16xf32, #tpu.memory_space<vmem>>) offsets(%dma_start3A_28 : memref<128xi32, #tpu.memory_space<vmem>>) semaphore(%arg11 : memref<!tpu.dma_semaphore, #tpu.memory_space<semaphore_mem>>)
      %dma_start3A_32 = arith.constant 1 : i32
      %dma_start3A_33 = arith.constant 1 : i32
      %dma_start3A_34 = arith.constant 0 : i32
      %dma_start3A_35 = arith.constant 0 : i32
      %dma_start3A_36 = tpu.memref_slice %arg10[%dma_start3A_33, %dma_start3A_34, %dma_start3A_35] : memref<8x128x16xf32, #tpu.memory_space<vmem>> -> memref<1x128x16xf32, #tpu.memory_space<vmem>>
      %dma_start3A_37 = tpu.memref_squeeze %dma_start3A_36 : memref<1x128x16xf32, #tpu.memory_space<vmem>> -> memref<128x16xf32, #tpu.memory_space<vmem>>
      %dma_start3A_38 = arith.constant 0 : i32
      %dma_start3A_39 = tpu.memref_slice %arg8[%dma_start3A_32, %dma_start3A_38] : memref<8x128xi32, #tpu.memory_space<vmem>> -> memref<1x128xi32, #tpu.memory_space<vmem>>
      %dma_start3A_40 = tpu.memref_squeeze %dma_start3A_39 : memref<1x128xi32, #tpu.memory_space<vmem>> -> memref<128xi32, #tpu.memory_space<vmem>>
      %dma_start3A_41 = arith.constant 0 : i32
      %dma_start3A_42 = arith.constant 0 : i32
      %dma_start3A_43 = tpu.memref_slice %arg2[%dma_start3A_41, %dma_start3A_42] : memref<100352x16xf32, #tpu.memory_space<hbm>> -> memref<100352x16xf32, #tpu.memory_space<hbm>>
      tpu.enqueue_indirect_dma source(%dma_start3A_43 : memref<100352x16xf32, #tpu.memory_space<hbm>>) target(%dma_start3A_37 : memref<128x16xf32, #tpu.memory_space<vmem>>) offsets(%dma_start3A_40 : memref<128xi32, #tpu.memory_space<vmem>>) semaphore(%arg11 : memref<!tpu.dma_semaphore, #tpu.memory_space<semaphore_mem>>)
      %dma_start3A_44 = arith.constant 2 : i32
      %dma_start3A_45 = arith.constant 2 : i32
      %dma_start3A_46 = arith.constant 0 : i32
      %dma_start3A_47 = arith.constant 0 : i32
      %dma_start3A_48 = tpu.memref_slice %arg10[%dma_start3A_45, %dma_start3A_46, %dma_start3A_47] : memref<8x128x16xf32, #tpu.memory_space<vmem>> -> memref<1x128x16xf32, #tpu.memory_space<vmem>>
      %dma_start3A_49 = tpu.memref_squeeze %dma_start3A_48 : memref<1x128x16xf32, #tpu.memory_space<vmem>> -> memref<128x16xf32, #tpu.memory_space<vmem>>
      %dma_start3A_50 = arith.constant 0 : i32
      %dma_start3A_51 = tpu.memref_slice %arg8[%dma_start3A_44, %dma_start3A_50] : memref<8x128xi32, #tpu.memory_space<vmem>> -> memref<1x128xi32, #tpu.memory_space<vmem>>
      %dma_start3A_52 = tpu.memref_squeeze %dma_start3A_51 : memref<1x128xi32, #tpu.memory_space<vmem>> -> memref<128xi32, #tpu.memory_space<vmem>>
      %dma_start3A_53 = arith.constant 0 : i32
      %dma_start3A_54 = arith.constant 0 : i32
      %dma_start3A_55 = tpu.memref_slice %arg2[%dma_start3A_53, %dma_start3A_54] : memref<100352x16xf32, #tpu.memory_space<hbm>> -> memref<100352x16xf32, #tpu.memory_space<hbm>>
      tpu.enqueue_indirect_dma source(%dma_start3A_55 : memref<100352x16xf32, #tpu.memory_space<hbm>>) target(%dma_start3A_49 : memref<128x16xf32, #tpu.memory_space<vmem>>) offsets(%dma_start3A_52 : memref<128xi32, #tpu.memory_space<vmem>>) semaphore(%arg11 : memref<!tpu.dma_semaphore, #tpu.memory_space<semaphore_mem>>)
      %dma_start3A_56 = arith.constant 3 : i32
      %dma_start3A_57 = arith.constant 3 : i32
      %dma_start3A_58 = arith.constant 0 : i32
      %dma_start3A_59 = arith.constant 0 : i32
      %dma_start3A_60 = tpu.memref_slice %arg10[%dma_start3A_57, %dma_start3A_58, %dma_start3A_59] : memref<8x128x16xf32, #tpu.memory_space<vmem>> -> memref<1x128x16xf32, #tpu.memory_space<vmem>>
      %dma_start3A_61 = tpu.memref_squeeze %dma_start3A_60 : memref<1x128x16xf32, #tpu.memory_space<vmem>> -> memref<128x16xf32, #tpu.memory_space<vmem>>
      %dma_start3A_62 = arith.constant 0 : i32
      %dma_start3A_63 = tpu.memref_slice %arg8[%dma_start3A_56, %dma_start3A_62] : memref<8x128xi32, #tpu.memory_space<vmem>> -> memref<1x128xi32, #tpu.memory_space<vmem>>
      %dma_start3A_64 = tpu.memref_squeeze %dma_start3A_63 : memref<1x128xi32, #tpu.memory_space<vmem>> -> memref<128xi32, #tpu.memory_space<vmem>>
      %dma_start3A_65 = arith.constant 0 : i32
      %dma_start3A_66 = arith.constant 0 : i32
      %dma_start3A_67 = tpu.memref_slice %arg2[%dma_start3A_65, %dma_start3A_66] : memref<100352x16xf32, #tpu.memory_space<hbm>> -> memref<100352x16xf32, #tpu.memory_space<hbm>>
      tpu.enqueue_indirect_dma source(%dma_start3A_67 : memref<100352x16xf32, #tpu.memory_space<hbm>>) target(%dma_start3A_61 : memref<128x16xf32, #tpu.memory_space<vmem>>) offsets(%dma_start3A_64 : memref<128xi32, #tpu.memory_space<vmem>>) semaphore(%arg11 : memref<!tpu.dma_semaphore, #tpu.memory_space<semaphore_mem>>)
      %dma_start3A_68 = arith.constant 4 : i32
      %dma_start3A_69 = arith.constant 4 : i32
      %dma_start3A_70 = arith.constant 0 : i32
      %dma_start3A_71 = arith.constant 0 : i32
      %dma_start3A_72 = tpu.memref_slice %arg10[%dma_start3A_69, %dma_start3A_70, %dma_start3A_71] : memref<8x128x16xf32, #tpu.memory_space<vmem>> -> memref<1x128x16xf32, #tpu.memory_space<vmem>>
      %dma_start3A_73 = tpu.memref_squeeze %dma_start3A_72 : memref<1x128x16xf32, #tpu.memory_space<vmem>> -> memref<128x16xf32, #tpu.memory_space<vmem>>
      %dma_start3A_74 = arith.constant 0 : i32
      %dma_start3A_75 = tpu.memref_slice %arg8[%dma_start3A_68, %dma_start3A_74] : memref<8x128xi32, #tpu.memory_space<vmem>> -> memref<1x128xi32, #tpu.memory_space<vmem>>
      %dma_start3A_76 = tpu.memref_squeeze %dma_start3A_75 : memref<1x128xi32, #tpu.memory_space<vmem>> -> memref<128xi32, #tpu.memory_space<vmem>>
      %dma_start3A_77 = arith.constant 0 : i32
      %dma_start3A_78 = arith.constant 0 : i32
      %dma_start3A_79 = tpu.memref_slice %arg2[%dma_start3A_77, %dma_start3A_78] : memref<100352x16xf32, #tpu.memory_space<hbm>> -> memref<100352x16xf32, #tpu.memory_space<hbm>>
      tpu.enqueue_indirect_dma source(%dma_start3A_79 : memref<100352x16xf32, #tpu.memory_space<hbm>>) target(%dma_start3A_73 : memref<128x16xf32, #tpu.memory_space<vmem>>) offsets(%dma_start3A_76 : memref<128xi32, #tpu.memory_space<vmem>>) semaphore(%arg11 : memref<!tpu.dma_semaphore, #tpu.memory_space<semaphore_mem>>)
      %dma_start3A_80 = arith.constant 5 : i32
      %dma_start3A_81 = arith.constant 5 : i32
      %dma_start3A_82 = arith.constant 0 : i32
      %dma_start3A_83 = arith.constant 0 : i32
      %dma_start3A_84 = tpu.memref_slice %arg10[%dma_start3A_81, %dma_start3A_82, %dma_start3A_83] : memref<8x128x16xf32, #tpu.memory_space<vmem>> -> memref<1x128x16xf32, #tpu.memory_space<vmem>>
      %dma_start3A_85 = tpu.memref_squeeze %dma_start3A_84 : memref<1x128x16xf32, #tpu.memory_space<vmem>> -> memref<128x16xf32, #tpu.memory_space<vmem>>
      %dma_start3A_86 = arith.constant 0 : i32
      %dma_start3A_87 = tpu.memref_slice %arg8[%dma_start3A_80, %dma_start3A_86] : memref<8x128xi32, #tpu.memory_space<vmem>> -> memref<1x128xi32, #tpu.memory_space<vmem>>
      %dma_start3A_88 = tpu.memref_squeeze %dma_start3A_87 : memref<1x128xi32, #tpu.memory_space<vmem>> -> memref<128xi32, #tpu.memory_space<vmem>>
      %dma_start3A_89 = arith.constant 0 : i32
      %dma_start3A_90 = arith.constant 0 : i32
      %dma_start3A_91 = tpu.memref_slice %arg2[%dma_start3A_89, %dma_start3A_90] : memref<100352x16xf32, #tpu.memory_space<hbm>> -> memref<100352x16xf32, #tpu.memory_space<hbm>>
      tpu.enqueue_indirect_dma source(%dma_start3A_91 : memref<100352x16xf32, #tpu.memory_space<hbm>>) target(%dma_start3A_85 : memref<128x16xf32, #tpu.memory_space<vmem>>) offsets(%dma_start3A_88 : memref<128xi32, #tpu.memory_space<vmem>>) semaphore(%arg11 : memref<!tpu.dma_semaphore, #tpu.memory_space<semaphore_mem>>)
      %dma_start3A_92 = arith.constant 6 : i32
      %dma_start3A_93 = arith.constant 6 : i32
      %dma_start3A_94 = arith.constant 0 : i32
      %dma_start3A_95 = arith.constant 0 : i32
      %dma_start3A_96 = tpu.memref_slice %arg10[%dma_start3A_93, %dma_start3A_94, %dma_start3A_95] : memref<8x128x16xf32, #tpu.memory_space<vmem>> -> memref<1x128x16xf32, #tpu.memory_space<vmem>>
      %dma_start3A_97 = tpu.memref_squeeze %dma_start3A_96 : memref<1x128x16xf32, #tpu.memory_space<vmem>> -> memref<128x16xf32, #tpu.memory_space<vmem>>
      %dma_start3A_98 = arith.constant 0 : i32
      %dma_start3A_99 = tpu.memref_slice %arg8[%dma_start3A_92, %dma_start3A_98] : memref<8x128xi32, #tpu.memory_space<vmem>> -> memref<1x128xi32, #tpu.memory_space<vmem>>
      %dma_start3A_100 = tpu.memref_squeeze %dma_start3A_99 : memref<1x128xi32, #tpu.memory_space<vmem>> -> memref<128xi32, #tpu.memory_space<vmem>>
      %dma_start3A_101 = arith.constant 0 : i32
      %dma_start3A_102 = arith.constant 0 : i32
      %dma_start3A_103 = tpu.memref_slice %arg2[%dma_start3A_101, %dma_start3A_102] : memref<100352x16xf32, #tpu.memory_space<hbm>> -> memref<100352x16xf32, #tpu.memory_space<hbm>>
      tpu.enqueue_indirect_dma source(%dma_start3A_103 : memref<100352x16xf32, #tpu.memory_space<hbm>>) target(%dma_start3A_97 : memref<128x16xf32, #tpu.memory_space<vmem>>) offsets(%dma_start3A_100 : memref<128xi32, #tpu.memory_space<vmem>>) semaphore(%arg11 : memref<!tpu.dma_semaphore, #tpu.memory_space<semaphore_mem>>)
      %dma_start3A_104 = arith.constant 7 : i32
      %dma_start3A_105 = arith.constant 7 : i32
      %dma_start3A_106 = arith.constant 0 : i32
      %dma_start3A_107 = arith.constant 0 : i32
      %dma_start3A_108 = tpu.memref_slice %arg10[%dma_start3A_105, %dma_start3A_106, %dma_start3A_107] : memref<8x128x16xf32, #tpu.memory_space<vmem>> -> memref<1x128x16xf32, #tpu.memory_space<vmem>>
      %dma_start3A_109 = tpu.memref_squeeze %dma_start3A_108 : memref<1x128x16xf32, #tpu.memory_space<vmem>> -> memref<128x16xf32, #tpu.memory_space<vmem>>
      %dma_start3A_110 = arith.constant 0 : i32
      %dma_start3A_111 = tpu.memref_slice %arg8[%dma_start3A_104, %dma_start3A_110] : memref<8x128xi32, #tpu.memory_space<vmem>> -> memref<1x128xi32, #tpu.memory_space<vmem>>
      %dma_start3A_112 = tpu.memref_squeeze %dma_start3A_111 : memref<1x128xi32, #tpu.memory_space<vmem>> -> memref<128xi32, #tpu.memory_space<vmem>>
      %dma_start3A_113 = arith.constant 0 : i32
      %dma_start3A_114 = arith.constant 0 : i32
      %dma_start3A_115 = tpu.memref_slice %arg2[%dma_start3A_113, %dma_start3A_114] : memref<100352x16xf32, #tpu.memory_space<hbm>> -> memref<100352x16xf32, #tpu.memory_space<hbm>>
      tpu.enqueue_indirect_dma source(%dma_start3A_115 : memref<100352x16xf32, #tpu.memory_space<hbm>>) target(%dma_start3A_109 : memref<128x16xf32, #tpu.memory_space<vmem>>) offsets(%dma_start3A_112 : memref<128xi32, #tpu.memory_space<vmem>>) semaphore(%arg11 : memref<!tpu.dma_semaphore, #tpu.memory_space<semaphore_mem>>)
      %dma_wait3A = arith.constant 0 : i32
      %dma_wait3A_116 = arith.constant 0 : i32
      %dma_wait3A_117 = arith.constant 0 : i32
      %dma_wait3A_118 = arith.constant 0 : i32
      %dma_wait3A_119 = tpu.memref_slice %arg10[%dma_wait3A_116, %dma_wait3A_117, %dma_wait3A_118] : memref<8x128x16xf32, #tpu.memory_space<vmem>> -> memref<1x128x16xf32, #tpu.memory_space<vmem>>
      %dma_wait3A_120 = tpu.memref_squeeze %dma_wait3A_119 : memref<1x128x16xf32, #tpu.memory_space<vmem>> -> memref<128x16xf32, #tpu.memory_space<vmem>>
      %dma_wait3A_121 = arith.constant 0 : i32
      %dma_wait3A_122 = tpu.memref_slice %arg8[%dma_wait3A, %dma_wait3A_121] : memref<8x128xi32, #tpu.memory_space<vmem>> -> memref<1x128xi32, #tpu.memory_space<vmem>>
      %dma_wait3A_123 = tpu.memref_squeeze %dma_wait3A_122 : memref<1x128xi32, #tpu.memory_space<vmem>> -> memref<128xi32, #tpu.memory_space<vmem>>
      %dma_wait3A_124 = arith.constant 0 : i32
      %dma_wait3A_125 = arith.constant 0 : i32
      %dma_wait3A_126 = tpu.memref_slice %arg2[%dma_wait3A_124, %dma_wait3A_125] : memref<100352x16xf32, #tpu.memory_space<hbm>> -> memref<100352x16xf32, #tpu.memory_space<hbm>>
      tpu.wait_indirect_dma semaphore(%arg11 : memref<!tpu.dma_semaphore, #tpu.memory_space<semaphore_mem>>) src(%dma_wait3A_126 : memref<100352x16xf32, #tpu.memory_space<hbm>>) dst(%dma_wait3A_120 : memref<128x16xf32, #tpu.memory_space<vmem>>)
      %dma_wait3A_127 = arith.constant 1 : i32
      %dma_wait3A_128 = arith.constant 1 : i32
      %dma_wait3A_129 = arith.constant 0 : i32
      %dma_wait3A_130 = arith.constant 0 : i32
      %dma_wait3A_131 = tpu.memref_slice %arg10[%dma_wait3A_128, %dma_wait3A_129, %dma_wait3A_130] : memref<8x128x16xf32, #tpu.memory_space<vmem>> -> memref<1x128x16xf32, #tpu.memory_space<vmem>>
      %dma_wait3A_132 = tpu.memref_squeeze %dma_wait3A_131 : memref<1x128x16xf32, #tpu.memory_space<vmem>> -> memref<128x16xf32, #tpu.memory_space<vmem>>
      %dma_wait3A_133 = arith.constant 0 : i32
      %dma_wait3A_134 = tpu.memref_slice %arg8[%dma_wait3A_127, %dma_wait3A_133] : memref<8x128xi32, #tpu.memory_space<vmem>> -> memref<1x128xi32, #tpu.memory_space<vmem>>
      %dma_wait3A_135 = tpu.memref_squeeze %dma_wait3A_134 : memref<1x128xi32, #tpu.memory_space<vmem>> -> memref<128xi32, #tpu.memory_space<vmem>>
      %dma_wait3A_136 = arith.constant 0 : i32
      %dma_wait3A_137 = arith.constant 0 : i32
      %dma_wait3A_138 = tpu.memref_slice %arg2[%dma_wait3A_136, %dma_wait3A_137] : memref<100352x16xf32, #tpu.memory_space<hbm>> -> memref<100352x16xf32, #tpu.memory_space<hbm>>
      tpu.wait_indirect_dma semaphore(%arg11 : memref<!tpu.dma_semaphore, #tpu.memory_space<semaphore_mem>>) src(%dma_wait3A_138 : memref<100352x16xf32, #tpu.memory_space<hbm>>) dst(%dma_wait3A_132 : memref<128x16xf32, #tpu.memory_space<vmem>>)
      %dma_wait3A_139 = arith.constant 2 : i32
      %dma_wait3A_140 = arith.constant 2 : i32
      %dma_wait3A_141 = arith.constant 0 : i32
      %dma_wait3A_142 = arith.constant 0 : i32
      %dma_wait3A_143 = tpu.memref_slice %arg10[%dma_wait3A_140, %dma_wait3A_141, %dma_wait3A_142] : memref<8x128x16xf32, #tpu.memory_space<vmem>> -> memref<1x128x16xf32, #tpu.memory_space<vmem>>
      %dma_wait3A_144 = tpu.memref_squeeze %dma_wait3A_143 : memref<1x128x16xf32, #tpu.memory_space<vmem>> -> memref<128x16xf32, #tpu.memory_space<vmem>>
      %dma_wait3A_145 = arith.constant 0 : i32
      %dma_wait3A_146 = tpu.memref_slice %arg8[%dma_wait3A_139, %dma_wait3A_145] : memref<8x128xi32, #tpu.memory_space<vmem>> -> memref<1x128xi32, #tpu.memory_space<vmem>>
      %dma_wait3A_147 = tpu.memref_squeeze %dma_wait3A_146 : memref<1x128xi32, #tpu.memory_space<vmem>> -> memref<128xi32, #tpu.memory_space<vmem>>
      %dma_wait3A_148 = arith.constant 0 : i32
      %dma_wait3A_149 = arith.constant 0 : i32
      %dma_wait3A_150 = tpu.memref_slice %arg2[%dma_wait3A_148, %dma_wait3A_149] : memref<100352x16xf32, #tpu.memory_space<hbm>> -> memref<100352x16xf32, #tpu.memory_space<hbm>>
      tpu.wait_indirect_dma semaphore(%arg11 : memref<!tpu.dma_semaphore, #tpu.memory_space<semaphore_mem>>) src(%dma_wait3A_150 : memref<100352x16xf32, #tpu.memory_space<hbm>>) dst(%dma_wait3A_144 : memref<128x16xf32, #tpu.memory_space<vmem>>)
      %dma_wait3A_151 = arith.constant 3 : i32
      %dma_wait3A_152 = arith.constant 3 : i32
      %dma_wait3A_153 = arith.constant 0 : i32
      %dma_wait3A_154 = arith.constant 0 : i32
      %dma_wait3A_155 = tpu.memref_slice %arg10[%dma_wait3A_152, %dma_wait3A_153, %dma_wait3A_154] : memref<8x128x16xf32, #tpu.memory_space<vmem>> -> memref<1x128x16xf32, #tpu.memory_space<vmem>>
      %dma_wait3A_156 = tpu.memref_squeeze %dma_wait3A_155 : memref<1x128x16xf32, #tpu.memory_space<vmem>> -> memref<128x16xf32, #tpu.memory_space<vmem>>
      %dma_wait3A_157 = arith.constant 0 : i32
      %dma_wait3A_158 = tpu.memref_slice %arg8[%dma_wait3A_151, %dma_wait3A_157] : memref<8x128xi32, #tpu.memory_space<vmem>> -> memref<1x128xi32, #tpu.memory_space<vmem>>
      %dma_wait3A_159 = tpu.memref_squeeze %dma_wait3A_158 : memref<1x128xi32, #tpu.memory_space<vmem>> -> memref<128xi32, #tpu.memory_space<vmem>>
      %dma_wait3A_160 = arith.constant 0 : i32
      %dma_wait3A_161 = arith.constant 0 : i32
      %dma_wait3A_162 = tpu.memref_slice %arg2[%dma_wait3A_160, %dma_wait3A_161] : memref<100352x16xf32, #tpu.memory_space<hbm>> -> memref<100352x16xf32, #tpu.memory_space<hbm>>
      tpu.wait_indirect_dma semaphore(%arg11 : memref<!tpu.dma_semaphore, #tpu.memory_space<semaphore_mem>>) src(%dma_wait3A_162 : memref<100352x16xf32, #tpu.memory_space<hbm>>) dst(%dma_wait3A_156 : memref<128x16xf32, #tpu.memory_space<vmem>>)
      %dma_wait3A_163 = arith.constant 4 : i32
      %dma_wait3A_164 = arith.constant 4 : i32
      %dma_wait3A_165 = arith.constant 0 : i32
      %dma_wait3A_166 = arith.constant 0 : i32
      %dma_wait3A_167 = tpu.memref_slice %arg10[%dma_wait3A_164, %dma_wait3A_165, %dma_wait3A_166] : memref<8x128x16xf32, #tpu.memory_space<vmem>> -> memref<1x128x16xf32, #tpu.memory_space<vmem>>
      %dma_wait3A_168 = tpu.memref_squeeze %dma_wait3A_167 : memref<1x128x16xf32, #tpu.memory_space<vmem>> -> memref<128x16xf32, #tpu.memory_space<vmem>>
      %dma_wait3A_169 = arith.constant 0 : i32
      %dma_wait3A_170 = tpu.memref_slice %arg8[%dma_wait3A_163, %dma_wait3A_169] : memref<8x128xi32, #tpu.memory_space<vmem>> -> memref<1x128xi32, #tpu.memory_space<vmem>>
      %dma_wait3A_171 = tpu.memref_squeeze %dma_wait3A_170 : memref<1x128xi32, #tpu.memory_space<vmem>> -> memref<128xi32, #tpu.memory_space<vmem>>
      %dma_wait3A_172 = arith.constant 0 : i32
      %dma_wait3A_173 = arith.constant 0 : i32
      %dma_wait3A_174 = tpu.memref_slice %arg2[%dma_wait3A_172, %dma_wait3A_173] : memref<100352x16xf32, #tpu.memory_space<hbm>> -> memref<100352x16xf32, #tpu.memory_space<hbm>>
      tpu.wait_indirect_dma semaphore(%arg11 : memref<!tpu.dma_semaphore, #tpu.memory_space<semaphore_mem>>) src(%dma_wait3A_174 : memref<100352x16xf32, #tpu.memory_space<hbm>>) dst(%dma_wait3A_168 : memref<128x16xf32, #tpu.memory_space<vmem>>)
      %dma_wait3A_175 = arith.constant 5 : i32
      %dma_wait3A_176 = arith.constant 5 : i32
      %dma_wait3A_177 = arith.constant 0 : i32
      %dma_wait3A_178 = arith.constant 0 : i32
      %dma_wait3A_179 = tpu.memref_slice %arg10[%dma_wait3A_176, %dma_wait3A_177, %dma_wait3A_178] : memref<8x128x16xf32, #tpu.memory_space<vmem>> -> memref<1x128x16xf32, #tpu.memory_space<vmem>>
      %dma_wait3A_180 = tpu.memref_squeeze %dma_wait3A_179 : memref<1x128x16xf32, #tpu.memory_space<vmem>> -> memref<128x16xf32, #tpu.memory_space<vmem>>
      %dma_wait3A_181 = arith.constant 0 : i32
      %dma_wait3A_182 = tpu.memref_slice %arg8[%dma_wait3A_175, %dma_wait3A_181] : memref<8x128xi32, #tpu.memory_space<vmem>> -> memref<1x128xi32, #tpu.memory_space<vmem>>
      %dma_wait3A_183 = tpu.memref_squeeze %dma_wait3A_182 : memref<1x128xi32, #tpu.memory_space<vmem>> -> memref<128xi32, #tpu.memory_space<vmem>>
      %dma_wait3A_184 = arith.constant 0 : i32
      %dma_wait3A_185 = arith.constant 0 : i32
      %dma_wait3A_186 = tpu.memref_slice %arg2[%dma_wait3A_184, %dma_wait3A_185] : memref<100352x16xf32, #tpu.memory_space<hbm>> -> memref<100352x16xf32, #tpu.memory_space<hbm>>
      tpu.wait_indirect_dma semaphore(%arg11 : memref<!tpu.dma_semaphore, #tpu.memory_space<semaphore_mem>>) src(%dma_wait3A_186 : memref<100352x16xf32, #tpu.memory_space<hbm>>) dst(%dma_wait3A_180 : memref<128x16xf32, #tpu.memory_space<vmem>>)
      %dma_wait3A_187 = arith.constant 6 : i32
      %dma_wait3A_188 = arith.constant 6 : i32
      %dma_wait3A_189 = arith.constant 0 : i32
      %dma_wait3A_190 = arith.constant 0 : i32
      %dma_wait3A_191 = tpu.memref_slice %arg10[%dma_wait3A_188, %dma_wait3A_189, %dma_wait3A_190] : memref<8x128x16xf32, #tpu.memory_space<vmem>> -> memref<1x128x16xf32, #tpu.memory_space<vmem>>
      %dma_wait3A_192 = tpu.memref_squeeze %dma_wait3A_191 : memref<1x128x16xf32, #tpu.memory_space<vmem>> -> memref<128x16xf32, #tpu.memory_space<vmem>>
      %dma_wait3A_193 = arith.constant 0 : i32
      %dma_wait3A_194 = tpu.memref_slice %arg8[%dma_wait3A_187, %dma_wait3A_193] : memref<8x128xi32, #tpu.memory_space<vmem>> -> memref<1x128xi32, #tpu.memory_space<vmem>>
      %dma_wait3A_195 = tpu.memref_squeeze %dma_wait3A_194 : memref<1x128xi32, #tpu.memory_space<vmem>> -> memref<128xi32, #tpu.memory_space<vmem>>
      %dma_wait3A_196 = arith.constant 0 : i32
      %dma_wait3A_197 = arith.constant 0 : i32
      %dma_wait3A_198 = tpu.memref_slice %arg2[%dma_wait3A_196, %dma_wait3A_197] : memref<100352x16xf32, #tpu.memory_space<hbm>> -> memref<100352x16xf32, #tpu.memory_space<hbm>>
      tpu.wait_indirect_dma semaphore(%arg11 : memref<!tpu.dma_semaphore, #tpu.memory_space<semaphore_mem>>) src(%dma_wait3A_198 : memref<100352x16xf32, #tpu.memory_space<hbm>>) dst(%dma_wait3A_192 : memref<128x16xf32, #tpu.memory_space<vmem>>)
      %dma_wait3A_199 = arith.constant 7 : i32
      %dma_wait3A_200 = arith.constant 7 : i32
      %dma_wait3A_201 = arith.constant 0 : i32
      %dma_wait3A_202 = arith.constant 0 : i32
      %dma_wait3A_203 = tpu.memref_slice %arg10[%dma_wait3A_200, %dma_wait3A_201, %dma_wait3A_202] : memref<8x128x16xf32, #tpu.memory_space<vmem>> -> memref<1x128x16xf32, #tpu.memory_space<vmem>>
      %dma_wait3A_204 = tpu.memref_squeeze %dma_wait3A_203 : memref<1x128x16xf32, #tpu.memory_space<vmem>> -> memref<128x16xf32, #tpu.memory_space<vmem>>
      %dma_wait3A_205 = arith.constant 0 : i32
      %dma_wait3A_206 = tpu.memref_slice %arg8[%dma_wait3A_199, %dma_wait3A_205] : memref<8x128xi32, #tpu.memory_space<vmem>> -> memref<1x128xi32, #tpu.memory_space<vmem>>
      %dma_wait3A_207 = tpu.memref_squeeze %dma_wait3A_206 : memref<1x128xi32, #tpu.memory_space<vmem>> -> memref<128xi32, #tpu.memory_space<vmem>>
      %dma_wait3A_208 = arith.constant 0 : i32
      %dma_wait3A_209 = arith.constant 0 : i32
      %dma_wait3A_210 = tpu.memref_slice %arg2[%dma_wait3A_208, %dma_wait3A_209] : memref<100352x16xf32, #tpu.memory_space<hbm>> -> memref<100352x16xf32, #tpu.memory_space<hbm>>
      tpu.wait_indirect_dma semaphore(%arg11 : memref<!tpu.dma_semaphore, #tpu.memory_space<semaphore_mem>>) src(%dma_wait3A_210 : memref<100352x16xf32, #tpu.memory_space<hbm>>) dst(%dma_wait3A_204 : memref<128x16xf32, #tpu.memory_space<vmem>>)
      %dma_start3A_211 = arith.constant 0 : i32
      %dma_start3A_212 = arith.constant 0 : i32
      %dma_start3A_213 = arith.constant 0 : i32
      %dma_start3A_214 = arith.constant 0 : i32
      %dma_start3A_215 = tpu.memref_slice %arg10[%dma_start3A_211, %dma_start3A_213, %dma_start3A_214] : memref<8x128x16xf32, #tpu.memory_space<vmem>> -> memref<1x128x16xf32, #tpu.memory_space<vmem>>
      %dma_start3A_216 = tpu.memref_squeeze %dma_start3A_215 : memref<1x128x16xf32, #tpu.memory_space<vmem>> -> memref<128x16xf32, #tpu.memory_space<vmem>>
      %dma_start3A_217 = arith.constant 0 : i32
      %dma_start3A_218 = tpu.memref_slice %arg9[%dma_start3A_212, %dma_start3A_217] : memref<8x128xi32, #tpu.memory_space<vmem>> -> memref<1x128xi32, #tpu.memory_space<vmem>>
      %dma_start3A_219 = tpu.memref_squeeze %dma_start3A_218 : memref<1x128xi32, #tpu.memory_space<vmem>> -> memref<128xi32, #tpu.memory_space<vmem>>
      %dma_start3A_220 = arith.constant 0 : i32
      %dma_start3A_221 = arith.constant 0 : i32
      %dma_start3A_222 = tpu.memref_slice %arg7[%dma_start3A_220, %dma_start3A_221] : memref<100352x16xf32, #tpu.memory_space<vmem_shared>> -> memref<100352x16xf32, #tpu.memory_space<vmem_shared>>
      tpu.enqueue_indirect_dma source(%dma_start3A_216 : memref<128x16xf32, #tpu.memory_space<vmem>>) target(%dma_start3A_222 : memref<100352x16xf32, #tpu.memory_space<vmem_shared>>) offsets(%dma_start3A_219 : memref<128xi32, #tpu.memory_space<vmem>>) semaphore(%arg12 : memref<!tpu.dma_semaphore, #tpu.memory_space<semaphore_mem>>) {add = true}
      %dma_start3A_223 = arith.constant 1 : i32
      %dma_start3A_224 = arith.constant 1 : i32
      %dma_start3A_225 = arith.constant 0 : i32
      %dma_start3A_226 = arith.constant 0 : i32
      %dma_start3A_227 = tpu.memref_slice %arg10[%dma_start3A_223, %dma_start3A_225, %dma_start3A_226] : memref<8x128x16xf32, #tpu.memory_space<vmem>> -> memref<1x128x16xf32, #tpu.memory_space<vmem>>
      %dma_start3A_228 = tpu.memref_squeeze %dma_start3A_227 : memref<1x128x16xf32, #tpu.memory_space<vmem>> -> memref<128x16xf32, #tpu.memory_space<vmem>>
      %dma_start3A_229 = arith.constant 0 : i32
      %dma_start3A_230 = tpu.memref_slice %arg9[%dma_start3A_224, %dma_start3A_229] : memref<8x128xi32, #tpu.memory_space<vmem>> -> memref<1x128xi32, #tpu.memory_space<vmem>>
      %dma_start3A_231 = tpu.memref_squeeze %dma_start3A_230 : memref<1x128xi32, #tpu.memory_space<vmem>> -> memref<128xi32, #tpu.memory_space<vmem>>
      %dma_start3A_232 = arith.constant 0 : i32
      %dma_start3A_233 = arith.constant 0 : i32
      %dma_start3A_234 = tpu.memref_slice %arg7[%dma_start3A_232, %dma_start3A_233] : memref<100352x16xf32, #tpu.memory_space<vmem_shared>> -> memref<100352x16xf32, #tpu.memory_space<vmem_shared>>
      tpu.enqueue_indirect_dma source(%dma_start3A_228 : memref<128x16xf32, #tpu.memory_space<vmem>>) target(%dma_start3A_234 : memref<100352x16xf32, #tpu.memory_space<vmem_shared>>) offsets(%dma_start3A_231 : memref<128xi32, #tpu.memory_space<vmem>>) semaphore(%arg12 : memref<!tpu.dma_semaphore, #tpu.memory_space<semaphore_mem>>) {add = true}
      %dma_start3A_235 = arith.constant 2 : i32
      %dma_start3A_236 = arith.constant 2 : i32
      %dma_start3A_237 = arith.constant 0 : i32
      %dma_start3A_238 = arith.constant 0 : i32
      %dma_start3A_239 = tpu.memref_slice %arg10[%dma_start3A_235, %dma_start3A_237, %dma_start3A_238] : memref<8x128x16xf32, #tpu.memory_space<vmem>> -> memref<1x128x16xf32, #tpu.memory_space<vmem>>
      %dma_start3A_240 = tpu.memref_squeeze %dma_start3A_239 : memref<1x128x16xf32, #tpu.memory_space<vmem>> -> memref<128x16xf32, #tpu.memory_space<vmem>>
      %dma_start3A_241 = arith.constant 0 : i32
      %dma_start3A_242 = tpu.memref_slice %arg9[%dma_start3A_236, %dma_start3A_241] : memref<8x128xi32, #tpu.memory_space<vmem>> -> memref<1x128xi32, #tpu.memory_space<vmem>>
      %dma_start3A_243 = tpu.memref_squeeze %dma_start3A_242 : memref<1x128xi32, #tpu.memory_space<vmem>> -> memref<128xi32, #tpu.memory_space<vmem>>
      %dma_start3A_244 = arith.constant 0 : i32
      %dma_start3A_245 = arith.constant 0 : i32
      %dma_start3A_246 = tpu.memref_slice %arg7[%dma_start3A_244, %dma_start3A_245] : memref<100352x16xf32, #tpu.memory_space<vmem_shared>> -> memref<100352x16xf32, #tpu.memory_space<vmem_shared>>
      tpu.enqueue_indirect_dma source(%dma_start3A_240 : memref<128x16xf32, #tpu.memory_space<vmem>>) target(%dma_start3A_246 : memref<100352x16xf32, #tpu.memory_space<vmem_shared>>) offsets(%dma_start3A_243 : memref<128xi32, #tpu.memory_space<vmem>>) semaphore(%arg12 : memref<!tpu.dma_semaphore, #tpu.memory_space<semaphore_mem>>) {add = true}
      %dma_start3A_247 = arith.constant 3 : i32
      %dma_start3A_248 = arith.constant 3 : i32
      %dma_start3A_249 = arith.constant 0 : i32
      %dma_start3A_250 = arith.constant 0 : i32
      %dma_start3A_251 = tpu.memref_slice %arg10[%dma_start3A_247, %dma_start3A_249, %dma_start3A_250] : memref<8x128x16xf32, #tpu.memory_space<vmem>> -> memref<1x128x16xf32, #tpu.memory_space<vmem>>
      %dma_start3A_252 = tpu.memref_squeeze %dma_start3A_251 : memref<1x128x16xf32, #tpu.memory_space<vmem>> -> memref<128x16xf32, #tpu.memory_space<vmem>>
      %dma_start3A_253 = arith.constant 0 : i32
      %dma_start3A_254 = tpu.memref_slice %arg9[%dma_start3A_248, %dma_start3A_253] : memref<8x128xi32, #tpu.memory_space<vmem>> -> memref<1x128xi32, #tpu.memory_space<vmem>>
      %dma_start3A_255 = tpu.memref_squeeze %dma_start3A_254 : memref<1x128xi32, #tpu.memory_space<vmem>> -> memref<128xi32, #tpu.memory_space<vmem>>
      %dma_start3A_256 = arith.constant 0 : i32
      %dma_start3A_257 = arith.constant 0 : i32
      %dma_start3A_258 = tpu.memref_slice %arg7[%dma_start3A_256, %dma_start3A_257] : memref<100352x16xf32, #tpu.memory_space<vmem_shared>> -> memref<100352x16xf32, #tpu.memory_space<vmem_shared>>
      tpu.enqueue_indirect_dma source(%dma_start3A_252 : memref<128x16xf32, #tpu.memory_space<vmem>>) target(%dma_start3A_258 : memref<100352x16xf32, #tpu.memory_space<vmem_shared>>) offsets(%dma_start3A_255 : memref<128xi32, #tpu.memory_space<vmem>>) semaphore(%arg12 : memref<!tpu.dma_semaphore, #tpu.memory_space<semaphore_mem>>) {add = true}
      %dma_start3A_259 = arith.constant 4 : i32
      %dma_start3A_260 = arith.constant 4 : i32
      %dma_start3A_261 = arith.constant 0 : i32
      %dma_start3A_262 = arith.constant 0 : i32
      %dma_start3A_263 = tpu.memref_slice %arg10[%dma_start3A_259, %dma_start3A_261, %dma_start3A_262] : memref<8x128x16xf32, #tpu.memory_space<vmem>> -> memref<1x128x16xf32, #tpu.memory_space<vmem>>
      %dma_start3A_264 = tpu.memref_squeeze %dma_start3A_263 : memref<1x128x16xf32, #tpu.memory_space<vmem>> -> memref<128x16xf32, #tpu.memory_space<vmem>>
      %dma_start3A_265 = arith.constant 0 : i32
      %dma_start3A_266 = tpu.memref_slice %arg9[%dma_start3A_260, %dma_start3A_265] : memref<8x128xi32, #tpu.memory_space<vmem>> -> memref<1x128xi32, #tpu.memory_space<vmem>>
      %dma_start3A_267 = tpu.memref_squeeze %dma_start3A_266 : memref<1x128xi32, #tpu.memory_space<vmem>> -> memref<128xi32, #tpu.memory_space<vmem>>
      %dma_start3A_268 = arith.constant 0 : i32
      %dma_start3A_269 = arith.constant 0 : i32
      %dma_start3A_270 = tpu.memref_slice %arg7[%dma_start3A_268, %dma_start3A_269] : memref<100352x16xf32, #tpu.memory_space<vmem_shared>> -> memref<100352x16xf32, #tpu.memory_space<vmem_shared>>
      tpu.enqueue_indirect_dma source(%dma_start3A_264 : memref<128x16xf32, #tpu.memory_space<vmem>>) target(%dma_start3A_270 : memref<100352x16xf32, #tpu.memory_space<vmem_shared>>) offsets(%dma_start3A_267 : memref<128xi32, #tpu.memory_space<vmem>>) semaphore(%arg12 : memref<!tpu.dma_semaphore, #tpu.memory_space<semaphore_mem>>) {add = true}
      %dma_start3A_271 = arith.constant 5 : i32
      %dma_start3A_272 = arith.constant 5 : i32
      %dma_start3A_273 = arith.constant 0 : i32
      %dma_start3A_274 = arith.constant 0 : i32
      %dma_start3A_275 = tpu.memref_slice %arg10[%dma_start3A_271, %dma_start3A_273, %dma_start3A_274] : memref<8x128x16xf32, #tpu.memory_space<vmem>> -> memref<1x128x16xf32, #tpu.memory_space<vmem>>
      %dma_start3A_276 = tpu.memref_squeeze %dma_start3A_275 : memref<1x128x16xf32, #tpu.memory_space<vmem>> -> memref<128x16xf32, #tpu.memory_space<vmem>>
      %dma_start3A_277 = arith.constant 0 : i32
      %dma_start3A_278 = tpu.memref_slice %arg9[%dma_start3A_272, %dma_start3A_277] : memref<8x128xi32, #tpu.memory_space<vmem>> -> memref<1x128xi32, #tpu.memory_space<vmem>>
      %dma_start3A_279 = tpu.memref_squeeze %dma_start3A_278 : memref<1x128xi32, #tpu.memory_space<vmem>> -> memref<128xi32, #tpu.memory_space<vmem>>
      %dma_start3A_280 = arith.constant 0 : i32
      %dma_start3A_281 = arith.constant 0 : i32
      %dma_start3A_282 = tpu.memref_slice %arg7[%dma_start3A_280, %dma_start3A_281] : memref<100352x16xf32, #tpu.memory_space<vmem_shared>> -> memref<100352x16xf32, #tpu.memory_space<vmem_shared>>
      tpu.enqueue_indirect_dma source(%dma_start3A_276 : memref<128x16xf32, #tpu.memory_space<vmem>>) target(%dma_start3A_282 : memref<100352x16xf32, #tpu.memory_space<vmem_shared>>) offsets(%dma_start3A_279 : memref<128xi32, #tpu.memory_space<vmem>>) semaphore(%arg12 : memref<!tpu.dma_semaphore, #tpu.memory_space<semaphore_mem>>) {add = true}
      %dma_start3A_283 = arith.constant 6 : i32
      %dma_start3A_284 = arith.constant 6 : i32
      %dma_start3A_285 = arith.constant 0 : i32
      %dma_start3A_286 = arith.constant 0 : i32
      %dma_start3A_287 = tpu.memref_slice %arg10[%dma_start3A_283, %dma_start3A_285, %dma_start3A_286] : memref<8x128x16xf32, #tpu.memory_space<vmem>> -> memref<1x128x16xf32, #tpu.memory_space<vmem>>
      %dma_start3A_288 = tpu.memref_squeeze %dma_start3A_287 : memref<1x128x16xf32, #tpu.memory_space<vmem>> -> memref<128x16xf32, #tpu.memory_space<vmem>>
      %dma_start3A_289 = arith.constant 0 : i32
      %dma_start3A_290 = tpu.memref_slice %arg9[%dma_start3A_284, %dma_start3A_289] : memref<8x128xi32, #tpu.memory_space<vmem>> -> memref<1x128xi32, #tpu.memory_space<vmem>>
      %dma_start3A_291 = tpu.memref_squeeze %dma_start3A_290 : memref<1x128xi32, #tpu.memory_space<vmem>> -> memref<128xi32, #tpu.memory_space<vmem>>
      %dma_start3A_292 = arith.constant 0 : i32
      %dma_start3A_293 = arith.constant 0 : i32
      %dma_start3A_294 = tpu.memref_slice %arg7[%dma_start3A_292, %dma_start3A_293] : memref<100352x16xf32, #tpu.memory_space<vmem_shared>> -> memref<100352x16xf32, #tpu.memory_space<vmem_shared>>
      tpu.enqueue_indirect_dma source(%dma_start3A_288 : memref<128x16xf32, #tpu.memory_space<vmem>>) target(%dma_start3A_294 : memref<100352x16xf32, #tpu.memory_space<vmem_shared>>) offsets(%dma_start3A_291 : memref<128xi32, #tpu.memory_space<vmem>>) semaphore(%arg12 : memref<!tpu.dma_semaphore, #tpu.memory_space<semaphore_mem>>) {add = true}
      %dma_start3A_295 = arith.constant 7 : i32
      %dma_start3A_296 = arith.constant 7 : i32
      %dma_start3A_297 = arith.constant 0 : i32
      %dma_start3A_298 = arith.constant 0 : i32
      %dma_start3A_299 = tpu.memref_slice %arg10[%dma_start3A_295, %dma_start3A_297, %dma_start3A_298] : memref<8x128x16xf32, #tpu.memory_space<vmem>> -> memref<1x128x16xf32, #tpu.memory_space<vmem>>
      %dma_start3A_300 = tpu.memref_squeeze %dma_start3A_299 : memref<1x128x16xf32, #tpu.memory_space<vmem>> -> memref<128x16xf32, #tpu.memory_space<vmem>>
      %dma_start3A_301 = arith.constant 0 : i32
      %dma_start3A_302 = tpu.memref_slice %arg9[%dma_start3A_296, %dma_start3A_301] : memref<8x128xi32, #tpu.memory_space<vmem>> -> memref<1x128xi32, #tpu.memory_space<vmem>>
      %dma_start3A_303 = tpu.memref_squeeze %dma_start3A_302 : memref<1x128xi32, #tpu.memory_space<vmem>> -> memref<128xi32, #tpu.memory_space<vmem>>
      %dma_start3A_304 = arith.constant 0 : i32
      %dma_start3A_305 = arith.constant 0 : i32
      %dma_start3A_306 = tpu.memref_slice %arg7[%dma_start3A_304, %dma_start3A_305] : memref<100352x16xf32, #tpu.memory_space<vmem_shared>> -> memref<100352x16xf32, #tpu.memory_space<vmem_shared>>
      tpu.enqueue_indirect_dma source(%dma_start3A_300 : memref<128x16xf32, #tpu.memory_space<vmem>>) target(%dma_start3A_306 : memref<100352x16xf32, #tpu.memory_space<vmem_shared>>) offsets(%dma_start3A_303 : memref<128xi32, #tpu.memory_space<vmem>>) semaphore(%arg12 : memref<!tpu.dma_semaphore, #tpu.memory_space<semaphore_mem>>) {add = true}
      %dma_wait3A_307 = arith.constant 0 : i32
      %dma_wait3A_308 = arith.constant 0 : i32
      %dma_wait3A_309 = arith.constant 0 : i32
      %dma_wait3A_310 = arith.constant 0 : i32
      %dma_wait3A_311 = tpu.memref_slice %arg10[%dma_wait3A_307, %dma_wait3A_309, %dma_wait3A_310] : memref<8x128x16xf32, #tpu.memory_space<vmem>> -> memref<1x128x16xf32, #tpu.memory_space<vmem>>
      %dma_wait3A_312 = tpu.memref_squeeze %dma_wait3A_311 : memref<1x128x16xf32, #tpu.memory_space<vmem>> -> memref<128x16xf32, #tpu.memory_space<vmem>>
      %dma_wait3A_313 = arith.constant 0 : i32
      %dma_wait3A_314 = tpu.memref_slice %arg9[%dma_wait3A_308, %dma_wait3A_313] : memref<8x128xi32, #tpu.memory_space<vmem>> -> memref<1x128xi32, #tpu.memory_space<vmem>>
      %dma_wait3A_315 = tpu.memref_squeeze %dma_wait3A_314 : memref<1x128xi32, #tpu.memory_space<vmem>> -> memref<128xi32, #tpu.memory_space<vmem>>
      %dma_wait3A_316 = arith.constant 0 : i32
      %dma_wait3A_317 = arith.constant 0 : i32
      %dma_wait3A_318 = tpu.memref_slice %arg7[%dma_wait3A_316, %dma_wait3A_317] : memref<100352x16xf32, #tpu.memory_space<vmem_shared>> -> memref<100352x16xf32, #tpu.memory_space<vmem_shared>>
      tpu.wait_indirect_dma semaphore(%arg12 : memref<!tpu.dma_semaphore, #tpu.memory_space<semaphore_mem>>) src(%dma_wait3A_312 : memref<128x16xf32, #tpu.memory_space<vmem>>) dst(%dma_wait3A_318 : memref<100352x16xf32, #tpu.memory_space<vmem_shared>>)
      %dma_wait3A_319 = arith.constant 1 : i32
      %dma_wait3A_320 = arith.constant 1 : i32
      %dma_wait3A_321 = arith.constant 0 : i32
      %dma_wait3A_322 = arith.constant 0 : i32
      %dma_wait3A_323 = tpu.memref_slice %arg10[%dma_wait3A_319, %dma_wait3A_321, %dma_wait3A_322] : memref<8x128x16xf32, #tpu.memory_space<vmem>> -> memref<1x128x16xf32, #tpu.memory_space<vmem>>
      %dma_wait3A_324 = tpu.memref_squeeze %dma_wait3A_323 : memref<1x128x16xf32, #tpu.memory_space<vmem>> -> memref<128x16xf32, #tpu.memory_space<vmem>>
      %dma_wait3A_325 = arith.constant 0 : i32
      %dma_wait3A_326 = tpu.memref_slice %arg9[%dma_wait3A_320, %dma_wait3A_325] : memref<8x128xi32, #tpu.memory_space<vmem>> -> memref<1x128xi32, #tpu.memory_space<vmem>>
      %dma_wait3A_327 = tpu.memref_squeeze %dma_wait3A_326 : memref<1x128xi32, #tpu.memory_space<vmem>> -> memref<128xi32, #tpu.memory_space<vmem>>
      %dma_wait3A_328 = arith.constant 0 : i32
      %dma_wait3A_329 = arith.constant 0 : i32
      %dma_wait3A_330 = tpu.memref_slice %arg7[%dma_wait3A_328, %dma_wait3A_329] : memref<100352x16xf32, #tpu.memory_space<vmem_shared>> -> memref<100352x16xf32, #tpu.memory_space<vmem_shared>>
      tpu.wait_indirect_dma semaphore(%arg12 : memref<!tpu.dma_semaphore, #tpu.memory_space<semaphore_mem>>) src(%dma_wait3A_324 : memref<128x16xf32, #tpu.memory_space<vmem>>) dst(%dma_wait3A_330 : memref<100352x16xf32, #tpu.memory_space<vmem_shared>>)
      %dma_wait3A_331 = arith.constant 2 : i32
      %dma_wait3A_332 = arith.constant 2 : i32
      %dma_wait3A_333 = arith.constant 0 : i32
      %dma_wait3A_334 = arith.constant 0 : i32
      %dma_wait3A_335 = tpu.memref_slice %arg10[%dma_wait3A_331, %dma_wait3A_333, %dma_wait3A_334] : memref<8x128x16xf32, #tpu.memory_space<vmem>> -> memref<1x128x16xf32, #tpu.memory_space<vmem>>
      %dma_wait3A_336 = tpu.memref_squeeze %dma_wait3A_335 : memref<1x128x16xf32, #tpu.memory_space<vmem>> -> memref<128x16xf32, #tpu.memory_space<vmem>>
      %dma_wait3A_337 = arith.constant 0 : i32
      %dma_wait3A_338 = tpu.memref_slice %arg9[%dma_wait3A_332, %dma_wait3A_337] : memref<8x128xi32, #tpu.memory_space<vmem>> -> memref<1x128xi32, #tpu.memory_space<vmem>>
      %dma_wait3A_339 = tpu.memref_squeeze %dma_wait3A_338 : memref<1x128xi32, #tpu.memory_space<vmem>> -> memref<128xi32, #tpu.memory_space<vmem>>
      %dma_wait3A_340 = arith.constant 0 : i32
      %dma_wait3A_341 = arith.constant 0 : i32
      %dma_wait3A_342 = tpu.memref_slice %arg7[%dma_wait3A_340, %dma_wait3A_341] : memref<100352x16xf32, #tpu.memory_space<vmem_shared>> -> memref<100352x16xf32, #tpu.memory_space<vmem_shared>>
      tpu.wait_indirect_dma semaphore(%arg12 : memref<!tpu.dma_semaphore, #tpu.memory_space<semaphore_mem>>) src(%dma_wait3A_336 : memref<128x16xf32, #tpu.memory_space<vmem>>) dst(%dma_wait3A_342 : memref<100352x16xf32, #tpu.memory_space<vmem_shared>>)
      %dma_wait3A_343 = arith.constant 3 : i32
      %dma_wait3A_344 = arith.constant 3 : i32
      %dma_wait3A_345 = arith.constant 0 : i32
      %dma_wait3A_346 = arith.constant 0 : i32
      %dma_wait3A_347 = tpu.memref_slice %arg10[%dma_wait3A_343, %dma_wait3A_345, %dma_wait3A_346] : memref<8x128x16xf32, #tpu.memory_space<vmem>> -> memref<1x128x16xf32, #tpu.memory_space<vmem>>
      %dma_wait3A_348 = tpu.memref_squeeze %dma_wait3A_347 : memref<1x128x16xf32, #tpu.memory_space<vmem>> -> memref<128x16xf32, #tpu.memory_space<vmem>>
      %dma_wait3A_349 = arith.constant 0 : i32
      %dma_wait3A_350 = tpu.memref_slice %arg9[%dma_wait3A_344, %dma_wait3A_349] : memref<8x128xi32, #tpu.memory_space<vmem>> -> memref<1x128xi32, #tpu.memory_space<vmem>>
      %dma_wait3A_351 = tpu.memref_squeeze %dma_wait3A_350 : memref<1x128xi32, #tpu.memory_space<vmem>> -> memref<128xi32, #tpu.memory_space<vmem>>
      %dma_wait3A_352 = arith.constant 0 : i32
      %dma_wait3A_353 = arith.constant 0 : i32
      %dma_wait3A_354 = tpu.memref_slice %arg7[%dma_wait3A_352, %dma_wait3A_353] : memref<100352x16xf32, #tpu.memory_space<vmem_shared>> -> memref<100352x16xf32, #tpu.memory_space<vmem_shared>>
      tpu.wait_indirect_dma semaphore(%arg12 : memref<!tpu.dma_semaphore, #tpu.memory_space<semaphore_mem>>) src(%dma_wait3A_348 : memref<128x16xf32, #tpu.memory_space<vmem>>) dst(%dma_wait3A_354 : memref<100352x16xf32, #tpu.memory_space<vmem_shared>>)
      %dma_wait3A_355 = arith.constant 4 : i32
      %dma_wait3A_356 = arith.constant 4 : i32
      %dma_wait3A_357 = arith.constant 0 : i32
      %dma_wait3A_358 = arith.constant 0 : i32
      %dma_wait3A_359 = tpu.memref_slice %arg10[%dma_wait3A_355, %dma_wait3A_357, %dma_wait3A_358] : memref<8x128x16xf32, #tpu.memory_space<vmem>> -> memref<1x128x16xf32, #tpu.memory_space<vmem>>
      %dma_wait3A_360 = tpu.memref_squeeze %dma_wait3A_359 : memref<1x128x16xf32, #tpu.memory_space<vmem>> -> memref<128x16xf32, #tpu.memory_space<vmem>>
      %dma_wait3A_361 = arith.constant 0 : i32
      %dma_wait3A_362 = tpu.memref_slice %arg9[%dma_wait3A_356, %dma_wait3A_361] : memref<8x128xi32, #tpu.memory_space<vmem>> -> memref<1x128xi32, #tpu.memory_space<vmem>>
      %dma_wait3A_363 = tpu.memref_squeeze %dma_wait3A_362 : memref<1x128xi32, #tpu.memory_space<vmem>> -> memref<128xi32, #tpu.memory_space<vmem>>
      %dma_wait3A_364 = arith.constant 0 : i32
      %dma_wait3A_365 = arith.constant 0 : i32
      %dma_wait3A_366 = tpu.memref_slice %arg7[%dma_wait3A_364, %dma_wait3A_365] : memref<100352x16xf32, #tpu.memory_space<vmem_shared>> -> memref<100352x16xf32, #tpu.memory_space<vmem_shared>>
      tpu.wait_indirect_dma semaphore(%arg12 : memref<!tpu.dma_semaphore, #tpu.memory_space<semaphore_mem>>) src(%dma_wait3A_360 : memref<128x16xf32, #tpu.memory_space<vmem>>) dst(%dma_wait3A_366 : memref<100352x16xf32, #tpu.memory_space<vmem_shared>>)
      %dma_wait3A_367 = arith.constant 5 : i32
      %dma_wait3A_368 = arith.constant 5 : i32
      %dma_wait3A_369 = arith.constant 0 : i32
      %dma_wait3A_370 = arith.constant 0 : i32
      %dma_wait3A_371 = tpu.memref_slice %arg10[%dma_wait3A_367, %dma_wait3A_369, %dma_wait3A_370] : memref<8x128x16xf32, #tpu.memory_space<vmem>> -> memref<1x128x16xf32, #tpu.memory_space<vmem>>
      %dma_wait3A_372 = tpu.memref_squeeze %dma_wait3A_371 : memref<1x128x16xf32, #tpu.memory_space<vmem>> -> memref<128x16xf32, #tpu.memory_space<vmem>>
      %dma_wait3A_373 = arith.constant 0 : i32
      %dma_wait3A_374 = tpu.memref_slice %arg9[%dma_wait3A_368, %dma_wait3A_373] : memref<8x128xi32, #tpu.memory_space<vmem>> -> memref<1x128xi32, #tpu.memory_space<vmem>>
      %dma_wait3A_375 = tpu.memref_squeeze %dma_wait3A_374 : memref<1x128xi32, #tpu.memory_space<vmem>> -> memref<128xi32, #tpu.memory_space<vmem>>
      %dma_wait3A_376 = arith.constant 0 : i32
      %dma_wait3A_377 = arith.constant 0 : i32
      %dma_wait3A_378 = tpu.memref_slice %arg7[%dma_wait3A_376, %dma_wait3A_377] : memref<100352x16xf32, #tpu.memory_space<vmem_shared>> -> memref<100352x16xf32, #tpu.memory_space<vmem_shared>>
      tpu.wait_indirect_dma semaphore(%arg12 : memref<!tpu.dma_semaphore, #tpu.memory_space<semaphore_mem>>) src(%dma_wait3A_372 : memref<128x16xf32, #tpu.memory_space<vmem>>) dst(%dma_wait3A_378 : memref<100352x16xf32, #tpu.memory_space<vmem_shared>>)
      %dma_wait3A_379 = arith.constant 6 : i32
      %dma_wait3A_380 = arith.constant 6 : i32
      %dma_wait3A_381 = arith.constant 0 : i32
      %dma_wait3A_382 = arith.constant 0 : i32
      %dma_wait3A_383 = tpu.memref_slice %arg10[%dma_wait3A_379, %dma_wait3A_381, %dma_wait3A_382] : memref<8x128x16xf32, #tpu.memory_space<vmem>> -> memref<1x128x16xf32, #tpu.memory_space<vmem>>
      %dma_wait3A_384 = tpu.memref_squeeze %dma_wait3A_383 : memref<1x128x16xf32, #tpu.memory_space<vmem>> -> memref<128x16xf32, #tpu.memory_space<vmem>>
      %dma_wait3A_385 = arith.constant 0 : i32
      %dma_wait3A_386 = tpu.memref_slice %arg9[%dma_wait3A_380, %dma_wait3A_385] : memref<8x128xi32, #tpu.memory_space<vmem>> -> memref<1x128xi32, #tpu.memory_space<vmem>>
      %dma_wait3A_387 = tpu.memref_squeeze %dma_wait3A_386 : memref<1x128xi32, #tpu.memory_space<vmem>> -> memref<128xi32, #tpu.memory_space<vmem>>
      %dma_wait3A_388 = arith.constant 0 : i32
      %dma_wait3A_389 = arith.constant 0 : i32
      %dma_wait3A_390 = tpu.memref_slice %arg7[%dma_wait3A_388, %dma_wait3A_389] : memref<100352x16xf32, #tpu.memory_space<vmem_shared>> -> memref<100352x16xf32, #tpu.memory_space<vmem_shared>>
      tpu.wait_indirect_dma semaphore(%arg12 : memref<!tpu.dma_semaphore, #tpu.memory_space<semaphore_mem>>) src(%dma_wait3A_384 : memref<128x16xf32, #tpu.memory_space<vmem>>) dst(%dma_wait3A_390 : memref<100352x16xf32, #tpu.memory_space<vmem_shared>>)
      %dma_wait3A_391 = arith.constant 7 : i32
      %dma_wait3A_392 = arith.constant 7 : i32
      %dma_wait3A_393 = arith.constant 0 : i32
      %dma_wait3A_394 = arith.constant 0 : i32
      %dma_wait3A_395 = tpu.memref_slice %arg10[%dma_wait3A_391, %dma_wait3A_393, %dma_wait3A_394] : memref<8x128x16xf32, #tpu.memory_space<vmem>> -> memref<1x128x16xf32, #tpu.memory_space<vmem>>
      %dma_wait3A_396 = tpu.memref_squeeze %dma_wait3A_395 : memref<1x128x16xf32, #tpu.memory_space<vmem>> -> memref<128x16xf32, #tpu.memory_space<vmem>>
      %dma_wait3A_397 = arith.constant 0 : i32
      %dma_wait3A_398 = tpu.memref_slice %arg9[%dma_wait3A_392, %dma_wait3A_397] : memref<8x128xi32, #tpu.memory_space<vmem>> -> memref<1x128xi32, #tpu.memory_space<vmem>>
      %dma_wait3A_399 = tpu.memref_squeeze %dma_wait3A_398 : memref<1x128xi32, #tpu.memory_space<vmem>> -> memref<128xi32, #tpu.memory_space<vmem>>
      %dma_wait3A_400 = arith.constant 0 : i32
      %dma_wait3A_401 = arith.constant 0 : i32
      %dma_wait3A_402 = tpu.memref_slice %arg7[%dma_wait3A_400, %dma_wait3A_401] : memref<100352x16xf32, #tpu.memory_space<vmem_shared>> -> memref<100352x16xf32, #tpu.memory_space<vmem_shared>>
      tpu.wait_indirect_dma semaphore(%arg12 : memref<!tpu.dma_semaphore, #tpu.memory_space<semaphore_mem>>) src(%dma_wait3A_396 : memref<128x16xf32, #tpu.memory_space<vmem>>) dst(%dma_wait3A_402 : memref<100352x16xf32, #tpu.memory_space<vmem_shared>>)
    }
    %scan3A_9 = arith.constant 49 : i32
    %barrier3A_10 = arith.constant 0 : index
    tpu.barrier barrier_id(%barrier3A_10)
    %mul3A_11 = arith.constant 6272 : i32
    %mul3A_12 = arith.muli %arg1, %mul3A_11 : i32
    %mul3A_13 = arith.constant 6272 : i32
    %mul3A_14 = arith.muli %arg1, %mul3A_13 : i32
    "tpu.region"() ({
      %run_scoped3A = tpu.sem_alloc : memref<!tpu.dma_semaphore, #tpu.memory_space<semaphore_mem>>
      %dma_start3A = arith.constant 0 : i32
      %dma_start3A_15 = tpu.memref_slice %arg6[%arg0, %mul3A_14, %dma_start3A] : memref<2x100352x16xf32, #tpu.memory_space<hbm>> -> memref<1x6272x16xf32, #tpu.memory_space<hbm>>
      %dma_start3A_16 = tpu.memref_squeeze %dma_start3A_15 : memref<1x6272x16xf32, #tpu.memory_space<hbm>> -> memref<6272x16xf32, #tpu.memory_space<hbm>>
      %dma_start3A_17 = arith.constant 0 : i32
      %dma_start3A_18 = tpu.memref_slice %arg7[%mul3A_12, %dma_start3A_17] : memref<100352x16xf32, #tpu.memory_space<vmem_shared>> -> memref<6272x16xf32, #tpu.memory_space<vmem_shared>>
      tpu.enqueue_dma source(%dma_start3A_18 : memref<6272x16xf32, #tpu.memory_space<vmem_shared>>) target(%dma_start3A_16 : memref<6272x16xf32, #tpu.memory_space<hbm>>) target_semaphore(%run_scoped3A : memref<!tpu.dma_semaphore, #tpu.memory_space<semaphore_mem>>)
      %dma_wait3A = arith.constant 0 : i32
      %dma_wait3A_19 = tpu.memref_slice %arg6[%arg0, %mul3A_14, %dma_wait3A] : memref<2x100352x16xf32, #tpu.memory_space<hbm>> -> memref<1x6272x16xf32, #tpu.memory_space<hbm>>
      %dma_wait3A_20 = tpu.memref_squeeze %dma_wait3A_19 : memref<1x6272x16xf32, #tpu.memory_space<hbm>> -> memref<6272x16xf32, #tpu.memory_space<hbm>>
      %dma_wait3A_21 = arith.constant 0 : i32
      %dma_wait3A_22 = tpu.memref_slice %arg7[%mul3A_12, %dma_wait3A_21] : memref<100352x16xf32, #tpu.memory_space<vmem_shared>> -> memref<6272x16xf32, #tpu.memory_space<vmem_shared>>
      tpu.wait_dma2 semaphore(%run_scoped3A : memref<!tpu.dma_semaphore, #tpu.memory_space<semaphore_mem>>) src(%dma_wait3A_22 : memref<6272x16xf32, #tpu.memory_space<vmem_shared>>) dst(%dma_wait3A_20 : memref<6272x16xf32, #tpu.memory_space<hbm>>)
      tpu.yield
    }) : () -> ()
    return
  }
}

#map = affine_map<(d0, d1) -> (0, 0)>
#map1 = affine_map<(d0, d1) -> (0, 0, 0)>
module attributes {stable_mosaic.version = 14 : i64} {
  func.func @_agg(%arg0: i32, %arg1: i32, %arg2: memref<100352x16xf32, #tpu.memory_space<hbm>>, %arg3: memref<12544x128xi32, #tpu.memory_space<hbm>>, %arg4: memref<12544x128xi32, #tpu.memory_space<hbm>>, %arg5: memref<100352x16xf32, #tpu.memory_space<hbm>>, %arg6: memref<2x100352x16xf32, #tpu.memory_space<hbm>>, %arg7: memref<100352x16xf32, #tpu.memory_space<vmem_shared>>, %arg8: memref<8x128xi32, #tpu.memory_space<vmem>>, %arg9: memref<8x128xi32, #tpu.memory_space<vmem>>, %arg10: memref<8x128x16xf32, #tpu.memory_space<vmem>>, %arg11: memref<!tpu.dma_semaphore, #tpu.memory_space<semaphore_mem>>, %arg12: memref<!tpu.dma_semaphore, #tpu.memory_space<semaphore_mem>>) attributes {dimension_semantics = [#tpu.dimension_semantics<core_parallel>, #tpu.dimension_semantics<subcore_parallel>], iteration_bounds = array<i64: 2, 16>, scalar_prefetch = 0 : i64, scratch_operands = 6 : i64, tpu.core_type = #tpu.core_type<sc_vector_subcore>, window_params = [{transform_indices = #map}, {transform_indices = #map}, {transform_indices = #map}, {transform_indices = #map}, {transform_indices = #map1}]} {
    %mul3A = arith.constant 2 : i32
    %mul3A_0 = arith.muli %arg1, %mul3A : i32
    %add3A = arith.addi %mul3A_0, %arg0 : i32
    %mul3A_1 = arith.constant 6272 : i32
    %mul3A_2 = arith.muli %arg1, %mul3A_1 : i32
    %mul3A_3 = arith.constant 6272 : i32
    %mul3A_4 = arith.muli %arg1, %mul3A_3 : i32
    "tpu.region"() ({
      %run_scoped3A = tpu.sem_alloc : memref<!tpu.dma_semaphore, #tpu.memory_space<semaphore_mem>>
      %dma_start3A = arith.constant 0 : i32
      %dma_start3A_15 = tpu.memref_slice %arg7[%mul3A_4, %dma_start3A] : memref<100352x16xf32, #tpu.memory_space<vmem_shared>> -> memref<6272x16xf32, #tpu.memory_space<vmem_shared>>
      %dma_start3A_16 = arith.constant 0 : i32
      %dma_start3A_17 = tpu.memref_slice %arg5[%mul3A_2, %dma_start3A_16] : memref<100352x16xf32, #tpu.memory_space<hbm>> -> memref<6272x16xf32, #tpu.memory_space<hbm>>
      tpu.enqueue_dma source(%dma_start3A_17 : memref<6272x16xf32, #tpu.memory_space<hbm>>) target(%dma_start3A_15 : memref<6272x16xf32, #tpu.memory_space<vmem_shared>>) target_semaphore(%run_scoped3A : memref<!tpu.dma_semaphore, #tpu.memory_space<semaphore_mem>>)
      %dma_wait3A = arith.constant 0 : i32
      %dma_wait3A_18 = tpu.memref_slice %arg7[%mul3A_4, %dma_wait3A] : memref<100352x16xf32, #tpu.memory_space<vmem_shared>> -> memref<6272x16xf32, #tpu.memory_space<vmem_shared>>
      %dma_wait3A_19 = arith.constant 0 : i32
      %dma_wait3A_20 = tpu.memref_slice %arg5[%mul3A_2, %dma_wait3A_19] : memref<100352x16xf32, #tpu.memory_space<hbm>> -> memref<6272x16xf32, #tpu.memory_space<hbm>>
      tpu.wait_dma2 semaphore(%run_scoped3A : memref<!tpu.dma_semaphore, #tpu.memory_space<semaphore_mem>>) src(%dma_wait3A_20 : memref<6272x16xf32, #tpu.memory_space<hbm>>) dst(%dma_wait3A_18 : memref<6272x16xf32, #tpu.memory_space<vmem_shared>>)
      tpu.yield
    }) : () -> ()
    %barrier3A = arith.constant 0 : index
    tpu.barrier barrier_id(%barrier3A)
    %scan3A = arith.constant 0 : i32
    %scan3A_5 = arith.constant 0 : i32
    %scan3A_6 = arith.constant 49 : i32
    %scan3A_7 = arith.addi %scan3A_5, %scan3A_6 : i32
    %scan3A_8 = arith.constant 1 : i32
    scf.for %scan3A_15 = %scan3A_5 to %scan3A_7 step %scan3A_8  : i32 {
      %mul3A_16 = arith.constant 392 : i32
      %mul3A_17 = arith.muli %add3A, %mul3A_16 : i32
      %mul3A_18 = arith.constant 8 : i32
      %mul3A_19 = arith.muli %scan3A_15, %mul3A_18 : i32
      %add3A_20 = arith.addi %mul3A_17, %mul3A_19 : i32
      "tpu.region"() ({
        %run_scoped3A = tpu.sem_alloc : memref<!tpu.dma_semaphore, #tpu.memory_space<semaphore_mem>>
        %dma_start3A_403 = arith.constant 0 : i32
        %dma_start3A_404 = tpu.memref_slice %arg3[%add3A_20, %dma_start3A_403] : memref<12544x128xi32, #tpu.memory_space<hbm>> -> memref<8x128xi32, #tpu.memory_space<hbm>>
        %dma_start3A_405 = arith.constant 0 : i32
        %dma_start3A_406 = tpu.memref_slice %arg3[%add3A_20, %dma_start3A_405] : memref<12544x128xi32, #tpu.memory_space<hbm>> -> memref<8x128xi32, #tpu.memory_space<hbm>>
        tpu.enqueue_dma source(%dma_start3A_406 : memref<8x128xi32, #tpu.memory_space<hbm>>) target(%arg8 : memref<8x128xi32, #tpu.memory_space<vmem>>) target_semaphore(%run_scoped3A : memref<!tpu.dma_semaphore, #tpu.memory_space<semaphore_mem>>)
        %dma_wait3A_407 = arith.constant 0 : i32
        %dma_wait3A_408 = tpu.memref_slice %arg3[%add3A_20, %dma_wait3A_407] : memref<12544x128xi32, #tpu.memory_space<hbm>> -> memref<8x128xi32, #tpu.memory_space<hbm>>
        %dma_wait3A_409 = arith.constant 0 : i32
        %dma_wait3A_410 = tpu.memref_slice %arg3[%add3A_20, %dma_wait3A_409] : memref<12544x128xi32, #tpu.memory_space<hbm>> -> memref<8x128xi32, #tpu.memory_space<hbm>>
        tpu.wait_dma2 semaphore(%run_scoped3A : memref<!tpu.dma_semaphore, #tpu.memory_space<semaphore_mem>>) src(%dma_wait3A_410 : memref<8x128xi32, #tpu.memory_space<hbm>>) dst(%arg8 : memref<8x128xi32, #tpu.memory_space<vmem>>)
        tpu.yield
      }) : () -> ()
      "tpu.region"() ({
        %run_scoped3A = tpu.sem_alloc : memref<!tpu.dma_semaphore, #tpu.memory_space<semaphore_mem>>
        %dma_start3A_403 = arith.constant 0 : i32
        %dma_start3A_404 = tpu.memref_slice %arg4[%add3A_20, %dma_start3A_403] : memref<12544x128xi32, #tpu.memory_space<hbm>> -> memref<8x128xi32, #tpu.memory_space<hbm>>
        %dma_start3A_405 = arith.constant 0 : i32
        %dma_start3A_406 = tpu.memref_slice %arg4[%add3A_20, %dma_start3A_405] : memref<12544x128xi32, #tpu.memory_space<hbm>> -> memref<8x128xi32, #tpu.memory_space<hbm>>
        tpu.enqueue_dma source(%dma_start3A_406 : memref<8x128xi32, #tpu.memory_space<hbm>>) target(%arg9 : memref<8x128xi32, #tpu.memory_space<vmem>>) target_semaphore(%run_scoped3A : memref<!tpu.dma_semaphore, #tpu.memory_space<semaphore_mem>>)
        %dma_wait3A_407 = arith.constant 0 : i32
        %dma_wait3A_408 = tpu.memref_slice %arg4[%add3A_20, %dma_wait3A_407] : memref<12544x128xi32, #tpu.memory_space<hbm>> -> memref<8x128xi32, #tpu.memory_space<hbm>>
        %dma_wait3A_409 = arith.constant 0 : i32
        %dma_wait3A_410 = tpu.memref_slice %arg4[%add3A_20, %dma_wait3A_409] : memref<12544x128xi32, #tpu.memory_space<hbm>> -> memref<8x128xi32, #tpu.memory_space<hbm>>
        tpu.wait_dma2 semaphore(%run_scoped3A : memref<!tpu.dma_semaphore, #tpu.memory_space<semaphore_mem>>) src(%dma_wait3A_410 : memref<8x128xi32, #tpu.memory_space<hbm>>) dst(%arg9 : memref<8x128xi32, #tpu.memory_space<vmem>>)
        tpu.yield
      }) : () -> ()
      %dma_start3A = arith.constant 0 : i32
      %dma_start3A_21 = arith.constant 0 : i32
      %dma_start3A_22 = arith.constant 0 : i32
      %dma_start3A_23 = arith.constant 0 : i32
      %dma_start3A_24 = tpu.memref_slice %arg10[%dma_start3A_21, %dma_start3A_22, %dma_start3A_23] : memref<8x128x16xf32, #tpu.memory_space<vmem>> -> memref<1x128x16xf32, #tpu.memory_space<vmem>>
      %dma_start3A_25 = tpu.memref_squeeze %dma_start3A_24 : memref<1x128x16xf32, #tpu.memory_space<vmem>> -> memref<128x16xf32, #tpu.memory_space<vmem>>
      %dma_start3A_26 = arith.constant 0 : i32
      %dma_start3A_27 = tpu.memref_slice %arg8[%dma_start3A, %dma_start3A_26] : memref<8x128xi32, #tpu.memory_space<vmem>> -> memref<1x128xi32, #tpu.memory_space<vmem>>
      %dma_start3A_28 = tpu.memref_squeeze %dma_start3A_27 : memref<1x128xi32, #tpu.memory_space<vmem>> -> memref<128xi32, #tpu.memory_space<vmem>>
      %dma_start3A_29 = arith.constant 0 : i32
      %dma_start3A_30 = arith.constant 0 : i32
      %dma_start3A_31 = tpu.memref_slice %arg2[%dma_start3A_29, %dma_start3A_30] : memref<100352x16xf32, #tpu.memory_space<hbm>> -> memref<100352x16xf32, #tpu.memory_space<hbm>>
      tpu.enqueue_indirect_dma source(%dma_start3A_31 : memref<100352x16xf32, #tpu.memory_space<hbm>>) target(%dma_start3A_25 : memref<128x16xf32, #tpu.memory_space<vmem>>) offsets(%dma_start3A_28 : memref<128xi32, #tpu.memory_space<vmem>>) semaphore(%arg11 : memref<!tpu.dma_semaphore, #tpu.memory_space<semaphore_mem>>)
      %dma_start3A_32 = arith.constant 1 : i32
      %dma_start3A_33 = arith.constant 1 : i32
      %dma_start3A_34 = arith.constant 0 : i32
      %dma_start3A_35 = arith.constant 0 : i32
      %dma_start3A_36 = tpu.memref_slice %arg10[%dma_start3A_33, %dma_start3A_34, %dma_start3A_35] : memref<8x128x16xf32, #tpu.memory_space<vmem>> -> memref<1x128x16xf32, #tpu.memory_space<vmem>>
      %dma_start3A_37 = tpu.memref_squeeze %dma_start3A_36 : memref<1x128x16xf32, #tpu.memory_space<vmem>> -> memref<128x16xf32, #tpu.memory_space<vmem>>
      %dma_start3A_38 = arith.constant 0 : i32
      %dma_start3A_39 = tpu.memref_slice %arg8[%dma_start3A_32, %dma_start3A_38] : memref<8x128xi32, #tpu.memory_space<vmem>> -> memref<1x128xi32, #tpu.memory_space<vmem>>
      %dma_start3A_40 = tpu.memref_squeeze %dma_start3A_39 : memref<1x128xi32, #tpu.memory_space<vmem>> -> memref<128xi32, #tpu.memory_space<vmem>>
      %dma_start3A_41 = arith.constant 0 : i32
      %dma_start3A_42 = arith.constant 0 : i32
      %dma_start3A_43 = tpu.memref_slice %arg2[%dma_start3A_41, %dma_start3A_42] : memref<100352x16xf32, #tpu.memory_space<hbm>> -> memref<100352x16xf32, #tpu.memory_space<hbm>>
      tpu.enqueue_indirect_dma source(%dma_start3A_43 : memref<100352x16xf32, #tpu.memory_space<hbm>>) target(%dma_start3A_37 : memref<128x16xf32, #tpu.memory_space<vmem>>) offsets(%dma_start3A_40 : memref<128xi32, #tpu.memory_space<vmem>>) semaphore(%arg11 : memref<!tpu.dma_semaphore, #tpu.memory_space<semaphore_mem>>)
      %dma_start3A_44 = arith.constant 2 : i32
      %dma_start3A_45 = arith.constant 2 : i32
      %dma_start3A_46 = arith.constant 0 : i32
      %dma_start3A_47 = arith.constant 0 : i32
      %dma_start3A_48 = tpu.memref_slice %arg10[%dma_start3A_45, %dma_start3A_46, %dma_start3A_47] : memref<8x128x16xf32, #tpu.memory_space<vmem>> -> memref<1x128x16xf32, #tpu.memory_space<vmem>>
      %dma_start3A_49 = tpu.memref_squeeze %dma_start3A_48 : memref<1x128x16xf32, #tpu.memory_space<vmem>> -> memref<128x16xf32, #tpu.memory_space<vmem>>
      %dma_start3A_50 = arith.constant 0 : i32
      %dma_start3A_51 = tpu.memref_slice %arg8[%dma_start3A_44, %dma_start3A_50] : memref<8x128xi32, #tpu.memory_space<vmem>> -> memref<1x128xi32, #tpu.memory_space<vmem>>
      %dma_start3A_52 = tpu.memref_squeeze %dma_start3A_51 : memref<1x128xi32, #tpu.memory_space<vmem>> -> memref<128xi32, #tpu.memory_space<vmem>>
      %dma_start3A_53 = arith.constant 0 : i32
      %dma_start3A_54 = arith.constant 0 : i32
      %dma_start3A_55 = tpu.memref_slice %arg2[%dma_start3A_53, %dma_start3A_54] : memref<100352x16xf32, #tpu.memory_space<hbm>> -> memref<100352x16xf32, #tpu.memory_space<hbm>>
      tpu.enqueue_indirect_dma source(%dma_start3A_55 : memref<100352x16xf32, #tpu.memory_space<hbm>>) target(%dma_start3A_49 : memref<128x16xf32, #tpu.memory_space<vmem>>) offsets(%dma_start3A_52 : memref<128xi32, #tpu.memory_space<vmem>>) semaphore(%arg11 : memref<!tpu.dma_semaphore, #tpu.memory_space<semaphore_mem>>)
      %dma_start3A_56 = arith.constant 3 : i32
      %dma_start3A_57 = arith.constant 3 : i32
      %dma_start3A_58 = arith.constant 0 : i32
      %dma_start3A_59 = arith.constant 0 : i32
      %dma_start3A_60 = tpu.memref_slice %arg10[%dma_start3A_57, %dma_start3A_58, %dma_start3A_59] : memref<8x128x16xf32, #tpu.memory_space<vmem>> -> memref<1x128x16xf32, #tpu.memory_space<vmem>>
      %dma_start3A_61 = tpu.memref_squeeze %dma_start3A_60 : memref<1x128x16xf32, #tpu.memory_space<vmem>> -> memref<128x16xf32, #tpu.memory_space<vmem>>
      %dma_start3A_62 = arith.constant 0 : i32
      %dma_start3A_63 = tpu.memref_slice %arg8[%dma_start3A_56, %dma_start3A_62] : memref<8x128xi32, #tpu.memory_space<vmem>> -> memref<1x128xi32, #tpu.memory_space<vmem>>
      %dma_start3A_64 = tpu.memref_squeeze %dma_start3A_63 : memref<1x128xi32, #tpu.memory_space<vmem>> -> memref<128xi32, #tpu.memory_space<vmem>>
      %dma_start3A_65 = arith.constant 0 : i32
      %dma_start3A_66 = arith.constant 0 : i32
      %dma_start3A_67 = tpu.memref_slice %arg2[%dma_start3A_65, %dma_start3A_66] : memref<100352x16xf32, #tpu.memory_space<hbm>> -> memref<100352x16xf32, #tpu.memory_space<hbm>>
      tpu.enqueue_indirect_dma source(%dma_start3A_67 : memref<100352x16xf32, #tpu.memory_space<hbm>>) target(%dma_start3A_61 : memref<128x16xf32, #tpu.memory_space<vmem>>) offsets(%dma_start3A_64 : memref<128xi32, #tpu.memory_space<vmem>>) semaphore(%arg11 : memref<!tpu.dma_semaphore, #tpu.memory_space<semaphore_mem>>)
      %dma_start3A_68 = arith.constant 4 : i32
      %dma_start3A_69 = arith.constant 4 : i32
      %dma_start3A_70 = arith.constant 0 : i32
      %dma_start3A_71 = arith.constant 0 : i32
      %dma_start3A_72 = tpu.memref_slice %arg10[%dma_start3A_69, %dma_start3A_70, %dma_start3A_71] : memref<8x128x16xf32, #tpu.memory_space<vmem>> -> memref<1x128x16xf32, #tpu.memory_space<vmem>>
      %dma_start3A_73 = tpu.memref_squeeze %dma_start3A_72 : memref<1x128x16xf32, #tpu.memory_space<vmem>> -> memref<128x16xf32, #tpu.memory_space<vmem>>
      %dma_start3A_74 = arith.constant 0 : i32
      %dma_start3A_75 = tpu.memref_slice %arg8[%dma_start3A_68, %dma_start3A_74] : memref<8x128xi32, #tpu.memory_space<vmem>> -> memref<1x128xi32, #tpu.memory_space<vmem>>
      %dma_start3A_76 = tpu.memref_squeeze %dma_start3A_75 : memref<1x128xi32, #tpu.memory_space<vmem>> -> memref<128xi32, #tpu.memory_space<vmem>>
      %dma_start3A_77 = arith.constant 0 : i32
      %dma_start3A_78 = arith.constant 0 : i32
      %dma_start3A_79 = tpu.memref_slice %arg2[%dma_start3A_77, %dma_start3A_78] : memref<100352x16xf32, #tpu.memory_space<hbm>> -> memref<100352x16xf32, #tpu.memory_space<hbm>>
      tpu.enqueue_indirect_dma source(%dma_start3A_79 : memref<100352x16xf32, #tpu.memory_space<hbm>>) target(%dma_start3A_73 : memref<128x16xf32, #tpu.memory_space<vmem>>) offsets(%dma_start3A_76 : memref<128xi32, #tpu.memory_space<vmem>>) semaphore(%arg11 : memref<!tpu.dma_semaphore, #tpu.memory_space<semaphore_mem>>)
      %dma_start3A_80 = arith.constant 5 : i32
      %dma_start3A_81 = arith.constant 5 : i32
      %dma_start3A_82 = arith.constant 0 : i32
      %dma_start3A_83 = arith.constant 0 : i32
      %dma_start3A_84 = tpu.memref_slice %arg10[%dma_start3A_81, %dma_start3A_82, %dma_start3A_83] : memref<8x128x16xf32, #tpu.memory_space<vmem>> -> memref<1x128x16xf32, #tpu.memory_space<vmem>>
      %dma_start3A_85 = tpu.memref_squeeze %dma_start3A_84 : memref<1x128x16xf32, #tpu.memory_space<vmem>> -> memref<128x16xf32, #tpu.memory_space<vmem>>
      %dma_start3A_86 = arith.constant 0 : i32
      %dma_start3A_87 = tpu.memref_slice %arg8[%dma_start3A_80, %dma_start3A_86] : memref<8x128xi32, #tpu.memory_space<vmem>> -> memref<1x128xi32, #tpu.memory_space<vmem>>
      %dma_start3A_88 = tpu.memref_squeeze %dma_start3A_87 : memref<1x128xi32, #tpu.memory_space<vmem>> -> memref<128xi32, #tpu.memory_space<vmem>>
      %dma_start3A_89 = arith.constant 0 : i32
      %dma_start3A_90 = arith.constant 0 : i32
      %dma_start3A_91 = tpu.memref_slice %arg2[%dma_start3A_89, %dma_start3A_90] : memref<100352x16xf32, #tpu.memory_space<hbm>> -> memref<100352x16xf32, #tpu.memory_space<hbm>>
      tpu.enqueue_indirect_dma source(%dma_start3A_91 : memref<100352x16xf32, #tpu.memory_space<hbm>>) target(%dma_start3A_85 : memref<128x16xf32, #tpu.memory_space<vmem>>) offsets(%dma_start3A_88 : memref<128xi32, #tpu.memory_space<vmem>>) semaphore(%arg11 : memref<!tpu.dma_semaphore, #tpu.memory_space<semaphore_mem>>)
      %dma_start3A_92 = arith.constant 6 : i32
      %dma_start3A_93 = arith.constant 6 : i32
      %dma_start3A_94 = arith.constant 0 : i32
      %dma_start3A_95 = arith.constant 0 : i32
      %dma_start3A_96 = tpu.memref_slice %arg10[%dma_start3A_93, %dma_start3A_94, %dma_start3A_95] : memref<8x128x16xf32, #tpu.memory_space<vmem>> -> memref<1x128x16xf32, #tpu.memory_space<vmem>>
      %dma_start3A_97 = tpu.memref_squeeze %dma_start3A_96 : memref<1x128x16xf32, #tpu.memory_space<vmem>> -> memref<128x16xf32, #tpu.memory_space<vmem>>
      %dma_start3A_98 = arith.constant 0 : i32
      %dma_start3A_99 = tpu.memref_slice %arg8[%dma_start3A_92, %dma_start3A_98] : memref<8x128xi32, #tpu.memory_space<vmem>> -> memref<1x128xi32, #tpu.memory_space<vmem>>
      %dma_start3A_100 = tpu.memref_squeeze %dma_start3A_99 : memref<1x128xi32, #tpu.memory_space<vmem>> -> memref<128xi32, #tpu.memory_space<vmem>>
      %dma_start3A_101 = arith.constant 0 : i32
      %dma_start3A_102 = arith.constant 0 : i32
      %dma_start3A_103 = tpu.memref_slice %arg2[%dma_start3A_101, %dma_start3A_102] : memref<100352x16xf32, #tpu.memory_space<hbm>> -> memref<100352x16xf32, #tpu.memory_space<hbm>>
      tpu.enqueue_indirect_dma source(%dma_start3A_103 : memref<100352x16xf32, #tpu.memory_space<hbm>>) target(%dma_start3A_97 : memref<128x16xf32, #tpu.memory_space<vmem>>) offsets(%dma_start3A_100 : memref<128xi32, #tpu.memory_space<vmem>>) semaphore(%arg11 : memref<!tpu.dma_semaphore, #tpu.memory_space<semaphore_mem>>)
      %dma_start3A_104 = arith.constant 7 : i32
      %dma_start3A_105 = arith.constant 7 : i32
      %dma_start3A_106 = arith.constant 0 : i32
      %dma_start3A_107 = arith.constant 0 : i32
      %dma_start3A_108 = tpu.memref_slice %arg10[%dma_start3A_105, %dma_start3A_106, %dma_start3A_107] : memref<8x128x16xf32, #tpu.memory_space<vmem>> -> memref<1x128x16xf32, #tpu.memory_space<vmem>>
      %dma_start3A_109 = tpu.memref_squeeze %dma_start3A_108 : memref<1x128x16xf32, #tpu.memory_space<vmem>> -> memref<128x16xf32, #tpu.memory_space<vmem>>
      %dma_start3A_110 = arith.constant 0 : i32
      %dma_start3A_111 = tpu.memref_slice %arg8[%dma_start3A_104, %dma_start3A_110] : memref<8x128xi32, #tpu.memory_space<vmem>> -> memref<1x128xi32, #tpu.memory_space<vmem>>
      %dma_start3A_112 = tpu.memref_squeeze %dma_start3A_111 : memref<1x128xi32, #tpu.memory_space<vmem>> -> memref<128xi32, #tpu.memory_space<vmem>>
      %dma_start3A_113 = arith.constant 0 : i32
      %dma_start3A_114 = arith.constant 0 : i32
      %dma_start3A_115 = tpu.memref_slice %arg2[%dma_start3A_113, %dma_start3A_114] : memref<100352x16xf32, #tpu.memory_space<hbm>> -> memref<100352x16xf32, #tpu.memory_space<hbm>>
      tpu.enqueue_indirect_dma source(%dma_start3A_115 : memref<100352x16xf32, #tpu.memory_space<hbm>>) target(%dma_start3A_109 : memref<128x16xf32, #tpu.memory_space<vmem>>) offsets(%dma_start3A_112 : memref<128xi32, #tpu.memory_space<vmem>>) semaphore(%arg11 : memref<!tpu.dma_semaphore, #tpu.memory_space<semaphore_mem>>)
      %dma_wait3A = arith.constant 0 : i32
      %dma_wait3A_116 = arith.constant 0 : i32
      %dma_wait3A_117 = arith.constant 0 : i32
      %dma_wait3A_118 = arith.constant 0 : i32
      %dma_wait3A_119 = tpu.memref_slice %arg10[%dma_wait3A_116, %dma_wait3A_117, %dma_wait3A_118] : memref<8x128x16xf32, #tpu.memory_space<vmem>> -> memref<1x128x16xf32, #tpu.memory_space<vmem>>
      %dma_wait3A_120 = tpu.memref_squeeze %dma_wait3A_119 : memref<1x128x16xf32, #tpu.memory_space<vmem>> -> memref<128x16xf32, #tpu.memory_space<vmem>>
      %dma_wait3A_121 = arith.constant 0 : i32
      %dma_wait3A_122 = tpu.memref_slice %arg8[%dma_wait3A, %dma_wait3A_121] : memref<8x128xi32, #tpu.memory_space<vmem>> -> memref<1x128xi32, #tpu.memory_space<vmem>>
      %dma_wait3A_123 = tpu.memref_squeeze %dma_wait3A_122 : memref<1x128xi32, #tpu.memory_space<vmem>> -> memref<128xi32, #tpu.memory_space<vmem>>
      %dma_wait3A_124 = arith.constant 0 : i32
      %dma_wait3A_125 = arith.constant 0 : i32
      %dma_wait3A_126 = tpu.memref_slice %arg2[%dma_wait3A_124, %dma_wait3A_125] : memref<100352x16xf32, #tpu.memory_space<hbm>> -> memref<100352x16xf32, #tpu.memory_space<hbm>>
      tpu.wait_indirect_dma semaphore(%arg11 : memref<!tpu.dma_semaphore, #tpu.memory_space<semaphore_mem>>) src(%dma_wait3A_126 : memref<100352x16xf32, #tpu.memory_space<hbm>>) dst(%dma_wait3A_120 : memref<128x16xf32, #tpu.memory_space<vmem>>)
      %dma_wait3A_127 = arith.constant 1 : i32
      %dma_wait3A_128 = arith.constant 1 : i32
      %dma_wait3A_129 = arith.constant 0 : i32
      %dma_wait3A_130 = arith.constant 0 : i32
      %dma_wait3A_131 = tpu.memref_slice %arg10[%dma_wait3A_128, %dma_wait3A_129, %dma_wait3A_130] : memref<8x128x16xf32, #tpu.memory_space<vmem>> -> memref<1x128x16xf32, #tpu.memory_space<vmem>>
      %dma_wait3A_132 = tpu.memref_squeeze %dma_wait3A_131 : memref<1x128x16xf32, #tpu.memory_space<vmem>> -> memref<128x16xf32, #tpu.memory_space<vmem>>
      %dma_wait3A_133 = arith.constant 0 : i32
      %dma_wait3A_134 = tpu.memref_slice %arg8[%dma_wait3A_127, %dma_wait3A_133] : memref<8x128xi32, #tpu.memory_space<vmem>> -> memref<1x128xi32, #tpu.memory_space<vmem>>
      %dma_wait3A_135 = tpu.memref_squeeze %dma_wait3A_134 : memref<1x128xi32, #tpu.memory_space<vmem>> -> memref<128xi32, #tpu.memory_space<vmem>>
      %dma_wait3A_136 = arith.constant 0 : i32
      %dma_wait3A_137 = arith.constant 0 : i32
      %dma_wait3A_138 = tpu.memref_slice %arg2[%dma_wait3A_136, %dma_wait3A_137] : memref<100352x16xf32, #tpu.memory_space<hbm>> -> memref<100352x16xf32, #tpu.memory_space<hbm>>
      tpu.wait_indirect_dma semaphore(%arg11 : memref<!tpu.dma_semaphore, #tpu.memory_space<semaphore_mem>>) src(%dma_wait3A_138 : memref<100352x16xf32, #tpu.memory_space<hbm>>) dst(%dma_wait3A_132 : memref<128x16xf32, #tpu.memory_space<vmem>>)
      %dma_wait3A_139 = arith.constant 2 : i32
      %dma_wait3A_140 = arith.constant 2 : i32
      %dma_wait3A_141 = arith.constant 0 : i32
      %dma_wait3A_142 = arith.constant 0 : i32
      %dma_wait3A_143 = tpu.memref_slice %arg10[%dma_wait3A_140, %dma_wait3A_141, %dma_wait3A_142] : memref<8x128x16xf32, #tpu.memory_space<vmem>> -> memref<1x128x16xf32, #tpu.memory_space<vmem>>
      %dma_wait3A_144 = tpu.memref_squeeze %dma_wait3A_143 : memref<1x128x16xf32, #tpu.memory_space<vmem>> -> memref<128x16xf32, #tpu.memory_space<vmem>>
      %dma_wait3A_145 = arith.constant 0 : i32
      %dma_wait3A_146 = tpu.memref_slice %arg8[%dma_wait3A_139, %dma_wait3A_145] : memref<8x128xi32, #tpu.memory_space<vmem>> -> memref<1x128xi32, #tpu.memory_space<vmem>>
      %dma_wait3A_147 = tpu.memref_squeeze %dma_wait3A_146 : memref<1x128xi32, #tpu.memory_space<vmem>> -> memref<128xi32, #tpu.memory_space<vmem>>
      %dma_wait3A_148 = arith.constant 0 : i32
      %dma_wait3A_149 = arith.constant 0 : i32
      %dma_wait3A_150 = tpu.memref_slice %arg2[%dma_wait3A_148, %dma_wait3A_149] : memref<100352x16xf32, #tpu.memory_space<hbm>> -> memref<100352x16xf32, #tpu.memory_space<hbm>>
      tpu.wait_indirect_dma semaphore(%arg11 : memref<!tpu.dma_semaphore, #tpu.memory_space<semaphore_mem>>) src(%dma_wait3A_150 : memref<100352x16xf32, #tpu.memory_space<hbm>>) dst(%dma_wait3A_144 : memref<128x16xf32, #tpu.memory_space<vmem>>)
      %dma_wait3A_151 = arith.constant 3 : i32
      %dma_wait3A_152 = arith.constant 3 : i32
      %dma_wait3A_153 = arith.constant 0 : i32
      %dma_wait3A_154 = arith.constant 0 : i32
      %dma_wait3A_155 = tpu.memref_slice %arg10[%dma_wait3A_152, %dma_wait3A_153, %dma_wait3A_154] : memref<8x128x16xf32, #tpu.memory_space<vmem>> -> memref<1x128x16xf32, #tpu.memory_space<vmem>>
      %dma_wait3A_156 = tpu.memref_squeeze %dma_wait3A_155 : memref<1x128x16xf32, #tpu.memory_space<vmem>> -> memref<128x16xf32, #tpu.memory_space<vmem>>
      %dma_wait3A_157 = arith.constant 0 : i32
      %dma_wait3A_158 = tpu.memref_slice %arg8[%dma_wait3A_151, %dma_wait3A_157] : memref<8x128xi32, #tpu.memory_space<vmem>> -> memref<1x128xi32, #tpu.memory_space<vmem>>
      %dma_wait3A_159 = tpu.memref_squeeze %dma_wait3A_158 : memref<1x128xi32, #tpu.memory_space<vmem>> -> memref<128xi32, #tpu.memory_space<vmem>>
      %dma_wait3A_160 = arith.constant 0 : i32
      %dma_wait3A_161 = arith.constant 0 : i32
      %dma_wait3A_162 = tpu.memref_slice %arg2[%dma_wait3A_160, %dma_wait3A_161] : memref<100352x16xf32, #tpu.memory_space<hbm>> -> memref<100352x16xf32, #tpu.memory_space<hbm>>
      tpu.wait_indirect_dma semaphore(%arg11 : memref<!tpu.dma_semaphore, #tpu.memory_space<semaphore_mem>>) src(%dma_wait3A_162 : memref<100352x16xf32, #tpu.memory_space<hbm>>) dst(%dma_wait3A_156 : memref<128x16xf32, #tpu.memory_space<vmem>>)
      %dma_wait3A_163 = arith.constant 4 : i32
      %dma_wait3A_164 = arith.constant 4 : i32
      %dma_wait3A_165 = arith.constant 0 : i32
      %dma_wait3A_166 = arith.constant 0 : i32
      %dma_wait3A_167 = tpu.memref_slice %arg10[%dma_wait3A_164, %dma_wait3A_165, %dma_wait3A_166] : memref<8x128x16xf32, #tpu.memory_space<vmem>> -> memref<1x128x16xf32, #tpu.memory_space<vmem>>
      %dma_wait3A_168 = tpu.memref_squeeze %dma_wait3A_167 : memref<1x128x16xf32, #tpu.memory_space<vmem>> -> memref<128x16xf32, #tpu.memory_space<vmem>>
      %dma_wait3A_169 = arith.constant 0 : i32
      %dma_wait3A_170 = tpu.memref_slice %arg8[%dma_wait3A_163, %dma_wait3A_169] : memref<8x128xi32, #tpu.memory_space<vmem>> -> memref<1x128xi32, #tpu.memory_space<vmem>>
      %dma_wait3A_171 = tpu.memref_squeeze %dma_wait3A_170 : memref<1x128xi32, #tpu.memory_space<vmem>> -> memref<128xi32, #tpu.memory_space<vmem>>
      %dma_wait3A_172 = arith.constant 0 : i32
      %dma_wait3A_173 = arith.constant 0 : i32
      %dma_wait3A_174 = tpu.memref_slice %arg2[%dma_wait3A_172, %dma_wait3A_173] : memref<100352x16xf32, #tpu.memory_space<hbm>> -> memref<100352x16xf32, #tpu.memory_space<hbm>>
      tpu.wait_indirect_dma semaphore(%arg11 : memref<!tpu.dma_semaphore, #tpu.memory_space<semaphore_mem>>) src(%dma_wait3A_174 : memref<100352x16xf32, #tpu.memory_space<hbm>>) dst(%dma_wait3A_168 : memref<128x16xf32, #tpu.memory_space<vmem>>)
      %dma_wait3A_175 = arith.constant 5 : i32
      %dma_wait3A_176 = arith.constant 5 : i32
      %dma_wait3A_177 = arith.constant 0 : i32
      %dma_wait3A_178 = arith.constant 0 : i32
      %dma_wait3A_179 = tpu.memref_slice %arg10[%dma_wait3A_176, %dma_wait3A_177, %dma_wait3A_178] : memref<8x128x16xf32, #tpu.memory_space<vmem>> -> memref<1x128x16xf32, #tpu.memory_space<vmem>>
      %dma_wait3A_180 = tpu.memref_squeeze %dma_wait3A_179 : memref<1x128x16xf32, #tpu.memory_space<vmem>> -> memref<128x16xf32, #tpu.memory_space<vmem>>
      %dma_wait3A_181 = arith.constant 0 : i32
      %dma_wait3A_182 = tpu.memref_slice %arg8[%dma_wait3A_175, %dma_wait3A_181] : memref<8x128xi32, #tpu.memory_space<vmem>> -> memref<1x128xi32, #tpu.memory_space<vmem>>
      %dma_wait3A_183 = tpu.memref_squeeze %dma_wait3A_182 : memref<1x128xi32, #tpu.memory_space<vmem>> -> memref<128xi32, #tpu.memory_space<vmem>>
      %dma_wait3A_184 = arith.constant 0 : i32
      %dma_wait3A_185 = arith.constant 0 : i32
      %dma_wait3A_186 = tpu.memref_slice %arg2[%dma_wait3A_184, %dma_wait3A_185] : memref<100352x16xf32, #tpu.memory_space<hbm>> -> memref<100352x16xf32, #tpu.memory_space<hbm>>
      tpu.wait_indirect_dma semaphore(%arg11 : memref<!tpu.dma_semaphore, #tpu.memory_space<semaphore_mem>>) src(%dma_wait3A_186 : memref<100352x16xf32, #tpu.memory_space<hbm>>) dst(%dma_wait3A_180 : memref<128x16xf32, #tpu.memory_space<vmem>>)
      %dma_wait3A_187 = arith.constant 6 : i32
      %dma_wait3A_188 = arith.constant 6 : i32
      %dma_wait3A_189 = arith.constant 0 : i32
      %dma_wait3A_190 = arith.constant 0 : i32
      %dma_wait3A_191 = tpu.memref_slice %arg10[%dma_wait3A_188, %dma_wait3A_189, %dma_wait3A_190] : memref<8x128x16xf32, #tpu.memory_space<vmem>> -> memref<1x128x16xf32, #tpu.memory_space<vmem>>
      %dma_wait3A_192 = tpu.memref_squeeze %dma_wait3A_191 : memref<1x128x16xf32, #tpu.memory_space<vmem>> -> memref<128x16xf32, #tpu.memory_space<vmem>>
      %dma_wait3A_193 = arith.constant 0 : i32
      %dma_wait3A_194 = tpu.memref_slice %arg8[%dma_wait3A_187, %dma_wait3A_193] : memref<8x128xi32, #tpu.memory_space<vmem>> -> memref<1x128xi32, #tpu.memory_space<vmem>>
      %dma_wait3A_195 = tpu.memref_squeeze %dma_wait3A_194 : memref<1x128xi32, #tpu.memory_space<vmem>> -> memref<128xi32, #tpu.memory_space<vmem>>
      %dma_wait3A_196 = arith.constant 0 : i32
      %dma_wait3A_197 = arith.constant 0 : i32
      %dma_wait3A_198 = tpu.memref_slice %arg2[%dma_wait3A_196, %dma_wait3A_197] : memref<100352x16xf32, #tpu.memory_space<hbm>> -> memref<100352x16xf32, #tpu.memory_space<hbm>>
      tpu.wait_indirect_dma semaphore(%arg11 : memref<!tpu.dma_semaphore, #tpu.memory_space<semaphore_mem>>) src(%dma_wait3A_198 : memref<100352x16xf32, #tpu.memory_space<hbm>>) dst(%dma_wait3A_192 : memref<128x16xf32, #tpu.memory_space<vmem>>)
      %dma_wait3A_199 = arith.constant 7 : i32
      %dma_wait3A_200 = arith.constant 7 : i32
      %dma_wait3A_201 = arith.constant 0 : i32
      %dma_wait3A_202 = arith.constant 0 : i32
      %dma_wait3A_203 = tpu.memref_slice %arg10[%dma_wait3A_200, %dma_wait3A_201, %dma_wait3A_202] : memref<8x128x16xf32, #tpu.memory_space<vmem>> -> memref<1x128x16xf32, #tpu.memory_space<vmem>>
      %dma_wait3A_204 = tpu.memref_squeeze %dma_wait3A_203 : memref<1x128x16xf32, #tpu.memory_space<vmem>> -> memref<128x16xf32, #tpu.memory_space<vmem>>
      %dma_wait3A_205 = arith.constant 0 : i32
      %dma_wait3A_206 = tpu.memref_slice %arg8[%dma_wait3A_199, %dma_wait3A_205] : memref<8x128xi32, #tpu.memory_space<vmem>> -> memref<1x128xi32, #tpu.memory_space<vmem>>
      %dma_wait3A_207 = tpu.memref_squeeze %dma_wait3A_206 : memref<1x128xi32, #tpu.memory_space<vmem>> -> memref<128xi32, #tpu.memory_space<vmem>>
      %dma_wait3A_208 = arith.constant 0 : i32
      %dma_wait3A_209 = arith.constant 0 : i32
      %dma_wait3A_210 = tpu.memref_slice %arg2[%dma_wait3A_208, %dma_wait3A_209] : memref<100352x16xf32, #tpu.memory_space<hbm>> -> memref<100352x16xf32, #tpu.memory_space<hbm>>
      tpu.wait_indirect_dma semaphore(%arg11 : memref<!tpu.dma_semaphore, #tpu.memory_space<semaphore_mem>>) src(%dma_wait3A_210 : memref<100352x16xf32, #tpu.memory_space<hbm>>) dst(%dma_wait3A_204 : memref<128x16xf32, #tpu.memory_space<vmem>>)
      %dma_start3A_211 = arith.constant 0 : i32
      %dma_start3A_212 = arith.constant 0 : i32
      %dma_start3A_213 = arith.constant 0 : i32
      %dma_start3A_214 = arith.constant 0 : i32
      %dma_start3A_215 = tpu.memref_slice %arg10[%dma_start3A_211, %dma_start3A_213, %dma_start3A_214] : memref<8x128x16xf32, #tpu.memory_space<vmem>> -> memref<1x128x16xf32, #tpu.memory_space<vmem>>
      %dma_start3A_216 = tpu.memref_squeeze %dma_start3A_215 : memref<1x128x16xf32, #tpu.memory_space<vmem>> -> memref<128x16xf32, #tpu.memory_space<vmem>>
      %dma_start3A_217 = arith.constant 0 : i32
      %dma_start3A_218 = tpu.memref_slice %arg9[%dma_start3A_212, %dma_start3A_217] : memref<8x128xi32, #tpu.memory_space<vmem>> -> memref<1x128xi32, #tpu.memory_space<vmem>>
      %dma_start3A_219 = tpu.memref_squeeze %dma_start3A_218 : memref<1x128xi32, #tpu.memory_space<vmem>> -> memref<128xi32, #tpu.memory_space<vmem>>
      %dma_start3A_220 = arith.constant 0 : i32
      %dma_start3A_221 = arith.constant 0 : i32
      %dma_start3A_222 = tpu.memref_slice %arg7[%dma_start3A_220, %dma_start3A_221] : memref<100352x16xf32, #tpu.memory_space<vmem_shared>> -> memref<100352x16xf32, #tpu.memory_space<vmem_shared>>
      tpu.enqueue_indirect_dma source(%dma_start3A_216 : memref<128x16xf32, #tpu.memory_space<vmem>>) target(%dma_start3A_222 : memref<100352x16xf32, #tpu.memory_space<vmem_shared>>) offsets(%dma_start3A_219 : memref<128xi32, #tpu.memory_space<vmem>>) semaphore(%arg12 : memref<!tpu.dma_semaphore, #tpu.memory_space<semaphore_mem>>) {add = true}
      %dma_start3A_223 = arith.constant 1 : i32
      %dma_start3A_224 = arith.constant 1 : i32
      %dma_start3A_225 = arith.constant 0 : i32
      %dma_start3A_226 = arith.constant 0 : i32
      %dma_start3A_227 = tpu.memref_slice %arg10[%dma_start3A_223, %dma_start3A_225, %dma_start3A_226] : memref<8x128x16xf32, #tpu.memory_space<vmem>> -> memref<1x128x16xf32, #tpu.memory_space<vmem>>
      %dma_start3A_228 = tpu.memref_squeeze %dma_start3A_227 : memref<1x128x16xf32, #tpu.memory_space<vmem>> -> memref<128x16xf32, #tpu.memory_space<vmem>>
      %dma_start3A_229 = arith.constant 0 : i32
      %dma_start3A_230 = tpu.memref_slice %arg9[%dma_start3A_224, %dma_start3A_229] : memref<8x128xi32, #tpu.memory_space<vmem>> -> memref<1x128xi32, #tpu.memory_space<vmem>>
      %dma_start3A_231 = tpu.memref_squeeze %dma_start3A_230 : memref<1x128xi32, #tpu.memory_space<vmem>> -> memref<128xi32, #tpu.memory_space<vmem>>
      %dma_start3A_232 = arith.constant 0 : i32
      %dma_start3A_233 = arith.constant 0 : i32
      %dma_start3A_234 = tpu.memref_slice %arg7[%dma_start3A_232, %dma_start3A_233] : memref<100352x16xf32, #tpu.memory_space<vmem_shared>> -> memref<100352x16xf32, #tpu.memory_space<vmem_shared>>
      tpu.enqueue_indirect_dma source(%dma_start3A_228 : memref<128x16xf32, #tpu.memory_space<vmem>>) target(%dma_start3A_234 : memref<100352x16xf32, #tpu.memory_space<vmem_shared>>) offsets(%dma_start3A_231 : memref<128xi32, #tpu.memory_space<vmem>>) semaphore(%arg12 : memref<!tpu.dma_semaphore, #tpu.memory_space<semaphore_mem>>) {add = true}
      %dma_start3A_235 = arith.constant 2 : i32
      %dma_start3A_236 = arith.constant 2 : i32
      %dma_start3A_237 = arith.constant 0 : i32
      %dma_start3A_238 = arith.constant 0 : i32
      %dma_start3A_239 = tpu.memref_slice %arg10[%dma_start3A_235, %dma_start3A_237, %dma_start3A_238] : memref<8x128x16xf32, #tpu.memory_space<vmem>> -> memref<1x128x16xf32, #tpu.memory_space<vmem>>
      %dma_start3A_240 = tpu.memref_squeeze %dma_start3A_239 : memref<1x128x16xf32, #tpu.memory_space<vmem>> -> memref<128x16xf32, #tpu.memory_space<vmem>>
      %dma_start3A_241 = arith.constant 0 : i32
      %dma_start3A_242 = tpu.memref_slice %arg9[%dma_start3A_236, %dma_start3A_241] : memref<8x128xi32, #tpu.memory_space<vmem>> -> memref<1x128xi32, #tpu.memory_space<vmem>>
      %dma_start3A_243 = tpu.memref_squeeze %dma_start3A_242 : memref<1x128xi32, #tpu.memory_space<vmem>> -> memref<128xi32, #tpu.memory_space<vmem>>
      %dma_start3A_244 = arith.constant 0 : i32
      %dma_start3A_245 = arith.constant 0 : i32
      %dma_start3A_246 = tpu.memref_slice %arg7[%dma_start3A_244, %dma_start3A_245] : memref<100352x16xf32, #tpu.memory_space<vmem_shared>> -> memref<100352x16xf32, #tpu.memory_space<vmem_shared>>
      tpu.enqueue_indirect_dma source(%dma_start3A_240 : memref<128x16xf32, #tpu.memory_space<vmem>>) target(%dma_start3A_246 : memref<100352x16xf32, #tpu.memory_space<vmem_shared>>) offsets(%dma_start3A_243 : memref<128xi32, #tpu.memory_space<vmem>>) semaphore(%arg12 : memref<!tpu.dma_semaphore, #tpu.memory_space<semaphore_mem>>) {add = true}
      %dma_start3A_247 = arith.constant 3 : i32
      %dma_start3A_248 = arith.constant 3 : i32
      %dma_start3A_249 = arith.constant 0 : i32
      %dma_start3A_250 = arith.constant 0 : i32
      %dma_start3A_251 = tpu.memref_slice %arg10[%dma_start3A_247, %dma_start3A_249, %dma_start3A_250] : memref<8x128x16xf32, #tpu.memory_space<vmem>> -> memref<1x128x16xf32, #tpu.memory_space<vmem>>
      %dma_start3A_252 = tpu.memref_squeeze %dma_start3A_251 : memref<1x128x16xf32, #tpu.memory_space<vmem>> -> memref<128x16xf32, #tpu.memory_space<vmem>>
      %dma_start3A_253 = arith.constant 0 : i32
      %dma_start3A_254 = tpu.memref_slice %arg9[%dma_start3A_248, %dma_start3A_253] : memref<8x128xi32, #tpu.memory_space<vmem>> -> memref<1x128xi32, #tpu.memory_space<vmem>>
      %dma_start3A_255 = tpu.memref_squeeze %dma_start3A_254 : memref<1x128xi32, #tpu.memory_space<vmem>> -> memref<128xi32, #tpu.memory_space<vmem>>
      %dma_start3A_256 = arith.constant 0 : i32
      %dma_start3A_257 = arith.constant 0 : i32
      %dma_start3A_258 = tpu.memref_slice %arg7[%dma_start3A_256, %dma_start3A_257] : memref<100352x16xf32, #tpu.memory_space<vmem_shared>> -> memref<100352x16xf32, #tpu.memory_space<vmem_shared>>
      tpu.enqueue_indirect_dma source(%dma_start3A_252 : memref<128x16xf32, #tpu.memory_space<vmem>>) target(%dma_start3A_258 : memref<100352x16xf32, #tpu.memory_space<vmem_shared>>) offsets(%dma_start3A_255 : memref<128xi32, #tpu.memory_space<vmem>>) semaphore(%arg12 : memref<!tpu.dma_semaphore, #tpu.memory_space<semaphore_mem>>) {add = true}
      %dma_start3A_259 = arith.constant 4 : i32
      %dma_start3A_260 = arith.constant 4 : i32
      %dma_start3A_261 = arith.constant 0 : i32
      %dma_start3A_262 = arith.constant 0 : i32
      %dma_start3A_263 = tpu.memref_slice %arg10[%dma_start3A_259, %dma_start3A_261, %dma_start3A_262] : memref<8x128x16xf32, #tpu.memory_space<vmem>> -> memref<1x128x16xf32, #tpu.memory_space<vmem>>
      %dma_start3A_264 = tpu.memref_squeeze %dma_start3A_263 : memref<1x128x16xf32, #tpu.memory_space<vmem>> -> memref<128x16xf32, #tpu.memory_space<vmem>>
      %dma_start3A_265 = arith.constant 0 : i32
      %dma_start3A_266 = tpu.memref_slice %arg9[%dma_start3A_260, %dma_start3A_265] : memref<8x128xi32, #tpu.memory_space<vmem>> -> memref<1x128xi32, #tpu.memory_space<vmem>>
      %dma_start3A_267 = tpu.memref_squeeze %dma_start3A_266 : memref<1x128xi32, #tpu.memory_space<vmem>> -> memref<128xi32, #tpu.memory_space<vmem>>
      %dma_start3A_268 = arith.constant 0 : i32
      %dma_start3A_269 = arith.constant 0 : i32
      %dma_start3A_270 = tpu.memref_slice %arg7[%dma_start3A_268, %dma_start3A_269] : memref<100352x16xf32, #tpu.memory_space<vmem_shared>> -> memref<100352x16xf32, #tpu.memory_space<vmem_shared>>
      tpu.enqueue_indirect_dma source(%dma_start3A_264 : memref<128x16xf32, #tpu.memory_space<vmem>>) target(%dma_start3A_270 : memref<100352x16xf32, #tpu.memory_space<vmem_shared>>) offsets(%dma_start3A_267 : memref<128xi32, #tpu.memory_space<vmem>>) semaphore(%arg12 : memref<!tpu.dma_semaphore, #tpu.memory_space<semaphore_mem>>) {add = true}
      %dma_start3A_271 = arith.constant 5 : i32
      %dma_start3A_272 = arith.constant 5 : i32
      %dma_start3A_273 = arith.constant 0 : i32
      %dma_start3A_274 = arith.constant 0 : i32
      %dma_start3A_275 = tpu.memref_slice %arg10[%dma_start3A_271, %dma_start3A_273, %dma_start3A_274] : memref<8x128x16xf32, #tpu.memory_space<vmem>> -> memref<1x128x16xf32, #tpu.memory_space<vmem>>
      %dma_start3A_276 = tpu.memref_squeeze %dma_start3A_275 : memref<1x128x16xf32, #tpu.memory_space<vmem>> -> memref<128x16xf32, #tpu.memory_space<vmem>>
      %dma_start3A_277 = arith.constant 0 : i32
      %dma_start3A_278 = tpu.memref_slice %arg9[%dma_start3A_272, %dma_start3A_277] : memref<8x128xi32, #tpu.memory_space<vmem>> -> memref<1x128xi32, #tpu.memory_space<vmem>>
      %dma_start3A_279 = tpu.memref_squeeze %dma_start3A_278 : memref<1x128xi32, #tpu.memory_space<vmem>> -> memref<128xi32, #tpu.memory_space<vmem>>
      %dma_start3A_280 = arith.constant 0 : i32
      %dma_start3A_281 = arith.constant 0 : i32
      %dma_start3A_282 = tpu.memref_slice %arg7[%dma_start3A_280, %dma_start3A_281] : memref<100352x16xf32, #tpu.memory_space<vmem_shared>> -> memref<100352x16xf32, #tpu.memory_space<vmem_shared>>
      tpu.enqueue_indirect_dma source(%dma_start3A_276 : memref<128x16xf32, #tpu.memory_space<vmem>>) target(%dma_start3A_282 : memref<100352x16xf32, #tpu.memory_space<vmem_shared>>) offsets(%dma_start3A_279 : memref<128xi32, #tpu.memory_space<vmem>>) semaphore(%arg12 : memref<!tpu.dma_semaphore, #tpu.memory_space<semaphore_mem>>) {add = true}
      %dma_start3A_283 = arith.constant 6 : i32
      %dma_start3A_284 = arith.constant 6 : i32
      %dma_start3A_285 = arith.constant 0 : i32
      %dma_start3A_286 = arith.constant 0 : i32
      %dma_start3A_287 = tpu.memref_slice %arg10[%dma_start3A_283, %dma_start3A_285, %dma_start3A_286] : memref<8x128x16xf32, #tpu.memory_space<vmem>> -> memref<1x128x16xf32, #tpu.memory_space<vmem>>
      %dma_start3A_288 = tpu.memref_squeeze %dma_start3A_287 : memref<1x128x16xf32, #tpu.memory_space<vmem>> -> memref<128x16xf32, #tpu.memory_space<vmem>>
      %dma_start3A_289 = arith.constant 0 : i32
      %dma_start3A_290 = tpu.memref_slice %arg9[%dma_start3A_284, %dma_start3A_289] : memref<8x128xi32, #tpu.memory_space<vmem>> -> memref<1x128xi32, #tpu.memory_space<vmem>>
      %dma_start3A_291 = tpu.memref_squeeze %dma_start3A_290 : memref<1x128xi32, #tpu.memory_space<vmem>> -> memref<128xi32, #tpu.memory_space<vmem>>
      %dma_start3A_292 = arith.constant 0 : i32
      %dma_start3A_293 = arith.constant 0 : i32
      %dma_start3A_294 = tpu.memref_slice %arg7[%dma_start3A_292, %dma_start3A_293] : memref<100352x16xf32, #tpu.memory_space<vmem_shared>> -> memref<100352x16xf32, #tpu.memory_space<vmem_shared>>
      tpu.enqueue_indirect_dma source(%dma_start3A_288 : memref<128x16xf32, #tpu.memory_space<vmem>>) target(%dma_start3A_294 : memref<100352x16xf32, #tpu.memory_space<vmem_shared>>) offsets(%dma_start3A_291 : memref<128xi32, #tpu.memory_space<vmem>>) semaphore(%arg12 : memref<!tpu.dma_semaphore, #tpu.memory_space<semaphore_mem>>) {add = true}
      %dma_start3A_295 = arith.constant 7 : i32
      %dma_start3A_296 = arith.constant 7 : i32
      %dma_start3A_297 = arith.constant 0 : i32
      %dma_start3A_298 = arith.constant 0 : i32
      %dma_start3A_299 = tpu.memref_slice %arg10[%dma_start3A_295, %dma_start3A_297, %dma_start3A_298] : memref<8x128x16xf32, #tpu.memory_space<vmem>> -> memref<1x128x16xf32, #tpu.memory_space<vmem>>
      %dma_start3A_300 = tpu.memref_squeeze %dma_start3A_299 : memref<1x128x16xf32, #tpu.memory_space<vmem>> -> memref<128x16xf32, #tpu.memory_space<vmem>>
      %dma_start3A_301 = arith.constant 0 : i32
      %dma_start3A_302 = tpu.memref_slice %arg9[%dma_start3A_296, %dma_start3A_301] : memref<8x128xi32, #tpu.memory_space<vmem>> -> memref<1x128xi32, #tpu.memory_space<vmem>>
      %dma_start3A_303 = tpu.memref_squeeze %dma_start3A_302 : memref<1x128xi32, #tpu.memory_space<vmem>> -> memref<128xi32, #tpu.memory_space<vmem>>
      %dma_start3A_304 = arith.constant 0 : i32
      %dma_start3A_305 = arith.constant 0 : i32
      %dma_start3A_306 = tpu.memref_slice %arg7[%dma_start3A_304, %dma_start3A_305] : memref<100352x16xf32, #tpu.memory_space<vmem_shared>> -> memref<100352x16xf32, #tpu.memory_space<vmem_shared>>
      tpu.enqueue_indirect_dma source(%dma_start3A_300 : memref<128x16xf32, #tpu.memory_space<vmem>>) target(%dma_start3A_306 : memref<100352x16xf32, #tpu.memory_space<vmem_shared>>) offsets(%dma_start3A_303 : memref<128xi32, #tpu.memory_space<vmem>>) semaphore(%arg12 : memref<!tpu.dma_semaphore, #tpu.memory_space<semaphore_mem>>) {add = true}
      %dma_wait3A_307 = arith.constant 0 : i32
      %dma_wait3A_308 = arith.constant 0 : i32
      %dma_wait3A_309 = arith.constant 0 : i32
      %dma_wait3A_310 = arith.constant 0 : i32
      %dma_wait3A_311 = tpu.memref_slice %arg10[%dma_wait3A_307, %dma_wait3A_309, %dma_wait3A_310] : memref<8x128x16xf32, #tpu.memory_space<vmem>> -> memref<1x128x16xf32, #tpu.memory_space<vmem>>
      %dma_wait3A_312 = tpu.memref_squeeze %dma_wait3A_311 : memref<1x128x16xf32, #tpu.memory_space<vmem>> -> memref<128x16xf32, #tpu.memory_space<vmem>>
      %dma_wait3A_313 = arith.constant 0 : i32
      %dma_wait3A_314 = tpu.memref_slice %arg9[%dma_wait3A_308, %dma_wait3A_313] : memref<8x128xi32, #tpu.memory_space<vmem>> -> memref<1x128xi32, #tpu.memory_space<vmem>>
      %dma_wait3A_315 = tpu.memref_squeeze %dma_wait3A_314 : memref<1x128xi32, #tpu.memory_space<vmem>> -> memref<128xi32, #tpu.memory_space<vmem>>
      %dma_wait3A_316 = arith.constant 0 : i32
      %dma_wait3A_317 = arith.constant 0 : i32
      %dma_wait3A_318 = tpu.memref_slice %arg7[%dma_wait3A_316, %dma_wait3A_317] : memref<100352x16xf32, #tpu.memory_space<vmem_shared>> -> memref<100352x16xf32, #tpu.memory_space<vmem_shared>>
      tpu.wait_indirect_dma semaphore(%arg12 : memref<!tpu.dma_semaphore, #tpu.memory_space<semaphore_mem>>) src(%dma_wait3A_312 : memref<128x16xf32, #tpu.memory_space<vmem>>) dst(%dma_wait3A_318 : memref<100352x16xf32, #tpu.memory_space<vmem_shared>>)
      %dma_wait3A_319 = arith.constant 1 : i32
      %dma_wait3A_320 = arith.constant 1 : i32
      %dma_wait3A_321 = arith.constant 0 : i32
      %dma_wait3A_322 = arith.constant 0 : i32
      %dma_wait3A_323 = tpu.memref_slice %arg10[%dma_wait3A_319, %dma_wait3A_321, %dma_wait3A_322] : memref<8x128x16xf32, #tpu.memory_space<vmem>> -> memref<1x128x16xf32, #tpu.memory_space<vmem>>
      %dma_wait3A_324 = tpu.memref_squeeze %dma_wait3A_323 : memref<1x128x16xf32, #tpu.memory_space<vmem>> -> memref<128x16xf32, #tpu.memory_space<vmem>>
      %dma_wait3A_325 = arith.constant 0 : i32
      %dma_wait3A_326 = tpu.memref_slice %arg9[%dma_wait3A_320, %dma_wait3A_325] : memref<8x128xi32, #tpu.memory_space<vmem>> -> memref<1x128xi32, #tpu.memory_space<vmem>>
      %dma_wait3A_327 = tpu.memref_squeeze %dma_wait3A_326 : memref<1x128xi32, #tpu.memory_space<vmem>> -> memref<128xi32, #tpu.memory_space<vmem>>
      %dma_wait3A_328 = arith.constant 0 : i32
      %dma_wait3A_329 = arith.constant 0 : i32
      %dma_wait3A_330 = tpu.memref_slice %arg7[%dma_wait3A_328, %dma_wait3A_329] : memref<100352x16xf32, #tpu.memory_space<vmem_shared>> -> memref<100352x16xf32, #tpu.memory_space<vmem_shared>>
      tpu.wait_indirect_dma semaphore(%arg12 : memref<!tpu.dma_semaphore, #tpu.memory_space<semaphore_mem>>) src(%dma_wait3A_324 : memref<128x16xf32, #tpu.memory_space<vmem>>) dst(%dma_wait3A_330 : memref<100352x16xf32, #tpu.memory_space<vmem_shared>>)
      %dma_wait3A_331 = arith.constant 2 : i32
      %dma_wait3A_332 = arith.constant 2 : i32
      %dma_wait3A_333 = arith.constant 0 : i32
      %dma_wait3A_334 = arith.constant 0 : i32
      %dma_wait3A_335 = tpu.memref_slice %arg10[%dma_wait3A_331, %dma_wait3A_333, %dma_wait3A_334] : memref<8x128x16xf32, #tpu.memory_space<vmem>> -> memref<1x128x16xf32, #tpu.memory_space<vmem>>
      %dma_wait3A_336 = tpu.memref_squeeze %dma_wait3A_335 : memref<1x128x16xf32, #tpu.memory_space<vmem>> -> memref<128x16xf32, #tpu.memory_space<vmem>>
      %dma_wait3A_337 = arith.constant 0 : i32
      %dma_wait3A_338 = tpu.memref_slice %arg9[%dma_wait3A_332, %dma_wait3A_337] : memref<8x128xi32, #tpu.memory_space<vmem>> -> memref<1x128xi32, #tpu.memory_space<vmem>>
      %dma_wait3A_339 = tpu.memref_squeeze %dma_wait3A_338 : memref<1x128xi32, #tpu.memory_space<vmem>> -> memref<128xi32, #tpu.memory_space<vmem>>
      %dma_wait3A_340 = arith.constant 0 : i32
      %dma_wait3A_341 = arith.constant 0 : i32
      %dma_wait3A_342 = tpu.memref_slice %arg7[%dma_wait3A_340, %dma_wait3A_341] : memref<100352x16xf32, #tpu.memory_space<vmem_shared>> -> memref<100352x16xf32, #tpu.memory_space<vmem_shared>>
      tpu.wait_indirect_dma semaphore(%arg12 : memref<!tpu.dma_semaphore, #tpu.memory_space<semaphore_mem>>) src(%dma_wait3A_336 : memref<128x16xf32, #tpu.memory_space<vmem>>) dst(%dma_wait3A_342 : memref<100352x16xf32, #tpu.memory_space<vmem_shared>>)
      %dma_wait3A_343 = arith.constant 3 : i32
      %dma_wait3A_344 = arith.constant 3 : i32
      %dma_wait3A_345 = arith.constant 0 : i32
      %dma_wait3A_346 = arith.constant 0 : i32
      %dma_wait3A_347 = tpu.memref_slice %arg10[%dma_wait3A_343, %dma_wait3A_345, %dma_wait3A_346] : memref<8x128x16xf32, #tpu.memory_space<vmem>> -> memref<1x128x16xf32, #tpu.memory_space<vmem>>
      %dma_wait3A_348 = tpu.memref_squeeze %dma_wait3A_347 : memref<1x128x16xf32, #tpu.memory_space<vmem>> -> memref<128x16xf32, #tpu.memory_space<vmem>>
      %dma_wait3A_349 = arith.constant 0 : i32
      %dma_wait3A_350 = tpu.memref_slice %arg9[%dma_wait3A_344, %dma_wait3A_349] : memref<8x128xi32, #tpu.memory_space<vmem>> -> memref<1x128xi32, #tpu.memory_space<vmem>>
      %dma_wait3A_351 = tpu.memref_squeeze %dma_wait3A_350 : memref<1x128xi32, #tpu.memory_space<vmem>> -> memref<128xi32, #tpu.memory_space<vmem>>
      %dma_wait3A_352 = arith.constant 0 : i32
      %dma_wait3A_353 = arith.constant 0 : i32
      %dma_wait3A_354 = tpu.memref_slice %arg7[%dma_wait3A_352, %dma_wait3A_353] : memref<100352x16xf32, #tpu.memory_space<vmem_shared>> -> memref<100352x16xf32, #tpu.memory_space<vmem_shared>>
      tpu.wait_indirect_dma semaphore(%arg12 : memref<!tpu.dma_semaphore, #tpu.memory_space<semaphore_mem>>) src(%dma_wait3A_348 : memref<128x16xf32, #tpu.memory_space<vmem>>) dst(%dma_wait3A_354 : memref<100352x16xf32, #tpu.memory_space<vmem_shared>>)
      %dma_wait3A_355 = arith.constant 4 : i32
      %dma_wait3A_356 = arith.constant 4 : i32
      %dma_wait3A_357 = arith.constant 0 : i32
      %dma_wait3A_358 = arith.constant 0 : i32
      %dma_wait3A_359 = tpu.memref_slice %arg10[%dma_wait3A_355, %dma_wait3A_357, %dma_wait3A_358] : memref<8x128x16xf32, #tpu.memory_space<vmem>> -> memref<1x128x16xf32, #tpu.memory_space<vmem>>
      %dma_wait3A_360 = tpu.memref_squeeze %dma_wait3A_359 : memref<1x128x16xf32, #tpu.memory_space<vmem>> -> memref<128x16xf32, #tpu.memory_space<vmem>>
      %dma_wait3A_361 = arith.constant 0 : i32
      %dma_wait3A_362 = tpu.memref_slice %arg9[%dma_wait3A_356, %dma_wait3A_361] : memref<8x128xi32, #tpu.memory_space<vmem>> -> memref<1x128xi32, #tpu.memory_space<vmem>>
      %dma_wait3A_363 = tpu.memref_squeeze %dma_wait3A_362 : memref<1x128xi32, #tpu.memory_space<vmem>> -> memref<128xi32, #tpu.memory_space<vmem>>
      %dma_wait3A_364 = arith.constant 0 : i32
      %dma_wait3A_365 = arith.constant 0 : i32
      %dma_wait3A_366 = tpu.memref_slice %arg7[%dma_wait3A_364, %dma_wait3A_365] : memref<100352x16xf32, #tpu.memory_space<vmem_shared>> -> memref<100352x16xf32, #tpu.memory_space<vmem_shared>>
      tpu.wait_indirect_dma semaphore(%arg12 : memref<!tpu.dma_semaphore, #tpu.memory_space<semaphore_mem>>) src(%dma_wait3A_360 : memref<128x16xf32, #tpu.memory_space<vmem>>) dst(%dma_wait3A_366 : memref<100352x16xf32, #tpu.memory_space<vmem_shared>>)
      %dma_wait3A_367 = arith.constant 5 : i32
      %dma_wait3A_368 = arith.constant 5 : i32
      %dma_wait3A_369 = arith.constant 0 : i32
      %dma_wait3A_370 = arith.constant 0 : i32
      %dma_wait3A_371 = tpu.memref_slice %arg10[%dma_wait3A_367, %dma_wait3A_369, %dma_wait3A_370] : memref<8x128x16xf32, #tpu.memory_space<vmem>> -> memref<1x128x16xf32, #tpu.memory_space<vmem>>
      %dma_wait3A_372 = tpu.memref_squeeze %dma_wait3A_371 : memref<1x128x16xf32, #tpu.memory_space<vmem>> -> memref<128x16xf32, #tpu.memory_space<vmem>>
      %dma_wait3A_373 = arith.constant 0 : i32
      %dma_wait3A_374 = tpu.memref_slice %arg9[%dma_wait3A_368, %dma_wait3A_373] : memref<8x128xi32, #tpu.memory_space<vmem>> -> memref<1x128xi32, #tpu.memory_space<vmem>>
      %dma_wait3A_375 = tpu.memref_squeeze %dma_wait3A_374 : memref<1x128xi32, #tpu.memory_space<vmem>> -> memref<128xi32, #tpu.memory_space<vmem>>
      %dma_wait3A_376 = arith.constant 0 : i32
      %dma_wait3A_377 = arith.constant 0 : i32
      %dma_wait3A_378 = tpu.memref_slice %arg7[%dma_wait3A_376, %dma_wait3A_377] : memref<100352x16xf32, #tpu.memory_space<vmem_shared>> -> memref<100352x16xf32, #tpu.memory_space<vmem_shared>>
      tpu.wait_indirect_dma semaphore(%arg12 : memref<!tpu.dma_semaphore, #tpu.memory_space<semaphore_mem>>) src(%dma_wait3A_372 : memref<128x16xf32, #tpu.memory_space<vmem>>) dst(%dma_wait3A_378 : memref<100352x16xf32, #tpu.memory_space<vmem_shared>>)
      %dma_wait3A_379 = arith.constant 6 : i32
      %dma_wait3A_380 = arith.constant 6 : i32
      %dma_wait3A_381 = arith.constant 0 : i32
      %dma_wait3A_382 = arith.constant 0 : i32
      %dma_wait3A_383 = tpu.memref_slice %arg10[%dma_wait3A_379, %dma_wait3A_381, %dma_wait3A_382] : memref<8x128x16xf32, #tpu.memory_space<vmem>> -> memref<1x128x16xf32, #tpu.memory_space<vmem>>
      %dma_wait3A_384 = tpu.memref_squeeze %dma_wait3A_383 : memref<1x128x16xf32, #tpu.memory_space<vmem>> -> memref<128x16xf32, #tpu.memory_space<vmem>>
      %dma_wait3A_385 = arith.constant 0 : i32
      %dma_wait3A_386 = tpu.memref_slice %arg9[%dma_wait3A_380, %dma_wait3A_385] : memref<8x128xi32, #tpu.memory_space<vmem>> -> memref<1x128xi32, #tpu.memory_space<vmem>>
      %dma_wait3A_387 = tpu.memref_squeeze %dma_wait3A_386 : memref<1x128xi32, #tpu.memory_space<vmem>> -> memref<128xi32, #tpu.memory_space<vmem>>
      %dma_wait3A_388 = arith.constant 0 : i32
      %dma_wait3A_389 = arith.constant 0 : i32
      %dma_wait3A_390 = tpu.memref_slice %arg7[%dma_wait3A_388, %dma_wait3A_389] : memref<100352x16xf32, #tpu.memory_space<vmem_shared>> -> memref<100352x16xf32, #tpu.memory_space<vmem_shared>>
      tpu.wait_indirect_dma semaphore(%arg12 : memref<!tpu.dma_semaphore, #tpu.memory_space<semaphore_mem>>) src(%dma_wait3A_384 : memref<128x16xf32, #tpu.memory_space<vmem>>) dst(%dma_wait3A_390 : memref<100352x16xf32, #tpu.memory_space<vmem_shared>>)
      %dma_wait3A_391 = arith.constant 7 : i32
      %dma_wait3A_392 = arith.constant 7 : i32
      %dma_wait3A_393 = arith.constant 0 : i32
      %dma_wait3A_394 = arith.constant 0 : i32
      %dma_wait3A_395 = tpu.memref_slice %arg10[%dma_wait3A_391, %dma_wait3A_393, %dma_wait3A_394] : memref<8x128x16xf32, #tpu.memory_space<vmem>> -> memref<1x128x16xf32, #tpu.memory_space<vmem>>
      %dma_wait3A_396 = tpu.memref_squeeze %dma_wait3A_395 : memref<1x128x16xf32, #tpu.memory_space<vmem>> -> memref<128x16xf32, #tpu.memory_space<vmem>>
      %dma_wait3A_397 = arith.constant 0 : i32
      %dma_wait3A_398 = tpu.memref_slice %arg9[%dma_wait3A_392, %dma_wait3A_397] : memref<8x128xi32, #tpu.memory_space<vmem>> -> memref<1x128xi32, #tpu.memory_space<vmem>>
      %dma_wait3A_399 = tpu.memref_squeeze %dma_wait3A_398 : memref<1x128xi32, #tpu.memory_space<vmem>> -> memref<128xi32, #tpu.memory_space<vmem>>
      %dma_wait3A_400 = arith.constant 0 : i32
      %dma_wait3A_401 = arith.constant 0 : i32
      %dma_wait3A_402 = tpu.memref_slice %arg7[%dma_wait3A_400, %dma_wait3A_401] : memref<100352x16xf32, #tpu.memory_space<vmem_shared>> -> memref<100352x16xf32, #tpu.memory_space<vmem_shared>>
      tpu.wait_indirect_dma semaphore(%arg12 : memref<!tpu.dma_semaphore, #tpu.memory_space<semaphore_mem>>) src(%dma_wait3A_396 : memref<128x16xf32, #tpu.memory_space<vmem>>) dst(%dma_wait3A_402 : memref<100352x16xf32, #tpu.memory_space<vmem_shared>>)
    }
    %scan3A_9 = arith.constant 49 : i32
    %barrier3A_10 = arith.constant 0 : index
    tpu.barrier barrier_id(%barrier3A_10)
    %mul3A_11 = arith.constant 6272 : i32
    %mul3A_12 = arith.muli %arg1, %mul3A_11 : i32
    %mul3A_13 = arith.constant 6272 : i32
    %mul3A_14 = arith.muli %arg1, %mul3A_13 : i32
    "tpu.region"() ({
      %run_scoped3A = tpu.sem_alloc : memref<!tpu.dma_semaphore, #tpu.memory_space<semaphore_mem>>
      %dma_start3A = arith.constant 0 : i32
      %dma_start3A_15 = tpu.memref_slice %arg6[%arg0, %mul3A_14, %dma_start3A] : memref<2x100352x16xf32, #tpu.memory_space<hbm>> -> memref<1x6272x16xf32, #tpu.memory_space<hbm>>
      %dma_start3A_16 = tpu.memref_squeeze %dma_start3A_15 : memref<1x6272x16xf32, #tpu.memory_space<hbm>> -> memref<6272x16xf32, #tpu.memory_space<hbm>>
      %dma_start3A_17 = arith.constant 0 : i32
      %dma_start3A_18 = tpu.memref_slice %arg7[%mul3A_12, %dma_start3A_17] : memref<100352x16xf32, #tpu.memory_space<vmem_shared>> -> memref<6272x16xf32, #tpu.memory_space<vmem_shared>>
      tpu.enqueue_dma source(%dma_start3A_18 : memref<6272x16xf32, #tpu.memory_space<vmem_shared>>) target(%dma_start3A_16 : memref<6272x16xf32, #tpu.memory_space<hbm>>) target_semaphore(%run_scoped3A : memref<!tpu.dma_semaphore, #tpu.memory_space<semaphore_mem>>)
      %dma_wait3A = arith.constant 0 : i32
      %dma_wait3A_19 = tpu.memref_slice %arg6[%arg0, %mul3A_14, %dma_wait3A] : memref<2x100352x16xf32, #tpu.memory_space<hbm>> -> memref<1x6272x16xf32, #tpu.memory_space<hbm>>
      %dma_wait3A_20 = tpu.memref_squeeze %dma_wait3A_19 : memref<1x6272x16xf32, #tpu.memory_space<hbm>> -> memref<6272x16xf32, #tpu.memory_space<hbm>>
      %dma_wait3A_21 = arith.constant 0 : i32
      %dma_wait3A_22 = tpu.memref_slice %arg7[%mul3A_12, %dma_wait3A_21] : memref<100352x16xf32, #tpu.memory_space<vmem_shared>> -> memref<6272x16xf32, #tpu.memory_space<vmem_shared>>
      tpu.wait_dma2 semaphore(%run_scoped3A : memref<!tpu.dma_semaphore, #tpu.memory_space<semaphore_mem>>) src(%dma_wait3A_22 : memref<6272x16xf32, #tpu.memory_space<vmem_shared>>) dst(%dma_wait3A_20 : memref<6272x16xf32, #tpu.memory_space<hbm>>)
      tpu.yield
    }) : () -> ()
    return
  }
}

module attributes {stable_mosaic.version = 14 : i64} {
  func.func @_prep_body(%arg0: i32, %arg1: memref<2048x16xf32, #tpu.memory_space<vmem>>, %arg2: memref<2048x16xf32, #tpu.memory_space<vmem>>, %arg3: memref<2048x1xf32, #tpu.memory_space<vmem>>, %arg4: memref<2048x3xf32, #tpu.memory_space<vmem>>, %arg5: memref<3x16xf32, #tpu.memory_space<vmem>>, %arg6: memref<2048x1xf32, #tpu.memory_space<vmem>>, %arg7: memref<2048x16xf32, #tpu.memory_space<vmem>>) attributes {dimension_semantics = [#tpu.dimension_semantics<arbitrary>], iteration_bounds = array<i64: 49>, scalar_prefetch = 0 : i64, scratch_operands = 0 : i64, tpu.core_type = #tpu.core_type<tc>, window_params = [{transform_indices = @transform_0, window_bounds = array<i64: 2048, 16>}, {transform_indices = @transform_1, window_bounds = array<i64: 2048, 16>}, {transform_indices = @transform_2, window_bounds = array<i64: 2048, 1>}, {transform_indices = @transform_3, window_bounds = array<i64: 2048, 3>}, {pipeline_mode = #tpu.pipeline_mode<synchronous>, transform_indices = @transform_4, window_bounds = array<i64: 3, 16>}, {transform_indices = @transform_5, window_bounds = array<i64: 2048, 1>}, {transform_indices = @transform_6, window_bounds = array<i64: 2048, 16>}]} {
    %get3A = arith.constant 0 : index
    %get3A_0 = arith.constant 0 : index
    %get3A_1 = vector.load %arg1[%get3A, %get3A_0] : memref<2048x16xf32, #tpu.memory_space<vmem>>, vector<2048x1xf32>
    %get3A_2 = arith.constant 0 : index
    %get3A_3 = arith.constant 0 : index
    %get3A_4 = vector.load %arg2[%get3A_2, %get3A_3] : memref<2048x16xf32, #tpu.memory_space<vmem>>, vector<2048x1xf32>
    %add3A = arith.addf %get3A_1, %get3A_4 : vector<2048x1xf32>
    %add3A_5 = arith.constant 1.000000e+00 : f32
    %add3A_6 = vector.broadcast %add3A_5 : f32 to vector<2048x1xf32>
    %add3A_7 = arith.addf %add3A, %add3A_6 : vector<2048x1xf32>
    %get3A_8 = arith.constant 0 : index
    %get3A_9 = arith.constant 0 : index
    %get3A_10 = vector.load %arg3[%get3A_8, %get3A_9] : memref<2048x1xf32, #tpu.memory_space<vmem>>, vector<2048x1xf32>
    %rsqrt3A = math.rsqrt %add3A_7 : vector<2048x1xf32>
    %mul3A = arith.mulf %get3A_10, %rsqrt3A : vector<2048x1xf32>
    %swap3A = arith.constant 0 : index
    %swap3A_11 = arith.constant 0 : index
    %swap3A_12 = vector.load %arg6[%swap3A, %swap3A_11] : memref<2048x1xf32, #tpu.memory_space<vmem>>, vector<2048x1xf32>
    tpu.vector_store %arg6[%swap3A, %swap3A_11], %mul3A {strides = array<i32>} : memref<2048x1xf32, #tpu.memory_space<vmem>>, vector<2048x1xf32>,
    %get3A_13 = arith.constant 0 : index
    %get3A_14 = arith.constant 0 : index
    %get3A_15 = vector.load %arg4[%get3A_13, %get3A_14] : memref<2048x3xf32, #tpu.memory_space<vmem>>, vector<2048x3xf32>
    %get3A_16 = arith.constant 0 : index
    %get3A_17 = arith.constant 0 : index
    %get3A_18 = vector.load %arg5[%get3A_16, %get3A_17] : memref<3x16xf32, #tpu.memory_space<vmem>>, vector<3x16xf32>
    %dot_general3A = arith.constant dense<0.000000e+00> : vector<2048x16xf32>
    %dot_general3A_19 = tpu.matmul %get3A_15, %get3A_18, %dot_general3A {dimension_numbers = #tpu.dot_dimension_numbers<[1], [0], [0], [1], [0, 0, 1, 1], [], []>, transpose_lhs_hint = false} : vector<2048x3xf32>, vector<3x16xf32>, vector<2048x16xf32> -> vector<2048x16xf32>
    %mul3A_20 = vector.broadcast %mul3A : vector<2048x1xf32> to vector<2048x16xf32>
    %mul3A_21 = arith.mulf %mul3A_20, %dot_general3A_19 : vector<2048x16xf32>
    %swap3A_22 = arith.constant 0 : index
    %swap3A_23 = arith.constant 0 : index
    %swap3A_24 = vector.load %arg7[%swap3A_22, %swap3A_23] : memref<2048x16xf32, #tpu.memory_space<vmem>>, vector<2048x16xf32>
    tpu.vector_store %arg7[%swap3A_22, %swap3A_23], %mul3A_21 {strides = array<i32>} : memref<2048x16xf32, #tpu.memory_space<vmem>>, vector<2048x16xf32>,
    return
  }
  func.func @transform_0(%arg0: i32) -> (i32, i32) {
    %c0_i32 = arith.constant 0 : i32
    %c0_i32_0 = arith.constant 0 : i32
    return %arg0, %c0_i32 : i32, i32
  }
  func.func @transform_1(%arg0: i32) -> (i32, i32) {
    %c0_i32 = arith.constant 0 : i32
    %c0_i32_0 = arith.constant 0 : i32
    return %arg0, %c0_i32 : i32, i32
  }
  func.func @transform_2(%arg0: i32) -> (i32, i32) {
    %c0_i32 = arith.constant 0 : i32
    %c0_i32_0 = arith.constant 0 : i32
    return %arg0, %c0_i32 : i32, i32
  }
  func.func @transform_3(%arg0: i32) -> (i32, i32) {
    %c0_i32 = arith.constant 0 : i32
    %c0_i32_0 = arith.constant 0 : i32
    return %arg0, %c0_i32 : i32, i32
  }
  func.func @transform_4(%arg0: i32) -> (i32, i32) {
    %c0_i32 = arith.constant 0 : i32
    %c0_i32_0 = arith.constant 0 : i32
    %c0_i32_1 = arith.constant 0 : i32
    return %c0_i32, %c0_i32_0 : i32, i32
  }
  func.func @transform_5(%arg0: i32) -> (i32, i32) {
    %c0_i32 = arith.constant 0 : i32
    %c0_i32_0 = arith.constant 0 : i32
    return %arg0, %c0_i32 : i32, i32
  }
  func.func @transform_6(%arg0: i32) -> (i32, i32) {
    %c0_i32 = arith.constant 0 : i32
    %c0_i32_0 = arith.constant 0 : i32
    return %arg0, %c0_i32 : i32, i32
  }
}

module attributes {stable_mosaic.version = 14 : i64} {
  func.func @_stats_body(%arg0: i32, %arg1: memref<2048x16xf32, #tpu.memory_space<vmem>>, %arg2: memref<2048x16xf32, #tpu.memory_space<vmem>>, %arg3: memref<2048x16xf32, #tpu.memory_space<vmem>>, %arg4: memref<2048x1xf32, #tpu.memory_space<vmem>>, %arg5: memref<2048x16xf32, #tpu.memory_space<vmem>>, %arg6: memref<17x17xf32, #tpu.memory_space<vmem>>) attributes {dimension_semantics = [#tpu.dimension_semantics<arbitrary>], iteration_bounds = array<i64: 49>, scalar_prefetch = 0 : i64, scratch_operands = 0 : i64, tpu.core_type = #tpu.core_type<tc>, window_params = [{transform_indices = @transform_0, window_bounds = array<i64: 2048, 16>}, {transform_indices = @transform_1, window_bounds = array<i64: 2048, 16>}, {transform_indices = @transform_2, window_bounds = array<i64: 2048, 16>}, {transform_indices = @transform_3, window_bounds = array<i64: 2048, 1>}, {transform_indices = @transform_4, window_bounds = array<i64: 2048, 16>}, {pipeline_mode = #tpu.pipeline_mode<synchronous>, transform_indices = @transform_5, window_bounds = array<i64: 17, 17>}]} {
    %get3A = arith.constant 0 : index
    %get3A_0 = arith.constant 0 : index
    %get3A_1 = vector.load %arg4[%get3A, %get3A_0] : memref<2048x1xf32, #tpu.memory_space<vmem>>, vector<2048x1xf32>
    %get3A_2 = arith.constant 0 : index
    %get3A_3 = arith.constant 0 : index
    %get3A_4 = vector.load %arg1[%get3A_2, %get3A_3] : memref<2048x16xf32, #tpu.memory_space<vmem>>, vector<2048x16xf32>
    %get3A_5 = arith.constant 0 : index
    %get3A_6 = arith.constant 0 : index
    %get3A_7 = vector.load %arg2[%get3A_5, %get3A_6] : memref<2048x16xf32, #tpu.memory_space<vmem>>, vector<2048x16xf32>
    %add3A = arith.addf %get3A_4, %get3A_7 : vector<2048x16xf32>
    %get3A_8 = arith.constant 0 : index
    %get3A_9 = arith.constant 0 : index
    %get3A_10 = vector.load %arg3[%get3A_8, %get3A_9] : memref<2048x16xf32, #tpu.memory_space<vmem>>, vector<2048x16xf32>
    %add3A_11 = arith.addf %add3A, %get3A_10 : vector<2048x16xf32>
    %mul3A = vector.broadcast %get3A_1 : vector<2048x1xf32> to vector<2048x16xf32>
    %mul3A_12 = arith.mulf %mul3A, %add3A_11 : vector<2048x16xf32>
    %swap3A = arith.constant 0 : index
    %swap3A_13 = arith.constant 0 : index
    %swap3A_14 = vector.load %arg5[%swap3A, %swap3A_13] : memref<2048x16xf32, #tpu.memory_space<vmem>>, vector<2048x16xf32>
    tpu.vector_store %arg5[%swap3A, %swap3A_13], %mul3A_12 {strides = array<i32>} : memref<2048x16xf32, #tpu.memory_space<vmem>>, vector<2048x16xf32>,
    %broadcast_in_dim3A = arith.constant 1.000000e+00 : f32
    %broadcast_in_dim3A_15 = vector.broadcast %broadcast_in_dim3A : f32 to vector<2048x1xf32>
    %concatenate3A = tpu.concatenate %mul3A_12, %broadcast_in_dim3A_15 in 1 : vector<2048x16xf32>, vector<2048x1xf32> -> vector<2048x17xf32>
    %dot_general3A = arith.constant dense<0.000000e+00> : vector<17x17xf32>
    %dot_general3A_16 = tpu.matmul %concatenate3A, %concatenate3A, %dot_general3A {dimension_numbers = #tpu.dot_dimension_numbers<[0], [0], [1], [1], [0, 1, 1, 1], [], []>, precision = #tpu.contract_precision<fp32>, transpose_lhs_hint = false} : vector<2048x17xf32>, vector<2048x17xf32>, vector<17x17xf32> -> vector<17x17xf32>
    %eq3A = arith.constant 0 : i32
    %eq3A_17 = arith.cmpi eq, %arg0, %eq3A : i32
    %convert_element_type3A = arith.extui %eq3A_17 : i1 to i32
    %cond3A = arith.constant 0 : i32
    %cond3A_18 = arith.cmpi ne, %convert_element_type3A, %cond3A : i32
    scf.if %cond3A_18 {
      %swap3A_23 = arith.constant 0 : index
      %swap3A_24 = arith.constant 0 : index
      %swap3A_25 = vector.load %arg6[%swap3A_23, %swap3A_24] : memref<17x17xf32, #tpu.memory_space<vmem>>, vector<17x17xf32>
      tpu.vector_store %arg6[%swap3A_23, %swap3A_24], %dot_general3A_16 {strides = array<i32>} : memref<17x17xf32, #tpu.memory_space<vmem>>, vector<17x17xf32>,
    } else {
    }
    %gt3A = arith.constant 0 : i32
    %gt3A_19 = arith.cmpi sgt, %arg0, %gt3A : i32
    %convert_element_type3A_20 = arith.extui %gt3A_19 : i1 to i32
    %cond3A_21 = arith.constant 0 : i32
    %cond3A_22 = arith.cmpi ne, %convert_element_type3A_20, %cond3A_21 : i32
    scf.if %cond3A_22 {
      %get3A_23 = arith.constant 0 : index
      %get3A_24 = arith.constant 0 : index
      %get3A_25 = vector.load %arg6[%get3A_23, %get3A_24] : memref<17x17xf32, #tpu.memory_space<vmem>>, vector<17x17xf32>
      %add3A_26 = arith.addf %get3A_25, %dot_general3A_16 : vector<17x17xf32>
      %swap3A_27 = arith.constant 0 : index
      %swap3A_28 = arith.constant 0 : index
      %swap3A_29 = vector.load %arg6[%swap3A_27, %swap3A_28] : memref<17x17xf32, #tpu.memory_space<vmem>>, vector<17x17xf32>
      tpu.vector_store %arg6[%swap3A_27, %swap3A_28], %add3A_26 {strides = array<i32>} : memref<17x17xf32, #tpu.memory_space<vmem>>, vector<17x17xf32>,
    } else {
    }
    return
  }
  func.func @transform_0(%arg0: i32) -> (i32, i32) {
    %c0_i32 = arith.constant 0 : i32
    %c0_i32_0 = arith.constant 0 : i32
    return %arg0, %c0_i32 : i32, i32
  }
  func.func @transform_1(%arg0: i32) -> (i32, i32) {
    %c0_i32 = arith.constant 0 : i32
    %c0_i32_0 = arith.constant 0 : i32
    return %arg0, %c0_i32 : i32, i32
  }
  func.func @transform_2(%arg0: i32) -> (i32, i32) {
    %c0_i32 = arith.constant 0 : i32
    %c0_i32_0 = arith.constant 0 : i32
    return %arg0, %c0_i32 : i32, i32
  }
  func.func @transform_3(%arg0: i32) -> (i32, i32) {
    %c0_i32 = arith.constant 0 : i32
    %c0_i32_0 = arith.constant 0 : i32
    return %arg0, %c0_i32 : i32, i32
  }
  func.func @transform_4(%arg0: i32) -> (i32, i32) {
    %c0_i32 = arith.constant 0 : i32
    %c0_i32_0 = arith.constant 0 : i32
    return %arg0, %c0_i32 : i32, i32
  }
  func.func @transform_5(%arg0: i32) -> (i32, i32) {
    %c0_i32 = arith.constant 0 : i32
    %c0_i32_0 = arith.constant 0 : i32
    %c0_i32_1 = arith.constant 0 : i32
    return %c0_i32, %c0_i32_0 : i32, i32
  }
}

module attributes {stable_mosaic.version = 14 : i64} {
  func.func @_applyI_body(%arg0: i32, %arg1: memref<2048x16xf32, #tpu.memory_space<vmem>>, %arg2: memref<2048x1xf32, #tpu.memory_space<vmem>>, %arg3: memref<1x16xf32, #tpu.memory_space<vmem>>, %arg4: memref<1x16xf32, #tpu.memory_space<vmem>>, %arg5: memref<1x16xf32, #tpu.memory_space<vmem>>, %arg6: memref<1x16xf32, #tpu.memory_space<vmem>>, %arg7: memref<2048x16xf32, #tpu.memory_space<vmem>>) attributes {dimension_semantics = [#tpu.dimension_semantics<arbitrary>], iteration_bounds = array<i64: 49>, scalar_prefetch = 0 : i64, scratch_operands = 0 : i64, tpu.core_type = #tpu.core_type<tc>, window_params = [{transform_indices = @transform_0, window_bounds = array<i64: 2048, 16>}, {transform_indices = @transform_1, window_bounds = array<i64: 2048, 1>}, {pipeline_mode = #tpu.pipeline_mode<synchronous>, transform_indices = @transform_2, window_bounds = array<i64: 1, 16>}, {pipeline_mode = #tpu.pipeline_mode<synchronous>, transform_indices = @transform_3, window_bounds = array<i64: 1, 16>}, {pipeline_mode = #tpu.pipeline_mode<synchronous>, transform_indices = @transform_4, window_bounds = array<i64: 1, 16>}, {pipeline_mode = #tpu.pipeline_mode<synchronous>, transform_indices = @transform_5, window_bounds = array<i64: 1, 16>}, {transform_indices = @transform_6, window_bounds = array<i64: 2048, 16>}]} {
    %get3A = arith.constant 0 : index
    %get3A_0 = arith.constant 0 : index
    %get3A_1 = vector.load %arg1[%get3A, %get3A_0] : memref<2048x16xf32, #tpu.memory_space<vmem>>, vector<2048x16xf32>
    %get3A_2 = arith.constant 0 : index
    %get3A_3 = arith.constant 0 : index
    %get3A_4 = vector.load %arg3[%get3A_2, %get3A_3] : memref<1x16xf32, #tpu.memory_space<vmem>>, vector<1x16xf32>
    %sub3A = vector.broadcast %get3A_4 : vector<1x16xf32> to vector<2048x16xf32>
    %sub3A_5 = arith.subf %get3A_1, %sub3A : vector<2048x16xf32>
    %get3A_6 = arith.constant 0 : index
    %get3A_7 = arith.constant 0 : index
    %get3A_8 = vector.load %arg4[%get3A_6, %get3A_7] : memref<1x16xf32, #tpu.memory_space<vmem>>, vector<1x16xf32>
    %mul3A = vector.broadcast %get3A_8 : vector<1x16xf32> to vector<2048x16xf32>
    %mul3A_9 = arith.mulf %sub3A_5, %mul3A : vector<2048x16xf32>
    %get3A_10 = arith.constant 0 : index
    %get3A_11 = arith.constant 0 : index
    %get3A_12 = vector.load %arg5[%get3A_10, %get3A_11] : memref<1x16xf32, #tpu.memory_space<vmem>>, vector<1x16xf32>
    %mul3A_13 = vector.broadcast %get3A_12 : vector<1x16xf32> to vector<2048x16xf32>
    %mul3A_14 = arith.mulf %mul3A_9, %mul3A_13 : vector<2048x16xf32>
    %get3A_15 = arith.constant 0 : index
    %get3A_16 = arith.constant 0 : index
    %get3A_17 = vector.load %arg6[%get3A_15, %get3A_16] : memref<1x16xf32, #tpu.memory_space<vmem>>, vector<1x16xf32>
    %add3A = vector.broadcast %get3A_17 : vector<1x16xf32> to vector<2048x16xf32>
    %add3A_18 = arith.addf %mul3A_14, %add3A : vector<2048x16xf32>
    %max3A = arith.constant 0.000000e+00 : f32
    %max3A_19 = vector.broadcast %max3A : f32 to vector<2048x16xf32>
    %max3A_20 = arith.maximumf %add3A_18, %max3A_19 : vector<2048x16xf32>
    %get3A_21 = arith.constant 0 : index
    %get3A_22 = arith.constant 0 : index
    %get3A_23 = vector.load %arg2[%get3A_21, %get3A_22] : memref<2048x1xf32, #tpu.memory_space<vmem>>, vector<2048x1xf32>
    %bitcast_convert_type3A = tpu.bitcast %max3A_20 : vector<2048x16xf32> -> vector<2048x16xi32>
    %and3A = arith.constant -65536 : i32
    %and3A_24 = vector.broadcast %and3A : i32 to vector<2048x16xi32>
    %and3A_25 = arith.andi %bitcast_convert_type3A, %and3A_24 : vector<2048x16xi32>
    %bitcast_convert_type3A_26 = tpu.bitcast %and3A_25 : vector<2048x16xi32> -> vector<2048x16xf32>
    %mul3A_27 = vector.broadcast %get3A_23 : vector<2048x1xf32> to vector<2048x16xf32>
    %mul3A_28 = arith.mulf %mul3A_27, %bitcast_convert_type3A_26 : vector<2048x16xf32>
    %swap3A = arith.constant 0 : index
    %swap3A_29 = arith.constant 0 : index
    %swap3A_30 = vector.load %arg7[%swap3A, %swap3A_29] : memref<2048x16xf32, #tpu.memory_space<vmem>>, vector<2048x16xf32>
    tpu.vector_store %arg7[%swap3A, %swap3A_29], %mul3A_28 {strides = array<i32>} : memref<2048x16xf32, #tpu.memory_space<vmem>>, vector<2048x16xf32>,
    return
  }
  func.func @transform_0(%arg0: i32) -> (i32, i32) {
    %c0_i32 = arith.constant 0 : i32
    %c0_i32_0 = arith.constant 0 : i32
    return %arg0, %c0_i32 : i32, i32
  }
  func.func @transform_1(%arg0: i32) -> (i32, i32) {
    %c0_i32 = arith.constant 0 : i32
    %c0_i32_0 = arith.constant 0 : i32
    return %arg0, %c0_i32 : i32, i32
  }
  func.func @transform_2(%arg0: i32) -> (i32, i32) {
    %c0_i32 = arith.constant 0 : i32
    %c0_i32_0 = arith.constant 0 : i32
    %c0_i32_1 = arith.constant 0 : i32
    return %c0_i32, %c0_i32_0 : i32, i32
  }
  func.func @transform_3(%arg0: i32) -> (i32, i32) {
    %c0_i32 = arith.constant 0 : i32
    %c0_i32_0 = arith.constant 0 : i32
    %c0_i32_1 = arith.constant 0 : i32
    return %c0_i32, %c0_i32_0 : i32, i32
  }
  func.func @transform_4(%arg0: i32) -> (i32, i32) {
    %c0_i32 = arith.constant 0 : i32
    %c0_i32_0 = arith.constant 0 : i32
    %c0_i32_1 = arith.constant 0 : i32
    return %c0_i32, %c0_i32_0 : i32, i32
  }
  func.func @transform_5(%arg0: i32) -> (i32, i32) {
    %c0_i32 = arith.constant 0 : i32
    %c0_i32_0 = arith.constant 0 : i32
    %c0_i32_1 = arith.constant 0 : i32
    return %c0_i32, %c0_i32_0 : i32, i32
  }
  func.func @transform_6(%arg0: i32) -> (i32, i32) {
    %c0_i32 = arith.constant 0 : i32
    %c0_i32_0 = arith.constant 0 : i32
    return %arg0, %c0_i32 : i32, i32
  }
}

module attributes {stable_mosaic.version = 14 : i64} {
  func.func @_apply2_body(%arg0: i32, %arg1: memref<2048x16xf32, #tpu.memory_space<vmem>>, %arg2: memref<2048x1xf32, #tpu.memory_space<vmem>>, %arg3: memref<16x32xf32, #tpu.memory_space<vmem>>, %arg4: memref<1x32xf32, #tpu.memory_space<vmem>>, %arg5: memref<1x32xf32, #tpu.memory_space<vmem>>, %arg6: memref<1x32xf32, #tpu.memory_space<vmem>>, %arg7: memref<1x32xf32, #tpu.memory_space<vmem>>, %arg8: memref<2048x16xf32, #tpu.memory_space<vmem>>, %arg9: memref<2048x16xf32, #tpu.memory_space<vmem>>) attributes {dimension_semantics = [#tpu.dimension_semantics<arbitrary>], iteration_bounds = array<i64: 49>, scalar_prefetch = 0 : i64, scratch_operands = 0 : i64, tpu.core_type = #tpu.core_type<tc>, window_params = [{transform_indices = @transform_0, window_bounds = array<i64: 2048, 16>}, {transform_indices = @transform_1, window_bounds = array<i64: 2048, 1>}, {pipeline_mode = #tpu.pipeline_mode<synchronous>, transform_indices = @transform_2, window_bounds = array<i64: 16, 32>}, {pipeline_mode = #tpu.pipeline_mode<synchronous>, transform_indices = @transform_3, window_bounds = array<i64: 1, 32>}, {pipeline_mode = #tpu.pipeline_mode<synchronous>, transform_indices = @transform_4, window_bounds = array<i64: 1, 32>}, {pipeline_mode = #tpu.pipeline_mode<synchronous>, transform_indices = @transform_5, window_bounds = array<i64: 1, 32>}, {pipeline_mode = #tpu.pipeline_mode<synchronous>, transform_indices = @transform_6, window_bounds = array<i64: 1, 32>}, {transform_indices = @transform_7, window_bounds = array<i64: 2048, 16>}, {transform_indices = @transform_8, window_bounds = array<i64: 2048, 16>}]} {
    %get3A = arith.constant 0 : index
    %get3A_0 = arith.constant 0 : index
    %get3A_1 = vector.load %arg1[%get3A, %get3A_0] : memref<2048x16xf32, #tpu.memory_space<vmem>>, vector<2048x16xf32>
    %get3A_2 = arith.constant 0 : index
    %get3A_3 = arith.constant 0 : index
    %get3A_4 = vector.load %arg3[%get3A_2, %get3A_3] : memref<16x32xf32, #tpu.memory_space<vmem>>, vector<16x32xf32>
    %dot_general3A = arith.constant dense<0.000000e+00> : vector<2048x32xf32>
    %dot_general3A_5 = tpu.matmul %get3A_1, %get3A_4, %dot_general3A {dimension_numbers = #tpu.dot_dimension_numbers<[1], [0], [0], [1], [0, 0, 1, 1], [], []>, precision = #tpu.contract_precision<fp32>, transpose_lhs_hint = false} : vector<2048x16xf32>, vector<16x32xf32>, vector<2048x32xf32> -> vector<2048x32xf32>
    %get3A_6 = arith.constant 0 : index
    %get3A_7 = arith.constant 0 : index
    %get3A_8 = vector.load %arg4[%get3A_6, %get3A_7] : memref<1x32xf32, #tpu.memory_space<vmem>>, vector<1x32xf32>
    %sub3A = vector.broadcast %get3A_8 : vector<1x32xf32> to vector<2048x32xf32>
    %sub3A_9 = arith.subf %dot_general3A_5, %sub3A : vector<2048x32xf32>
    %get3A_10 = arith.constant 0 : index
    %get3A_11 = arith.constant 0 : index
    %get3A_12 = vector.load %arg5[%get3A_10, %get3A_11] : memref<1x32xf32, #tpu.memory_space<vmem>>, vector<1x32xf32>
    %mul3A = vector.broadcast %get3A_12 : vector<1x32xf32> to vector<2048x32xf32>
    %mul3A_13 = arith.mulf %sub3A_9, %mul3A : vector<2048x32xf32>
    %get3A_14 = arith.constant 0 : index
    %get3A_15 = arith.constant 0 : index
    %get3A_16 = vector.load %arg6[%get3A_14, %get3A_15] : memref<1x32xf32, #tpu.memory_space<vmem>>, vector<1x32xf32>
    %mul3A_17 = vector.broadcast %get3A_16 : vector<1x32xf32> to vector<2048x32xf32>
    %mul3A_18 = arith.mulf %mul3A_13, %mul3A_17 : vector<2048x32xf32>
    %get3A_19 = arith.constant 0 : index
    %get3A_20 = arith.constant 0 : index
    %get3A_21 = vector.load %arg7[%get3A_19, %get3A_20] : memref<1x32xf32, #tpu.memory_space<vmem>>, vector<1x32xf32>
    %add3A = vector.broadcast %get3A_21 : vector<1x32xf32> to vector<2048x32xf32>
    %add3A_22 = arith.addf %mul3A_18, %add3A : vector<2048x32xf32>
    %max3A = arith.constant 0.000000e+00 : f32
    %max3A_23 = vector.broadcast %max3A : f32 to vector<2048x32xf32>
    %max3A_24 = arith.maximumf %add3A_22, %max3A_23 : vector<2048x32xf32>
    %get3A_25 = arith.constant 0 : index
    %get3A_26 = arith.constant 0 : index
    %get3A_27 = vector.load %arg2[%get3A_25, %get3A_26] : memref<2048x1xf32, #tpu.memory_space<vmem>>, vector<2048x1xf32>
    %bitcast_convert_type3A = tpu.bitcast %max3A_24 : vector<2048x32xf32> -> vector<2048x32xi32>
    %and3A = arith.constant -65536 : i32
    %and3A_28 = vector.broadcast %and3A : i32 to vector<2048x32xi32>
    %and3A_29 = arith.andi %bitcast_convert_type3A, %and3A_28 : vector<2048x32xi32>
    %bitcast_convert_type3A_30 = tpu.bitcast %and3A_29 : vector<2048x32xi32> -> vector<2048x32xf32>
    %mul3A_31 = vector.broadcast %get3A_27 : vector<2048x1xf32> to vector<2048x32xf32>
    %mul3A_32 = arith.mulf %mul3A_31, %bitcast_convert_type3A_30 : vector<2048x32xf32>
    %slice3A = vector.extract_strided_slice %mul3A_32 {offsets = [0, 0], sizes = [2048, 16], strides = [1, 1]} : vector<2048x32xf32> to vector<2048x16xf32>
    %swap3A = arith.constant 0 : index
    %swap3A_33 = arith.constant 0 : index
    %swap3A_34 = vector.load %arg8[%swap3A, %swap3A_33] : memref<2048x16xf32, #tpu.memory_space<vmem>>, vector<2048x16xf32>
    tpu.vector_store %arg8[%swap3A, %swap3A_33], %slice3A {strides = array<i32>} : memref<2048x16xf32, #tpu.memory_space<vmem>>, vector<2048x16xf32>,
    %slice3A_35 = vector.extract_strided_slice %mul3A_32 {offsets = [0, 16], sizes = [2048, 16], strides = [1, 1]} : vector<2048x32xf32> to vector<2048x16xf32>
    %swap3A_36 = arith.constant 0 : index
    %swap3A_37 = arith.constant 0 : index
    %swap3A_38 = vector.load %arg9[%swap3A_36, %swap3A_37] : memref<2048x16xf32, #tpu.memory_space<vmem>>, vector<2048x16xf32>
    tpu.vector_store %arg9[%swap3A_36, %swap3A_37], %slice3A_35 {strides = array<i32>} : memref<2048x16xf32, #tpu.memory_space<vmem>>, vector<2048x16xf32>,
    return
  }
  func.func @transform_0(%arg0: i32) -> (i32, i32) {
    %c0_i32 = arith.constant 0 : i32
    %c0_i32_0 = arith.constant 0 : i32
    return %arg0, %c0_i32 : i32, i32
  }
  func.func @transform_1(%arg0: i32) -> (i32, i32) {
    %c0_i32 = arith.constant 0 : i32
    %c0_i32_0 = arith.constant 0 : i32
    return %arg0, %c0_i32 : i32, i32
  }
  func.func @transform_2(%arg0: i32) -> (i32, i32) {
    %c0_i32 = arith.constant 0 : i32
    %c0_i32_0 = arith.constant 0 : i32
    %c0_i32_1 = arith.constant 0 : i32
    return %c0_i32, %c0_i32_0 : i32, i32
  }
  func.func @transform_3(%arg0: i32) -> (i32, i32) {
    %c0_i32 = arith.constant 0 : i32
    %c0_i32_0 = arith.constant 0 : i32
    %c0_i32_1 = arith.constant 0 : i32
    return %c0_i32, %c0_i32_0 : i32, i32
  }
  func.func @transform_4(%arg0: i32) -> (i32, i32) {
    %c0_i32 = arith.constant 0 : i32
    %c0_i32_0 = arith.constant 0 : i32
    %c0_i32_1 = arith.constant 0 : i32
    return %c0_i32, %c0_i32_0 : i32, i32
  }
  func.func @transform_5(%arg0: i32) -> (i32, i32) {
    %c0_i32 = arith.constant 0 : i32
    %c0_i32_0 = arith.constant 0 : i32
    %c0_i32_1 = arith.constant 0 : i32
    return %c0_i32, %c0_i32_0 : i32, i32
  }
  func.func @transform_6(%arg0: i32) -> (i32, i32) {
    %c0_i32 = arith.constant 0 : i32
    %c0_i32_0 = arith.constant 0 : i32
    %c0_i32_1 = arith.constant 0 : i32
    return %c0_i32, %c0_i32_0 : i32, i32
  }
  func.func @transform_7(%arg0: i32) -> (i32, i32) {
    %c0_i32 = arith.constant 0 : i32
    %c0_i32_0 = arith.constant 0 : i32
    return %arg0, %c0_i32 : i32, i32
  }
  func.func @transform_8(%arg0: i32) -> (i32, i32) {
    %c0_i32 = arith.constant 0 : i32
    %c0_i32_0 = arith.constant 0 : i32
    return %arg0, %c0_i32 : i32, i32
  }
}

module attributes {stable_mosaic.version = 14 : i64} {
  func.func @_stats2_body(%arg0: i32, %arg1: memref<2048x16xf32, #tpu.memory_space<vmem>>, %arg2: memref<2048x16xf32, #tpu.memory_space<vmem>>, %arg3: memref<2048x16xf32, #tpu.memory_space<vmem>>, %arg4: memref<2048x16xf32, #tpu.memory_space<vmem>>, %arg5: memref<2048x16xf32, #tpu.memory_space<vmem>>, %arg6: memref<2048x16xf32, #tpu.memory_space<vmem>>, %arg7: memref<2048x1xf32, #tpu.memory_space<vmem>>, %arg8: memref<2048x32xf32, #tpu.memory_space<vmem>>, %arg9: memref<33x33xf32, #tpu.memory_space<vmem>>) attributes {dimension_semantics = [#tpu.dimension_semantics<arbitrary>], iteration_bounds = array<i64: 49>, scalar_prefetch = 0 : i64, scratch_operands = 0 : i64, tpu.core_type = #tpu.core_type<tc>, window_params = [{transform_indices = @transform_0, window_bounds = array<i64: 2048, 16>}, {transform_indices = @transform_1, window_bounds = array<i64: 2048, 16>}, {transform_indices = @transform_2, window_bounds = array<i64: 2048, 16>}, {transform_indices = @transform_3, window_bounds = array<i64: 2048, 16>}, {transform_indices = @transform_4, window_bounds = array<i64: 2048, 16>}, {transform_indices = @transform_5, window_bounds = array<i64: 2048, 16>}, {transform_indices = @transform_6, window_bounds = array<i64: 2048, 1>}, {transform_indices = @transform_7, window_bounds = array<i64: 2048, 32>}, {pipeline_mode = #tpu.pipeline_mode<synchronous>, transform_indices = @transform_8, window_bounds = array<i64: 33, 33>}]} {
    %get3A = arith.constant 0 : index
    %get3A_0 = arith.constant 0 : index
    %get3A_1 = vector.load %arg7[%get3A, %get3A_0] : memref<2048x1xf32, #tpu.memory_space<vmem>>, vector<2048x1xf32>
    %get3A_2 = arith.constant 0 : index
    %get3A_3 = arith.constant 0 : index
    %get3A_4 = vector.load %arg1[%get3A_2, %get3A_3] : memref<2048x16xf32, #tpu.memory_space<vmem>>, vector<2048x16xf32>
    %get3A_5 = arith.constant 0 : index
    %get3A_6 = arith.constant 0 : index
    %get3A_7 = vector.load %arg2[%get3A_5, %get3A_6] : memref<2048x16xf32, #tpu.memory_space<vmem>>, vector<2048x16xf32>
    %add3A = arith.addf %get3A_4, %get3A_7 : vector<2048x16xf32>
    %get3A_8 = arith.constant 0 : index
    %get3A_9 = arith.constant 0 : index
    %get3A_10 = vector.load %arg3[%get3A_8, %get3A_9] : memref<2048x16xf32, #tpu.memory_space<vmem>>, vector<2048x16xf32>
    %add3A_11 = arith.addf %add3A, %get3A_10 : vector<2048x16xf32>
    %mul3A = vector.broadcast %get3A_1 : vector<2048x1xf32> to vector<2048x16xf32>
    %mul3A_12 = arith.mulf %mul3A, %add3A_11 : vector<2048x16xf32>
    %get3A_13 = arith.constant 0 : index
    %get3A_14 = arith.constant 0 : index
    %get3A_15 = vector.load %arg4[%get3A_13, %get3A_14] : memref<2048x16xf32, #tpu.memory_space<vmem>>, vector<2048x16xf32>
    %get3A_16 = arith.constant 0 : index
    %get3A_17 = arith.constant 0 : index
    %get3A_18 = vector.load %arg5[%get3A_16, %get3A_17] : memref<2048x16xf32, #tpu.memory_space<vmem>>, vector<2048x16xf32>
    %add3A_19 = arith.addf %get3A_15, %get3A_18 : vector<2048x16xf32>
    %get3A_20 = arith.constant 0 : index
    %get3A_21 = arith.constant 0 : index
    %get3A_22 = vector.load %arg6[%get3A_20, %get3A_21] : memref<2048x16xf32, #tpu.memory_space<vmem>>, vector<2048x16xf32>
    %add3A_23 = arith.addf %add3A_19, %get3A_22 : vector<2048x16xf32>
    %mul3A_24 = vector.broadcast %get3A_1 : vector<2048x1xf32> to vector<2048x16xf32>
    %mul3A_25 = arith.mulf %mul3A_24, %add3A_23 : vector<2048x16xf32>
    %concatenate3A = tpu.concatenate %mul3A_12, %mul3A_25 in 1 : vector<2048x16xf32>, vector<2048x16xf32> -> vector<2048x32xf32>
    %swap3A = arith.constant 0 : index
    %swap3A_26 = arith.constant 0 : index
    %swap3A_27 = vector.load %arg8[%swap3A, %swap3A_26] : memref<2048x32xf32, #tpu.memory_space<vmem>>, vector<2048x32xf32>
    tpu.vector_store %arg8[%swap3A, %swap3A_26], %concatenate3A {strides = array<i32>} : memref<2048x32xf32, #tpu.memory_space<vmem>>, vector<2048x32xf32>,
    %broadcast_in_dim3A = arith.constant 1.000000e+00 : f32
    %broadcast_in_dim3A_28 = vector.broadcast %broadcast_in_dim3A : f32 to vector<2048x1xf32>
    %concatenate3A_29 = tpu.concatenate %concatenate3A, %broadcast_in_dim3A_28 in 1 : vector<2048x32xf32>, vector<2048x1xf32> -> vector<2048x33xf32>
    %dot_general3A = arith.constant dense<0.000000e+00> : vector<33x33xf32>
    %dot_general3A_30 = tpu.matmul %concatenate3A_29, %concatenate3A_29, %dot_general3A {dimension_numbers = #tpu.dot_dimension_numbers<[0], [0], [1], [1], [0, 1, 1, 1], [], []>, precision = #tpu.contract_precision<fp32>, transpose_lhs_hint = false} : vector<2048x33xf32>, vector<2048x33xf32>, vector<33x33xf32> -> vector<33x33xf32>
    %eq3A = arith.constant 0 : i32
    %eq3A_31 = arith.cmpi eq, %arg0, %eq3A : i32
    %convert_element_type3A = arith.extui %eq3A_31 : i1 to i32
    %cond3A = arith.constant 0 : i32
    %cond3A_32 = arith.cmpi ne, %convert_element_type3A, %cond3A : i32
    scf.if %cond3A_32 {
      %swap3A_37 = arith.constant 0 : index
      %swap3A_38 = arith.constant 0 : index
      %swap3A_39 = vector.load %arg9[%swap3A_37, %swap3A_38] : memref<33x33xf32, #tpu.memory_space<vmem>>, vector<33x33xf32>
      tpu.vector_store %arg9[%swap3A_37, %swap3A_38], %dot_general3A_30 {strides = array<i32>} : memref<33x33xf32, #tpu.memory_space<vmem>>, vector<33x33xf32>,
    } else {
    }
    %gt3A = arith.constant 0 : i32
    %gt3A_33 = arith.cmpi sgt, %arg0, %gt3A : i32
    %convert_element_type3A_34 = arith.extui %gt3A_33 : i1 to i32
    %cond3A_35 = arith.constant 0 : i32
    %cond3A_36 = arith.cmpi ne, %convert_element_type3A_34, %cond3A_35 : i32
    scf.if %cond3A_36 {
      %get3A_37 = arith.constant 0 : index
      %get3A_38 = arith.constant 0 : index
      %get3A_39 = vector.load %arg9[%get3A_37, %get3A_38] : memref<33x33xf32, #tpu.memory_space<vmem>>, vector<33x33xf32>
      %add3A_40 = arith.addf %get3A_39, %dot_general3A_30 : vector<33x33xf32>
      %swap3A_41 = arith.constant 0 : index
      %swap3A_42 = arith.constant 0 : index
      %swap3A_43 = vector.load %arg9[%swap3A_41, %swap3A_42] : memref<33x33xf32, #tpu.memory_space<vmem>>, vector<33x33xf32>
      tpu.vector_store %arg9[%swap3A_41, %swap3A_42], %add3A_40 {strides = array<i32>} : memref<33x33xf32, #tpu.memory_space<vmem>>, vector<33x33xf32>,
    } else {
    }
    return
  }
  func.func @transform_0(%arg0: i32) -> (i32, i32) {
    %c0_i32 = arith.constant 0 : i32
    %c0_i32_0 = arith.constant 0 : i32
    return %arg0, %c0_i32 : i32, i32
  }
  func.func @transform_1(%arg0: i32) -> (i32, i32) {
    %c0_i32 = arith.constant 0 : i32
    %c0_i32_0 = arith.constant 0 : i32
    return %arg0, %c0_i32 : i32, i32
  }
  func.func @transform_2(%arg0: i32) -> (i32, i32) {
    %c0_i32 = arith.constant 0 : i32
    %c0_i32_0 = arith.constant 0 : i32
    return %arg0, %c0_i32 : i32, i32
  }
  func.func @transform_3(%arg0: i32) -> (i32, i32) {
    %c0_i32 = arith.constant 0 : i32
    %c0_i32_0 = arith.constant 0 : i32
    return %arg0, %c0_i32 : i32, i32
  }
  func.func @transform_4(%arg0: i32) -> (i32, i32) {
    %c0_i32 = arith.constant 0 : i32
    %c0_i32_0 = arith.constant 0 : i32
    return %arg0, %c0_i32 : i32, i32
  }
  func.func @transform_5(%arg0: i32) -> (i32, i32) {
    %c0_i32 = arith.constant 0 : i32
    %c0_i32_0 = arith.constant 0 : i32
    return %arg0, %c0_i32 : i32, i32
  }
  func.func @transform_6(%arg0: i32) -> (i32, i32) {
    %c0_i32 = arith.constant 0 : i32
    %c0_i32_0 = arith.constant 0 : i32
    return %arg0, %c0_i32 : i32, i32
  }
  func.func @transform_7(%arg0: i32) -> (i32, i32) {
    %c0_i32 = arith.constant 0 : i32
    %c0_i32_0 = arith.constant 0 : i32
    return %arg0, %c0_i32 : i32, i32
  }
  func.func @transform_8(%arg0: i32) -> (i32, i32) {
    %c0_i32 = arith.constant 0 : i32
    %c0_i32_0 = arith.constant 0 : i32
    %c0_i32_1 = arith.constant 0 : i32
    return %c0_i32, %c0_i32_0 : i32, i32
  }
}

module attributes {stable_mosaic.version = 14 : i64} {
  func.func @_pool_body(%arg0: i32, %arg1: memref<2048x32xf32, #tpu.memory_space<vmem>>, %arg2: memref<1x2048xi32, #tpu.memory_space<vmem>>, %arg3: memref<32x64xf32, #tpu.memory_space<vmem>>, %arg4: memref<1x64xf32, #tpu.memory_space<vmem>>, %arg5: memref<1x64xf32, #tpu.memory_space<vmem>>, %arg6: memref<1x64xf32, #tpu.memory_space<vmem>>, %arg7: memref<1x64xf32, #tpu.memory_space<vmem>>, %arg8: memref<64x10xf32, #tpu.memory_space<vmem>>, %arg9: memref<1x10xf32, #tpu.memory_space<vmem>>, %arg10: memref<512x10xf32, #tpu.memory_space<vmem>>, %arg11: memref<512x65xf32, #tpu.memory_space<vmem>>) attributes {dimension_semantics = [#tpu.dimension_semantics<arbitrary>], iteration_bounds = array<i64: 49>, scalar_prefetch = 0 : i64, scratch_operands = 1 : i64, tpu.core_type = #tpu.core_type<tc>, window_params = [{transform_indices = @transform_0, window_bounds = array<i64: 2048, 32>}, {transform_indices = @transform_1, window_bounds = array<i64: 1, 2048>}, {pipeline_mode = #tpu.pipeline_mode<synchronous>, transform_indices = @transform_2, window_bounds = array<i64: 32, 64>}, {pipeline_mode = #tpu.pipeline_mode<synchronous>, transform_indices = @transform_3, window_bounds = array<i64: 1, 64>}, {pipeline_mode = #tpu.pipeline_mode<synchronous>, transform_indices = @transform_4, window_bounds = array<i64: 1, 64>}, {pipeline_mode = #tpu.pipeline_mode<synchronous>, transform_indices = @transform_5, window_bounds = array<i64: 1, 64>}, {pipeline_mode = #tpu.pipeline_mode<synchronous>, transform_indices = @transform_6, window_bounds = array<i64: 1, 64>}, {pipeline_mode = #tpu.pipeline_mode<synchronous>, transform_indices = @transform_7, window_bounds = array<i64: 64, 10>}, {pipeline_mode = #tpu.pipeline_mode<synchronous>, transform_indices = @transform_8, window_bounds = array<i64: 1, 10>}, {pipeline_mode = #tpu.pipeline_mode<synchronous>, transform_indices = @transform_9, window_bounds = array<i64: 512, 10>}]} {
    %get3A = arith.constant 0 : index
    %get3A_0 = arith.constant 0 : index
    %get3A_1 = vector.load %arg1[%get3A, %get3A_0] : memref<2048x32xf32, #tpu.memory_space<vmem>>, vector<2048x32xf32>
    %get3A_2 = arith.constant 0 : index
    %get3A_3 = arith.constant 0 : index
    %get3A_4 = vector.load %arg3[%get3A_2, %get3A_3] : memref<32x64xf32, #tpu.memory_space<vmem>>, vector<32x64xf32>
    %dot_general3A = arith.constant dense<0.000000e+00> : vector<2048x64xf32>
    %dot_general3A_5 = tpu.matmul %get3A_1, %get3A_4, %dot_general3A {dimension_numbers = #tpu.dot_dimension_numbers<[1], [0], [0], [1], [0, 0, 1, 1], [], []>, precision = #tpu.contract_precision<fp32>, transpose_lhs_hint = false} : vector<2048x32xf32>, vector<32x64xf32>, vector<2048x64xf32> -> vector<2048x64xf32>
    %get3A_6 = arith.constant 0 : index
    %get3A_7 = arith.constant 0 : index
    %get3A_8 = vector.load %arg4[%get3A_6, %get3A_7] : memref<1x64xf32, #tpu.memory_space<vmem>>, vector<1x64xf32>
    %sub3A = vector.broadcast %get3A_8 : vector<1x64xf32> to vector<2048x64xf32>
    %sub3A_9 = arith.subf %dot_general3A_5, %sub3A : vector<2048x64xf32>
    %get3A_10 = arith.constant 0 : index
    %get3A_11 = arith.constant 0 : index
    %get3A_12 = vector.load %arg5[%get3A_10, %get3A_11] : memref<1x64xf32, #tpu.memory_space<vmem>>, vector<1x64xf32>
    %mul3A = vector.broadcast %get3A_12 : vector<1x64xf32> to vector<2048x64xf32>
    %mul3A_13 = arith.mulf %sub3A_9, %mul3A : vector<2048x64xf32>
    %get3A_14 = arith.constant 0 : index
    %get3A_15 = arith.constant 0 : index
    %get3A_16 = vector.load %arg6[%get3A_14, %get3A_15] : memref<1x64xf32, #tpu.memory_space<vmem>>, vector<1x64xf32>
    %mul3A_17 = vector.broadcast %get3A_16 : vector<1x64xf32> to vector<2048x64xf32>
    %mul3A_18 = arith.mulf %mul3A_13, %mul3A_17 : vector<2048x64xf32>
    %get3A_19 = arith.constant 0 : index
    %get3A_20 = arith.constant 0 : index
    %get3A_21 = vector.load %arg7[%get3A_19, %get3A_20] : memref<1x64xf32, #tpu.memory_space<vmem>>, vector<1x64xf32>
    %add3A = vector.broadcast %get3A_21 : vector<1x64xf32> to vector<2048x64xf32>
    %add3A_22 = arith.addf %mul3A_18, %add3A : vector<2048x64xf32>
    %max3A = arith.constant 0.000000e+00 : f32
    %max3A_23 = vector.broadcast %max3A : f32 to vector<2048x64xf32>
    %max3A_24 = arith.maximumf %add3A_22, %max3A_23 : vector<2048x64xf32>
    %broadcast_in_dim3A = arith.constant 1.000000e+00 : f32
    %broadcast_in_dim3A_25 = vector.broadcast %broadcast_in_dim3A : f32 to vector<2048x1xf32>
    %concatenate3A = tpu.concatenate %max3A_24, %broadcast_in_dim3A_25 in 1 : vector<2048x64xf32>, vector<2048x1xf32> -> vector<2048x65xf32>
    %iota3A = tpu.iota {dimensions = array<i32: 0>} : vector<512x2048xi32>
    %get3A_26 = arith.constant 0 : index
    %get3A_27 = arith.constant 0 : index
    %get3A_28 = vector.load %arg2[%get3A_26, %get3A_27] : memref<1x2048xi32, #tpu.memory_space<vmem>>, vector<1x2048xi32>
    %eq3A = vector.broadcast %get3A_28 : vector<1x2048xi32> to vector<512x2048xi32>
    %eq3A_29 = arith.cmpi eq, %iota3A, %eq3A : vector<512x2048xi32>
    %convert_element_type3A = arith.extui %eq3A_29 : vector<512x2048xi1> to vector<512x2048xi32>
    %convert_element_type3A_30 = arith.sitofp %convert_element_type3A : vector<512x2048xi32> to vector<512x2048xf32>
    %dot_general3A_31 = arith.constant dense<0.000000e+00> : vector<512x65xf32>
    %dot_general3A_32 = tpu.matmul %convert_element_type3A_30, %concatenate3A, %dot_general3A_31 {dimension_numbers = #tpu.dot_dimension_numbers<[1], [0], [0], [1], [0, 0, 1, 1], [], []>, precision = #tpu.contract_precision<fp32>, transpose_lhs_hint = false} : vector<512x2048xf32>, vector<2048x65xf32>, vector<512x65xf32> -> vector<512x65xf32>
    %eq3A_33 = arith.constant 0 : i32
    %eq3A_34 = arith.cmpi eq, %arg0, %eq3A_33 : i32
    %convert_element_type3A_35 = arith.extui %eq3A_34 : i1 to i32
    %cond3A = arith.constant 0 : i32
    %cond3A_36 = arith.cmpi ne, %convert_element_type3A_35, %cond3A : i32
    scf.if %cond3A_36 {
      %swap3A = arith.constant 0 : index
      %swap3A_46 = arith.constant 0 : index
      %swap3A_47 = vector.load %arg11[%swap3A, %swap3A_46] : memref<512x65xf32, #tpu.memory_space<vmem>>, vector<512x65xf32>
      tpu.vector_store %arg11[%swap3A, %swap3A_46], %dot_general3A_32 {strides = array<i32>} : memref<512x65xf32, #tpu.memory_space<vmem>>, vector<512x65xf32>,
    } else {
    }
    %gt3A = arith.constant 0 : i32
    %gt3A_37 = arith.cmpi sgt, %arg0, %gt3A : i32
    %convert_element_type3A_38 = arith.extui %gt3A_37 : i1 to i32
    %cond3A_39 = arith.constant 0 : i32
    %cond3A_40 = arith.cmpi ne, %convert_element_type3A_38, %cond3A_39 : i32
    scf.if %cond3A_40 {
      %get3A_46 = arith.constant 0 : index
      %get3A_47 = arith.constant 0 : index
      %get3A_48 = vector.load %arg11[%get3A_46, %get3A_47] : memref<512x65xf32, #tpu.memory_space<vmem>>, vector<512x65xf32>
      %add3A_49 = arith.addf %get3A_48, %dot_general3A_32 : vector<512x65xf32>
      %swap3A = arith.constant 0 : index
      %swap3A_50 = arith.constant 0 : index
      %swap3A_51 = vector.load %arg11[%swap3A, %swap3A_50] : memref<512x65xf32, #tpu.memory_space<vmem>>, vector<512x65xf32>
      tpu.vector_store %arg11[%swap3A, %swap3A_50], %add3A_49 {strides = array<i32>} : memref<512x65xf32, #tpu.memory_space<vmem>>, vector<512x65xf32>,
    } else {
    }
    %eq3A_41 = arith.constant 48 : i32
    %eq3A_42 = arith.cmpi eq, %arg0, %eq3A_41 : i32
    %convert_element_type3A_43 = arith.extui %eq3A_42 : i1 to i32
    %cond3A_44 = arith.constant 0 : i32
    %cond3A_45 = arith.cmpi ne, %convert_element_type3A_43, %cond3A_44 : i32
    scf.if %cond3A_45 {
      %get3A_46 = arith.constant 0 : index
      %get3A_47 = arith.constant 0 : index
      %get3A_48 = vector.load %arg11[%get3A_46, %get3A_47] : memref<512x65xf32, #tpu.memory_space<vmem>>, vector<512x64xf32>
      %get3A_49 = arith.constant 0 : index
      %get3A_50 = arith.constant 64 : index
      %get3A_51 = vector.load %arg11[%get3A_49, %get3A_50] : memref<512x65xf32, #tpu.memory_space<vmem>>, vector<512x1xf32>
      %max3A_52 = arith.constant 1.000000e+00 : f32
      %max3A_53 = vector.broadcast %max3A_52 : f32 to vector<512x1xf32>
      %max3A_54 = arith.maximumf %get3A_51, %max3A_53 : vector<512x1xf32>
      %div3A = vector.broadcast %max3A_54 : vector<512x1xf32> to vector<512x64xf32>
      %div3A_55 = arith.divf %get3A_48, %div3A : vector<512x64xf32>
      %get3A_56 = arith.constant 0 : index
      %get3A_57 = arith.constant 0 : index
      %get3A_58 = vector.load %arg8[%get3A_56, %get3A_57] : memref<64x10xf32, #tpu.memory_space<vmem>>, vector<64x10xf32>
      %dot_general3A_59 = arith.constant dense<0.000000e+00> : vector<512x10xf32>
      %dot_general3A_60 = tpu.matmul %div3A_55, %get3A_58, %dot_general3A_59 {dimension_numbers = #tpu.dot_dimension_numbers<[1], [0], [0], [1], [0, 0, 1, 1], [], []>, transpose_lhs_hint = false} : vector<512x64xf32>, vector<64x10xf32>, vector<512x10xf32> -> vector<512x10xf32>
      %get3A_61 = arith.constant 0 : index
      %get3A_62 = arith.constant 0 : index
      %get3A_63 = vector.load %arg9[%get3A_61, %get3A_62] : memref<1x10xf32, #tpu.memory_space<vmem>>, vector<1x10xf32>
      %add3A_64 = vector.broadcast %get3A_63 : vector<1x10xf32> to vector<512x10xf32>
      %add3A_65 = arith.addf %dot_general3A_60, %add3A_64 : vector<512x10xf32>
      %swap3A = arith.constant 0 : index
      %swap3A_66 = arith.constant 0 : index
      %swap3A_67 = vector.load %arg10[%swap3A, %swap3A_66] : memref<512x10xf32, #tpu.memory_space<vmem>>, vector<512x10xf32>
      tpu.vector_store %arg10[%swap3A, %swap3A_66], %add3A_65 {strides = array<i32>} : memref<512x10xf32, #tpu.memory_space<vmem>>, vector<512x10xf32>,
    } else {
    }
    return
  }
  func.func @transform_0(%arg0: i32) -> (i32, i32) {
    %c0_i32 = arith.constant 0 : i32
    %c0_i32_0 = arith.constant 0 : i32
    return %arg0, %c0_i32 : i32, i32
  }
  func.func @transform_1(%arg0: i32) -> (i32, i32) {
    %c0_i32 = arith.constant 0 : i32
    %c0_i32_0 = arith.constant 0 : i32
    return %c0_i32, %arg0 : i32, i32
  }
  func.func @transform_2(%arg0: i32) -> (i32, i32) {
    %c0_i32 = arith.constant 0 : i32
    %c0_i32_0 = arith.constant 0 : i32
    %c0_i32_1 = arith.constant 0 : i32
    return %c0_i32, %c0_i32_0 : i32, i32
  }
  func.func @transform_3(%arg0: i32) -> (i32, i32) {
    %c0_i32 = arith.constant 0 : i32
    %c0_i32_0 = arith.constant 0 : i32
    %c0_i32_1 = arith.constant 0 : i32
    return %c0_i32, %c0_i32_0 : i32, i32
  }
  func.func @transform_4(%arg0: i32) -> (i32, i32) {
    %c0_i32 = arith.constant 0 : i32
    %c0_i32_0 = arith.constant 0 : i32
    %c0_i32_1 = arith.constant 0 : i32
    return %c0_i32, %c0_i32_0 : i32, i32
  }
  func.func @transform_5(%arg0: i32) -> (i32, i32) {
    %c0_i32 = arith.constant 0 : i32
    %c0_i32_0 = arith.constant 0 : i32
    %c0_i32_1 = arith.constant 0 : i32
    return %c0_i32, %c0_i32_0 : i32, i32
  }
  func.func @transform_6(%arg0: i32) -> (i32, i32) {
    %c0_i32 = arith.constant 0 : i32
    %c0_i32_0 = arith.constant 0 : i32
    %c0_i32_1 = arith.constant 0 : i32
    return %c0_i32, %c0_i32_0 : i32, i32
  }
  func.func @transform_7(%arg0: i32) -> (i32, i32) {
    %c0_i32 = arith.constant 0 : i32
    %c0_i32_0 = arith.constant 0 : i32
    %c0_i32_1 = arith.constant 0 : i32
    return %c0_i32, %c0_i32_0 : i32, i32
  }
  func.func @transform_8(%arg0: i32) -> (i32, i32) {
    %c0_i32 = arith.constant 0 : i32
    %c0_i32_0 = arith.constant 0 : i32
    %c0_i32_1 = arith.constant 0 : i32
    return %c0_i32, %c0_i32_0 : i32, i32
  }
  func.func @transform_9(%arg0: i32) -> (i32, i32) {
    %c0_i32 = arith.constant 0 : i32
    %c0_i32_0 = arith.constant 0 : i32
    %c0_i32_1 = arith.constant 0 : i32
    return %c0_i32, %c0_i32_0 : i32, i32
  }
}

</mosaic_0001>

<sc_bundles>
// kernel: kernel.14.cloned.1.call-start
scs
__scs_entry_jumppad:
0x0: {  	(pc) =	sbr.rel $0x88, $3  }
0x1: {  	(tag) =	ssettag $0x0;
	lr =	simm.s32 $0x1  }
0x2: {  	[smem:$0x3F93] =	sst lr;
	_ =	strace $0xD0000000  }
0x3: {  	_ = 	snop  }
0x4: {  	_ = 	snop  }
0x5: {  	_ = 	snop  }
0x6: {  	_ = 	snop  }
0x7: {  	_ = 	snop  }
__scs_overlays_trampoline_lowered:
0x8: {  	[smem:$0x3FA2] =	sst s0  }
0x9: {  	[smem:$0x3FA3] =	sst s1  }
0xa: {  	[smem:$0x3FA4] =	sst s2  }
0xb: {  	[smem:$0x3FA5] =	sst s3  }
0xc: {  	[smem:$0x3FA6] =	sst s4  }
0xd: {  	[smem:$0x3FA7] =	sst s5  }
0xe: {  	[smem:$0x3FA8] =	sst s6  }
0xf: {  	[smem:$0x3FA9] =	sst s7  }
0x10: {  	[smem:$0x3FAA] =	sst s8  }
0x11: {  	[smem:$0x3FAB] =	sst s9;
	s0 =	simm.s32 @!p0 $0x0  }
0x12: {  	s1 =	sld [smem:$0x3F91];
	s0 =	simm.s32 @p0 $0x1  }
0x13: {  	[smem:$0x3FAC] =	sst s0;
	s0 =	simm.s32 @!p1 $0x0  }
0x14: {  	s2 =	sld [smem:$0x3F90];
	s0 =	simm.s32 @p1 $0x1  }
0x15: {  	[smem:$0x3FAD] =	sst s0;
	s0 =	simm.s32 @!p2 $0x0  }
0x16: {  	s3 =	sld [smem:$0x3FDB];
	s0 =	simm.s32 @p2 $0x1  }
0x17: {  	s4 =	simm.s32 $0x1BF5;
	[smem:$0x3FAF] =	sst s0  }
0x18: {  	s0 =	sld [smem:$0x3F92];
	_ =	swait.ge [sflag:s4], $0x0  }
0x19: {  	s7 =	sld [smem:$0x3F93]  }
0x1a: {  	s8 =	sadd.s32 $0xFFFFE003, lr  }
0x1b: {  	s9 =	sadd.s32 $0xFFFFFEF7, lr;
	s5 =	simm.s32 $0xFFFFFFFF;
	p2 =	slt.u32 s8, $0xFFFFF086  }
0x1c: {  	p1 =	slt.u32 s9, $0xF7A;
	s5 =	simm.s32 @!p2 $0x0  }
0x1d: {  	s5 =	simm.s32 @p1 $0x1;
	p0 =	seq.s32 s7, s2  }
0x1e: {  	s7 =	smul.u32 @!p0 $0xF7A, s2;
	p2 =	seq.s32 @!p0 s5, $0x0  }
0x1f: {  	s9 =	smul.u32 $0xF7A, s1;
	s8 =	simm.s32 @!p0 $0x1BF5;
	p2 =	por !p2, p0  }
0x20: {  	[sflag:s8] =	ssyncset.s32 @!p0 $0xFFFFF086;
	s6 =	sadd.s32 @!p0 s3, s7;
	s7 =	simm.s32 @!p0 $0x108  }
0x21: {  	s3 =	sadd.s32 s3, s9;
	s6 =	sadd.s32 @!p0 $0x88, s6;
	s7 =	simm.s32 @p2 $0x1082  }
0x22: {  	[simem:s7], [sflag:s8] =	dma.local @!p0 [hbm:s6], $0xF7A  }
0x23: {  	s9 =	sor.u32 $0xD0000000, s2;
	s6 =	simm.s32 $0x108;
	_ =	swait.ge @!p0 [sflag:s8], $0x0  }
0x24: {  	s3 =	sadd.s32 $0x88, s3;
	s6 =	simm.s32 @!p1 $0x1082;
	[sflag:s4] =	ssyncset.s32 $0xFFFFF086  }
0x25: {  	[simem:s6], [sflag:s4] =	dma.local [hbm:s3], $0xF7A  }
0x26: {  	[smem:$0x3F93] =	sst s1;
	(tag) =	ssettag s2;
	_ =	strace s9  }
0x27: {  	s1 =	sld [smem:$0x3FA3]  }
0x28: {  	s2 =	sld [smem:$0x3FA4]  }
0x29: {  	s4 =	sld [smem:$0x3FA6]  }
0x2a: {  	p0 =	seq.s32 s5, $0x0;
	s5 =	sld [smem:$0x3FA7]  }
0x2b: {  	s6 =	sld [smem:$0x3FA8]  }
0x2c: {  	s7 =	sld [smem:$0x3FA9]  }
0x2d: {  	s3 =	simm.s32 $0x108;
	s8 =	sld [smem:$0x3FAA]  }
0x2e: {  	s3 =	simm.s32 @!p0 $0x1082;
	s9 =	sld [smem:$0x3FAB]  }
0x2f: {  	lr =	sadd.s32 s0, s3;
	s0 =	sld [smem:$0x3FA2]  }
0x30: {  	s3 =	sld [smem:$0x3FA5]  }
0x31: {  	[smem:$0x3FAE] =	sst s10  }
0x32: {  	s10 =	sld [smem:$0x3FAC];
	_ =	sdelay $0x3  }
0x33: {  	p0 =	seq.s32 s10, $0x1;
	s10 =	sld [smem:$0x3FAE];
	_ =	sdelay $0x3  }
0x34: {  	[smem:$0x3FAE] =	sst s10  }
0x35: {  	s10 =	sld [smem:$0x3FAD];
	_ =	sdelay $0x3  }
0x36: {  	p1 =	seq.s32 s10, $0x1;
	s10 =	sld [smem:$0x3FAE];
	_ =	sdelay $0x3  }
0x37: {  	[smem:$0x3FAE] =	sst s10  }
0x38: {  	s10 =	sld [smem:$0x3FAF]  }
0x39: {  	_ = 	snop;
	(pc) =	sbr.ind lr, $3  }
0x3a: {  	_ = 	snop  }
0x3b: {  	_ = 	snop  }
0x3c: {  	p2 =	seq.s32 s10, $0x1;
	s10 =	sld [smem:$0x3FAE]  }
0x3d: {  	_ =	shalt  }
0x3e: {  	_ =	shalt  }
0x3f: {  	_ =	shalt  }
0x40: {  	_ =	shalt  }
0x41: {  	_ =	shalt  }
0x42: {  	_ =	shalt  }
0x43: {  	_ =	shalt  }
0x44: {  	_ =	shalt  }
0x45: {  	_ =	shalt  }
0x46: {  	_ =	shalt  }
0x47: {  	_ =	shalt  }
0x48: {  	_ =	shalt  }
0x49: {  	_ =	shalt  }
0x4a: {  	_ =	shalt  }
0x4b: {  	_ =	shalt  }
0x4c: {  	_ =	shalt  }
0x4d: {  	_ =	shalt  }
0x4e: {  	_ =	shalt  }
0x4f: {  	_ =	shalt  }
0x50: {  	_ =	shalt  }
0x51: {  	_ =	shalt  }
0x52: {  	_ =	shalt  }
0x53: {  	_ =	shalt  }
0x54: {  	_ =	shalt  }
0x55: {  	_ =	shalt  }
0x56: {  	_ =	shalt  }
0x57: {  	_ =	shalt  }
0x58: {  	_ =	shalt  }
0x59: {  	_ =	shalt  }
0x5a: {  	_ =	shalt  }
0x5b: {  	_ =	shalt  }
0x5c: {  	_ =	shalt  }
0x5d: {  	_ =	shalt  }
0x5e: {  	_ =	shalt  }
0x5f: {  	_ =	shalt  }
0x60: {  	_ =	shalt  }
0x61: {  	_ =	shalt  }
0x62: {  	_ =	shalt  }
0x63: {  	_ =	shalt  }
0x64: {  	_ =	shalt  }
0x65: {  	_ =	shalt  }
0x66: {  	_ =	shalt  }
0x67: {  	_ =	shalt  }
0x68: {  	_ =	shalt  }
0x69: {  	_ =	shalt  }
0x6a: {  	_ =	shalt  }
0x6b: {  	_ =	shalt  }
0x6c: {  	_ =	shalt  }
0x6d: {  	_ =	shalt  }
0x6e: {  	_ =	shalt  }
0x6f: {  	_ =	shalt  }
0x70: {  	_ =	shalt  }
0x71: {  	_ =	shalt  }
0x72: {  	_ =	shalt  }
0x73: {  	_ =	shalt  }
0x74: {  	_ =	shalt  }
0x75: {  	_ =	shalt  }
0x76: {  	_ =	shalt  }
0x77: {  	_ =	shalt  }
0x78: {  	_ =	shalt  }
0x79: {  	_ =	shalt  }
0x7a: {  	_ =	shalt  }
0x7b: {  	_ =	shalt  }
0x7c: {  	_ =	shalt  }
0x7d: {  	_ =	shalt  }
0x7e: {  	_ =	shalt  }
0x7f: {  	_ =	shalt  }
0x80: {  	_ =	shalt  }
0x81: {  	_ =	shalt  }
0x82: {  	_ =	shalt  }
0x83: {  	_ =	shalt  }
0x84: {  	_ =	shalt  }
0x85: {  	_ =	shalt  }
0x86: {  	_ =	shalt  }
0x87: {  	_ =	shalt  }
.Lfunc_end0:
.L_simem_size_0:
called_computation_lowered:
.L_overlay_start_0:
0x88: {  	s2 =	sld [smem:$0x3FD9]  }
0x89: {  	s3 =	sld [smem:$0x3FFE];
	_ =	sdelay $0x1  }
0x8a: {  	s1 =	srdreg.scid  }
0x8b: {  	s0 =	sand.u32 $0x1, s1  }
0x8c: {  	s17 =	sshll.u32 s0, $0xA;
	s2 =	sadd.s32 s3, s2  }
0x8d: {  	s2 =	sadd.s32 s2, s17  }
0x8e: {  	[smem:$0x3FBA] =	sst s2  }
0x8f: {  	_ = 	snop  }
0x90: {  	s2 =	sld [smem:$0x3FD0];
	(tm) =	ssettm $0x1  }
0x91: {  	s18 =	sld [smem:$0x3FFB];
	_ =	sdelay $0x3  }
0x92: {  	_ =	strace s18  }
0x93: {  	s3 =	sld [smem:$0x3FFC];
	_ =	sdelay $0x3  }
0x94: {  	_ =	strace s3  }
0x95: {  	s3 =	sld [smem:$0x3FFD];
	_ =	sdelay $0x3  }
0x96: {  	_ =	strace s3  }
0x97: {  	_ =	strace $0x8FFFFFFF  }
0x98: {  	s19 =	sld [smem:$0x3FDB];
	_ =	sdelay $0x1  }
0x99: {  	s4 =	simm.s32 $_scs_section_size  }
0x9a: {  	s5 =	simm.s32 $_size__tile_overlayer_lowered;
	s6 =	simm.s32 $_tile_overlayer_lowered  }
0x9b: {  	s22 =	simm.s32 $0x1BFF;
	s21 =	sshll.u32 s6, $0x1;
	s3 =	sadd.s32 s4, s19  }
0x9c: {  	s7 =	simm.s32 $0x0;
	s20 =	sshll.u32 s5, $0x1;
	s5 =	sadd.s32 s21, s3  }
0x9d: {  	[timem:s7], [sflag:s22] =	dma.local [hbm:s5], s20  }
0x9e: {  	_ =	swait.ge [sflag:s22], s20  }
0x9f: {  	s4 =	ssub.s32 $0x0, s20;
	[sflag:s22] =	ssyncset.done $0x0  }
0xa0: {  	[sflag:s22] =	ssyncadd.s32 s4;
	_ =	sdelay $0x1  }
0xa1: {  	s23 =	simm.s32 $0x1B8B  }
0xa2: {  	_ =	swait.ge [sflag:s23], $0x1  }
0xa3: {  	[sflag:s23] =	ssyncset.done $0x0  }
0xa4: {  	s25 =	simm.s32 $0x1B8E;
	s24 =	sld [smem:$0x3FFE];
	[sflag:s23] =	ssyncadd.s32 $0xFFFFFFFF  }
0xa5: {  	s26 =	simm.s32 $execute0_lowered;
	[smem:$0x3FD2] =	sst s25  }
0xa6: {  	s5 =	sshll.u32 s26, $0x1;
	_ =	strace $0x80000046;
	[dreg:$0x1] =	wrdreg $0xFFFFFFFF  }
0xa7: {  	s28 =	simm.s32 $_size_execute0_lowered;
	s3 =	sadd.s32 s3, s5;
	[dreg:$0x0] =	wrdreg $0x0  }
0xa8: {  	s5 =	sshll.u32 s28, $0x1;
	[dreg:$0x2] =	wrdreg s3  }
0xa9: {  	[dreg:$0x3] =	wrdreg s5  }
0xaa: {  	[dreg:$0x4] =	wrdreg $0xC0  }
0xab: {  	_ =	task [dreg:s7], $0x5FFFF  }
0xac: {  	[dreg:$0x1] =	wrdreg $0xFFFFFFFF  }
0xad: {  	[dreg:$0x0] =	wrdreg $0x60  }
0xae: {  	[dreg:$0x2] =	wrdreg s24  }
0xaf: {  	[dreg:$0x3] =	wrdreg s2  }
0xb0: {  	[dreg:$0x4] =	wrdreg $0x0  }
0xb1: {  	[dreg:$0x5] =	wrdreg $0x9  }
0xb2: {  	_ =	task.clear_ibuf [dreg:s7], $0x6FFFF;
	_ =	strace $0x90000046  }
0xb3: {  	s29 =	simm.s32 $0x9;
	_ =	strace $0x80000048  }
0xb4: {  	_ =	swait.ge [sflag:s29], $0x1  }
0xb5: {  	[sflag:s29] =	ssyncadd.s32 $0xFFFFFFFF  }
0xb6: {  	_ =	strace $0x90000048  }
0xb7: {  	_ =	sfence  }
0xb8: {  	s30 =	sld [smem:$0x0];
	_ =	sdelay $0x2  }
0xb9: {  	s31 =	sshll.u32 s1, $0xD;
	s1 =	sshrl.u32 s1, $0x2  }
0xba: {  	s3 =	sand.u32 $0x4000, s31;
	s1 =	sadd.s32 s1, s30  }
0xbb: {  	s0 =	sor.u32 s3, s0;
	s1 =	sshll.u32 s1, $0x11  }
0xbc: {  	s0 =	sor.u32 s1, s0  }
0xbd: {  	s0 =	sadd.s32 $0x8F2B, s0  }
0xbe: {  	[sflag:s0] =	ssyncadd.remote.s32 $0x1  }
0xbf: {  	_ =	sfence.sel $0xFFFF  }
0xc0: {  	[dreg:$0x0] =	wrdreg $0xFFFFFFFF;
	(pc) =	sbr.abs _section_cstart, $3  }
0xc1: {  	[dreg:$0x1] =	wrdreg $0xFFFFFFFF  }
0xc2: {  	_ =	task.clear_ibuf [dreg:s7], $0x2FFFF;
	_ =	strace $0x9FFFFFFF  }
0xc3: {  	(tm) =	ssettm $0x7FFFFFFF  }
tec
execute0_lowered:
.L_overlay_start_1:
0x0: {  	(tag) =	ssettag $0x1  }
0x1: {  	s5 =	rddreg [dreg:$0x0]  }
0x2: {  	s1 =	srdreg.scid;
	s2 =	rddreg [dreg:$0x1]  }
0x3: {  	s0 =	stileid.u32;
	s3 =	rddreg [dreg:$0x2]  }
0x4: {  	s4 =	simm.s32 $0x0;
	s13 =	simm.s32 $0x18800;
	s14 =	simm.s32 $0x80  }
0x5: {  	s15 =	simm.s32 $0x18880;
	s16 =	simm.s32 $0x18900;
	s17 =	simm.s32 $0x18980  }
0x6: {  	s18 =	simm.s32 $0x18A00;
	s19 =	simm.s32 $0x18A80;
	s20 =	simm.s32 $0x18B00  }
0x7: {  	s21 =	simm.s32 $0x18B80;
	s6 =	sand.u32 $0x1, s1;
	s7 =	smul.u32 $0x18800, s0  }
0x8: {  	s22 =	simm.s32 $0x0;
	s1 =	rddreg [dreg:$0x3];
	s8 =	smul.u32 $0xC400, s6  }
0x9: {  	[smem:$0x7FF] =	sst s4;
	s31 =	sshll.u32 s0, $0x6;
	s9 =	smul.u32 $0x188000, s6  }
0xa: {  	_ =	strace $0x80000047;
	s6 =	ssub.s32 $0x2, s6;
	s10 =	sshrl.u32 s7, $0x3  }
0xb: {  	s30 =	sshrl.u32 s6, $0x1;
	s12 =	sadd.s32 s7, s3;
	s8 =	sadd.s32 s8, s7  }
0xc: {  	s9 =	sadd.s32 s7, s9;
	s10 =	sadd.s32 s10, s5;
	s11 =	ssub.s32 s6, s30  }
0xd: {  	s12 =	sshrl.u32 s12, $0x3;
	s8 =	sshrl.u32 s8, $0x3;
	s9 =	sshrl.u32 s9, $0x3  }
0xe: {  	s7 =	smax.u32 s11, $0x1;
	s11 =	sor.u32 $0x1C01, s31;
	s8 =	sadd.s32 s8, s5  }
0xf: {  	s9 =	sadd.s32 s9, s5;
	s5 =	sadd.s32 $0x64400, s10;
	s10 =	simm.s32 $0x1  }
0x10: {  	s6 =	sadd.s32 $0x95400, s9;
	s8 =	sadd.s32 $0x33400, s8;
	s9 =	simm.s32 $0x18C00  }
.LBB2_1:
0x11: {  	[tilespmem:s9], [sflag:$0x1] =	stream.linear.gather [hbm4b:s2+s4], $0x800, $0x38;
	[tilespmem:$0x19400] =	vst v63  }
0x12: {  	_ =	swait.ge [sflag:s10], $0x800  }
0x13: {  	[sflag:s10] =	ssyncset.done $0x0  }
0x14: {  	[sflag:s10] =	ssyncadd.s32 $0xFFFFF800  }
0x15: {  	[spmem:s12], [sflag:s11] =	dma.local [hbm:s5], $0x3100  }
0x16: {  	_ =	swait.ge [sflag:s10], $0x3100  }
0x17: {  	[sflag:s10] =	ssyncset.done $0x0  }
0x18: {  	[sflag:s10] =	ssyncadd.s32 $0xFFFFCF00  }
0x19: {  	s23 =	sadd.s32 $0x0, s8;
	[bflag:$0x0] =	sbarrier.arrive $0xFFFF  }
0x1a: {  	[tilespmem:s13], [sflag:$0x1] =	stream.linear.gather [hbm4b:s23+s4], $0x400, $0x38;
	[tilespmem:$0x19400] =	vst v63  }
0x1b: {  	_ =	swait.ge [sflag:s10], $0x400  }
0x1c: {  	[sflag:s10] =	ssyncset.done $0x0  }
0x1d: {  	[sflag:s10] =	ssyncadd.s32 $0xFFFFFC00  }
0x1e: {  	[spmem:s3] =	stream.indirect.scatter.add.f32 [tilespmem:s9], [sflag:$0x1], $0x10, s13, s14, $0xb8;
	[tilespmem:$0x19400] =	vst v63  }
0x1f: {  	_ =	swait.ge [sflag:s10], $0x800  }
0x20: {  	[sflag:s10] =	ssyncset.done $0x0  }
0x21: {  	[sflag:s10] =	ssyncadd.s32 $0xFFFFF800  }
0x22: {  	[spmem:s3] =	stream.indirect.scatter.add.f32 [tilespmem:s9], [sflag:$0x1], $0x10, s15, s14, $0xb8;
	[tilespmem:$0x19400] =	vst v63  }
0x23: {  	_ =	swait.ge [sflag:s10], $0x800  }
0x24: {  	[sflag:s10] =	ssyncset.done $0x0  }
0x25: {  	[sflag:s10] =	ssyncadd.s32 $0xFFFFF800  }
0x26: {  	[spmem:s3] =	stream.indirect.scatter.add.f32 [tilespmem:s9], [sflag:$0x1], $0x10, s16, s14, $0xb8;
	[tilespmem:$0x19400] =	vst v63  }
0x27: {  	_ =	swait.ge [sflag:s10], $0x800  }
0x28: {  	[sflag:s10] =	ssyncset.done $0x0  }
0x29: {  	[sflag:s10] =	ssyncadd.s32 $0xFFFFF800  }
0x2a: {  	[spmem:s3] =	stream.indirect.scatter.add.f32 [tilespmem:s9], [sflag:$0x1], $0x10, s17, s14, $0xb8;
	[tilespmem:$0x19400] =	vst v63  }
0x2b: {  	_ =	swait.ge [sflag:s10], $0x800  }
0x2c: {  	[sflag:s10] =	ssyncset.done $0x0  }
0x2d: {  	[sflag:s10] =	ssyncadd.s32 $0xFFFFF800  }
0x2e: {  	[spmem:s3] =	stream.indirect.scatter.add.f32 [tilespmem:s9], [sflag:$0x1], $0x10, s18, s14, $0xb8;
	[tilespmem:$0x19400] =	vst v63  }
0x2f: {  	_ =	swait.ge [sflag:s10], $0x800  }
0x30: {  	[sflag:s10] =	ssyncset.done $0x0  }
0x31: {  	[sflag:s10] =	ssyncadd.s32 $0xFFFFF800  }
0x32: {  	[spmem:s3] =	stream.indirect.scatter.add.f32 [tilespmem:s9], [sflag:$0x1], $0x10, s19, s14, $0xb8;
	[tilespmem:$0x19400] =	vst v63  }
0x33: {  	_ =	swait.ge [sflag:s10], $0x800  }
0x34: {  	[sflag:s10] =	ssyncset.done $0x0  }
0x35: {  	[sflag:s10] =	ssyncadd.s32 $0xFFFFF800  }
0x36: {  	[spmem:s3] =	stream.indirect.scatter.add.f32 [tilespmem:s9], [sflag:$0x1], $0x10, s20, s14, $0xb8;
	[tilespmem:$0x19400] =	vst v63  }
0x37: {  	_ =	swait.ge [sflag:s10], $0x800  }
0x38: {  	[sflag:s10] =	ssyncset.done $0x0  }
0x39: {  	[sflag:s10] =	ssyncadd.s32 $0xFFFFF800  }
0x3a: {  	[spmem:s3] =	stream.indirect.scatter.add.f32 [tilespmem:s9], [sflag:$0x1], $0x10, s21, s14, $0xb8;
	[tilespmem:$0x19400] =	vst v63  }
0x3b: {  	_ =	swait.ge [sflag:s10], $0x800  }
0x3c: {  	s25 =	simm.s32 $0x100;
	s23 =	simm.s32 $0x80;
	[sflag:s10] =	ssyncset.done $0x0  }
.LBB2_2:
0x3d: {  	s26 =	sadd.s32 s23, s8  }
0x3e: {  	[sflag:s10] =	ssyncadd.s32 $0xFFFFF800;
	s23 =	smov.u32 s25;
	s24 =	sadd.s32 $0x80, s25  }
0x3f: {  	[tilespmem:s13], [sflag:$0x1] =	stream.linear.gather [hbm4b:s26+s4], $0x400, $0x38;
	[tilespmem:$0x19400] =	vst v63  }
0x40: {  	p0 =	sne.s32 s25, $0x1800;
	_ =	swait.ge [sflag:s10], $0x400  }
0x41: {  	[sflag:s10] =	ssyncset.done $0x0  }
0x42: {  	[sflag:s10] =	ssyncadd.s32 $0xFFFFFC00  }
0x43: {  	[spmem:s3] =	stream.indirect.scatter.add.f32 [tilespmem:s9], [sflag:$0x1], $0x10, s13, s14, $0xb8;
	[tilespmem:$0x19400] =	vst v63  }
0x44: {  	_ =	swait.ge [sflag:s10], $0x800  }
0x45: {  	[sflag:s10] =	ssyncset.done $0x0  }
0x46: {  	[sflag:s10] =	ssyncadd.s32 $0xFFFFF800  }
0x47: {  	[spmem:s3] =	stream.indirect.scatter.add.f32 [tilespmem:s9], [sflag:$0x1], $0x10, s15, s14, $0xb8;
	[tilespmem:$0x19400] =	vst v63  }
0x48: {  	_ =	swait.ge [sflag:s10], $0x800  }
0x49: {  	[sflag:s10] =	ssyncset.done $0x0  }
0x4a: {  	[sflag:s10] =	ssyncadd.s32 $0xFFFFF800  }
0x4b: {  	[spmem:s3] =	stream.indirect.scatter.add.f32 [tilespmem:s9], [sflag:$0x1], $0x10, s16, s14, $0xb8;
	[tilespmem:$0x19400] =	vst v63  }
0x4c: {  	_ =	swait.ge [sflag:s10], $0x800  }
0x4d: {  	[sflag:s10] =	ssyncset.done $0x0  }
0x4e: {  	[sflag:s10] =	ssyncadd.s32 $0xFFFFF800  }
0x4f: {  	[spmem:s3] =	stream.indirect.scatter.add.f32 [tilespmem:s9], [sflag:$0x1], $0x10, s17, s14, $0xb8;
	[tilespmem:$0x19400] =	vst v63  }
0x50: {  	_ =	swait.ge [sflag:s10], $0x800  }
0x51: {  	[sflag:s10] =	ssyncset.done $0x0  }
0x52: {  	[sflag:s10] =	ssyncadd.s32 $0xFFFFF800  }
0x53: {  	[spmem:s3] =	stream.indirect.scatter.add.f32 [tilespmem:s9], [sflag:$0x1], $0x10, s18, s14, $0xb8;
	[tilespmem:$0x19400] =	vst v63  }
0x54: {  	_ =	swait.ge [sflag:s10], $0x800  }
0x55: {  	[sflag:s10] =	ssyncset.done $0x0  }
0x56: {  	[sflag:s10] =	ssyncadd.s32 $0xFFFFF800  }
0x57: {  	[spmem:s3] =	stream.indirect.scatter.add.f32 [tilespmem:s9], [sflag:$0x1], $0x10, s19, s14, $0xb8;
	[tilespmem:$0x19400] =	vst v63  }
0x58: {  	_ =	swait.ge [sflag:s10], $0x800  }
0x59: {  	[sflag:s10] =	ssyncset.done $0x0  }
0x5a: {  	[sflag:s10] =	ssyncadd.s32 $0xFFFFF800  }
0x5b: {  	[spmem:s3] =	stream.indirect.scatter.add.f32 [tilespmem:s9], [sflag:$0x1], $0x10, s20, s14, $0xb8;
	[tilespmem:$0x19400] =	vst v63  }
0x5c: {  	_ =	swait.ge [sflag:s10], $0x800  }
.Ltmp0:
0x5d: {  	[sflag:s10] =	ssyncset.done $0x0;
	(pc) =	sbr.rel @p0 .LBB2_2-.Ltmp0, $4  }
0x5e: {  	[sflag:s10] =	ssyncadd.s32 $0xFFFFF800  }
0x5f: {  	[spmem:s3] =	stream.indirect.scatter.add.f32 [tilespmem:s9], [sflag:$0x1], $0x10, s21, s14, $0xb8;
	[tilespmem:$0x19400] =	vst v63  }
0x60: {  	_ =	swait.ge [sflag:s10], $0x800  }
0x61: {  	s25 =	smov.u32 s24;
	[sflag:s10] =	ssyncset.done $0x0  }
0x62: {  	s23 =	sadd.s32 s23, s8;
	[sflag:s10] =	ssyncadd.s32 $0xFFFFF800  }
0x63: {  	[tilespmem:s13], [sflag:$0x1] =	stream.linear.gather [hbm4b:s23+s4], $0x400, $0x38;
	[tilespmem:$0x19400] =	vst v63  }
0x64: {  	_ =	swait.ge [sflag:s10], $0x400  }
0x65: {  	[sflag:s10] =	ssyncset.done $0x0  }
0x66: {  	[sflag:s10] =	ssyncadd.s32 $0xFFFFFC00  }
0x67: {  	[spmem:s3] =	stream.indirect.scatter.add.f32 [tilespmem:s9], [sflag:$0x1], $0x10, s13, s14, $0xb8;
	[tilespmem:$0x19400] =	vst v63  }
0x68: {  	_ =	swait.ge [sflag:s10], $0x800  }
0x69: {  	[sflag:s10] =	ssyncset.done $0x0  }
0x6a: {  	[sflag:s10] =	ssyncadd.s32 $0xFFFFF800  }
0x6b: {  	[spmem:s3] =	stream.indirect.scatter.add.f32 [tilespmem:s9], [sflag:$0x1], $0x10, s15, s14, $0xb8;
	[tilespmem:$0x19400] =	vst v63  }
0x6c: {  	_ =	swait.ge [sflag:s10], $0x800  }
0x6d: {  	[sflag:s10] =	ssyncset.done $0x0  }
0x6e: {  	[sflag:s10] =	ssyncadd.s32 $0xFFFFF800  }
0x6f: {  	[spmem:s3] =	stream.indirect.scatter.add.f32 [tilespmem:s9], [sflag:$0x1], $0x10, s16, s14, $0xb8;
	[tilespmem:$0x19400] =	vst v63  }
0x70: {  	_ =	swait.ge [sflag:s10], $0x800  }
0x71: {  	[sflag:s10] =	ssyncset.done $0x0  }
0x72: {  	[sflag:s10] =	ssyncadd.s32 $0xFFFFF800  }
0x73: {  	[spmem:s3] =	stream.indirect.scatter.add.f32 [tilespmem:s9], [sflag:$0x1], $0x10, s17, s14, $0xb8;
	[tilespmem:$0x19400] =	vst v63  }
0x74: {  	_ =	swait.ge [sflag:s10], $0x800  }
0x75: {  	[sflag:s10] =	ssyncset.done $0x0  }
0x76: {  	[sflag:s10] =	ssyncadd.s32 $0xFFFFF800  }
0x77: {  	[spmem:s3] =	stream.indirect.scatter.add.f32 [tilespmem:s9], [sflag:$0x1], $0x10, s18, s14, $0xb8;
	[tilespmem:$0x19400] =	vst v63  }
0x78: {  	_ =	swait.ge [sflag:s10], $0x800  }
0x79: {  	[sflag:s10] =	ssyncset.done $0x0  }
0x7a: {  	[sflag:s10] =	ssyncadd.s32 $0xFFFFF800  }
0x7b: {  	[spmem:s3] =	stream.indirect.scatter.add.f32 [tilespmem:s9], [sflag:$0x1], $0x10, s19, s14, $0xb8;
	[tilespmem:$0x19400] =	vst v63  }
0x7c: {  	_ =	swait.ge [sflag:s10], $0x800  }
0x7d: {  	[sflag:s10] =	ssyncset.done $0x0  }
0x7e: {  	[sflag:s10] =	ssyncadd.s32 $0xFFFFF800  }
0x7f: {  	[spmem:s3] =	stream.indirect.scatter.add.f32 [tilespmem:s9], [sflag:$0x1], $0x10, s20, s14, $0xb8;
	[tilespmem:$0x19400] =	vst v63  }
0x80: {  	_ =	swait.ge [sflag:s10], $0x800  }
0x81: {  	[sflag:s10] =	ssyncset.done $0x0  }
0x82: {  	[sflag:s10] =	ssyncadd.s32 $0xFFFFF800  }
0x83: {  	[spmem:s3] =	stream.indirect.scatter.add.f32 [tilespmem:s9], [sflag:$0x1], $0x10, s21, s14, $0xb8;
	[tilespmem:$0x19400] =	vst v63  }
0x84: {  	_ =	swait.ge [sflag:s10], $0x800  }
0x85: {  	s22 =	sadd.s32 $0x1, s22;
	[sflag:s10] =	ssyncset.done $0x0  }
0x86: {  	p0 =	sne.s32 s22, s7;
	[sflag:s10] =	ssyncadd.s32 $0xFFFFF800  }
.Ltmp1:
0x87: {  	[bflag:$0x0] =	sbarrier.arrive $0xFFFF;
	(pc) =	sbr.rel @p0 .LBB2_1-.Ltmp1, $4  }
0x88: {  	[hbm:s6], [sflag:s11] =	dma.local [spmem:s12], $0x3100  }
0x89: {  	_ =	swait.ge [sflag:s10], $0x3100  }
0x8a: {  	[sflag:s10] =	ssyncset.done $0x0  }
0x8b: {  	[sflag:s10] =	ssyncadd.s32 $0xFFFFCF00  }
0x8c: {  	_ =	sfence.sel $0x180000  }
0x8d: {  	[bflag:$0x0] =	sbarrier.arrive $0xFFFF  }
0x8e: {  	p0 =	sne.s32 s0, $0x0;
	_ =	strace $0x90000047  }
0x8f: {  	s0 =	sadd.s32 @!p0 $0x100000, s1;
	[bflag:$0x2] =	sbarrier.arrive $0xFFFF  }
0x90: {  	[sflag:s0] =	ssyncadd.tile.s32 @!p0 $0x1;
	_ =	shalt  }
.Lfunc_end2:
_tile_overlayer_lowered:
.L_overlay_start_2:
0x91: {  	(tag) =	ssettag $0x2  }
0x92: {  	s0 =	rddreg [dreg:$0x0];
	s2 =	stileid.u32  }
0x93: {  	s1 =	rddreg [dreg:$0x1];
	p0 =	sne.s32 s2, $0x0  }
0x94: {  	s3 =	rddreg [dreg:$0x2];
	[bflag:$0x3] =	sbarrier.arrive $0xFFFF;
	s2 =	simm.s32 @!p0 $0x1C01  }
0x95: {  	[timem:s3], [sflag:s2] =	dma.local @!p0 [hbm:s0], s1  }
0x96: {  	s0 =	simm.s32 @!p0 $0x1  }
0x97: {  	_ =	swait.ge @!p0 [sflag:s0], s1  }
0x98: {  	s1 =	ssub.s32 @!p0 $0x0, s1;
	[sflag:s0] =	ssyncset.done @!p0 $0x0  }
0x99: {  	[sflag:s0] =	ssyncadd.s32 @!p0 s1  }
0x9a: {  	[bflag:$0x3] =	sbarrier.arrive $0xFFFF  }
0x9b: {  	_ =	shalt  }

// kernel: kernel.17.cloned.1.call-start
scs
__scs_entry_jumppad:
0x0: {  	(pc) =	sbr.rel $0x88, $3  }
0x1: {  	(tag) =	ssettag $0x0;
	lr =	simm.s32 $0x1  }
0x2: {  	[smem:$0x3F93] =	sst lr;
	_ =	strace $0xD0000000  }
0x3: {  	_ = 	snop  }
0x4: {  	_ = 	snop  }
0x5: {  	_ = 	snop  }
0x6: {  	_ = 	snop  }
0x7: {  	_ = 	snop  }
__scs_overlays_trampoline_lowered:
0x8: {  	[smem:$0x3FA2] =	sst s0  }
0x9: {  	[smem:$0x3FA3] =	sst s1  }
0xa: {  	[smem:$0x3FA4] =	sst s2  }
0xb: {  	[smem:$0x3FA5] =	sst s3  }
0xc: {  	[smem:$0x3FA6] =	sst s4  }
0xd: {  	[smem:$0x3FA7] =	sst s5  }
0xe: {  	[smem:$0x3FA8] =	sst s6  }
0xf: {  	[smem:$0x3FA9] =	sst s7  }
0x10: {  	[smem:$0x3FAA] =	sst s8  }
0x11: {  	[smem:$0x3FAB] =	sst s9;
	s0 =	simm.s32 @!p0 $0x0  }
0x12: {  	s1 =	sld [smem:$0x3F91];
	s0 =	simm.s32 @p0 $0x1  }
0x13: {  	[smem:$0x3FAC] =	sst s0;
	s0 =	simm.s32 @!p1 $0x0  }
0x14: {  	s2 =	sld [smem:$0x3F90];
	s0 =	simm.s32 @p1 $0x1  }
0x15: {  	[smem:$0x3FAD] =	sst s0;
	s0 =	simm.s32 @!p2 $0x0  }
0x16: {  	s3 =	sld [smem:$0x3FDB];
	s0 =	simm.s32 @p2 $0x1  }
0x17: {  	s4 =	simm.s32 $0x1BF5;
	[smem:$0x3FAF] =	sst s0  }
0x18: {  	s0 =	sld [smem:$0x3F92];
	_ =	swait.ge [sflag:s4], $0x0  }
0x19: {  	s7 =	sld [smem:$0x3F93]  }
0x1a: {  	s8 =	sadd.s32 $0xFFFFE003, lr  }
0x1b: {  	s9 =	sadd.s32 $0xFFFFFEF7, lr;
	s5 =	simm.s32 $0xFFFFFFFF;
	p2 =	slt.u32 s8, $0xFFFFF086  }
0x1c: {  	p1 =	slt.u32 s9, $0xF7A;
	s5 =	simm.s32 @!p2 $0x0  }
0x1d: {  	s5 =	simm.s32 @p1 $0x1;
	p0 =	seq.s32 s7, s2  }
0x1e: {  	s7 =	smul.u32 @!p0 $0xF7A, s2;
	p2 =	seq.s32 @!p0 s5, $0x0  }
0x1f: {  	s9 =	smul.u32 $0xF7A, s1;
	s8 =	simm.s32 @!p0 $0x1BF5;
	p2 =	por !p2, p0  }
0x20: {  	[sflag:s8] =	ssyncset.s32 @!p0 $0xFFFFF086;
	s6 =	sadd.s32 @!p0 s3, s7;
	s7 =	simm.s32 @!p0 $0x108  }
0x21: {  	s3 =	sadd.s32 s3, s9;
	s6 =	sadd.s32 @!p0 $0x88, s6;
	s7 =	simm.s32 @p2 $0x1082  }
0x22: {  	[simem:s7], [sflag:s8] =	dma.local @!p0 [hbm:s6], $0xF7A  }
0x23: {  	s9 =	sor.u32 $0xD0000000, s2;
	s6 =	simm.s32 $0x108;
	_ =	swait.ge @!p0 [sflag:s8], $0x0  }
0x24: {  	s3 =	sadd.s32 $0x88, s3;
	s6 =	simm.s32 @!p1 $0x1082;
	[sflag:s4] =	ssyncset.s32 $0xFFFFF086  }
0x25: {  	[simem:s6], [sflag:s4] =	dma.local [hbm:s3], $0xF7A  }
0x26: {  	[smem:$0x3F93] =	sst s1;
	(tag) =	ssettag s2;
	_ =	strace s9  }
0x27: {  	s1 =	sld [smem:$0x3FA3]  }
0x28: {  	s2 =	sld [smem:$0x3FA4]  }
0x29: {  	s4 =	sld [smem:$0x3FA6]  }
0x2a: {  	p0 =	seq.s32 s5, $0x0;
	s5 =	sld [smem:$0x3FA7]  }
0x2b: {  	s6 =	sld [smem:$0x3FA8]  }
0x2c: {  	s7 =	sld [smem:$0x3FA9]  }
0x2d: {  	s3 =	simm.s32 $0x108;
	s8 =	sld [smem:$0x3FAA]  }
0x2e: {  	s3 =	simm.s32 @!p0 $0x1082;
	s9 =	sld [smem:$0x3FAB]  }
0x2f: {  	lr =	sadd.s32 s0, s3;
	s0 =	sld [smem:$0x3FA2]  }
0x30: {  	s3 =	sld [smem:$0x3FA5]  }
0x31: {  	[smem:$0x3FAE] =	sst s10  }
0x32: {  	s10 =	sld [smem:$0x3FAC];
	_ =	sdelay $0x3  }
0x33: {  	p0 =	seq.s32 s10, $0x1;
	s10 =	sld [smem:$0x3FAE];
	_ =	sdelay $0x3  }
0x34: {  	[smem:$0x3FAE] =	sst s10  }
0x35: {  	s10 =	sld [smem:$0x3FAD];
	_ =	sdelay $0x3  }
0x36: {  	p1 =	seq.s32 s10, $0x1;
	s10 =	sld [smem:$0x3FAE];
	_ =	sdelay $0x3  }
0x37: {  	[smem:$0x3FAE] =	sst s10  }
0x38: {  	s10 =	sld [smem:$0x3FAF]  }
0x39: {  	_ = 	snop;
	(pc) =	sbr.ind lr, $3  }
0x3a: {  	_ = 	snop  }
0x3b: {  	_ = 	snop  }
0x3c: {  	p2 =	seq.s32 s10, $0x1;
	s10 =	sld [smem:$0x3FAE]  }
0x3d: {  	_ =	shalt  }
0x3e: {  	_ =	shalt  }
0x3f: {  	_ =	shalt  }
0x40: {  	_ =	shalt  }
0x41: {  	_ =	shalt  }
0x42: {  	_ =	shalt  }
0x43: {  	_ =	shalt  }
0x44: {  	_ =	shalt  }
0x45: {  	_ =	shalt  }
0x46: {  	_ =	shalt  }
0x47: {  	_ =	shalt  }
0x48: {  	_ =	shalt  }
0x49: {  	_ =	shalt  }
0x4a: {  	_ =	shalt  }
0x4b: {  	_ =	shalt  }
0x4c: {  	_ =	shalt  }
0x4d: {  	_ =	shalt  }
0x4e: {  	_ =	shalt  }
0x4f: {  	_ =	shalt  }
0x50: {  	_ =	shalt  }
0x51: {  	_ =	shalt  }
0x52: {  	_ =	shalt  }
0x53: {  	_ =	shalt  }
0x54: {  	_ =	shalt  }
0x55: {  	_ =	shalt  }
0x56: {  	_ =	shalt  }
0x57: {  	_ =	shalt  }
0x58: {  	_ =	shalt  }
0x59: {  	_ =	shalt  }
0x5a: {  	_ =	shalt  }
0x5b: {  	_ =	shalt  }
0x5c: {  	_ =	shalt  }
0x5d: {  	_ =	shalt  }
0x5e: {  	_ =	shalt  }
0x5f: {  	_ =	shalt  }
0x60: {  	_ =	shalt  }
0x61: {  	_ =	shalt  }
0x62: {  	_ =	shalt  }
0x63: {  	_ =	shalt  }
0x64: {  	_ =	shalt  }
0x65: {  	_ =	shalt  }
0x66: {  	_ =	shalt  }
0x67: {  	_ =	shalt  }
0x68: {  	_ =	shalt  }
0x69: {  	_ =	shalt  }
0x6a: {  	_ =	shalt  }
0x6b: {  	_ =	shalt  }
0x6c: {  	_ =	shalt  }
0x6d: {  	_ =	shalt  }
0x6e: {  	_ =	shalt  }
0x6f: {  	_ =	shalt  }
0x70: {  	_ =	shalt  }
0x71: {  	_ =	shalt  }
0x72: {  	_ =	shalt  }
0x73: {  	_ =	shalt  }
0x74: {  	_ =	shalt  }
0x75: {  	_ =	shalt  }
0x76: {  	_ =	shalt  }
0x77: {  	_ =	shalt  }
0x78: {  	_ =	shalt  }
0x79: {  	_ =	shalt  }
0x7a: {  	_ =	shalt  }
0x7b: {  	_ =	shalt  }
0x7c: {  	_ =	shalt  }
0x7d: {  	_ =	shalt  }
0x7e: {  	_ =	shalt  }
0x7f: {  	_ =	shalt  }
0x80: {  	_ =	shalt  }
0x81: {  	_ =	shalt  }
0x82: {  	_ =	shalt  }
0x83: {  	_ =	shalt  }
0x84: {  	_ =	shalt  }
0x85: {  	_ =	shalt  }
0x86: {  	_ =	shalt  }
0x87: {  	_ =	shalt  }
.Lfunc_end0:
.L_simem_size_0:
called_computation.1_lowered:
.L_overlay_start_0:
0x88: {  	s2 =	sld [smem:$0x3FD9]  }
0x89: {  	s3 =	sld [smem:$0x3FFE];
	_ =	sdelay $0x1  }
0x8a: {  	s1 =	srdreg.scid  }
0x8b: {  	s0 =	sand.u32 $0x1, s1  }
0x8c: {  	s16 =	sshll.u32 s0, $0xA;
	s2 =	sadd.s32 s3, s2  }
0x8d: {  	s2 =	sadd.s32 s2, s16  }
0x8e: {  	[smem:$0x3FBA] =	sst s2  }
0x8f: {  	_ = 	snop  }
0x90: {  	(tm) =	ssettm $0x1  }
0x91: {  	s17 =	sld [smem:$0x3FFB];
	_ =	sdelay $0x3  }
0x92: {  	_ =	strace s17  }
0x93: {  	s2 =	sld [smem:$0x3FFC];
	_ =	sdelay $0x3  }
0x94: {  	_ =	strace s2  }
0x95: {  	s2 =	sld [smem:$0x3FFD];
	_ =	sdelay $0x3  }
0x96: {  	_ =	strace s2  }
0x97: {  	_ =	strace $0x8FFFFFFF  }
0x98: {  	s18 =	sld [smem:$0x3FDB];
	_ =	sdelay $0x1  }
0x99: {  	s19 =	simm.s32 $_scs_section_size  }
0x9a: {  	s4 =	simm.s32 $_size__tile_overlayer_lowered;
	s5 =	simm.s32 $_tile_overlayer_lowered  }
0x9b: {  	s22 =	simm.s32 $0x1BFF;
	s21 =	sshll.u32 s5, $0x1;
	s2 =	sadd.s32 s19, s18  }
0x9c: {  	s6 =	simm.s32 $0x0;
	s20 =	sshll.u32 s4, $0x1;
	s4 =	sadd.s32 s21, s2  }
0x9d: {  	[timem:s6], [sflag:s22] =	dma.local [hbm:s4], s20  }
0x9e: {  	_ =	swait.ge [sflag:s22], s20  }
0x9f: {  	s3 =	ssub.s32 $0x0, s20;
	[sflag:s22] =	ssyncset.done $0x0  }
0xa0: {  	[sflag:s22] =	ssyncadd.s32 s3;
	_ =	sdelay $0x1  }
0xa1: {  	s23 =	simm.s32 $0x1B8B  }
0xa2: {  	_ =	swait.ge [sflag:s23], $0x1  }
0xa3: {  	[sflag:s23] =	ssyncset.done $0x0  }
0xa4: {  	s25 =	simm.s32 $0x1B8E;
	s24 =	sld [smem:$0x3FFE];
	[sflag:s23] =	ssyncadd.s32 $0xFFFFFFFF  }
0xa5: {  	s26 =	simm.s32 $execute0_lowered;
	[smem:$0x3FD2] =	sst s25  }
0xa6: {  	s4 =	sshll.u32 s26, $0x1;
	_ =	strace $0x80000049;
	[dreg:$0x1] =	wrdreg $0xFFFFFFFF  }
0xa7: {  	s28 =	simm.s32 $_size_execute0_lowered;
	s2 =	sadd.s32 s2, s4;
	[dreg:$0x0] =	wrdreg $0x0  }
0xa8: {  	s4 =	sshll.u32 s28, $0x1;
	[dreg:$0x2] =	wrdreg s2  }
0xa9: {  	[dreg:$0x3] =	wrdreg s4  }
0xaa: {  	[dreg:$0x4] =	wrdreg $0xC0  }
0xab: {  	_ =	task [dreg:s6], $0x5FFFF  }
0xac: {  	[dreg:$0x1] =	wrdreg $0xFFFFFFFF  }
0xad: {  	[dreg:$0x0] =	wrdreg $0x60  }
0xae: {  	[dreg:$0x2] =	wrdreg s24  }
0xaf: {  	[dreg:$0x3] =	wrdreg $0x0  }
0xb0: {  	[dreg:$0x4] =	wrdreg $0x9  }
0xb1: {  	_ =	task.clear_ibuf [dreg:s6], $0x5FFFF;
	_ =	strace $0x90000049  }
0xb2: {  	s29 =	simm.s32 $0x9;
	_ =	strace $0x8000004B  }
0xb3: {  	_ =	swait.ge [sflag:s29], $0x1  }
0xb4: {  	[sflag:s29] =	ssyncadd.s32 $0xFFFFFFFF  }
0xb5: {  	_ =	strace $0x9000004B  }
0xb6: {  	_ =	sfence  }
0xb7: {  	s30 =	sld [smem:$0x0];
	_ =	sdelay $0x2  }
0xb8: {  	s31 =	sshll.u32 s1, $0xD;
	s1 =	sshrl.u32 s1, $0x2  }
0xb9: {  	s3 =	sand.u32 $0x4000, s31;
	s1 =	sadd.s32 s1, s30  }
0xba: {  	s0 =	sor.u32 s3, s0;
	s1 =	sshll.u32 s1, $0x11  }
0xbb: {  	s0 =	sor.u32 s1, s0  }
0xbc: {  	s0 =	sadd.s32 $0x8F2B, s0  }
0xbd: {  	[sflag:s0] =	ssyncadd.remote.s32 $0x1  }
0xbe: {  	_ =	sfence.sel $0xFFFF  }
0xbf: {  	[dreg:$0x0] =	wrdreg $0xFFFFFFFF;
	(pc) =	sbr.abs _section_cstart, $3  }
0xc0: {  	[dreg:$0x1] =	wrdreg $0xFFFFFFFF  }
0xc1: {  	_ =	task.clear_ibuf [dreg:s6], $0x2FFFF;
	_ =	strace $0x9FFFFFFF  }
0xc2: {  	(tm) =	ssettm $0x7FFFFFFF  }
0xc3: {  	_ =	shalt  }
tec
execute0_lowered:
.L_overlay_start_1:
0x0: {  	(tag) =	ssettag $0x1  }
0x1: {  	s0 =	srdreg.scid  }
0x2: {  	s9 =	stileid.u32;
	s1 =	rddreg [dreg:$0x0]  }
0x3: {  	s2 =	rddreg [dreg:$0x1];
	s3 =	simm.s32 $0x0;
	s10 =	simm.s32 $0x3  }
0x4: {  	s11 =	simm.s32 $0x18800;
	s12 =	simm.s32 $0x18C00;
	s13 =	simm.s32 $0x80  }
0x5: {  	s14 =	simm.s32 $0x19000;
	s23 =	simm.s32 $0x18880;
	s15 =	simm.s32 $0x19800  }
0x6: {  	s24 =	simm.s32 $0x18900;
	s16 =	simm.s32 $0x1A000;
	s25 =	simm.s32 $0x18980  }
0x7: {  	s17 =	simm.s32 $0x1A800;
	s26 =	simm.s32 $0x18A00;
	s18 =	simm.s32 $0x1B000  }
0x8: {  	s28 =	simm.s32 $0x18D00;
	s29 =	simm.s32 $0x18D80;
	s30 =	simm.s32 $0x18E00  }
0x9: {  	s31 =	simm.s32 $0x18E80;
	s0 =	sand.u32 $0x1, s0;
	[smem:$0x7FF] =	sst s3  }
0xa: {  	s5 =	smul.u32 $0x18800, s9;
	_ =	strace $0x8000004A;
	[dreg:$0x5] =	wrdreg s23  }
0xb: {  	s20 =	sshll.u32 s9, $0x6;
	s4 =	smul.u32 $0xC400, s0;
	[dreg:$0x6] =	wrdreg s24  }
0xc: {  	s9 =	simm.s32 $0x0;
	s6 =	smul.u32 $0x188000, s0;
	[dreg:$0x7] =	wrdreg s25  }
0xd: {  	s0 =	ssub.s32 $0x2, s0;
	[dreg:$0x8] =	wrdreg s26;
	s23 =	simm.s32 $0x18B80  }
0xe: {  	s24 =	simm.s32 $0x1C800;
	s25 =	simm.s32 $0x1;
	s26 =	simm.s32 $0x18C80  }
0xf: {  	s8 =	sshrl.u32 s5, $0x3;
	s19 =	sshrl.u32 s0, $0x1;
	s4 =	sadd.s32 s4, s5  }
0x10: {  	s6 =	sadd.s32 s5, s6;
	s8 =	sadd.s32 s8, s1;
	s0 =	ssub.s32 s0, s19  }
0x11: {  	s5 =	sadd.s32 s5, s2;
	s19 =	simm.s32 $0x18A80;
	s7 =	sshrl.u32 s4, $0x3  }
0x12: {  	s4 =	sadd.s32 $0x95400, s1;
	s6 =	sshrl.u32 s6, $0x3;
	s8 =	sadd.s32 $0x64400, s8  }
0x13: {  	s0 =	smax.u32 s0, $0x1;
	s7 =	sadd.s32 s7, s1;
	[dreg:$0x9] =	wrdreg s8  }
0x14: {  	s1 =	sadd.s32 s6, s1;
	s8 =	sor.u32 $0x1C03, s20;
	[dreg:$0xc] =	wrdreg s0  }
0x15: {  	s20 =	simm.s32 $0x1B800;
	s1 =	sadd.s32 $0xC6400, s1;
	[dreg:$0xa] =	wrdreg s8  }
0x16: {  	s0 =	simm.s32 $0x18F80;
	s21 =	sadd.s32 $0x33400, s7;
	[dreg:$0xb] =	wrdreg s1  }
0x17: {  	s22 =	sadd.s32 $0x2400, s7;
	s7 =	sshrl.u32 s5, $0x3;
	[dreg:$0x3] =	wrdreg s21  }
0x18: {  	s5 =	simm.s32 $0x2;
	[dreg:$0x4] =	wrdreg s22;
	s21 =	simm.s32 $0x18B00  }
0x19: {  	s22 =	simm.s32 $0x1C000;
	s1 =	simm.s32 $0x18F00;
	[dreg:$0xd] =	wrdreg s7  }
.LBB2_1:
0x1a: {  	[dreg:$0xe] =	wrdreg s9  }
0x1b: {  	s6 =	rddreg [dreg:$0x9]  }
0x1c: {  	[spmem:s7], [sflag:s8] =	dma.local [hbm:s6], $0x3100  }
0x1d: {  	_ =	swait.ge [sflag:s10], $0x3100  }
0x1e: {  	[sflag:s10] =	ssyncset.done $0x0  }
0x1f: {  	[sflag:s10] =	ssyncadd.s32 $0xFFFFCF00  }
0x20: {  	[bflag:$0x0] =	sbarrier.arrive $0xFFFF  }
0x21: {  	s9 =	rddreg [dreg:$0x4]  }
0x22: {  	s6 =	sadd.s32 $0x0, s9  }
0x23: {  	[tilespmem:s11], [sflag:$0x3] =	stream.linear.gather [hbm4b:s6+s3], $0x400, $0x38;
	[tilespmem:$0x1D000] =	vst v63  }
0x24: {  	_ =	swait.ge [sflag:s10], $0x400  }
0x25: {  	s7 =	rddreg [dreg:$0x3];
	[sflag:s10] =	ssyncset.done $0x0  }
0x26: {  	[sflag:s10] =	ssyncadd.s32 $0xFFFFFC00;
	s6 =	sadd.s32 $0x0, s7  }
0x27: {  	[tilespmem:s12], [sflag:$0x3] =	stream.linear.gather [hbm4b:s6+s3], $0x400, $0x38;
	[tilespmem:$0x1D000] =	vst v63  }
0x28: {  	_ =	swait.ge [sflag:s10], $0x400  }
0x29: {  	[sflag:s10] =	ssyncset.done $0x0  }
0x2a: {  	[sflag:s10] =	ssyncadd.s32 $0xFFFFFC00  }
0x2b: {  	[tilespmem:s14], [sflag:$0x1] =	stream.indirect.gather [hbm4b:s4+s13], $0x10, s11, s13, $0xb8;
	[tilespmem:$0x1D000] =	vst v63  }
0x2c: {  	s8 =	rddreg [dreg:$0x5]  }
0x2d: {  	[tilespmem:s15], [sflag:$0x1] =	stream.indirect.gather [hbm4b:s4+s13], $0x10, s8, s13, $0xb8;
	[tilespmem:$0x1D000] =	vst v63  }
0x2e: {  	s9 =	rddreg [dreg:$0x6]  }
0x2f: {  	[tilespmem:s16], [sflag:$0x1] =	stream.indirect.gather [hbm4b:s4+s13], $0x10, s9, s13, $0xb8;
	[tilespmem:$0x1D000] =	vst v63  }
0x30: {  	s7 =	rddreg [dreg:$0x7]  }
0x31: {  	[tilespmem:s17], [sflag:$0x1] =	stream.indirect.gather [hbm4b:s4+s13], $0x10, s7, s13, $0xb8;
	[tilespmem:$0x1D000] =	vst v63  }
0x32: {  	s9 =	rddreg [dreg:$0x8]  }
0x33: {  	[tilespmem:s18], [sflag:$0x1] =	stream.indirect.gather [hbm4b:s4+s13], $0x10, s9, s13, $0xb8;
	[tilespmem:$0x1D000] =	vst v63  }
0x34: {  	_ = 	snop  }
0x35: {  	[tilespmem:s20], [sflag:$0x1] =	stream.indirect.gather [hbm4b:s4+s13], $0x10, s19, s13, $0xb8;
	[tilespmem:$0x1D000] =	vst v63  }
0x36: {  	_ = 	snop  }
0x37: {  	[tilespmem:s22], [sflag:$0x1] =	stream.indirect.gather [hbm4b:s4+s13], $0x10, s21, s13, $0xb8;
	[tilespmem:$0x1D000] =	vst v63  }
0x38: {  	_ = 	snop  }
0x39: {  	[tilespmem:s24], [sflag:$0x1] =	stream.indirect.gather [hbm4b:s4+s13], $0x10, s23, s13, $0xb8;
	[tilespmem:$0x1D000] =	vst v63  }
0x3a: {  	_ =	swait.ge [sflag:s25], $0x800  }
0x3b: {  	[sflag:s25] =	ssyncset.done $0x0  }
0x3c: {  	[sflag:s25] =	ssyncadd.s32 $0xFFFFF800  }
0x3d: {  	_ =	swait.ge [sflag:s25], $0x800  }
0x3e: {  	[sflag:s25] =	ssyncset.done $0x0  }
0x3f: {  	[sflag:s25] =	ssyncadd.s32 $0xFFFFF800  }
0x40: {  	_ =	swait.ge [sflag:s25], $0x800  }
0x41: {  	[sflag:s25] =	ssyncset.done $0x0  }
0x42: {  	[sflag:s25] =	ssyncadd.s32 $0xFFFFF800  }
0x43: {  	_ =	swait.ge [sflag:s25], $0x800  }
0x44: {  	[sflag:s25] =	ssyncset.done $0x0  }
0x45: {  	[sflag:s25] =	ssyncadd.s32 $0xFFFFF800  }
0x46: {  	_ =	swait.ge [sflag:s25], $0x800  }
0x47: {  	[sflag:s25] =	ssyncset.done $0x0  }
0x48: {  	[sflag:s25] =	ssyncadd.s32 $0xFFFFF800  }
0x49: {  	_ =	swait.ge [sflag:s25], $0x800  }
0x4a: {  	[sflag:s25] =	ssyncset.done $0x0  }
0x4b: {  	[sflag:s25] =	ssyncadd.s32 $0xFFFFF800  }
0x4c: {  	_ =	swait.ge [sflag:s25], $0x800  }
0x4d: {  	[sflag:s25] =	ssyncset.done $0x0  }
0x4e: {  	[sflag:s25] =	ssyncadd.s32 $0xFFFFF800  }
0x4f: {  	_ =	swait.ge [sflag:s25], $0x800  }
0x50: {  	[sflag:s25] =	ssyncset.done $0x0  }
0x51: {  	[sflag:s25] =	ssyncadd.s32 $0xFFFFF800  }
0x52: {  	[spmem:s2] =	stream.indirect.scatter.add.f32 [tilespmem:s14], [sflag:$0x2], $0x10, s12, s13, $0xb8;
	[tilespmem:$0x1D000] =	vst v63  }
0x53: {  	_ = 	snop  }
0x54: {  	[spmem:s2] =	stream.indirect.scatter.add.f32 [tilespmem:s15], [sflag:$0x2], $0x10, s26, s13, $0xb8;
	[tilespmem:$0x1D000] =	vst v63  }
0x55: {  	_ = 	snop  }
0x56: {  	[spmem:s2] =	stream.indirect.scatter.add.f32 [tilespmem:s16], [sflag:$0x2], $0x10, s28, s13, $0xb8;
	[tilespmem:$0x1D000] =	vst v63  }
0x57: {  	_ = 	snop  }
0x58: {  	[spmem:s2] =	stream.indirect.scatter.add.f32 [tilespmem:s17], [sflag:$0x2], $0x10, s29, s13, $0xb8;
	[tilespmem:$0x1D000] =	vst v63  }
0x59: {  	_ = 	snop  }
0x5a: {  	[spmem:s2] =	stream.indirect.scatter.add.f32 [tilespmem:s18], [sflag:$0x2], $0x10, s30, s13, $0xb8;
	[tilespmem:$0x1D000] =	vst v63  }
0x5b: {  	_ = 	snop  }
0x5c: {  	[spmem:s2] =	stream.indirect.scatter.add.f32 [tilespmem:s20], [sflag:$0x2], $0x10, s31, s13, $0xb8;
	[tilespmem:$0x1D000] =	vst v63  }
0x5d: {  	_ = 	snop  }
0x5e: {  	[spmem:s2] =	stream.indirect.scatter.add.f32 [tilespmem:s22], [sflag:$0x2], $0x10, s1, s13, $0xb8;
	[tilespmem:$0x1D000] =	vst v63  }
0x5f: {  	_ = 	snop  }
0x60: {  	[spmem:s2] =	stream.indirect.scatter.add.f32 [tilespmem:s24], [sflag:$0x2], $0x10, s0, s13, $0xb8;
	[tilespmem:$0x1D000] =	vst v63  }
0x61: {  	_ =	swait.ge [sflag:s5], $0x800  }
0x62: {  	[sflag:s5] =	ssyncset.done $0x0  }
0x63: {  	[sflag:s5] =	ssyncadd.s32 $0xFFFFF800  }
0x64: {  	_ =	swait.ge [sflag:s5], $0x800  }
0x65: {  	[sflag:s5] =	ssyncset.done $0x0  }
0x66: {  	[sflag:s5] =	ssyncadd.s32 $0xFFFFF800  }
0x67: {  	_ =	swait.ge [sflag:s5], $0x800  }
0x68: {  	[sflag:s5] =	ssyncset.done $0x0  }
0x69: {  	[sflag:s5] =	ssyncadd.s32 $0xFFFFF800  }
0x6a: {  	_ =	swait.ge [sflag:s5], $0x800  }
0x6b: {  	[sflag:s5] =	ssyncset.done $0x0  }
0x6c: {  	[sflag:s5] =	ssyncadd.s32 $0xFFFFF800  }
0x6d: {  	_ =	swait.ge [sflag:s5], $0x800  }
0x6e: {  	[sflag:s5] =	ssyncset.done $0x0  }
0x6f: {  	[sflag:s5] =	ssyncadd.s32 $0xFFFFF800  }
0x70: {  	_ =	swait.ge [sflag:s5], $0x800  }
0x71: {  	[sflag:s5] =	ssyncset.done $0x0  }
0x72: {  	[sflag:s5] =	ssyncadd.s32 $0xFFFFF800  }
0x73: {  	_ =	swait.ge [sflag:s5], $0x800  }
0x74: {  	[sflag:s5] =	ssyncset.done $0x0  }
0x75: {  	[sflag:s5] =	ssyncadd.s32 $0xFFFFF800  }
0x76: {  	s6 =	simm.s32 $0x100;
	_ =	swait.ge [sflag:s5], $0x800  }
0x77: {  	s8 =	simm.s32 $0x80;
	s9 =	rddreg [dreg:$0x4];
	[sflag:s5] =	ssyncset.done $0x0  }
.LBB2_2:
0x78: {  	[sflag:s5] =	ssyncadd.s32 $0xFFFFF800;
	s9 =	sadd.s32 s8, s9  }
0x79: {  	[tilespmem:s11], [sflag:$0x3] =	stream.linear.gather [hbm4b:s9+s3], $0x400, $0x38;
	[tilespmem:$0x1D000] =	vst v63  }
0x7a: {  	_ =	swait.ge [sflag:s10], $0x400  }
0x7b: {  	s9 =	rddreg [dreg:$0x3];
	[sflag:s10] =	ssyncset.done $0x0  }
0x7c: {  	[sflag:s10] =	ssyncadd.s32 $0xFFFFFC00;
	s9 =	sadd.s32 s8, s9  }
0x7d: {  	[tilespmem:s12], [sflag:$0x3] =	stream.linear.gather [hbm4b:s9+s3], $0x400, $0x38;
	[tilespmem:$0x1D000] =	vst v63  }
0x7e: {  	_ =	swait.ge [sflag:s10], $0x400  }
0x7f: {  	[sflag:s10] =	ssyncset.done $0x0  }
0x80: {  	s7 =	smov.u32 s6;
	[sflag:s10] =	ssyncadd.s32 $0xFFFFFC00  }
0x81: {  	[tilespmem:s14], [sflag:$0x1] =	stream.indirect.gather [hbm4b:s4+s13], $0x10, s11, s13, $0xb8;
	[tilespmem:$0x1D000] =	vst v63  }
0x82: {  	s8 =	smov.u32 s7;
	s7 =	rddreg [dreg:$0x5]  }
0x83: {  	[tilespmem:s15], [sflag:$0x1] =	stream.indirect.gather [hbm4b:s4+s13], $0x10, s7, s13, $0xb8;
	[tilespmem:$0x1D000] =	vst v63  }
0x84: {  	s9 =	rddreg [dreg:$0x6]  }
0x85: {  	[tilespmem:s16], [sflag:$0x1] =	stream.indirect.gather [hbm4b:s4+s13], $0x10, s9, s13, $0xb8;
	[tilespmem:$0x1D000] =	vst v63  }
0x86: {  	s7 =	rddreg [dreg:$0x7]  }
0x87: {  	[tilespmem:s17], [sflag:$0x1] =	stream.indirect.gather [hbm4b:s4+s13], $0x10, s7, s13, $0xb8;
	[tilespmem:$0x1D000] =	vst v63  }
0x88: {  	s9 =	rddreg [dreg:$0x8]  }
0x89: {  	[tilespmem:s18], [sflag:$0x1] =	stream.indirect.gather [hbm4b:s4+s13], $0x10, s9, s13, $0xb8;
	[tilespmem:$0x1D000] =	vst v63  }
0x8a: {  	_ = 	snop  }
0x8b: {  	[tilespmem:s20], [sflag:$0x1] =	stream.indirect.gather [hbm4b:s4+s13], $0x10, s19, s13, $0xb8;
	[tilespmem:$0x1D000] =	vst v63  }
0x8c: {  	_ = 	snop  }
0x8d: {  	[tilespmem:s22], [sflag:$0x1] =	stream.indirect.gather [hbm4b:s4+s13], $0x10, s21, s13, $0xb8;
	[tilespmem:$0x1D000] =	vst v63  }
0x8e: {  	_ = 	snop  }
0x8f: {  	[tilespmem:s24], [sflag:$0x1] =	stream.indirect.gather [hbm4b:s4+s13], $0x10, s23, s13, $0xb8;
	[tilespmem:$0x1D000] =	vst v63  }
0x90: {  	_ =	swait.ge [sflag:s25], $0x800  }
0x91: {  	[sflag:s25] =	ssyncset.done $0x0  }
0x92: {  	[sflag:s25] =	ssyncadd.s32 $0xFFFFF800  }
0x93: {  	_ =	swait.ge [sflag:s25], $0x800  }
0x94: {  	[sflag:s25] =	ssyncset.done $0x0  }
0x95: {  	[sflag:s25] =	ssyncadd.s32 $0xFFFFF800  }
0x96: {  	_ =	swait.ge [sflag:s25], $0x800  }
0x97: {  	[sflag:s25] =	ssyncset.done $0x0  }
0x98: {  	[sflag:s25] =	ssyncadd.s32 $0xFFFFF800  }
0x99: {  	_ =	swait.ge [sflag:s25], $0x800  }
0x9a: {  	[sflag:s25] =	ssyncset.done $0x0  }
0x9b: {  	[sflag:s25] =	ssyncadd.s32 $0xFFFFF800  }
0x9c: {  	_ =	swait.ge [sflag:s25], $0x800  }
0x9d: {  	[sflag:s25] =	ssyncset.done $0x0  }
0x9e: {  	[sflag:s25] =	ssyncadd.s32 $0xFFFFF800  }
0x9f: {  	_ =	swait.ge [sflag:s25], $0x800  }
0xa0: {  	[sflag:s25] =	ssyncset.done $0x0  }
0xa1: {  	[sflag:s25] =	ssyncadd.s32 $0xFFFFF800  }
0xa2: {  	_ =	swait.ge [sflag:s25], $0x800  }
0xa3: {  	[sflag:s25] =	ssyncset.done $0x0  }
0xa4: {  	[sflag:s25] =	ssyncadd.s32 $0xFFFFF800  }
0xa5: {  	_ =	swait.ge [sflag:s25], $0x800  }
0xa6: {  	[sflag:s25] =	ssyncset.done $0x0  }
0xa7: {  	[sflag:s25] =	ssyncadd.s32 $0xFFFFF800  }
0xa8: {  	[spmem:s2] =	stream.indirect.scatter.add.f32 [tilespmem:s14], [sflag:$0x2], $0x10, s12, s13, $0xb8;
	[tilespmem:$0x1D000] =	vst v63  }
0xa9: {  	_ = 	snop  }
0xaa: {  	[spmem:s2] =	stream.indirect.scatter.add.f32 [tilespmem:s15], [sflag:$0x2], $0x10, s26, s13, $0xb8;
	[tilespmem:$0x1D000] =	vst v63  }
0xab: {  	_ = 	snop  }
0xac: {  	[spmem:s2] =	stream.indirect.scatter.add.f32 [tilespmem:s16], [sflag:$0x2], $0x10, s28, s13, $0xb8;
	[tilespmem:$0x1D000] =	vst v63  }
0xad: {  	_ = 	snop  }
0xae: {  	[spmem:s2] =	stream.indirect.scatter.add.f32 [tilespmem:s17], [sflag:$0x2], $0x10, s29, s13, $0xb8;
	[tilespmem:$0x1D000] =	vst v63  }
0xaf: {  	_ = 	snop  }
0xb0: {  	[spmem:s2] =	stream.indirect.scatter.add.f32 [tilespmem:s18], [sflag:$0x2], $0x10, s30, s13, $0xb8;
	[tilespmem:$0x1D000] =	vst v63  }
0xb1: {  	_ = 	snop  }
0xb2: {  	[spmem:s2] =	stream.indirect.scatter.add.f32 [tilespmem:s20], [sflag:$0x2], $0x10, s31, s13, $0xb8;
	[tilespmem:$0x1D000] =	vst v63  }
0xb3: {  	_ = 	snop  }
0xb4: {  	[spmem:s2] =	stream.indirect.scatter.add.f32 [tilespmem:s22], [sflag:$0x2], $0x10, s1, s13, $0xb8;
	[tilespmem:$0x1D000] =	vst v63  }
0xb5: {  	_ = 	snop  }
0xb6: {  	[spmem:s2] =	stream.indirect.scatter.add.f32 [tilespmem:s24], [sflag:$0x2], $0x10, s0, s13, $0xb8;
	[tilespmem:$0x1D000] =	vst v63  }
0xb7: {  	_ =	swait.ge [sflag:s5], $0x800  }
0xb8: {  	[sflag:s5] =	ssyncset.done $0x0  }
0xb9: {  	[sflag:s5] =	ssyncadd.s32 $0xFFFFF800  }
0xba: {  	_ =	swait.ge [sflag:s5], $0x800  }
0xbb: {  	[sflag:s5] =	ssyncset.done $0x0  }
0xbc: {  	[sflag:s5] =	ssyncadd.s32 $0xFFFFF800  }
0xbd: {  	_ =	swait.ge [sflag:s5], $0x800  }
0xbe: {  	[sflag:s5] =	ssyncset.done $0x0  }
0xbf: {  	[sflag:s5] =	ssyncadd.s32 $0xFFFFF800  }
0xc0: {  	_ =	swait.ge [sflag:s5], $0x800  }
0xc1: {  	[sflag:s5] =	ssyncset.done $0x0  }
0xc2: {  	[sflag:s5] =	ssyncadd.s32 $0xFFFFF800  }
0xc3: {  	_ =	swait.ge [sflag:s5], $0x800  }
0xc4: {  	[sflag:s5] =	ssyncset.done $0x0  }
0xc5: {  	[sflag:s5] =	ssyncadd.s32 $0xFFFFF800  }
0xc6: {  	_ =	swait.ge [sflag:s5], $0x800  }
0xc7: {  	[sflag:s5] =	ssyncset.done $0x0  }
0xc8: {  	p0 =	sne.s32 s6, $0x1800;
	[sflag:s5] =	ssyncadd.s32 $0xFFFFF800  }
.Ltmp0:
0xc9: {  	_ =	swait.ge [sflag:s5], $0x800;
	(pc) =	sbr.rel @p0 .LBB2_2-.Ltmp0, $4  }
0xca: {  	[sflag:s5] =	ssyncset.done $0x0  }
0xcb: {  	[sflag:s5] =	ssyncadd.s32 $0xFFFFF800  }
0xcc: {  	_ =	swait.ge [sflag:s5], $0x800  }
0xcd: {  	s6 =	sadd.s32 $0x80, s6;
	s9 =	rddreg [dreg:$0x4];
	[sflag:s5] =	ssyncset.done $0x0  }
0xce: {  	[sflag:s5] =	ssyncadd.s32 $0xFFFFF800;
	s6 =	sadd.s32 s8, s9  }
0xcf: {  	[tilespmem:s11], [sflag:$0x3] =	stream.linear.gather [hbm4b:s6+s3], $0x400, $0x38;
	[tilespmem:$0x1D000] =	vst v63  }
0xd0: {  	_ =	swait.ge [sflag:s10], $0x400  }
0xd1: {  	s7 =	rddreg [dreg:$0x3];
	[sflag:s10] =	ssyncset.done $0x0  }
0xd2: {  	[sflag:s10] =	ssyncadd.s32 $0xFFFFFC00;
	s6 =	sadd.s32 s8, s7  }
0xd3: {  	[tilespmem:s12], [sflag:$0x3] =	stream.linear.gather [hbm4b:s6+s3], $0x400, $0x38;
	[tilespmem:$0x1D000] =	vst v63  }
0xd4: {  	_ =	swait.ge [sflag:s10], $0x400  }
0xd5: {  	[sflag:s10] =	ssyncset.done $0x0  }
0xd6: {  	[sflag:s10] =	ssyncadd.s32 $0xFFFFFC00  }
0xd7: {  	[tilespmem:s14], [sflag:$0x1] =	stream.indirect.gather [hbm4b:s4+s13], $0x10, s11, s13, $0xb8;
	[tilespmem:$0x1D000] =	vst v63  }
0xd8: {  	s8 =	rddreg [dreg:$0x5]  }
0xd9: {  	[tilespmem:s15], [sflag:$0x1] =	stream.indirect.gather [hbm4b:s4+s13], $0x10, s8, s13, $0xb8;
	[tilespmem:$0x1D000] =	vst v63  }
0xda: {  	s7 =	rddreg [dreg:$0x6]  }
0xdb: {  	[tilespmem:s16], [sflag:$0x1] =	stream.indirect.gather [hbm4b:s4+s13], $0x10, s7, s13, $0xb8;
	[tilespmem:$0x1D000] =	vst v63  }
0xdc: {  	s9 =	rddreg [dreg:$0x7]  }
0xdd: {  	[tilespmem:s17], [sflag:$0x1] =	stream.indirect.gather [hbm4b:s4+s13], $0x10, s9, s13, $0xb8;
	[tilespmem:$0x1D000] =	vst v63  }
0xde: {  	s8 =	rddreg [dreg:$0x8]  }
0xdf: {  	[tilespmem:s18], [sflag:$0x1] =	stream.indirect.gather [hbm4b:s4+s13], $0x10, s8, s13, $0xb8;
	[tilespmem:$0x1D000] =	vst v63  }
0xe0: {  	_ = 	snop  }
0xe1: {  	[tilespmem:s20], [sflag:$0x1] =	stream.indirect.gather [hbm4b:s4+s13], $0x10, s19, s13, $0xb8;
	[tilespmem:$0x1D000] =	vst v63  }
0xe2: {  	_ = 	snop  }
0xe3: {  	[tilespmem:s22], [sflag:$0x1] =	stream.indirect.gather [hbm4b:s4+s13], $0x10, s21, s13, $0xb8;
	[tilespmem:$0x1D000] =	vst v63  }
0xe4: {  	_ = 	snop  }
0xe5: {  	[tilespmem:s24], [sflag:$0x1] =	stream.indirect.gather [hbm4b:s4+s13], $0x10, s23, s13, $0xb8;
	[tilespmem:$0x1D000] =	vst v63  }
0xe6: {  	_ =	swait.ge [sflag:s25], $0x800  }
0xe7: {  	[sflag:s25] =	ssyncset.done $0x0  }
0xe8: {  	[sflag:s25] =	ssyncadd.s32 $0xFFFFF800  }
0xe9: {  	_ =	swait.ge [sflag:s25], $0x800  }
0xea: {  	[sflag:s25] =	ssyncset.done $0x0  }
0xeb: {  	[sflag:s25] =	ssyncadd.s32 $0xFFFFF800  }
0xec: {  	_ =	swait.ge [sflag:s25], $0x800  }
0xed: {  	[sflag:s25] =	ssyncset.done $0x0  }
0xee: {  	[sflag:s25] =	ssyncadd.s32 $0xFFFFF800  }
0xef: {  	_ =	swait.ge [sflag:s25], $0x800  }
0xf0: {  	[sflag:s25] =	ssyncset.done $0x0  }
0xf1: {  	[sflag:s25] =	ssyncadd.s32 $0xFFFFF800  }
0xf2: {  	_ =	swait.ge [sflag:s25], $0x800  }
0xf3: {  	[sflag:s25] =	ssyncset.done $0x0  }
0xf4: {  	[sflag:s25] =	ssyncadd.s32 $0xFFFFF800  }
0xf5: {  	_ =	swait.ge [sflag:s25], $0x800  }
0xf6: {  	[sflag:s25] =	ssyncset.done $0x0  }
0xf7: {  	[sflag:s25] =	ssyncadd.s32 $0xFFFFF800  }
0xf8: {  	_ =	swait.ge [sflag:s25], $0x800  }
0xf9: {  	[sflag:s25] =	ssyncset.done $0x0  }
0xfa: {  	[sflag:s25] =	ssyncadd.s32 $0xFFFFF800  }
0xfb: {  	_ =	swait.ge [sflag:s25], $0x800  }
0xfc: {  	[sflag:s25] =	ssyncset.done $0x0  }
0xfd: {  	[sflag:s25] =	ssyncadd.s32 $0xFFFFF800  }
0xfe: {  	[spmem:s2] =	stream.indirect.scatter.add.f32 [tilespmem:s14], [sflag:$0x2], $0x10, s12, s13, $0xb8;
	[tilespmem:$0x1D000] =	vst v63  }
0xff: {  	_ = 	snop  }
0x100: {  	[spmem:s2] =	stream.indirect.scatter.add.f32 [tilespmem:s15], [sflag:$0x2], $0x10, s26, s13, $0xb8;
	[tilespmem:$0x1D000] =	vst v63  }
0x101: {  	_ = 	snop  }
0x102: {  	[spmem:s2] =	stream.indirect.scatter.add.f32 [tilespmem:s16], [sflag:$0x2], $0x10, s28, s13, $0xb8;
	[tilespmem:$0x1D000] =	vst v63  }
0x103: {  	_ = 	snop  }
0x104: {  	[spmem:s2] =	stream.indirect.scatter.add.f32 [tilespmem:s17], [sflag:$0x2], $0x10, s29, s13, $0xb8;
	[tilespmem:$0x1D000] =	vst v63  }
0x105: {  	_ = 	snop  }
0x106: {  	[spmem:s2] =	stream.indirect.scatter.add.f32 [tilespmem:s18], [sflag:$0x2], $0x10, s30, s13, $0xb8;
	[tilespmem:$0x1D000] =	vst v63  }
0x107: {  	_ = 	snop  }
0x108: {  	[spmem:s2] =	stream.indirect.scatter.add.f32 [tilespmem:s20], [sflag:$0x2], $0x10, s31, s13, $0xb8;
	[tilespmem:$0x1D000] =	vst v63  }
0x109: {  	_ = 	snop  }
0x10a: {  	[spmem:s2] =	stream.indirect.scatter.add.f32 [tilespmem:s22], [sflag:$0x2], $0x10, s1, s13, $0xb8;
	[tilespmem:$0x1D000] =	vst v63  }
0x10b: {  	_ = 	snop  }
0x10c: {  	[spmem:s2] =	stream.indirect.scatter.add.f32 [tilespmem:s24], [sflag:$0x2], $0x10, s0, s13, $0xb8;
	[tilespmem:$0x1D000] =	vst v63  }
0x10d: {  	_ =	swait.ge [sflag:s5], $0x800  }
0x10e: {  	[sflag:s5] =	ssyncset.done $0x0  }
0x10f: {  	[sflag:s5] =	ssyncadd.s32 $0xFFFFF800  }
0x110: {  	_ =	swait.ge [sflag:s5], $0x800  }
0x111: {  	[sflag:s5] =	ssyncset.done $0x0  }
0x112: {  	[sflag:s5] =	ssyncadd.s32 $0xFFFFF800  }
0x113: {  	_ =	swait.ge [sflag:s5], $0x800  }
0x114: {  	[sflag:s5] =	ssyncset.done $0x0  }
0x115: {  	[sflag:s5] =	ssyncadd.s32 $0xFFFFF800  }
0x116: {  	_ =	swait.ge [sflag:s5], $0x800  }
0x117: {  	[sflag:s5] =	ssyncset.done $0x0  }
0x118: {  	[sflag:s5] =	ssyncadd.s32 $0xFFFFF800  }
0x119: {  	_ =	swait.ge [sflag:s5], $0x800  }
0x11a: {  	[sflag:s5] =	ssyncset.done $0x0  }
0x11b: {  	[sflag:s5] =	ssyncadd.s32 $0xFFFFF800  }
0x11c: {  	_ =	swait.ge [sflag:s5], $0x800  }
0x11d: {  	[sflag:s5] =	ssyncset.done $0x0  }
0x11e: {  	[sflag:s5] =	ssyncadd.s32 $0xFFFFF800  }
0x11f: {  	_ =	swait.ge [sflag:s5], $0x800  }
0x120: {  	[sflag:s5] =	ssyncset.done $0x0  }
0x121: {  	[sflag:s5] =	ssyncadd.s32 $0xFFFFF800  }
0x122: {  	_ =	swait.ge [sflag:s5], $0x800  }
0x123: {  	[sflag:s5] =	ssyncset.done $0x0  }
0x124: {  	[sflag:s5] =	ssyncadd.s32 $0xFFFFF800  }
0x125: {  	[bflag:$0x0] =	sbarrier.arrive $0xFFFF  }
0x126: {  	s8 =	rddreg [dreg:$0xa]  }
0x127: {  	s9 =	rddreg [dreg:$0xb]  }
0x128: {  	s7 =	rddreg [dreg:$0xd]  }
0x129: {  	[hbm:s9], [sflag:s8] =	dma.local [spmem:s7], $0x3100  }
0x12a: {  	_ =	swait.ge [sflag:s10], $0x3100  }
0x12b: {  	s6 =	rddreg [dreg:$0xe]  }
0x12c: {  	s9 =	sadd.s32 $0x1, s6;
	s6 =	rddreg [dreg:$0xc]  }
0x12d: {  	p0 =	sne.s32 s9, s6  }
.Ltmp1:
0x12e: {  	_ = 	snop;
	(pc) =	sbr.rel @p0 .LBB2_1-.Ltmp1, $3  }
0x12f: {  	_ =	sdelay $0x1  }
0x130: {  	[sflag:s10] =	ssyncset.done $0x0  }
0x131: {  	[sflag:s10] =	ssyncadd.s32 $0xFFFFCF00  }
0x132: {  	_ =	sfence.sel $0x180000  }
0x133: {  	[bflag:$0x0] =	sbarrier.arrive $0xFFFF  }
0x134: {  	_ =	strace $0x9000004A  }
0x135: {  	s0 =	stileid.u32;
	[bflag:$0x2] =	sbarrier.arrive $0xFFFF  }
0x136: {  	p0 =	sne.s32 s0, $0x0;
	s0 =	rddreg [dreg:$0x2]  }
0x137: {  	s0 =	sadd.s32 @!p0 $0x100000, s0  }
0x138: {  	[sflag:s0] =	ssyncadd.tile.s32 @!p0 $0x1;
	_ =	shalt  }
.Lfunc_end2:
_tile_overlayer_lowered:
.L_overlay_start_2:
0x139: {  	(tag) =	ssettag $0x2  }
0x13a: {  	s0 =	rddreg [dreg:$0x0];
	s2 =	stileid.u32  }
0x13b: {  	s1 =	rddreg [dreg:$0x1];
	p0 =	sne.s32 s2, $0x0  }
0x13c: {  	s3 =	rddreg [dreg:$0x2];
	[bflag:$0x3] =	sbarrier.arrive $0xFFFF;
	s2 =	simm.s32 @!p0 $0x1C03  }
0x13d: {  	[timem:s3], [sflag:s2] =	dma.local @!p0 [hbm:s0], s1  }
0x13e: {  	s0 =	simm.s32 @!p0 $0x3  }
0x13f: {  	_ =	swait.ge @!p0 [sflag:s0], s1  }
0x140: {  	s1 =	ssub.s32 @!p0 $0x0, s1;
	[sflag:s0] =	ssyncset.done @!p0 $0x0  }
0x141: {  	[sflag:s0] =	ssyncadd.s32 @!p0 s1  }
0x142: {  	[bflag:$0x3] =	sbarrier.arrive $0xFFFF  }
0x143: {  	_ =	shalt  }

// kernel: kernel.20.cloned.1.call-start
scs
__scs_entry_jumppad:
0x0: {  	(pc) =	sbr.rel $0x88, $3  }
0x1: {  	(tag) =	ssettag $0x0;
	lr =	simm.s32 $0x1  }
0x2: {  	[smem:$0x3F93] =	sst lr;
	_ =	strace $0xD0000000  }
0x3: {  	_ = 	snop  }
0x4: {  	_ = 	snop  }
0x5: {  	_ = 	snop  }
0x6: {  	_ = 	snop  }
0x7: {  	_ = 	snop  }
__scs_overlays_trampoline_lowered:
0x8: {  	[smem:$0x3FA2] =	sst s0  }
0x9: {  	[smem:$0x3FA3] =	sst s1  }
0xa: {  	[smem:$0x3FA4] =	sst s2  }
0xb: {  	[smem:$0x3FA5] =	sst s3  }
0xc: {  	[smem:$0x3FA6] =	sst s4  }
0xd: {  	[smem:$0x3FA7] =	sst s5  }
0xe: {  	[smem:$0x3FA8] =	sst s6  }
0xf: {  	[smem:$0x3FA9] =	sst s7  }
0x10: {  	[smem:$0x3FAA] =	sst s8  }
0x11: {  	[smem:$0x3FAB] =	sst s9;
	s0 =	simm.s32 @!p0 $0x0  }
0x12: {  	s1 =	sld [smem:$0x3F91];
	s0 =	simm.s32 @p0 $0x1  }
0x13: {  	[smem:$0x3FAC] =	sst s0;
	s0 =	simm.s32 @!p1 $0x0  }
0x14: {  	s2 =	sld [smem:$0x3F90];
	s0 =	simm.s32 @p1 $0x1  }
0x15: {  	[smem:$0x3FAD] =	sst s0;
	s0 =	simm.s32 @!p2 $0x0  }
0x16: {  	s3 =	sld [smem:$0x3FDB];
	s0 =	simm.s32 @p2 $0x1  }
0x17: {  	s4 =	simm.s32 $0x1BF5;
	[smem:$0x3FAF] =	sst s0  }
0x18: {  	s0 =	sld [smem:$0x3F92];
	_ =	swait.ge [sflag:s4], $0x0  }
0x19: {  	s7 =	sld [smem:$0x3F93]  }
0x1a: {  	s8 =	sadd.s32 $0xFFFFE003, lr  }
0x1b: {  	s9 =	sadd.s32 $0xFFFFFEF7, lr;
	s5 =	simm.s32 $0xFFFFFFFF;
	p2 =	slt.u32 s8, $0xFFFFF086  }
0x1c: {  	p1 =	slt.u32 s9, $0xF7A;
	s5 =	simm.s32 @!p2 $0x0  }
0x1d: {  	s5 =	simm.s32 @p1 $0x1;
	p0 =	seq.s32 s7, s2  }
0x1e: {  	s7 =	smul.u32 @!p0 $0xF7A, s2;
	p2 =	seq.s32 @!p0 s5, $0x0  }
0x1f: {  	s9 =	smul.u32 $0xF7A, s1;
	s8 =	simm.s32 @!p0 $0x1BF5;
	p2 =	por !p2, p0  }
0x20: {  	[sflag:s8] =	ssyncset.s32 @!p0 $0xFFFFF086;
	s6 =	sadd.s32 @!p0 s3, s7;
	s7 =	simm.s32 @!p0 $0x108  }
0x21: {  	s3 =	sadd.s32 s3, s9;
	s6 =	sadd.s32 @!p0 $0x88, s6;
	s7 =	simm.s32 @p2 $0x1082  }
0x22: {  	[simem:s7], [sflag:s8] =	dma.local @!p0 [hbm:s6], $0xF7A  }
0x23: {  	s9 =	sor.u32 $0xD0000000, s2;
	s6 =	simm.s32 $0x108;
	_ =	swait.ge @!p0 [sflag:s8], $0x0  }
0x24: {  	s3 =	sadd.s32 $0x88, s3;
	s6 =	simm.s32 @!p1 $0x1082;
	[sflag:s4] =	ssyncset.s32 $0xFFFFF086  }
0x25: {  	[simem:s6], [sflag:s4] =	dma.local [hbm:s3], $0xF7A  }
0x26: {  	[smem:$0x3F93] =	sst s1;
	(tag) =	ssettag s2;
	_ =	strace s9  }
0x27: {  	s1 =	sld [smem:$0x3FA3]  }
0x28: {  	s2 =	sld [smem:$0x3FA4]  }
0x29: {  	s4 =	sld [smem:$0x3FA6]  }
0x2a: {  	p0 =	seq.s32 s5, $0x0;
	s5 =	sld [smem:$0x3FA7]  }
0x2b: {  	s6 =	sld [smem:$0x3FA8]  }
0x2c: {  	s7 =	sld [smem:$0x3FA9]  }
0x2d: {  	s3 =	simm.s32 $0x108;
	s8 =	sld [smem:$0x3FAA]  }
0x2e: {  	s3 =	simm.s32 @!p0 $0x1082;
	s9 =	sld [smem:$0x3FAB]  }
0x2f: {  	lr =	sadd.s32 s0, s3;
	s0 =	sld [smem:$0x3FA2]  }
0x30: {  	s3 =	sld [smem:$0x3FA5]  }
0x31: {  	[smem:$0x3FAE] =	sst s10  }
0x32: {  	s10 =	sld [smem:$0x3FAC];
	_ =	sdelay $0x3  }
0x33: {  	p0 =	seq.s32 s10, $0x1;
	s10 =	sld [smem:$0x3FAE];
	_ =	sdelay $0x3  }
0x34: {  	[smem:$0x3FAE] =	sst s10  }
0x35: {  	s10 =	sld [smem:$0x3FAD];
	_ =	sdelay $0x3  }
0x36: {  	p1 =	seq.s32 s10, $0x1;
	s10 =	sld [smem:$0x3FAE];
	_ =	sdelay $0x3  }
0x37: {  	[smem:$0x3FAE] =	sst s10  }
0x38: {  	s10 =	sld [smem:$0x3FAF]  }
0x39: {  	_ = 	snop;
	(pc) =	sbr.ind lr, $3  }
0x3a: {  	_ = 	snop  }
0x3b: {  	_ = 	snop  }
0x3c: {  	p2 =	seq.s32 s10, $0x1;
	s10 =	sld [smem:$0x3FAE]  }
0x3d: {  	_ =	shalt  }
0x3e: {  	_ =	shalt  }
0x3f: {  	_ =	shalt  }
0x40: {  	_ =	shalt  }
0x41: {  	_ =	shalt  }
0x42: {  	_ =	shalt  }
0x43: {  	_ =	shalt  }
0x44: {  	_ =	shalt  }
0x45: {  	_ =	shalt  }
0x46: {  	_ =	shalt  }
0x47: {  	_ =	shalt  }
0x48: {  	_ =	shalt  }
0x49: {  	_ =	shalt  }
0x4a: {  	_ =	shalt  }
0x4b: {  	_ =	shalt  }
0x4c: {  	_ =	shalt  }
0x4d: {  	_ =	shalt  }
0x4e: {  	_ =	shalt  }
0x4f: {  	_ =	shalt  }
0x50: {  	_ =	shalt  }
0x51: {  	_ =	shalt  }
0x52: {  	_ =	shalt  }
0x53: {  	_ =	shalt  }
0x54: {  	_ =	shalt  }
0x55: {  	_ =	shalt  }
0x56: {  	_ =	shalt  }
0x57: {  	_ =	shalt  }
0x58: {  	_ =	shalt  }
0x59: {  	_ =	shalt  }
0x5a: {  	_ =	shalt  }
0x5b: {  	_ =	shalt  }
0x5c: {  	_ =	shalt  }
0x5d: {  	_ =	shalt  }
0x5e: {  	_ =	shalt  }
0x5f: {  	_ =	shalt  }
0x60: {  	_ =	shalt  }
0x61: {  	_ =	shalt  }
0x62: {  	_ =	shalt  }
0x63: {  	_ =	shalt  }
0x64: {  	_ =	shalt  }
0x65: {  	_ =	shalt  }
0x66: {  	_ =	shalt  }
0x67: {  	_ =	shalt  }
0x68: {  	_ =	shalt  }
0x69: {  	_ =	shalt  }
0x6a: {  	_ =	shalt  }
0x6b: {  	_ =	shalt  }
0x6c: {  	_ =	shalt  }
0x6d: {  	_ =	shalt  }
0x6e: {  	_ =	shalt  }
0x6f: {  	_ =	shalt  }
0x70: {  	_ =	shalt  }
0x71: {  	_ =	shalt  }
0x72: {  	_ =	shalt  }
0x73: {  	_ =	shalt  }
0x74: {  	_ =	shalt  }
0x75: {  	_ =	shalt  }
0x76: {  	_ =	shalt  }
0x77: {  	_ =	shalt  }
0x78: {  	_ =	shalt  }
0x79: {  	_ =	shalt  }
0x7a: {  	_ =	shalt  }
0x7b: {  	_ =	shalt  }
0x7c: {  	_ =	shalt  }
0x7d: {  	_ =	shalt  }
0x7e: {  	_ =	shalt  }
0x7f: {  	_ =	shalt  }
0x80: {  	_ =	shalt  }
0x81: {  	_ =	shalt  }
0x82: {  	_ =	shalt  }
0x83: {  	_ =	shalt  }
0x84: {  	_ =	shalt  }
0x85: {  	_ =	shalt  }
0x86: {  	_ =	shalt  }
0x87: {  	_ =	shalt  }
.Lfunc_end0:
.L_simem_size_0:
called_computation.2_lowered:
.L_overlay_start_0:
0x88: {  	s2 =	sld [smem:$0x3FD9]  }
0x89: {  	s3 =	sld [smem:$0x3FFE];
	_ =	sdelay $0x1  }
0x8a: {  	s1 =	srdreg.scid  }
0x8b: {  	s0 =	sand.u32 $0x1, s1  }
0x8c: {  	s16 =	sshll.u32 s0, $0xA;
	s2 =	sadd.s32 s3, s2  }
0x8d: {  	s2 =	sadd.s32 s2, s16  }
0x8e: {  	[smem:$0x3FBA] =	sst s2  }
0x8f: {  	_ = 	snop  }
0x90: {  	(tm) =	ssettm $0x1  }
0x91: {  	s17 =	sld [smem:$0x3FFB];
	_ =	sdelay $0x3  }
0x92: {  	_ =	strace s17  }
0x93: {  	s2 =	sld [smem:$0x3FFC];
	_ =	sdelay $0x3  }
0x94: {  	_ =	strace s2  }
0x95: {  	s2 =	sld [smem:$0x3FFD];
	_ =	sdelay $0x3  }
0x96: {  	_ =	strace s2  }
0x97: {  	_ =	strace $0x8FFFFFFF  }
0x98: {  	s18 =	sld [smem:$0x3FDB];
	_ =	sdelay $0x1  }
0x99: {  	s19 =	simm.s32 $_scs_section_size  }
0x9a: {  	s4 =	simm.s32 $_size__tile_overlayer_lowered;
	s5 =	simm.s32 $_tile_overlayer_lowered  }
0x9b: {  	s22 =	simm.s32 $0x1BFF;
	s21 =	sshll.u32 s5, $0x1;
	s2 =	sadd.s32 s19, s18  }
0x9c: {  	s6 =	simm.s32 $0x0;
	s20 =	sshll.u32 s4, $0x1;
	s4 =	sadd.s32 s21, s2  }
0x9d: {  	[timem:s6], [sflag:s22] =	dma.local [hbm:s4], s20  }
0x9e: {  	_ =	swait.ge [sflag:s22], s20  }
0x9f: {  	s3 =	ssub.s32 $0x0, s20;
	[sflag:s22] =	ssyncset.done $0x0  }
0xa0: {  	[sflag:s22] =	ssyncadd.s32 s3;
	_ =	sdelay $0x1  }
0xa1: {  	s23 =	simm.s32 $0x1B8B  }
0xa2: {  	_ =	swait.ge [sflag:s23], $0x1  }
0xa3: {  	[sflag:s23] =	ssyncset.done $0x0  }
0xa4: {  	s25 =	simm.s32 $0x1B8E;
	s24 =	sld [smem:$0x3FFE];
	[sflag:s23] =	ssyncadd.s32 $0xFFFFFFFF  }
0xa5: {  	s26 =	simm.s32 $execute0_lowered;
	[smem:$0x3FD2] =	sst s25  }
0xa6: {  	s4 =	sshll.u32 s26, $0x1;
	_ =	strace $0x8000004C;
	[dreg:$0x1] =	wrdreg $0xFFFFFFFF  }
0xa7: {  	s28 =	simm.s32 $_size_execute0_lowered;
	s2 =	sadd.s32 s2, s4;
	[dreg:$0x0] =	wrdreg $0x0  }
0xa8: {  	s4 =	sshll.u32 s28, $0x1;
	[dreg:$0x2] =	wrdreg s2  }
0xa9: {  	[dreg:$0x3] =	wrdreg s4  }
0xaa: {  	[dreg:$0x4] =	wrdreg $0xC0  }
0xab: {  	_ =	task [dreg:s6], $0x5FFFF  }
0xac: {  	[dreg:$0x1] =	wrdreg $0xFFFFFFFF  }
0xad: {  	[dreg:$0x0] =	wrdreg $0x60  }
0xae: {  	[dreg:$0x2] =	wrdreg s24  }
0xaf: {  	[dreg:$0x3] =	wrdreg $0x0  }
0xb0: {  	[dreg:$0x4] =	wrdreg $0x9  }
0xb1: {  	_ =	task.clear_ibuf [dreg:s6], $0x5FFFF;
	_ =	strace $0x9000004C  }
0xb2: {  	s29 =	simm.s32 $0x9;
	_ =	strace $0x8000004E  }
0xb3: {  	_ =	swait.ge [sflag:s29], $0x1  }
0xb4: {  	[sflag:s29] =	ssyncadd.s32 $0xFFFFFFFF  }
0xb5: {  	_ =	strace $0x9000004E  }
0xb6: {  	_ =	sfence  }
0xb7: {  	s30 =	sld [smem:$0x0];
	_ =	sdelay $0x2  }
0xb8: {  	s31 =	sshll.u32 s1, $0xD;
	s1 =	sshrl.u32 s1, $0x2  }
0xb9: {  	s3 =	sand.u32 $0x4000, s31;
	s1 =	sadd.s32 s1, s30  }
0xba: {  	s0 =	sor.u32 s3, s0;
	s1 =	sshll.u32 s1, $0x11  }
0xbb: {  	s0 =	sor.u32 s1, s0  }
0xbc: {  	s0 =	sadd.s32 $0x8F2B, s0  }
0xbd: {  	[sflag:s0] =	ssyncadd.remote.s32 $0x1  }
0xbe: {  	_ =	sfence.sel $0xFFFF  }
0xbf: {  	[dreg:$0x0] =	wrdreg $0xFFFFFFFF;
	(pc) =	sbr.abs _section_cstart, $3  }
0xc0: {  	[dreg:$0x1] =	wrdreg $0xFFFFFFFF  }
0xc1: {  	_ =	task.clear_ibuf [dreg:s6], $0x2FFFF;
	_ =	strace $0x9FFFFFFF  }
0xc2: {  	(tm) =	ssettm $0x7FFFFFFF  }
0xc3: {  	_ =	shalt  }
tec
execute0_lowered:
.L_overlay_start_1:
0x0: {  	(tag) =	ssettag $0x1  }
0x1: {  	s0 =	srdreg.scid  }
0x2: {  	s9 =	stileid.u32;
	s1 =	rddreg [dreg:$0x0]  }
0x3: {  	s2 =	rddreg [dreg:$0x1];
	s3 =	simm.s32 $0x0;
	s10 =	simm.s32 $0x3  }
0x4: {  	s11 =	simm.s32 $0x18800;
	s12 =	simm.s32 $0x18C00;
	s13 =	simm.s32 $0x80  }
0x5: {  	s14 =	simm.s32 $0x19000;
	s23 =	simm.s32 $0x18880;
	s15 =	simm.s32 $0x19800  }
0x6: {  	s24 =	simm.s32 $0x18900;
	s16 =	simm.s32 $0x1A000;
	s25 =	simm.s32 $0x18980  }
0x7: {  	s17 =	simm.s32 $0x1A800;
	s26 =	simm.s32 $0x18A00;
	s18 =	simm.s32 $0x1B000  }
0x8: {  	s28 =	simm.s32 $0x18D00;
	s29 =	simm.s32 $0x18D80;
	s30 =	simm.s32 $0x18E00  }
0x9: {  	s31 =	simm.s32 $0x18E80;
	s0 =	sand.u32 $0x1, s0;
	[smem:$0x7FF] =	sst s3  }
0xa: {  	s5 =	smul.u32 $0x18800, s9;
	_ =	strace $0x8000004D;
	[dreg:$0x5] =	wrdreg s23  }
0xb: {  	s20 =	sshll.u32 s9, $0x6;
	s4 =	smul.u32 $0xC400, s0;
	[dreg:$0x6] =	wrdreg s24  }
0xc: {  	s9 =	simm.s32 $0x0;
	s6 =	smul.u32 $0x188000, s0;
	[dreg:$0x7] =	wrdreg s25  }
0xd: {  	s0 =	ssub.s32 $0x2, s0;
	[dreg:$0x8] =	wrdreg s26;
	s23 =	simm.s32 $0x18B80  }
0xe: {  	s24 =	simm.s32 $0x1C800;
	s25 =	simm.s32 $0x1;
	s26 =	simm.s32 $0x18C80  }
0xf: {  	s8 =	sshrl.u32 s5, $0x3;
	s19 =	sshrl.u32 s0, $0x1;
	s4 =	sadd.s32 s4, s5  }
0x10: {  	s6 =	sadd.s32 s5, s6;
	s8 =	sadd.s32 s8, s1;
	s0 =	ssub.s32 s0, s19  }
0x11: {  	s5 =	sadd.s32 s5, s2;
	s19 =	simm.s32 $0x18A80;
	s7 =	sshrl.u32 s4, $0x3  }
0x12: {  	s4 =	sadd.s32 $0x95400, s1;
	s6 =	sshrl.u32 s6, $0x3;
	s8 =	sadd.s32 $0x64400, s8  }
0x13: {  	s0 =	smax.u32 s0, $0x1;
	s7 =	sadd.s32 s7, s1;
	[dreg:$0x9] =	wrdreg s8  }
0x14: {  	s1 =	sadd.s32 s6, s1;
	s8 =	sor.u32 $0x1C03, s20;
	[dreg:$0xc] =	wrdreg s0  }
0x15: {  	s20 =	simm.s32 $0x1B800;
	s1 =	sadd.s32 $0xC6400, s1;
	[dreg:$0xa] =	wrdreg s8  }
0x16: {  	s0 =	simm.s32 $0x18F80;
	s21 =	sadd.s32 $0x33400, s7;
	[dreg:$0xb] =	wrdreg s1  }
0x17: {  	s22 =	sadd.s32 $0x2400, s7;
	s7 =	sshrl.u32 s5, $0x3;
	[dreg:$0x3] =	wrdreg s21  }
0x18: {  	s5 =	simm.s32 $0x2;
	[dreg:$0x4] =	wrdreg s22;
	s21 =	simm.s32 $0x18B00  }
0x19: {  	s22 =	simm.s32 $0x1C000;
	s1 =	simm.s32 $0x18F00;
	[dreg:$0xd] =	wrdreg s7  }
.LBB2_1:
0x1a: {  	[dreg:$0xe] =	wrdreg s9  }
0x1b: {  	s6 =	rddreg [dreg:$0x9]  }
0x1c: {  	[spmem:s7], [sflag:s8] =	dma.local [hbm:s6], $0x3100  }
0x1d: {  	_ =	swait.ge [sflag:s10], $0x3100  }
0x1e: {  	[sflag:s10] =	ssyncset.done $0x0  }
0x1f: {  	[sflag:s10] =	ssyncadd.s32 $0xFFFFCF00  }
0x20: {  	[bflag:$0x0] =	sbarrier.arrive $0xFFFF  }
0x21: {  	s9 =	rddreg [dreg:$0x4]  }
0x22: {  	s6 =	sadd.s32 $0x0, s9  }
0x23: {  	[tilespmem:s11], [sflag:$0x3] =	stream.linear.gather [hbm4b:s6+s3], $0x400, $0x38;
	[tilespmem:$0x1D000] =	vst v63  }
0x24: {  	_ =	swait.ge [sflag:s10], $0x400  }
0x25: {  	s7 =	rddreg [dreg:$0x3];
	[sflag:s10] =	ssyncset.done $0x0  }
0x26: {  	[sflag:s10] =	ssyncadd.s32 $0xFFFFFC00;
	s6 =	sadd.s32 $0x0, s7  }
0x27: {  	[tilespmem:s12], [sflag:$0x3] =	stream.linear.gather [hbm4b:s6+s3], $0x400, $0x38;
	[tilespmem:$0x1D000] =	vst v63  }
0x28: {  	_ =	swait.ge [sflag:s10], $0x400  }
0x29: {  	[sflag:s10] =	ssyncset.done $0x0  }
0x2a: {  	[sflag:s10] =	ssyncadd.s32 $0xFFFFFC00  }
0x2b: {  	[tilespmem:s14], [sflag:$0x1] =	stream.indirect.gather [hbm4b:s4+s13], $0x10, s11, s13, $0xb8;
	[tilespmem:$0x1D000] =	vst v63  }
0x2c: {  	s8 =	rddreg [dreg:$0x5]  }
0x2d: {  	[tilespmem:s15], [sflag:$0x1] =	stream.indirect.gather [hbm4b:s4+s13], $0x10, s8, s13, $0xb8;
	[tilespmem:$0x1D000] =	vst v63  }
0x2e: {  	s9 =	rddreg [dreg:$0x6]  }
0x2f: {  	[tilespmem:s16], [sflag:$0x1] =	stream.indirect.gather [hbm4b:s4+s13], $0x10, s9, s13, $0xb8;
	[tilespmem:$0x1D000] =	vst v63  }
0x30: {  	s7 =	rddreg [dreg:$0x7]  }
0x31: {  	[tilespmem:s17], [sflag:$0x1] =	stream.indirect.gather [hbm4b:s4+s13], $0x10, s7, s13, $0xb8;
	[tilespmem:$0x1D000] =	vst v63  }
0x32: {  	s9 =	rddreg [dreg:$0x8]  }
0x33: {  	[tilespmem:s18], [sflag:$0x1] =	stream.indirect.gather [hbm4b:s4+s13], $0x10, s9, s13, $0xb8;
	[tilespmem:$0x1D000] =	vst v63  }
0x34: {  	_ = 	snop  }
0x35: {  	[tilespmem:s20], [sflag:$0x1] =	stream.indirect.gather [hbm4b:s4+s13], $0x10, s19, s13, $0xb8;
	[tilespmem:$0x1D000] =	vst v63  }
0x36: {  	_ = 	snop  }
0x37: {  	[tilespmem:s22], [sflag:$0x1] =	stream.indirect.gather [hbm4b:s4+s13], $0x10, s21, s13, $0xb8;
	[tilespmem:$0x1D000] =	vst v63  }
0x38: {  	_ = 	snop  }
0x39: {  	[tilespmem:s24], [sflag:$0x1] =	stream.indirect.gather [hbm4b:s4+s13], $0x10, s23, s13, $0xb8;
	[tilespmem:$0x1D000] =	vst v63  }
0x3a: {  	_ =	swait.ge [sflag:s25], $0x800  }
0x3b: {  	[sflag:s25] =	ssyncset.done $0x0  }
0x3c: {  	[sflag:s25] =	ssyncadd.s32 $0xFFFFF800  }
0x3d: {  	_ =	swait.ge [sflag:s25], $0x800  }
0x3e: {  	[sflag:s25] =	ssyncset.done $0x0  }
0x3f: {  	[sflag:s25] =	ssyncadd.s32 $0xFFFFF800  }
0x40: {  	_ =	swait.ge [sflag:s25], $0x800  }
0x41: {  	[sflag:s25] =	ssyncset.done $0x0  }
0x42: {  	[sflag:s25] =	ssyncadd.s32 $0xFFFFF800  }
0x43: {  	_ =	swait.ge [sflag:s25], $0x800  }
0x44: {  	[sflag:s25] =	ssyncset.done $0x0  }
0x45: {  	[sflag:s25] =	ssyncadd.s32 $0xFFFFF800  }
0x46: {  	_ =	swait.ge [sflag:s25], $0x800  }
0x47: {  	[sflag:s25] =	ssyncset.done $0x0  }
0x48: {  	[sflag:s25] =	ssyncadd.s32 $0xFFFFF800  }
0x49: {  	_ =	swait.ge [sflag:s25], $0x800  }
0x4a: {  	[sflag:s25] =	ssyncset.done $0x0  }
0x4b: {  	[sflag:s25] =	ssyncadd.s32 $0xFFFFF800  }
0x4c: {  	_ =	swait.ge [sflag:s25], $0x800  }
0x4d: {  	[sflag:s25] =	ssyncset.done $0x0  }
0x4e: {  	[sflag:s25] =	ssyncadd.s32 $0xFFFFF800  }
0x4f: {  	_ =	swait.ge [sflag:s25], $0x800  }
0x50: {  	[sflag:s25] =	ssyncset.done $0x0  }
0x51: {  	[sflag:s25] =	ssyncadd.s32 $0xFFFFF800  }
0x52: {  	[spmem:s2] =	stream.indirect.scatter.add.f32 [tilespmem:s14], [sflag:$0x2], $0x10, s12, s13, $0xb8;
	[tilespmem:$0x1D000] =	vst v63  }
0x53: {  	_ = 	snop  }
0x54: {  	[spmem:s2] =	stream.indirect.scatter.add.f32 [tilespmem:s15], [sflag:$0x2], $0x10, s26, s13, $0xb8;
	[tilespmem:$0x1D000] =	vst v63  }
0x55: {  	_ = 	snop  }
0x56: {  	[spmem:s2] =	stream.indirect.scatter.add.f32 [tilespmem:s16], [sflag:$0x2], $0x10, s28, s13, $0xb8;
	[tilespmem:$0x1D000] =	vst v63  }
0x57: {  	_ = 	snop  }
0x58: {  	[spmem:s2] =	stream.indirect.scatter.add.f32 [tilespmem:s17], [sflag:$0x2], $0x10, s29, s13, $0xb8;
	[tilespmem:$0x1D000] =	vst v63  }
0x59: {  	_ = 	snop  }
0x5a: {  	[spmem:s2] =	stream.indirect.scatter.add.f32 [tilespmem:s18], [sflag:$0x2], $0x10, s30, s13, $0xb8;
	[tilespmem:$0x1D000] =	vst v63  }
0x5b: {  	_ = 	snop  }
0x5c: {  	[spmem:s2] =	stream.indirect.scatter.add.f32 [tilespmem:s20], [sflag:$0x2], $0x10, s31, s13, $0xb8;
	[tilespmem:$0x1D000] =	vst v63  }
0x5d: {  	_ = 	snop  }
0x5e: {  	[spmem:s2] =	stream.indirect.scatter.add.f32 [tilespmem:s22], [sflag:$0x2], $0x10, s1, s13, $0xb8;
	[tilespmem:$0x1D000] =	vst v63  }
0x5f: {  	_ = 	snop  }
0x60: {  	[spmem:s2] =	stream.indirect.scatter.add.f32 [tilespmem:s24], [sflag:$0x2], $0x10, s0, s13, $0xb8;
	[tilespmem:$0x1D000] =	vst v63  }
0x61: {  	_ =	swait.ge [sflag:s5], $0x800  }
0x62: {  	[sflag:s5] =	ssyncset.done $0x0  }
0x63: {  	[sflag:s5] =	ssyncadd.s32 $0xFFFFF800  }
0x64: {  	_ =	swait.ge [sflag:s5], $0x800  }
0x65: {  	[sflag:s5] =	ssyncset.done $0x0  }
0x66: {  	[sflag:s5] =	ssyncadd.s32 $0xFFFFF800  }
0x67: {  	_ =	swait.ge [sflag:s5], $0x800  }
0x68: {  	[sflag:s5] =	ssyncset.done $0x0  }
0x69: {  	[sflag:s5] =	ssyncadd.s32 $0xFFFFF800  }
0x6a: {  	_ =	swait.ge [sflag:s5], $0x800  }
0x6b: {  	[sflag:s5] =	ssyncset.done $0x0  }
0x6c: {  	[sflag:s5] =	ssyncadd.s32 $0xFFFFF800  }
0x6d: {  	_ =	swait.ge [sflag:s5], $0x800  }
0x6e: {  	[sflag:s5] =	ssyncset.done $0x0  }
0x6f: {  	[sflag:s5] =	ssyncadd.s32 $0xFFFFF800  }
0x70: {  	_ =	swait.ge [sflag:s5], $0x800  }
0x71: {  	[sflag:s5] =	ssyncset.done $0x0  }
0x72: {  	[sflag:s5] =	ssyncadd.s32 $0xFFFFF800  }
0x73: {  	_ =	swait.ge [sflag:s5], $0x800  }
0x74: {  	[sflag:s5] =	ssyncset.done $0x0  }
0x75: {  	[sflag:s5] =	ssyncadd.s32 $0xFFFFF800  }
0x76: {  	s6 =	simm.s32 $0x100;
	_ =	swait.ge [sflag:s5], $0x800  }
0x77: {  	s8 =	simm.s32 $0x80;
	s9 =	rddreg [dreg:$0x4];
	[sflag:s5] =	ssyncset.done $0x0  }
.LBB2_2:
0x78: {  	[sflag:s5] =	ssyncadd.s32 $0xFFFFF800;
	s9 =	sadd.s32 s8, s9  }
0x79: {  	[tilespmem:s11], [sflag:$0x3] =	stream.linear.gather [hbm4b:s9+s3], $0x400, $0x38;
	[tilespmem:$0x1D000] =	vst v63  }
0x7a: {  	_ =	swait.ge [sflag:s10], $0x400  }
0x7b: {  	s9 =	rddreg [dreg:$0x3];
	[sflag:s10] =	ssyncset.done $0x0  }
0x7c: {  	[sflag:s10] =	ssyncadd.s32 $0xFFFFFC00;
	s9 =	sadd.s32 s8, s9  }
0x7d: {  	[tilespmem:s12], [sflag:$0x3] =	stream.linear.gather [hbm4b:s9+s3], $0x400, $0x38;
	[tilespmem:$0x1D000] =	vst v63  }
0x7e: {  	_ =	swait.ge [sflag:s10], $0x400  }
0x7f: {  	[sflag:s10] =	ssyncset.done $0x0  }
0x80: {  	s7 =	smov.u32 s6;
	[sflag:s10] =	ssyncadd.s32 $0xFFFFFC00  }
0x81: {  	[tilespmem:s14], [sflag:$0x1] =	stream.indirect.gather [hbm4b:s4+s13], $0x10, s11, s13, $0xb8;
	[tilespmem:$0x1D000] =	vst v63  }
0x82: {  	s8 =	smov.u32 s7;
	s7 =	rddreg [dreg:$0x5]  }
0x83: {  	[tilespmem:s15], [sflag:$0x1] =	stream.indirect.gather [hbm4b:s4+s13], $0x10, s7, s13, $0xb8;
	[tilespmem:$0x1D000] =	vst v63  }
0x84: {  	s9 =	rddreg [dreg:$0x6]  }
0x85: {  	[tilespmem:s16], [sflag:$0x1] =	stream.indirect.gather [hbm4b:s4+s13], $0x10, s9, s13, $0xb8;
	[tilespmem:$0x1D000] =	vst v63  }
0x86: {  	s7 =	rddreg [dreg:$0x7]  }
0x87: {  	[tilespmem:s17], [sflag:$0x1] =	stream.indirect.gather [hbm4b:s4+s13], $0x10, s7, s13, $0xb8;
	[tilespmem:$0x1D000] =	vst v63  }
0x88: {  	s9 =	rddreg [dreg:$0x8]  }
0x89: {  	[tilespmem:s18], [sflag:$0x1] =	stream.indirect.gather [hbm4b:s4+s13], $0x10, s9, s13, $0xb8;
	[tilespmem:$0x1D000] =	vst v63  }
0x8a: {  	_ = 	snop  }
0x8b: {  	[tilespmem:s20], [sflag:$0x1] =	stream.indirect.gather [hbm4b:s4+s13], $0x10, s19, s13, $0xb8;
	[tilespmem:$0x1D000] =	vst v63  }
0x8c: {  	_ = 	snop  }
0x8d: {  	[tilespmem:s22], [sflag:$0x1] =	stream.indirect.gather [hbm4b:s4+s13], $0x10, s21, s13, $0xb8;
	[tilespmem:$0x1D000] =	vst v63  }
0x8e: {  	_ = 	snop  }
0x8f: {  	[tilespmem:s24], [sflag:$0x1] =	stream.indirect.gather [hbm4b:s4+s13], $0x10, s23, s13, $0xb8;
	[tilespmem:$0x1D000] =	vst v63  }
0x90: {  	_ =	swait.ge [sflag:s25], $0x800  }
0x91: {  	[sflag:s25] =	ssyncset.done $0x0  }
0x92: {  	[sflag:s25] =	ssyncadd.s32 $0xFFFFF800  }
0x93: {  	_ =	swait.ge [sflag:s25], $0x800  }
0x94: {  	[sflag:s25] =	ssyncset.done $0x0  }
0x95: {  	[sflag:s25] =	ssyncadd.s32 $0xFFFFF800  }
0x96: {  	_ =	swait.ge [sflag:s25], $0x800  }
0x97: {  	[sflag:s25] =	ssyncset.done $0x0  }
0x98: {  	[sflag:s25] =	ssyncadd.s32 $0xFFFFF800  }
0x99: {  	_ =	swait.ge [sflag:s25], $0x800  }
0x9a: {  	[sflag:s25] =	ssyncset.done $0x0  }
0x9b: {  	[sflag:s25] =	ssyncadd.s32 $0xFFFFF800  }
0x9c: {  	_ =	swait.ge [sflag:s25], $0x800  }
0x9d: {  	[sflag:s25] =	ssyncset.done $0x0  }
0x9e: {  	[sflag:s25] =	ssyncadd.s32 $0xFFFFF800  }
0x9f: {  	_ =	swait.ge [sflag:s25], $0x800  }
0xa0: {  	[sflag:s25] =	ssyncset.done $0x0  }
0xa1: {  	[sflag:s25] =	ssyncadd.s32 $0xFFFFF800  }
0xa2: {  	_ =	swait.ge [sflag:s25], $0x800  }
0xa3: {  	[sflag:s25] =	ssyncset.done $0x0  }
0xa4: {  	[sflag:s25] =	ssyncadd.s32 $0xFFFFF800  }
0xa5: {  	_ =	swait.ge [sflag:s25], $0x800  }
0xa6: {  	[sflag:s25] =	ssyncset.done $0x0  }
0xa7: {  	[sflag:s25] =	ssyncadd.s32 $0xFFFFF800  }
0xa8: {  	[spmem:s2] =	stream.indirect.scatter.add.f32 [tilespmem:s14], [sflag:$0x2], $0x10, s12, s13, $0xb8;
	[tilespmem:$0x1D000] =	vst v63  }
0xa9: {  	_ = 	snop  }
0xaa: {  	[spmem:s2] =	stream.indirect.scatter.add.f32 [tilespmem:s15], [sflag:$0x2], $0x10, s26, s13, $0xb8;
	[tilespmem:$0x1D000] =	vst v63  }
0xab: {  	_ = 	snop  }
0xac: {  	[spmem:s2] =	stream.indirect.scatter.add.f32 [tilespmem:s16], [sflag:$0x2], $0x10, s28, s13, $0xb8;
	[tilespmem:$0x1D000] =	vst v63  }
0xad: {  	_ = 	snop  }
0xae: {  	[spmem:s2] =	stream.indirect.scatter.add.f32 [tilespmem:s17], [sflag:$0x2], $0x10, s29, s13, $0xb8;
	[tilespmem:$0x1D000] =	vst v63  }
0xaf: {  	_ = 	snop  }
0xb0: {  	[spmem:s2] =	stream.indirect.scatter.add.f32 [tilespmem:s18], [sflag:$0x2], $0x10, s30, s13, $0xb8;
	[tilespmem:$0x1D000] =	vst v63  }
0xb1: {  	_ = 	snop  }
0xb2: {  	[spmem:s2] =	stream.indirect.scatter.add.f32 [tilespmem:s20], [sflag:$0x2], $0x10, s31, s13, $0xb8;
	[tilespmem:$0x1D000] =	vst v63  }
0xb3: {  	_ = 	snop  }
0xb4: {  	[spmem:s2] =	stream.indirect.scatter.add.f32 [tilespmem:s22], [sflag:$0x2], $0x10, s1, s13, $0xb8;
	[tilespmem:$0x1D000] =	vst v63  }
0xb5: {  	_ = 	snop  }
0xb6: {  	[spmem:s2] =	stream.indirect.scatter.add.f32 [tilespmem:s24], [sflag:$0x2], $0x10, s0, s13, $0xb8;
	[tilespmem:$0x1D000] =	vst v63  }
0xb7: {  	_ =	swait.ge [sflag:s5], $0x800  }
0xb8: {  	[sflag:s5] =	ssyncset.done $0x0  }
0xb9: {  	[sflag:s5] =	ssyncadd.s32 $0xFFFFF800  }
0xba: {  	_ =	swait.ge [sflag:s5], $0x800  }
0xbb: {  	[sflag:s5] =	ssyncset.done $0x0  }
0xbc: {  	[sflag:s5] =	ssyncadd.s32 $0xFFFFF800  }
0xbd: {  	_ =	swait.ge [sflag:s5], $0x800  }
0xbe: {  	[sflag:s5] =	ssyncset.done $0x0  }
0xbf: {  	[sflag:s5] =	ssyncadd.s32 $0xFFFFF800  }
0xc0: {  	_ =	swait.ge [sflag:s5], $0x800  }
0xc1: {  	[sflag:s5] =	ssyncset.done $0x0  }
0xc2: {  	[sflag:s5] =	ssyncadd.s32 $0xFFFFF800  }
0xc3: {  	_ =	swait.ge [sflag:s5], $0x800  }
0xc4: {  	[sflag:s5] =	ssyncset.done $0x0  }
0xc5: {  	[sflag:s5] =	ssyncadd.s32 $0xFFFFF800  }
0xc6: {  	_ =	swait.ge [sflag:s5], $0x800  }
0xc7: {  	[sflag:s5] =	ssyncset.done $0x0  }
0xc8: {  	p0 =	sne.s32 s6, $0x1800;
	[sflag:s5] =	ssyncadd.s32 $0xFFFFF800  }
.Ltmp0:
0xc9: {  	_ =	swait.ge [sflag:s5], $0x800;
	(pc) =	sbr.rel @p0 .LBB2_2-.Ltmp0, $4  }
0xca: {  	[sflag:s5] =	ssyncset.done $0x0  }
0xcb: {  	[sflag:s5] =	ssyncadd.s32 $0xFFFFF800  }
0xcc: {  	_ =	swait.ge [sflag:s5], $0x800  }
0xcd: {  	s6 =	sadd.s32 $0x80, s6;
	s9 =	rddreg [dreg:$0x4];
	[sflag:s5] =	ssyncset.done $0x0  }
0xce: {  	[sflag:s5] =	ssyncadd.s32 $0xFFFFF800;
	s6 =	sadd.s32 s8, s9  }
0xcf: {  	[tilespmem:s11], [sflag:$0x3] =	stream.linear.gather [hbm4b:s6+s3], $0x400, $0x38;
	[tilespmem:$0x1D000] =	vst v63  }
0xd0: {  	_ =	swait.ge [sflag:s10], $0x400  }
0xd1: {  	s7 =	rddreg [dreg:$0x3];
	[sflag:s10] =	ssyncset.done $0x0  }
0xd2: {  	[sflag:s10] =	ssyncadd.s32 $0xFFFFFC00;
	s6 =	sadd.s32 s8, s7  }
0xd3: {  	[tilespmem:s12], [sflag:$0x3] =	stream.linear.gather [hbm4b:s6+s3], $0x400, $0x38;
	[tilespmem:$0x1D000] =	vst v63  }
0xd4: {  	_ =	swait.ge [sflag:s10], $0x400  }
0xd5: {  	[sflag:s10] =	ssyncset.done $0x0  }
0xd6: {  	[sflag:s10] =	ssyncadd.s32 $0xFFFFFC00  }
0xd7: {  	[tilespmem:s14], [sflag:$0x1] =	stream.indirect.gather [hbm4b:s4+s13], $0x10, s11, s13, $0xb8;
	[tilespmem:$0x1D000] =	vst v63  }
0xd8: {  	s8 =	rddreg [dreg:$0x5]  }
0xd9: {  	[tilespmem:s15], [sflag:$0x1] =	stream.indirect.gather [hbm4b:s4+s13], $0x10, s8, s13, $0xb8;
	[tilespmem:$0x1D000] =	vst v63  }
0xda: {  	s7 =	rddreg [dreg:$0x6]  }
0xdb: {  	[tilespmem:s16], [sflag:$0x1] =	stream.indirect.gather [hbm4b:s4+s13], $0x10, s7, s13, $0xb8;
	[tilespmem:$0x1D000] =	vst v63  }
0xdc: {  	s9 =	rddreg [dreg:$0x7]  }
0xdd: {  	[tilespmem:s17], [sflag:$0x1] =	stream.indirect.gather [hbm4b:s4+s13], $0x10, s9, s13, $0xb8;
	[tilespmem:$0x1D000] =	vst v63  }
0xde: {  	s8 =	rddreg [dreg:$0x8]  }
0xdf: {  	[tilespmem:s18], [sflag:$0x1] =	stream.indirect.gather [hbm4b:s4+s13], $0x10, s8, s13, $0xb8;
	[tilespmem:$0x1D000] =	vst v63  }
0xe0: {  	_ = 	snop  }
0xe1: {  	[tilespmem:s20], [sflag:$0x1] =	stream.indirect.gather [hbm4b:s4+s13], $0x10, s19, s13, $0xb8;
	[tilespmem:$0x1D000] =	vst v63  }
0xe2: {  	_ = 	snop  }
0xe3: {  	[tilespmem:s22], [sflag:$0x1] =	stream.indirect.gather [hbm4b:s4+s13], $0x10, s21, s13, $0xb8;
	[tilespmem:$0x1D000] =	vst v63  }
0xe4: {  	_ = 	snop  }
0xe5: {  	[tilespmem:s24], [sflag:$0x1] =	stream.indirect.gather [hbm4b:s4+s13], $0x10, s23, s13, $0xb8;
	[tilespmem:$0x1D000] =	vst v63  }
0xe6: {  	_ =	swait.ge [sflag:s25], $0x800  }
0xe7: {  	[sflag:s25] =	ssyncset.done $0x0  }
0xe8: {  	[sflag:s25] =	ssyncadd.s32 $0xFFFFF800  }
0xe9: {  	_ =	swait.ge [sflag:s25], $0x800  }
0xea: {  	[sflag:s25] =	ssyncset.done $0x0  }
0xeb: {  	[sflag:s25] =	ssyncadd.s32 $0xFFFFF800  }
0xec: {  	_ =	swait.ge [sflag:s25], $0x800  }
0xed: {  	[sflag:s25] =	ssyncset.done $0x0  }
0xee: {  	[sflag:s25] =	ssyncadd.s32 $0xFFFFF800  }
0xef: {  	_ =	swait.ge [sflag:s25], $0x800  }
0xf0: {  	[sflag:s25] =	ssyncset.done $0x0  }
0xf1: {  	[sflag:s25] =	ssyncadd.s32 $0xFFFFF800  }
0xf2: {  	_ =	swait.ge [sflag:s25], $0x800  }
0xf3: {  	[sflag:s25] =	ssyncset.done $0x0  }
0xf4: {  	[sflag:s25] =	ssyncadd.s32 $0xFFFFF800  }
0xf5: {  	_ =	swait.ge [sflag:s25], $0x800  }
0xf6: {  	[sflag:s25] =	ssyncset.done $0x0  }
0xf7: {  	[sflag:s25] =	ssyncadd.s32 $0xFFFFF800  }
0xf8: {  	_ =	swait.ge [sflag:s25], $0x800  }
0xf9: {  	[sflag:s25] =	ssyncset.done $0x0  }
0xfa: {  	[sflag:s25] =	ssyncadd.s32 $0xFFFFF800  }
0xfb: {  	_ =	swait.ge [sflag:s25], $0x800  }
0xfc: {  	[sflag:s25] =	ssyncset.done $0x0  }
0xfd: {  	[sflag:s25] =	ssyncadd.s32 $0xFFFFF800  }
0xfe: {  	[spmem:s2] =	stream.indirect.scatter.add.f32 [tilespmem:s14], [sflag:$0x2], $0x10, s12, s13, $0xb8;
	[tilespmem:$0x1D000] =	vst v63  }
0xff: {  	_ = 	snop  }
0x100: {  	[spmem:s2] =	stream.indirect.scatter.add.f32 [tilespmem:s15], [sflag:$0x2], $0x10, s26, s13, $0xb8;
	[tilespmem:$0x1D000] =	vst v63  }
0x101: {  	_ = 	snop  }
0x102: {  	[spmem:s2] =	stream.indirect.scatter.add.f32 [tilespmem:s16], [sflag:$0x2], $0x10, s28, s13, $0xb8;
	[tilespmem:$0x1D000] =	vst v63  }
0x103: {  	_ = 	snop  }
0x104: {  	[spmem:s2] =	stream.indirect.scatter.add.f32 [tilespmem:s17], [sflag:$0x2], $0x10, s29, s13, $0xb8;
	[tilespmem:$0x1D000] =	vst v63  }
0x105: {  	_ = 	snop  }
0x106: {  	[spmem:s2] =	stream.indirect.scatter.add.f32 [tilespmem:s18], [sflag:$0x2], $0x10, s30, s13, $0xb8;
	[tilespmem:$0x1D000] =	vst v63  }
0x107: {  	_ = 	snop  }
0x108: {  	[spmem:s2] =	stream.indirect.scatter.add.f32 [tilespmem:s20], [sflag:$0x2], $0x10, s31, s13, $0xb8;
	[tilespmem:$0x1D000] =	vst v63  }
0x109: {  	_ = 	snop  }
0x10a: {  	[spmem:s2] =	stream.indirect.scatter.add.f32 [tilespmem:s22], [sflag:$0x2], $0x10, s1, s13, $0xb8;
	[tilespmem:$0x1D000] =	vst v63  }
0x10b: {  	_ = 	snop  }
0x10c: {  	[spmem:s2] =	stream.indirect.scatter.add.f32 [tilespmem:s24], [sflag:$0x2], $0x10, s0, s13, $0xb8;
	[tilespmem:$0x1D000] =	vst v63  }
0x10d: {  	_ =	swait.ge [sflag:s5], $0x800  }
0x10e: {  	[sflag:s5] =	ssyncset.done $0x0  }
0x10f: {  	[sflag:s5] =	ssyncadd.s32 $0xFFFFF800  }
0x110: {  	_ =	swait.ge [sflag:s5], $0x800  }
0x111: {  	[sflag:s5] =	ssyncset.done $0x0  }
0x112: {  	[sflag:s5] =	ssyncadd.s32 $0xFFFFF800  }
0x113: {  	_ =	swait.ge [sflag:s5], $0x800  }
0x114: {  	[sflag:s5] =	ssyncset.done $0x0  }
0x115: {  	[sflag:s5] =	ssyncadd.s32 $0xFFFFF800  }
0x116: {  	_ =	swait.ge [sflag:s5], $0x800  }
0x117: {  	[sflag:s5] =	ssyncset.done $0x0  }
0x118: {  	[sflag:s5] =	ssyncadd.s32 $0xFFFFF800  }
0x119: {  	_ =	swait.ge [sflag:s5], $0x800  }
0x11a: {  	[sflag:s5] =	ssyncset.done $0x0  }
0x11b: {  	[sflag:s5] =	ssyncadd.s32 $0xFFFFF800  }
0x11c: {  	_ =	swait.ge [sflag:s5], $0x800  }
0x11d: {  	[sflag:s5] =	ssyncset.done $0x0  }
0x11e: {  	[sflag:s5] =	ssyncadd.s32 $0xFFFFF800  }
0x11f: {  	_ =	swait.ge [sflag:s5], $0x800  }
0x120: {  	[sflag:s5] =	ssyncset.done $0x0  }
0x121: {  	[sflag:s5] =	ssyncadd.s32 $0xFFFFF800  }
0x122: {  	_ =	swait.ge [sflag:s5], $0x800  }
0x123: {  	[sflag:s5] =	ssyncset.done $0x0  }
0x124: {  	[sflag:s5] =	ssyncadd.s32 $0xFFFFF800  }
0x125: {  	[bflag:$0x0] =	sbarrier.arrive $0xFFFF  }
0x126: {  	s8 =	rddreg [dreg:$0xa]  }
0x127: {  	s9 =	rddreg [dreg:$0xb]  }
0x128: {  	s7 =	rddreg [dreg:$0xd]  }
0x129: {  	[hbm:s9], [sflag:s8] =	dma.local [spmem:s7], $0x3100  }
0x12a: {  	_ =	swait.ge [sflag:s10], $0x3100  }
0x12b: {  	s6 =	rddreg [dreg:$0xe]  }
0x12c: {  	s9 =	sadd.s32 $0x1, s6;
	s6 =	rddreg [dreg:$0xc]  }
0x12d: {  	p0 =	sne.s32 s9, s6  }
.Ltmp1:
0x12e: {  	_ = 	snop;
	(pc) =	sbr.rel @p0 .LBB2_1-.Ltmp1, $3  }
0x12f: {  	_ =	sdelay $0x1  }
0x130: {  	[sflag:s10] =	ssyncset.done $0x0  }
0x131: {  	[sflag:s10] =	ssyncadd.s32 $0xFFFFCF00  }
0x132: {  	_ =	sfence.sel $0x180000  }
0x133: {  	[bflag:$0x0] =	sbarrier.arrive $0xFFFF  }
0x134: {  	_ =	strace $0x9000004D  }
0x135: {  	s0 =	stileid.u32;
	[bflag:$0x2] =	sbarrier.arrive $0xFFFF  }
0x136: {  	p0 =	sne.s32 s0, $0x0;
	s0 =	rddreg [dreg:$0x2]  }
0x137: {  	s0 =	sadd.s32 @!p0 $0x100000, s0  }
0x138: {  	[sflag:s0] =	ssyncadd.tile.s32 @!p0 $0x1;
	_ =	shalt  }
.Lfunc_end2:
_tile_overlayer_lowered:
.L_overlay_start_2:
0x139: {  	(tag) =	ssettag $0x2  }
0x13a: {  	s0 =	rddreg [dreg:$0x0];
	s2 =	stileid.u32  }
0x13b: {  	s1 =	rddreg [dreg:$0x1];
	p0 =	sne.s32 s2, $0x0  }
0x13c: {  	s3 =	rddreg [dreg:$0x2];
	[bflag:$0x3] =	sbarrier.arrive $0xFFFF;
	s2 =	simm.s32 @!p0 $0x1C03  }
0x13d: {  	[timem:s3], [sflag:s2] =	dma.local @!p0 [hbm:s0], s1  }
0x13e: {  	s0 =	simm.s32 @!p0 $0x3  }
0x13f: {  	_ =	swait.ge @!p0 [sflag:s0], s1  }
0x140: {  	s1 =	ssub.s32 @!p0 $0x0, s1;
	[sflag:s0] =	ssyncset.done @!p0 $0x0  }
0x141: {  	[sflag:s0] =	ssyncadd.s32 @!p0 s1  }
0x142: {  	[bflag:$0x3] =	sbarrier.arrive $0xFFFF  }
0x143: {  	_ =	shalt  }

// kernel: kernel.23.cloned.1.call-start
scs
__scs_entry_jumppad:
0x0: {  	(pc) =	sbr.rel $0x88, $3  }
0x1: {  	(tag) =	ssettag $0x0;
	lr =	simm.s32 $0x1  }
0x2: {  	[smem:$0x3F93] =	sst lr;
	_ =	strace $0xD0000000  }
0x3: {  	_ = 	snop  }
0x4: {  	_ = 	snop  }
0x5: {  	_ = 	snop  }
0x6: {  	_ = 	snop  }
0x7: {  	_ = 	snop  }
__scs_overlays_trampoline_lowered:
0x8: {  	[smem:$0x3FA2] =	sst s0  }
0x9: {  	[smem:$0x3FA3] =	sst s1  }
0xa: {  	[smem:$0x3FA4] =	sst s2  }
0xb: {  	[smem:$0x3FA5] =	sst s3  }
0xc: {  	[smem:$0x3FA6] =	sst s4  }
0xd: {  	[smem:$0x3FA7] =	sst s5  }
0xe: {  	[smem:$0x3FA8] =	sst s6  }
0xf: {  	[smem:$0x3FA9] =	sst s7  }
0x10: {  	[smem:$0x3FAA] =	sst s8  }
0x11: {  	[smem:$0x3FAB] =	sst s9;
	s0 =	simm.s32 @!p0 $0x0  }
0x12: {  	s1 =	sld [smem:$0x3F91];
	s0 =	simm.s32 @p0 $0x1  }
0x13: {  	[smem:$0x3FAC] =	sst s0;
	s0 =	simm.s32 @!p1 $0x0  }
0x14: {  	s2 =	sld [smem:$0x3F90];
	s0 =	simm.s32 @p1 $0x1  }
0x15: {  	[smem:$0x3FAD] =	sst s0;
	s0 =	simm.s32 @!p2 $0x0  }
0x16: {  	s3 =	sld [smem:$0x3FDB];
	s0 =	simm.s32 @p2 $0x1  }
0x17: {  	s4 =	simm.s32 $0x1BF5;
	[smem:$0x3FAF] =	sst s0  }
0x18: {  	s0 =	sld [smem:$0x3F92];
	_ =	swait.ge [sflag:s4], $0x0  }
0x19: {  	s7 =	sld [smem:$0x3F93]  }
0x1a: {  	s8 =	sadd.s32 $0xFFFFE003, lr  }
0x1b: {  	s9 =	sadd.s32 $0xFFFFFEF7, lr;
	s5 =	simm.s32 $0xFFFFFFFF;
	p2 =	slt.u32 s8, $0xFFFFF086  }
0x1c: {  	p1 =	slt.u32 s9, $0xF7A;
	s5 =	simm.s32 @!p2 $0x0  }
0x1d: {  	s5 =	simm.s32 @p1 $0x1;
	p0 =	seq.s32 s7, s2  }
0x1e: {  	s7 =	smul.u32 @!p0 $0xF7A, s2;
	p2 =	seq.s32 @!p0 s5, $0x0  }
0x1f: {  	s9 =	smul.u32 $0xF7A, s1;
	s8 =	simm.s32 @!p0 $0x1BF5;
	p2 =	por !p2, p0  }
0x20: {  	[sflag:s8] =	ssyncset.s32 @!p0 $0xFFFFF086;
	s6 =	sadd.s32 @!p0 s3, s7;
	s7 =	simm.s32 @!p0 $0x108  }
0x21: {  	s3 =	sadd.s32 s3, s9;
	s6 =	sadd.s32 @!p0 $0x88, s6;
	s7 =	simm.s32 @p2 $0x1082  }
0x22: {  	[simem:s7], [sflag:s8] =	dma.local @!p0 [hbm:s6], $0xF7A  }
0x23: {  	s9 =	sor.u32 $0xD0000000, s2;
	s6 =	simm.s32 $0x108;
	_ =	swait.ge @!p0 [sflag:s8], $0x0  }
0x24: {  	s3 =	sadd.s32 $0x88, s3;
	s6 =	simm.s32 @!p1 $0x1082;
	[sflag:s4] =	ssyncset.s32 $0xFFFFF086  }
0x25: {  	[simem:s6], [sflag:s4] =	dma.local [hbm:s3], $0xF7A  }
0x26: {  	[smem:$0x3F93] =	sst s1;
	(tag) =	ssettag s2;
	_ =	strace s9  }
0x27: {  	s1 =	sld [smem:$0x3FA3]  }
0x28: {  	s2 =	sld [smem:$0x3FA4]  }
0x29: {  	s4 =	sld [smem:$0x3FA6]  }
0x2a: {  	p0 =	seq.s32 s5, $0x0;
	s5 =	sld [smem:$0x3FA7]  }
0x2b: {  	s6 =	sld [smem:$0x3FA8]  }
0x2c: {  	s7 =	sld [smem:$0x3FA9]  }
0x2d: {  	s3 =	simm.s32 $0x108;
	s8 =	sld [smem:$0x3FAA]  }
0x2e: {  	s3 =	simm.s32 @!p0 $0x1082;
	s9 =	sld [smem:$0x3FAB]  }
0x2f: {  	lr =	sadd.s32 s0, s3;
	s0 =	sld [smem:$0x3FA2]  }
0x30: {  	s3 =	sld [smem:$0x3FA5]  }
0x31: {  	[smem:$0x3FAE] =	sst s10  }
0x32: {  	s10 =	sld [smem:$0x3FAC];
	_ =	sdelay $0x3  }
0x33: {  	p0 =	seq.s32 s10, $0x1;
	s10 =	sld [smem:$0x3FAE];
	_ =	sdelay $0x3  }
0x34: {  	[smem:$0x3FAE] =	sst s10  }
0x35: {  	s10 =	sld [smem:$0x3FAD];
	_ =	sdelay $0x3  }
0x36: {  	p1 =	seq.s32 s10, $0x1;
	s10 =	sld [smem:$0x3FAE];
	_ =	sdelay $0x3  }
0x37: {  	[smem:$0x3FAE] =	sst s10  }
0x38: {  	s10 =	sld [smem:$0x3FAF]  }
0x39: {  	_ = 	snop;
	(pc) =	sbr.ind lr, $3  }
0x3a: {  	_ = 	snop  }
0x3b: {  	_ = 	snop  }
0x3c: {  	p2 =	seq.s32 s10, $0x1;
	s10 =	sld [smem:$0x3FAE]  }
0x3d: {  	_ =	shalt  }
0x3e: {  	_ =	shalt  }
0x3f: {  	_ =	shalt  }
0x40: {  	_ =	shalt  }
0x41: {  	_ =	shalt  }
0x42: {  	_ =	shalt  }
0x43: {  	_ =	shalt  }
0x44: {  	_ =	shalt  }
0x45: {  	_ =	shalt  }
0x46: {  	_ =	shalt  }
0x47: {  	_ =	shalt  }
0x48: {  	_ =	shalt  }
0x49: {  	_ =	shalt  }
0x4a: {  	_ =	shalt  }
0x4b: {  	_ =	shalt  }
0x4c: {  	_ =	shalt  }
0x4d: {  	_ =	shalt  }
0x4e: {  	_ =	shalt  }
0x4f: {  	_ =	shalt  }
0x50: {  	_ =	shalt  }
0x51: {  	_ =	shalt  }
0x52: {  	_ =	shalt  }
0x53: {  	_ =	shalt  }
0x54: {  	_ =	shalt  }
0x55: {  	_ =	shalt  }
0x56: {  	_ =	shalt  }
0x57: {  	_ =	shalt  }
0x58: {  	_ =	shalt  }
0x59: {  	_ =	shalt  }
0x5a: {  	_ =	shalt  }
0x5b: {  	_ =	shalt  }
0x5c: {  	_ =	shalt  }
0x5d: {  	_ =	shalt  }
0x5e: {  	_ =	shalt  }
0x5f: {  	_ =	shalt  }
0x60: {  	_ =	shalt  }
0x61: {  	_ =	shalt  }
0x62: {  	_ =	shalt  }
0x63: {  	_ =	shalt  }
0x64: {  	_ =	shalt  }
0x65: {  	_ =	shalt  }
0x66: {  	_ =	shalt  }
0x67: {  	_ =	shalt  }
0x68: {  	_ =	shalt  }
0x69: {  	_ =	shalt  }
0x6a: {  	_ =	shalt  }
0x6b: {  	_ =	shalt  }
0x6c: {  	_ =	shalt  }
0x6d: {  	_ =	shalt  }
0x6e: {  	_ =	shalt  }
0x6f: {  	_ =	shalt  }
0x70: {  	_ =	shalt  }
0x71: {  	_ =	shalt  }
0x72: {  	_ =	shalt  }
0x73: {  	_ =	shalt  }
0x74: {  	_ =	shalt  }
0x75: {  	_ =	shalt  }
0x76: {  	_ =	shalt  }
0x77: {  	_ =	shalt  }
0x78: {  	_ =	shalt  }
0x79: {  	_ =	shalt  }
0x7a: {  	_ =	shalt  }
0x7b: {  	_ =	shalt  }
0x7c: {  	_ =	shalt  }
0x7d: {  	_ =	shalt  }
0x7e: {  	_ =	shalt  }
0x7f: {  	_ =	shalt  }
0x80: {  	_ =	shalt  }
0x81: {  	_ =	shalt  }
0x82: {  	_ =	shalt  }
0x83: {  	_ =	shalt  }
0x84: {  	_ =	shalt  }
0x85: {  	_ =	shalt  }
0x86: {  	_ =	shalt  }
0x87: {  	_ =	shalt  }
.Lfunc_end0:
.L_simem_size_0:
called_computation.3_lowered:
.L_overlay_start_0:
0x88: {  	s2 =	sld [smem:$0x3FD9]  }
0x89: {  	s3 =	sld [smem:$0x3FFE];
	_ =	sdelay $0x1  }
0x8a: {  	s1 =	srdreg.scid  }
0x8b: {  	s0 =	sand.u32 $0x1, s1  }
0x8c: {  	s16 =	sshll.u32 s0, $0xA;
	s2 =	sadd.s32 s3, s2  }
0x8d: {  	s2 =	sadd.s32 s2, s16  }
0x8e: {  	[smem:$0x3FBA] =	sst s2  }
0x8f: {  	_ = 	snop  }
0x90: {  	(tm) =	ssettm $0x1  }
0x91: {  	s17 =	sld [smem:$0x3FFB];
	_ =	sdelay $0x3  }
0x92: {  	_ =	strace s17  }
0x93: {  	s2 =	sld [smem:$0x3FFC];
	_ =	sdelay $0x3  }
0x94: {  	_ =	strace s2  }
0x95: {  	s2 =	sld [smem:$0x3FFD];
	_ =	sdelay $0x3  }
0x96: {  	_ =	strace s2  }
0x97: {  	_ =	strace $0x8FFFFFFF  }
0x98: {  	s18 =	sld [smem:$0x3FDB];
	_ =	sdelay $0x1  }
0x99: {  	s19 =	simm.s32 $_scs_section_size  }
0x9a: {  	s4 =	simm.s32 $_size__tile_overlayer_lowered;
	s5 =	simm.s32 $_tile_overlayer_lowered  }
0x9b: {  	s22 =	simm.s32 $0x1BFF;
	s21 =	sshll.u32 s5, $0x1;
	s2 =	sadd.s32 s19, s18  }
0x9c: {  	s6 =	simm.s32 $0x0;
	s20 =	sshll.u32 s4, $0x1;
	s4 =	sadd.s32 s21, s2  }
0x9d: {  	[timem:s6], [sflag:s22] =	dma.local [hbm:s4], s20  }
0x9e: {  	_ =	swait.ge [sflag:s22], s20  }
0x9f: {  	s3 =	ssub.s32 $0x0, s20;
	[sflag:s22] =	ssyncset.done $0x0  }
0xa0: {  	[sflag:s22] =	ssyncadd.s32 s3;
	_ =	sdelay $0x1  }
0xa1: {  	s23 =	simm.s32 $0x1B8B  }
0xa2: {  	_ =	swait.ge [sflag:s23], $0x1  }
0xa3: {  	[sflag:s23] =	ssyncset.done $0x0  }
0xa4: {  	s25 =	simm.s32 $0x1B8E;
	s24 =	sld [smem:$0x3FFE];
	[sflag:s23] =	ssyncadd.s32 $0xFFFFFFFF  }
0xa5: {  	s26 =	simm.s32 $execute0_lowered;
	[smem:$0x3FD2] =	sst s25  }
0xa6: {  	s4 =	sshll.u32 s26, $0x1;
	_ =	strace $0x8000004F;
	[dreg:$0x1] =	wrdreg $0xFFFFFFFF  }
0xa7: {  	s28 =	simm.s32 $_size_execute0_lowered;
	s2 =	sadd.s32 s2, s4;
	[dreg:$0x0] =	wrdreg $0x0  }
0xa8: {  	s4 =	sshll.u32 s28, $0x1;
	[dreg:$0x2] =	wrdreg s2  }
0xa9: {  	[dreg:$0x3] =	wrdreg s4  }
0xaa: {  	[dreg:$0x4] =	wrdreg $0xC0  }
0xab: {  	_ =	task [dreg:s6], $0x5FFFF  }
0xac: {  	[dreg:$0x1] =	wrdreg $0xFFFFFFFF  }
0xad: {  	[dreg:$0x0] =	wrdreg $0x60  }
0xae: {  	[dreg:$0x2] =	wrdreg s24  }
0xaf: {  	[dreg:$0x3] =	wrdreg $0x0  }
0xb0: {  	[dreg:$0x4] =	wrdreg $0x9  }
0xb1: {  	_ =	task.clear_ibuf [dreg:s6], $0x5FFFF;
	_ =	strace $0x9000004F  }
0xb2: {  	s29 =	simm.s32 $0x9;
	_ =	strace $0x80000051  }
0xb3: {  	_ =	swait.ge [sflag:s29], $0x1  }
0xb4: {  	[sflag:s29] =	ssyncadd.s32 $0xFFFFFFFF  }
0xb5: {  	_ =	strace $0x90000051  }
0xb6: {  	_ =	sfence  }
0xb7: {  	s30 =	sld [smem:$0x0];
	_ =	sdelay $0x2  }
0xb8: {  	s31 =	sshll.u32 s1, $0xD;
	s1 =	sshrl.u32 s1, $0x2  }
0xb9: {  	s3 =	sand.u32 $0x4000, s31;
	s1 =	sadd.s32 s1, s30  }
0xba: {  	s0 =	sor.u32 s3, s0;
	s1 =	sshll.u32 s1, $0x11  }
0xbb: {  	s0 =	sor.u32 s1, s0  }
0xbc: {  	s0 =	sadd.s32 $0x8F2B, s0  }
0xbd: {  	[sflag:s0] =	ssyncadd.remote.s32 $0x1  }
0xbe: {  	_ =	sfence.sel $0xFFFF  }
0xbf: {  	[dreg:$0x0] =	wrdreg $0xFFFFFFFF;
	(pc) =	sbr.abs _section_cstart, $3  }
0xc0: {  	[dreg:$0x1] =	wrdreg $0xFFFFFFFF  }
0xc1: {  	_ =	task.clear_ibuf [dreg:s6], $0x2FFFF;
	_ =	strace $0x9FFFFFFF  }
0xc2: {  	(tm) =	ssettm $0x7FFFFFFF  }
0xc3: {  	_ =	shalt  }
tec
execute0_lowered:
.L_overlay_start_1:
0x0: {  	(tag) =	ssettag $0x1  }
0x1: {  	s0 =	srdreg.scid  }
0x2: {  	s9 =	stileid.u32;
	s1 =	rddreg [dreg:$0x0]  }
0x3: {  	s2 =	rddreg [dreg:$0x1];
	s3 =	simm.s32 $0x0;
	s10 =	simm.s32 $0x3  }
0x4: {  	s11 =	simm.s32 $0x18800;
	s12 =	simm.s32 $0x18C00;
	s13 =	simm.s32 $0x80  }
0x5: {  	s14 =	simm.s32 $0x19000;
	s23 =	simm.s32 $0x18880;
	s15 =	simm.s32 $0x19800  }
0x6: {  	s24 =	simm.s32 $0x18900;
	s16 =	simm.s32 $0x1A000;
	s25 =	simm.s32 $0x18980  }
0x7: {  	s17 =	simm.s32 $0x1A800;
	s26 =	simm.s32 $0x18A00;
	s18 =	simm.s32 $0x1B000  }
0x8: {  	s28 =	simm.s32 $0x18D00;
	s29 =	simm.s32 $0x18D80;
	s30 =	simm.s32 $0x18E00  }
0x9: {  	s31 =	simm.s32 $0x18E80;
	s0 =	sand.u32 $0x1, s0;
	[smem:$0x7FF] =	sst s3  }
0xa: {  	s5 =	smul.u32 $0x18800, s9;
	_ =	strace $0x80000050;
	[dreg:$0x5] =	wrdreg s23  }
0xb: {  	s20 =	sshll.u32 s9, $0x6;
	s4 =	smul.u32 $0xC400, s0;
	[dreg:$0x6] =	wrdreg s24  }
0xc: {  	s9 =	simm.s32 $0x0;
	s6 =	smul.u32 $0x188000, s0;
	[dreg:$0x7] =	wrdreg s25  }
0xd: {  	s0 =	ssub.s32 $0x2, s0;
	[dreg:$0x8] =	wrdreg s26;
	s23 =	simm.s32 $0x18B80  }
0xe: {  	s24 =	simm.s32 $0x1C800;
	s25 =	simm.s32 $0x1;
	s26 =	simm.s32 $0x18C80  }
0xf: {  	s8 =	sshrl.u32 s5, $0x3;
	s19 =	sshrl.u32 s0, $0x1;
	s4 =	sadd.s32 s4, s5  }
0x10: {  	s6 =	sadd.s32 s5, s6;
	s8 =	sadd.s32 s8, s1;
	s0 =	ssub.s32 s0, s19  }
0x11: {  	s5 =	sadd.s32 s5, s2;
	s19 =	simm.s32 $0x18A80;
	s7 =	sshrl.u32 s4, $0x3  }
0x12: {  	s4 =	sadd.s32 $0x6B5400, s1;
	s6 =	sshrl.u32 s6, $0x3;
	s8 =	sadd.s32 $0x64400, s8  }
0x13: {  	s0 =	smax.u32 s0, $0x1;
	s7 =	sadd.s32 s7, s1;
	[dreg:$0x9] =	wrdreg s8  }
0x14: {  	s1 =	sadd.s32 s6, s1;
	s8 =	sor.u32 $0x1C03, s20;
	[dreg:$0xc] =	wrdreg s0  }
0x15: {  	s20 =	simm.s32 $0x1B800;
	s1 =	sadd.s32 $0x21D400, s1;
	[dreg:$0xa] =	wrdreg s8  }
0x16: {  	s0 =	simm.s32 $0x18F80;
	s21 =	sadd.s32 $0x33400, s7;
	[dreg:$0xb] =	wrdreg s1  }
0x17: {  	s22 =	sadd.s32 $0x2400, s7;
	s7 =	sshrl.u32 s5, $0x3;
	[dreg:$0x3] =	wrdreg s21  }
0x18: {  	s5 =	simm.s32 $0x2;
	[dreg:$0x4] =	wrdreg s22;
	s21 =	simm.s32 $0x18B00  }
0x19: {  	s22 =	simm.s32 $0x1C000;
	s1 =	simm.s32 $0x18F00;
	[dreg:$0xd] =	wrdreg s7  }
.LBB2_1:
0x1a: {  	[dreg:$0xe] =	wrdreg s9  }
0x1b: {  	s6 =	rddreg [dreg:$0x9]  }
0x1c: {  	[spmem:s7], [sflag:s8] =	dma.local [hbm:s6], $0x3100  }
0x1d: {  	_ =	swait.ge [sflag:s10], $0x3100  }
0x1e: {  	[sflag:s10] =	ssyncset.done $0x0  }
0x1f: {  	[sflag:s10] =	ssyncadd.s32 $0xFFFFCF00  }
0x20: {  	[bflag:$0x0] =	sbarrier.arrive $0xFFFF  }
0x21: {  	s9 =	rddreg [dreg:$0x4]  }
0x22: {  	s6 =	sadd.s32 $0x0, s9  }
0x23: {  	[tilespmem:s11], [sflag:$0x3] =	stream.linear.gather [hbm4b:s6+s3], $0x400, $0x38;
	[tilespmem:$0x1D000] =	vst v63  }
0x24: {  	_ =	swait.ge [sflag:s10], $0x400  }
0x25: {  	s7 =	rddreg [dreg:$0x3];
	[sflag:s10] =	ssyncset.done $0x0  }
0x26: {  	[sflag:s10] =	ssyncadd.s32 $0xFFFFFC00;
	s6 =	sadd.s32 $0x0, s7  }
0x27: {  	[tilespmem:s12], [sflag:$0x3] =	stream.linear.gather [hbm4b:s6+s3], $0x400, $0x38;
	[tilespmem:$0x1D000] =	vst v63  }
0x28: {  	_ =	swait.ge [sflag:s10], $0x400  }
0x29: {  	[sflag:s10] =	ssyncset.done $0x0  }
0x2a: {  	[sflag:s10] =	ssyncadd.s32 $0xFFFFFC00  }
0x2b: {  	[tilespmem:s14], [sflag:$0x1] =	stream.indirect.gather [hbm4b:s4+s13], $0x10, s11, s13, $0xb8;
	[tilespmem:$0x1D000] =	vst v63  }
0x2c: {  	s8 =	rddreg [dreg:$0x5]  }
0x2d: {  	[tilespmem:s15], [sflag:$0x1] =	stream.indirect.gather [hbm4b:s4+s13], $0x10, s8, s13, $0xb8;
	[tilespmem:$0x1D000] =	vst v63  }
0x2e: {  	s9 =	rddreg [dreg:$0x6]  }
0x2f: {  	[tilespmem:s16], [sflag:$0x1] =	stream.indirect.gather [hbm4b:s4+s13], $0x10, s9, s13, $0xb8;
	[tilespmem:$0x1D000] =	vst v63  }
0x30: {  	s7 =	rddreg [dreg:$0x7]  }
0x31: {  	[tilespmem:s17], [sflag:$0x1] =	stream.indirect.gather [hbm4b:s4+s13], $0x10, s7, s13, $0xb8;
	[tilespmem:$0x1D000] =	vst v63  }
0x32: {  	s9 =	rddreg [dreg:$0x8]  }
0x33: {  	[tilespmem:s18], [sflag:$0x1] =	stream.indirect.gather [hbm4b:s4+s13], $0x10, s9, s13, $0xb8;
	[tilespmem:$0x1D000] =	vst v63  }
0x34: {  	_ = 	snop  }
0x35: {  	[tilespmem:s20], [sflag:$0x1] =	stream.indirect.gather [hbm4b:s4+s13], $0x10, s19, s13, $0xb8;
	[tilespmem:$0x1D000] =	vst v63  }
0x36: {  	_ = 	snop  }
0x37: {  	[tilespmem:s22], [sflag:$0x1] =	stream.indirect.gather [hbm4b:s4+s13], $0x10, s21, s13, $0xb8;
	[tilespmem:$0x1D000] =	vst v63  }
0x38: {  	_ = 	snop  }
0x39: {  	[tilespmem:s24], [sflag:$0x1] =	stream.indirect.gather [hbm4b:s4+s13], $0x10, s23, s13, $0xb8;
	[tilespmem:$0x1D000] =	vst v63  }
0x3a: {  	_ =	swait.ge [sflag:s25], $0x800  }
0x3b: {  	[sflag:s25] =	ssyncset.done $0x0  }
0x3c: {  	[sflag:s25] =	ssyncadd.s32 $0xFFFFF800  }
0x3d: {  	_ =	swait.ge [sflag:s25], $0x800  }
0x3e: {  	[sflag:s25] =	ssyncset.done $0x0  }
0x3f: {  	[sflag:s25] =	ssyncadd.s32 $0xFFFFF800  }
0x40: {  	_ =	swait.ge [sflag:s25], $0x800  }
0x41: {  	[sflag:s25] =	ssyncset.done $0x0  }
0x42: {  	[sflag:s25] =	ssyncadd.s32 $0xFFFFF800  }
0x43: {  	_ =	swait.ge [sflag:s25], $0x800  }
0x44: {  	[sflag:s25] =	ssyncset.done $0x0  }
0x45: {  	[sflag:s25] =	ssyncadd.s32 $0xFFFFF800  }
0x46: {  	_ =	swait.ge [sflag:s25], $0x800  }
0x47: {  	[sflag:s25] =	ssyncset.done $0x0  }
0x48: {  	[sflag:s25] =	ssyncadd.s32 $0xFFFFF800  }
0x49: {  	_ =	swait.ge [sflag:s25], $0x800  }
0x4a: {  	[sflag:s25] =	ssyncset.done $0x0  }
0x4b: {  	[sflag:s25] =	ssyncadd.s32 $0xFFFFF800  }
0x4c: {  	_ =	swait.ge [sflag:s25], $0x800  }
0x4d: {  	[sflag:s25] =	ssyncset.done $0x0  }
0x4e: {  	[sflag:s25] =	ssyncadd.s32 $0xFFFFF800  }
0x4f: {  	_ =	swait.ge [sflag:s25], $0x800  }
0x50: {  	[sflag:s25] =	ssyncset.done $0x0  }
0x51: {  	[sflag:s25] =	ssyncadd.s32 $0xFFFFF800  }
0x52: {  	[spmem:s2] =	stream.indirect.scatter.add.f32 [tilespmem:s14], [sflag:$0x2], $0x10, s12, s13, $0xb8;
	[tilespmem:$0x1D000] =	vst v63  }
0x53: {  	_ = 	snop  }
0x54: {  	[spmem:s2] =	stream.indirect.scatter.add.f32 [tilespmem:s15], [sflag:$0x2], $0x10, s26, s13, $0xb8;
	[tilespmem:$0x1D000] =	vst v63  }
0x55: {  	_ = 	snop  }
0x56: {  	[spmem:s2] =	stream.indirect.scatter.add.f32 [tilespmem:s16], [sflag:$0x2], $0x10, s28, s13, $0xb8;
	[tilespmem:$0x1D000] =	vst v63  }
0x57: {  	_ = 	snop  }
0x58: {  	[spmem:s2] =	stream.indirect.scatter.add.f32 [tilespmem:s17], [sflag:$0x2], $0x10, s29, s13, $0xb8;
	[tilespmem:$0x1D000] =	vst v63  }
0x59: {  	_ = 	snop  }
0x5a: {  	[spmem:s2] =	stream.indirect.scatter.add.f32 [tilespmem:s18], [sflag:$0x2], $0x10, s30, s13, $0xb8;
	[tilespmem:$0x1D000] =	vst v63  }
0x5b: {  	_ = 	snop  }
0x5c: {  	[spmem:s2] =	stream.indirect.scatter.add.f32 [tilespmem:s20], [sflag:$0x2], $0x10, s31, s13, $0xb8;
	[tilespmem:$0x1D000] =	vst v63  }
0x5d: {  	_ = 	snop  }
0x5e: {  	[spmem:s2] =	stream.indirect.scatter.add.f32 [tilespmem:s22], [sflag:$0x2], $0x10, s1, s13, $0xb8;
	[tilespmem:$0x1D000] =	vst v63  }
0x5f: {  	_ = 	snop  }
0x60: {  	[spmem:s2] =	stream.indirect.scatter.add.f32 [tilespmem:s24], [sflag:$0x2], $0x10, s0, s13, $0xb8;
	[tilespmem:$0x1D000] =	vst v63  }
0x61: {  	_ =	swait.ge [sflag:s5], $0x800  }
0x62: {  	[sflag:s5] =	ssyncset.done $0x0  }
0x63: {  	[sflag:s5] =	ssyncadd.s32 $0xFFFFF800  }
0x64: {  	_ =	swait.ge [sflag:s5], $0x800  }
0x65: {  	[sflag:s5] =	ssyncset.done $0x0  }
0x66: {  	[sflag:s5] =	ssyncadd.s32 $0xFFFFF800  }
0x67: {  	_ =	swait.ge [sflag:s5], $0x800  }
0x68: {  	[sflag:s5] =	ssyncset.done $0x0  }
0x69: {  	[sflag:s5] =	ssyncadd.s32 $0xFFFFF800  }
0x6a: {  	_ =	swait.ge [sflag:s5], $0x800  }
0x6b: {  	[sflag:s5] =	ssyncset.done $0x0  }
0x6c: {  	[sflag:s5] =	ssyncadd.s32 $0xFFFFF800  }
0x6d: {  	_ =	swait.ge [sflag:s5], $0x800  }
0x6e: {  	[sflag:s5] =	ssyncset.done $0x0  }
0x6f: {  	[sflag:s5] =	ssyncadd.s32 $0xFFFFF800  }
0x70: {  	_ =	swait.ge [sflag:s5], $0x800  }
0x71: {  	[sflag:s5] =	ssyncset.done $0x0  }
0x72: {  	[sflag:s5] =	ssyncadd.s32 $0xFFFFF800  }
0x73: {  	_ =	swait.ge [sflag:s5], $0x800  }
0x74: {  	[sflag:s5] =	ssyncset.done $0x0  }
0x75: {  	[sflag:s5] =	ssyncadd.s32 $0xFFFFF800  }
0x76: {  	s6 =	simm.s32 $0x100;
	_ =	swait.ge [sflag:s5], $0x800  }
0x77: {  	s8 =	simm.s32 $0x80;
	s9 =	rddreg [dreg:$0x4];
	[sflag:s5] =	ssyncset.done $0x0  }
.LBB2_2:
0x78: {  	[sflag:s5] =	ssyncadd.s32 $0xFFFFF800;
	s9 =	sadd.s32 s8, s9  }
0x79: {  	[tilespmem:s11], [sflag:$0x3] =	stream.linear.gather [hbm4b:s9+s3], $0x400, $0x38;
	[tilespmem:$0x1D000] =	vst v63  }
0x7a: {  	_ =	swait.ge [sflag:s10], $0x400  }
0x7b: {  	s9 =	rddreg [dreg:$0x3];
	[sflag:s10] =	ssyncset.done $0x0  }
0x7c: {  	[sflag:s10] =	ssyncadd.s32 $0xFFFFFC00;
	s9 =	sadd.s32 s8, s9  }
0x7d: {  	[tilespmem:s12], [sflag:$0x3] =	stream.linear.gather [hbm4b:s9+s3], $0x400, $0x38;
	[tilespmem:$0x1D000] =	vst v63  }
0x7e: {  	_ =	swait.ge [sflag:s10], $0x400  }
0x7f: {  	[sflag:s10] =	ssyncset.done $0x0  }
0x80: {  	s7 =	smov.u32 s6;
	[sflag:s10] =	ssyncadd.s32 $0xFFFFFC00  }
0x81: {  	[tilespmem:s14], [sflag:$0x1] =	stream.indirect.gather [hbm4b:s4+s13], $0x10, s11, s13, $0xb8;
	[tilespmem:$0x1D000] =	vst v63  }
0x82: {  	s8 =	smov.u32 s7;
	s7 =	rddreg [dreg:$0x5]  }
0x83: {  	[tilespmem:s15], [sflag:$0x1] =	stream.indirect.gather [hbm4b:s4+s13], $0x10, s7, s13, $0xb8;
	[tilespmem:$0x1D000] =	vst v63  }
0x84: {  	s9 =	rddreg [dreg:$0x6]  }
0x85: {  	[tilespmem:s16], [sflag:$0x1] =	stream.indirect.gather [hbm4b:s4+s13], $0x10, s9, s13, $0xb8;
	[tilespmem:$0x1D000] =	vst v63  }
0x86: {  	s7 =	rddreg [dreg:$0x7]  }
0x87: {  	[tilespmem:s17], [sflag:$0x1] =	stream.indirect.gather [hbm4b:s4+s13], $0x10, s7, s13, $0xb8;
	[tilespmem:$0x1D000] =	vst v63  }
0x88: {  	s9 =	rddreg [dreg:$0x8]  }
0x89: {  	[tilespmem:s18], [sflag:$0x1] =	stream.indirect.gather [hbm4b:s4+s13], $0x10, s9, s13, $0xb8;
	[tilespmem:$0x1D000] =	vst v63  }
0x8a: {  	_ = 	snop  }
0x8b: {  	[tilespmem:s20], [sflag:$0x1] =	stream.indirect.gather [hbm4b:s4+s13], $0x10, s19, s13, $0xb8;
	[tilespmem:$0x1D000] =	vst v63  }
0x8c: {  	_ = 	snop  }
0x8d: {  	[tilespmem:s22], [sflag:$0x1] =	stream.indirect.gather [hbm4b:s4+s13], $0x10, s21, s13, $0xb8;
	[tilespmem:$0x1D000] =	vst v63  }
0x8e: {  	_ = 	snop  }
0x8f: {  	[tilespmem:s24], [sflag:$0x1] =	stream.indirect.gather [hbm4b:s4+s13], $0x10, s23, s13, $0xb8;
	[tilespmem:$0x1D000] =	vst v63  }
0x90: {  	_ =	swait.ge [sflag:s25], $0x800  }
0x91: {  	[sflag:s25] =	ssyncset.done $0x0  }
0x92: {  	[sflag:s25] =	ssyncadd.s32 $0xFFFFF800  }
0x93: {  	_ =	swait.ge [sflag:s25], $0x800  }
0x94: {  	[sflag:s25] =	ssyncset.done $0x0  }
0x95: {  	[sflag:s25] =	ssyncadd.s32 $0xFFFFF800  }
0x96: {  	_ =	swait.ge [sflag:s25], $0x800  }
0x97: {  	[sflag:s25] =	ssyncset.done $0x0  }
0x98: {  	[sflag:s25] =	ssyncadd.s32 $0xFFFFF800  }
0x99: {  	_ =	swait.ge [sflag:s25], $0x800  }
0x9a: {  	[sflag:s25] =	ssyncset.done $0x0  }
0x9b: {  	[sflag:s25] =	ssyncadd.s32 $0xFFFFF800  }
0x9c: {  	_ =	swait.ge [sflag:s25], $0x800  }
0x9d: {  	[sflag:s25] =	ssyncset.done $0x0  }
0x9e: {  	[sflag:s25] =	ssyncadd.s32 $0xFFFFF800  }
0x9f: {  	_ =	swait.ge [sflag:s25], $0x800  }
0xa0: {  	[sflag:s25] =	ssyncset.done $0x0  }
0xa1: {  	[sflag:s25] =	ssyncadd.s32 $0xFFFFF800  }
0xa2: {  	_ =	swait.ge [sflag:s25], $0x800  }
0xa3: {  	[sflag:s25] =	ssyncset.done $0x0  }
0xa4: {  	[sflag:s25] =	ssyncadd.s32 $0xFFFFF800  }
0xa5: {  	_ =	swait.ge [sflag:s25], $0x800  }
0xa6: {  	[sflag:s25] =	ssyncset.done $0x0  }
0xa7: {  	[sflag:s25] =	ssyncadd.s32 $0xFFFFF800  }
0xa8: {  	[spmem:s2] =	stream.indirect.scatter.add.f32 [tilespmem:s14], [sflag:$0x2], $0x10, s12, s13, $0xb8;
	[tilespmem:$0x1D000] =	vst v63  }
0xa9: {  	_ = 	snop  }
0xaa: {  	[spmem:s2] =	stream.indirect.scatter.add.f32 [tilespmem:s15], [sflag:$0x2], $0x10, s26, s13, $0xb8;
	[tilespmem:$0x1D000] =	vst v63  }
0xab: {  	_ = 	snop  }
0xac: {  	[spmem:s2] =	stream.indirect.scatter.add.f32 [tilespmem:s16], [sflag:$0x2], $0x10, s28, s13, $0xb8;
	[tilespmem:$0x1D000] =	vst v63  }
0xad: {  	_ = 	snop  }
0xae: {  	[spmem:s2] =	stream.indirect.scatter.add.f32 [tilespmem:s17], [sflag:$0x2], $0x10, s29, s13, $0xb8;
	[tilespmem:$0x1D000] =	vst v63  }
0xaf: {  	_ = 	snop  }
0xb0: {  	[spmem:s2] =	stream.indirect.scatter.add.f32 [tilespmem:s18], [sflag:$0x2], $0x10, s30, s13, $0xb8;
	[tilespmem:$0x1D000] =	vst v63  }
0xb1: {  	_ = 	snop  }
0xb2: {  	[spmem:s2] =	stream.indirect.scatter.add.f32 [tilespmem:s20], [sflag:$0x2], $0x10, s31, s13, $0xb8;
	[tilespmem:$0x1D000] =	vst v63  }
0xb3: {  	_ = 	snop  }
0xb4: {  	[spmem:s2] =	stream.indirect.scatter.add.f32 [tilespmem:s22], [sflag:$0x2], $0x10, s1, s13, $0xb8;
	[tilespmem:$0x1D000] =	vst v63  }
0xb5: {  	_ = 	snop  }
0xb6: {  	[spmem:s2] =	stream.indirect.scatter.add.f32 [tilespmem:s24], [sflag:$0x2], $0x10, s0, s13, $0xb8;
	[tilespmem:$0x1D000] =	vst v63  }
0xb7: {  	_ =	swait.ge [sflag:s5], $0x800  }
0xb8: {  	[sflag:s5] =	ssyncset.done $0x0  }
0xb9: {  	[sflag:s5] =	ssyncadd.s32 $0xFFFFF800  }
0xba: {  	_ =	swait.ge [sflag:s5], $0x800  }
0xbb: {  	[sflag:s5] =	ssyncset.done $0x0  }
0xbc: {  	[sflag:s5] =	ssyncadd.s32 $0xFFFFF800  }
0xbd: {  	_ =	swait.ge [sflag:s5], $0x800  }
0xbe: {  	[sflag:s5] =	ssyncset.done $0x0  }
0xbf: {  	[sflag:s5] =	ssyncadd.s32 $0xFFFFF800  }
0xc0: {  	_ =	swait.ge [sflag:s5], $0x800  }
0xc1: {  	[sflag:s5] =	ssyncset.done $0x0  }
0xc2: {  	[sflag:s5] =	ssyncadd.s32 $0xFFFFF800  }
0xc3: {  	_ =	swait.ge [sflag:s5], $0x800  }
0xc4: {  	[sflag:s5] =	ssyncset.done $0x0  }
0xc5: {  	[sflag:s5] =	ssyncadd.s32 $0xFFFFF800  }
0xc6: {  	_ =	swait.ge [sflag:s5], $0x800  }
0xc7: {  	[sflag:s5] =	ssyncset.done $0x0  }
0xc8: {  	p0 =	sne.s32 s6, $0x1800;
	[sflag:s5] =	ssyncadd.s32 $0xFFFFF800  }
.Ltmp0:
0xc9: {  	_ =	swait.ge [sflag:s5], $0x800;
	(pc) =	sbr.rel @p0 .LBB2_2-.Ltmp0, $4  }
0xca: {  	[sflag:s5] =	ssyncset.done $0x0  }
0xcb: {  	[sflag:s5] =	ssyncadd.s32 $0xFFFFF800  }
0xcc: {  	_ =	swait.ge [sflag:s5], $0x800  }
0xcd: {  	s6 =	sadd.s32 $0x80, s6;
	s9 =	rddreg [dreg:$0x4];
	[sflag:s5] =	ssyncset.done $0x0  }
0xce: {  	[sflag:s5] =	ssyncadd.s32 $0xFFFFF800;
	s6 =	sadd.s32 s8, s9  }
0xcf: {  	[tilespmem:s11], [sflag:$0x3] =	stream.linear.gather [hbm4b:s6+s3], $0x400, $0x38;
	[tilespmem:$0x1D000] =	vst v63  }
0xd0: {  	_ =	swait.ge [sflag:s10], $0x400  }
0xd1: {  	s7 =	rddreg [dreg:$0x3];
	[sflag:s10] =	ssyncset.done $0x0  }
0xd2: {  	[sflag:s10] =	ssyncadd.s32 $0xFFFFFC00;
	s6 =	sadd.s32 s8, s7  }
0xd3: {  	[tilespmem:s12], [sflag:$0x3] =	stream.linear.gather [hbm4b:s6+s3], $0x400, $0x38;
	[tilespmem:$0x1D000] =	vst v63  }
0xd4: {  	_ =	swait.ge [sflag:s10], $0x400  }
0xd5: {  	[sflag:s10] =	ssyncset.done $0x0  }
0xd6: {  	[sflag:s10] =	ssyncadd.s32 $0xFFFFFC00  }
0xd7: {  	[tilespmem:s14], [sflag:$0x1] =	stream.indirect.gather [hbm4b:s4+s13], $0x10, s11, s13, $0xb8;
	[tilespmem:$0x1D000] =	vst v63  }
0xd8: {  	s8 =	rddreg [dreg:$0x5]  }
0xd9: {  	[tilespmem:s15], [sflag:$0x1] =	stream.indirect.gather [hbm4b:s4+s13], $0x10, s8, s13, $0xb8;
	[tilespmem:$0x1D000] =	vst v63  }
0xda: {  	s7 =	rddreg [dreg:$0x6]  }
0xdb: {  	[tilespmem:s16], [sflag:$0x1] =	stream.indirect.gather [hbm4b:s4+s13], $0x10, s7, s13, $0xb8;
	[tilespmem:$0x1D000] =	vst v63  }
0xdc: {  	s9 =	rddreg [dreg:$0x7]  }
0xdd: {  	[tilespmem:s17], [sflag:$0x1] =	stream.indirect.gather [hbm4b:s4+s13], $0x10, s9, s13, $0xb8;
	[tilespmem:$0x1D000] =	vst v63  }
0xde: {  	s8 =	rddreg [dreg:$0x8]  }
0xdf: {  	[tilespmem:s18], [sflag:$0x1] =	stream.indirect.gather [hbm4b:s4+s13], $0x10, s8, s13, $0xb8;
	[tilespmem:$0x1D000] =	vst v63  }
0xe0: {  	_ = 	snop  }
0xe1: {  	[tilespmem:s20], [sflag:$0x1] =	stream.indirect.gather [hbm4b:s4+s13], $0x10, s19, s13, $0xb8;
	[tilespmem:$0x1D000] =	vst v63  }
0xe2: {  	_ = 	snop  }
0xe3: {  	[tilespmem:s22], [sflag:$0x1] =	stream.indirect.gather [hbm4b:s4+s13], $0x10, s21, s13, $0xb8;
	[tilespmem:$0x1D000] =	vst v63  }
0xe4: {  	_ = 	snop  }
0xe5: {  	[tilespmem:s24], [sflag:$0x1] =	stream.indirect.gather [hbm4b:s4+s13], $0x10, s23, s13, $0xb8;
	[tilespmem:$0x1D000] =	vst v63  }
0xe6: {  	_ =	swait.ge [sflag:s25], $0x800  }
0xe7: {  	[sflag:s25] =	ssyncset.done $0x0  }
0xe8: {  	[sflag:s25] =	ssyncadd.s32 $0xFFFFF800  }
0xe9: {  	_ =	swait.ge [sflag:s25], $0x800  }
0xea: {  	[sflag:s25] =	ssyncset.done $0x0  }
0xeb: {  	[sflag:s25] =	ssyncadd.s32 $0xFFFFF800  }
0xec: {  	_ =	swait.ge [sflag:s25], $0x800  }
0xed: {  	[sflag:s25] =	ssyncset.done $0x0  }
0xee: {  	[sflag:s25] =	ssyncadd.s32 $0xFFFFF800  }
0xef: {  	_ =	swait.ge [sflag:s25], $0x800  }
0xf0: {  	[sflag:s25] =	ssyncset.done $0x0  }
0xf1: {  	[sflag:s25] =	ssyncadd.s32 $0xFFFFF800  }
0xf2: {  	_ =	swait.ge [sflag:s25], $0x800  }
0xf3: {  	[sflag:s25] =	ssyncset.done $0x0  }
0xf4: {  	[sflag:s25] =	ssyncadd.s32 $0xFFFFF800  }
0xf5: {  	_ =	swait.ge [sflag:s25], $0x800  }
0xf6: {  	[sflag:s25] =	ssyncset.done $0x0  }
0xf7: {  	[sflag:s25] =	ssyncadd.s32 $0xFFFFF800  }
0xf8: {  	_ =	swait.ge [sflag:s25], $0x800  }
0xf9: {  	[sflag:s25] =	ssyncset.done $0x0  }
0xfa: {  	[sflag:s25] =	ssyncadd.s32 $0xFFFFF800  }
0xfb: {  	_ =	swait.ge [sflag:s25], $0x800  }
0xfc: {  	[sflag:s25] =	ssyncset.done $0x0  }
0xfd: {  	[sflag:s25] =	ssyncadd.s32 $0xFFFFF800  }
0xfe: {  	[spmem:s2] =	stream.indirect.scatter.add.f32 [tilespmem:s14], [sflag:$0x2], $0x10, s12, s13, $0xb8;
	[tilespmem:$0x1D000] =	vst v63  }
0xff: {  	_ = 	snop  }
0x100: {  	[spmem:s2] =	stream.indirect.scatter.add.f32 [tilespmem:s15], [sflag:$0x2], $0x10, s26, s13, $0xb8;
	[tilespmem:$0x1D000] =	vst v63  }
0x101: {  	_ = 	snop  }
0x102: {  	[spmem:s2] =	stream.indirect.scatter.add.f32 [tilespmem:s16], [sflag:$0x2], $0x10, s28, s13, $0xb8;
	[tilespmem:$0x1D000] =	vst v63  }
0x103: {  	_ = 	snop  }
0x104: {  	[spmem:s2] =	stream.indirect.scatter.add.f32 [tilespmem:s17], [sflag:$0x2], $0x10, s29, s13, $0xb8;
	[tilespmem:$0x1D000] =	vst v63  }
0x105: {  	_ = 	snop  }
0x106: {  	[spmem:s2] =	stream.indirect.scatter.add.f32 [tilespmem:s18], [sflag:$0x2], $0x10, s30, s13, $0xb8;
	[tilespmem:$0x1D000] =	vst v63  }
0x107: {  	_ = 	snop  }
0x108: {  	[spmem:s2] =	stream.indirect.scatter.add.f32 [tilespmem:s20], [sflag:$0x2], $0x10, s31, s13, $0xb8;
	[tilespmem:$0x1D000] =	vst v63  }
0x109: {  	_ = 	snop  }
0x10a: {  	[spmem:s2] =	stream.indirect.scatter.add.f32 [tilespmem:s22], [sflag:$0x2], $0x10, s1, s13, $0xb8;
	[tilespmem:$0x1D000] =	vst v63  }
0x10b: {  	_ = 	snop  }
0x10c: {  	[spmem:s2] =	stream.indirect.scatter.add.f32 [tilespmem:s24], [sflag:$0x2], $0x10, s0, s13, $0xb8;
	[tilespmem:$0x1D000] =	vst v63  }
0x10d: {  	_ =	swait.ge [sflag:s5], $0x800  }
0x10e: {  	[sflag:s5] =	ssyncset.done $0x0  }
0x10f: {  	[sflag:s5] =	ssyncadd.s32 $0xFFFFF800  }
0x110: {  	_ =	swait.ge [sflag:s5], $0x800  }
0x111: {  	[sflag:s5] =	ssyncset.done $0x0  }
0x112: {  	[sflag:s5] =	ssyncadd.s32 $0xFFFFF800  }
0x113: {  	_ =	swait.ge [sflag:s5], $0x800  }
0x114: {  	[sflag:s5] =	ssyncset.done $0x0  }
0x115: {  	[sflag:s5] =	ssyncadd.s32 $0xFFFFF800  }
0x116: {  	_ =	swait.ge [sflag:s5], $0x800  }
0x117: {  	[sflag:s5] =	ssyncset.done $0x0  }
0x118: {  	[sflag:s5] =	ssyncadd.s32 $0xFFFFF800  }
0x119: {  	_ =	swait.ge [sflag:s5], $0x800  }
0x11a: {  	[sflag:s5] =	ssyncset.done $0x0  }
0x11b: {  	[sflag:s5] =	ssyncadd.s32 $0xFFFFF800  }
0x11c: {  	_ =	swait.ge [sflag:s5], $0x800  }
0x11d: {  	[sflag:s5] =	ssyncset.done $0x0  }
0x11e: {  	[sflag:s5] =	ssyncadd.s32 $0xFFFFF800  }
0x11f: {  	_ =	swait.ge [sflag:s5], $0x800  }
0x120: {  	[sflag:s5] =	ssyncset.done $0x0  }
0x121: {  	[sflag:s5] =	ssyncadd.s32 $0xFFFFF800  }
0x122: {  	_ =	swait.ge [sflag:s5], $0x800  }
0x123: {  	[sflag:s5] =	ssyncset.done $0x0  }
0x124: {  	[sflag:s5] =	ssyncadd.s32 $0xFFFFF800  }
0x125: {  	[bflag:$0x0] =	sbarrier.arrive $0xFFFF  }
0x126: {  	s8 =	rddreg [dreg:$0xa]  }
0x127: {  	s9 =	rddreg [dreg:$0xb]  }
0x128: {  	s7 =	rddreg [dreg:$0xd]  }
0x129: {  	[hbm:s9], [sflag:s8] =	dma.local [spmem:s7], $0x3100  }
0x12a: {  	_ =	swait.ge [sflag:s10], $0x3100  }
0x12b: {  	s6 =	rddreg [dreg:$0xe]  }
0x12c: {  	s9 =	sadd.s32 $0x1, s6;
	s6 =	rddreg [dreg:$0xc]  }
0x12d: {  	p0 =	sne.s32 s9, s6  }
.Ltmp1:
0x12e: {  	_ = 	snop;
	(pc) =	sbr.rel @p0 .LBB2_1-.Ltmp1, $3  }
0x12f: {  	_ =	sdelay $0x1  }
0x130: {  	[sflag:s10] =	ssyncset.done $0x0  }
0x131: {  	[sflag:s10] =	ssyncadd.s32 $0xFFFFCF00  }
0x132: {  	_ =	sfence.sel $0x180000  }
0x133: {  	[bflag:$0x0] =	sbarrier.arrive $0xFFFF  }
0x134: {  	_ =	strace $0x90000050  }
0x135: {  	s0 =	stileid.u32;
	[bflag:$0x2] =	sbarrier.arrive $0xFFFF  }
0x136: {  	p0 =	sne.s32 s0, $0x0;
	s0 =	rddreg [dreg:$0x2]  }
0x137: {  	s0 =	sadd.s32 @!p0 $0x100000, s0  }
0x138: {  	[sflag:s0] =	ssyncadd.tile.s32 @!p0 $0x1;
	_ =	shalt  }
.Lfunc_end2:
_tile_overlayer_lowered:
.L_overlay_start_2:
0x139: {  	(tag) =	ssettag $0x2  }
0x13a: {  	s0 =	rddreg [dreg:$0x0];
	s2 =	stileid.u32  }
0x13b: {  	s1 =	rddreg [dreg:$0x1];
	p0 =	sne.s32 s2, $0x0  }
0x13c: {  	s3 =	rddreg [dreg:$0x2];
	[bflag:$0x3] =	sbarrier.arrive $0xFFFF;
	s2 =	simm.s32 @!p0 $0x1C03  }
0x13d: {  	[timem:s3], [sflag:s2] =	dma.local @!p0 [hbm:s0], s1  }
0x13e: {  	s0 =	simm.s32 @!p0 $0x3  }
0x13f: {  	_ =	swait.ge @!p0 [sflag:s0], s1  }
0x140: {  	s1 =	ssub.s32 @!p0 $0x0, s1;
	[sflag:s0] =	ssyncset.done @!p0 $0x0  }
0x141: {  	[sflag:s0] =	ssyncadd.s32 @!p0 s1  }
0x142: {  	[bflag:$0x3] =	sbarrier.arrive $0xFFFF  }
0x143: {  	_ =	shalt  }

// kernel: kernel.26.cloned.1.call-start
scs
__scs_entry_jumppad:
0x0: {  	(pc) =	sbr.rel $0x88, $3  }
0x1: {  	(tag) =	ssettag $0x0;
	lr =	simm.s32 $0x1  }
0x2: {  	[smem:$0x3F93] =	sst lr;
	_ =	strace $0xD0000000  }
0x3: {  	_ = 	snop  }
0x4: {  	_ = 	snop  }
0x5: {  	_ = 	snop  }
0x6: {  	_ = 	snop  }
0x7: {  	_ = 	snop  }
__scs_overlays_trampoline_lowered:
0x8: {  	[smem:$0x3FA2] =	sst s0  }
0x9: {  	[smem:$0x3FA3] =	sst s1  }
0xa: {  	[smem:$0x3FA4] =	sst s2  }
0xb: {  	[smem:$0x3FA5] =	sst s3  }
0xc: {  	[smem:$0x3FA6] =	sst s4  }
0xd: {  	[smem:$0x3FA7] =	sst s5  }
0xe: {  	[smem:$0x3FA8] =	sst s6  }
0xf: {  	[smem:$0x3FA9] =	sst s7  }
0x10: {  	[smem:$0x3FAA] =	sst s8  }
0x11: {  	[smem:$0x3FAB] =	sst s9;
	s0 =	simm.s32 @!p0 $0x0  }
0x12: {  	s1 =	sld [smem:$0x3F91];
	s0 =	simm.s32 @p0 $0x1  }
0x13: {  	[smem:$0x3FAC] =	sst s0;
	s0 =	simm.s32 @!p1 $0x0  }
0x14: {  	s2 =	sld [smem:$0x3F90];
	s0 =	simm.s32 @p1 $0x1  }
0x15: {  	[smem:$0x3FAD] =	sst s0;
	s0 =	simm.s32 @!p2 $0x0  }
0x16: {  	s3 =	sld [smem:$0x3FDB];
	s0 =	simm.s32 @p2 $0x1  }
0x17: {  	s4 =	simm.s32 $0x1BF5;
	[smem:$0x3FAF] =	sst s0  }
0x18: {  	s0 =	sld [smem:$0x3F92];
	_ =	swait.ge [sflag:s4], $0x0  }
0x19: {  	s7 =	sld [smem:$0x3F93]  }
0x1a: {  	s8 =	sadd.s32 $0xFFFFE003, lr  }
0x1b: {  	s9 =	sadd.s32 $0xFFFFFEF7, lr;
	s5 =	simm.s32 $0xFFFFFFFF;
	p2 =	slt.u32 s8, $0xFFFFF086  }
0x1c: {  	p1 =	slt.u32 s9, $0xF7A;
	s5 =	simm.s32 @!p2 $0x0  }
0x1d: {  	s5 =	simm.s32 @p1 $0x1;
	p0 =	seq.s32 s7, s2  }
0x1e: {  	s7 =	smul.u32 @!p0 $0xF7A, s2;
	p2 =	seq.s32 @!p0 s5, $0x0  }
0x1f: {  	s9 =	smul.u32 $0xF7A, s1;
	s8 =	simm.s32 @!p0 $0x1BF5;
	p2 =	por !p2, p0  }
0x20: {  	[sflag:s8] =	ssyncset.s32 @!p0 $0xFFFFF086;
	s6 =	sadd.s32 @!p0 s3, s7;
	s7 =	simm.s32 @!p0 $0x108  }
0x21: {  	s3 =	sadd.s32 s3, s9;
	s6 =	sadd.s32 @!p0 $0x88, s6;
	s7 =	simm.s32 @p2 $0x1082  }
0x22: {  	[simem:s7], [sflag:s8] =	dma.local @!p0 [hbm:s6], $0xF7A  }
0x23: {  	s9 =	sor.u32 $0xD0000000, s2;
	s6 =	simm.s32 $0x108;
	_ =	swait.ge @!p0 [sflag:s8], $0x0  }
0x24: {  	s3 =	sadd.s32 $0x88, s3;
	s6 =	simm.s32 @!p1 $0x1082;
	[sflag:s4] =	ssyncset.s32 $0xFFFFF086  }
0x25: {  	[simem:s6], [sflag:s4] =	dma.local [hbm:s3], $0xF7A  }
0x26: {  	[smem:$0x3F93] =	sst s1;
	(tag) =	ssettag s2;
	_ =	strace s9  }
0x27: {  	s1 =	sld [smem:$0x3FA3]  }
0x28: {  	s2 =	sld [smem:$0x3FA4]  }
0x29: {  	s4 =	sld [smem:$0x3FA6]  }
0x2a: {  	p0 =	seq.s32 s5, $0x0;
	s5 =	sld [smem:$0x3FA7]  }
0x2b: {  	s6 =	sld [smem:$0x3FA8]  }
0x2c: {  	s7 =	sld [smem:$0x3FA9]  }
0x2d: {  	s3 =	simm.s32 $0x108;
	s8 =	sld [smem:$0x3FAA]  }
0x2e: {  	s3 =	simm.s32 @!p0 $0x1082;
	s9 =	sld [smem:$0x3FAB]  }
0x2f: {  	lr =	sadd.s32 s0, s3;
	s0 =	sld [smem:$0x3FA2]  }
0x30: {  	s3 =	sld [smem:$0x3FA5]  }
0x31: {  	[smem:$0x3FAE] =	sst s10  }
0x32: {  	s10 =	sld [smem:$0x3FAC];
	_ =	sdelay $0x3  }
0x33: {  	p0 =	seq.s32 s10, $0x1;
	s10 =	sld [smem:$0x3FAE];
	_ =	sdelay $0x3  }
0x34: {  	[smem:$0x3FAE] =	sst s10  }
0x35: {  	s10 =	sld [smem:$0x3FAD];
	_ =	sdelay $0x3  }
0x36: {  	p1 =	seq.s32 s10, $0x1;
	s10 =	sld [smem:$0x3FAE];
	_ =	sdelay $0x3  }
0x37: {  	[smem:$0x3FAE] =	sst s10  }
0x38: {  	s10 =	sld [smem:$0x3FAF]  }
0x39: {  	_ = 	snop;
	(pc) =	sbr.ind lr, $3  }
0x3a: {  	_ = 	snop  }
0x3b: {  	_ = 	snop  }
0x3c: {  	p2 =	seq.s32 s10, $0x1;
	s10 =	sld [smem:$0x3FAE]  }
0x3d: {  	_ =	shalt  }
0x3e: {  	_ =	shalt  }
0x3f: {  	_ =	shalt  }
0x40: {  	_ =	shalt  }
0x41: {  	_ =	shalt  }
0x42: {  	_ =	shalt  }
0x43: {  	_ =	shalt  }
0x44: {  	_ =	shalt  }
0x45: {  	_ =	shalt  }
0x46: {  	_ =	shalt  }
0x47: {  	_ =	shalt  }
0x48: {  	_ =	shalt  }
0x49: {  	_ =	shalt  }
0x4a: {  	_ =	shalt  }
0x4b: {  	_ =	shalt  }
0x4c: {  	_ =	shalt  }
0x4d: {  	_ =	shalt  }
0x4e: {  	_ =	shalt  }
0x4f: {  	_ =	shalt  }
0x50: {  	_ =	shalt  }
0x51: {  	_ =	shalt  }
0x52: {  	_ =	shalt  }
0x53: {  	_ =	shalt  }
0x54: {  	_ =	shalt  }
0x55: {  	_ =	shalt  }
0x56: {  	_ =	shalt  }
0x57: {  	_ =	shalt  }
0x58: {  	_ =	shalt  }
0x59: {  	_ =	shalt  }
0x5a: {  	_ =	shalt  }
0x5b: {  	_ =	shalt  }
0x5c: {  	_ =	shalt  }
0x5d: {  	_ =	shalt  }
0x5e: {  	_ =	shalt  }
0x5f: {  	_ =	shalt  }
0x60: {  	_ =	shalt  }
0x61: {  	_ =	shalt  }
0x62: {  	_ =	shalt  }
0x63: {  	_ =	shalt  }
0x64: {  	_ =	shalt  }
0x65: {  	_ =	shalt  }
0x66: {  	_ =	shalt  }
0x67: {  	_ =	shalt  }
0x68: {  	_ =	shalt  }
0x69: {  	_ =	shalt  }
0x6a: {  	_ =	shalt  }
0x6b: {  	_ =	shalt  }
0x6c: {  	_ =	shalt  }
0x6d: {  	_ =	shalt  }
0x6e: {  	_ =	shalt  }
0x6f: {  	_ =	shalt  }
0x70: {  	_ =	shalt  }
0x71: {  	_ =	shalt  }
0x72: {  	_ =	shalt  }
0x73: {  	_ =	shalt  }
0x74: {  	_ =	shalt  }
0x75: {  	_ =	shalt  }
0x76: {  	_ =	shalt  }
0x77: {  	_ =	shalt  }
0x78: {  	_ =	shalt  }
0x79: {  	_ =	shalt  }
0x7a: {  	_ =	shalt  }
0x7b: {  	_ =	shalt  }
0x7c: {  	_ =	shalt  }
0x7d: {  	_ =	shalt  }
0x7e: {  	_ =	shalt  }
0x7f: {  	_ =	shalt  }
0x80: {  	_ =	shalt  }
0x81: {  	_ =	shalt  }
0x82: {  	_ =	shalt  }
0x83: {  	_ =	shalt  }
0x84: {  	_ =	shalt  }
0x85: {  	_ =	shalt  }
0x86: {  	_ =	shalt  }
0x87: {  	_ =	shalt  }
.Lfunc_end0:
.L_simem_size_0:
called_computation.4_lowered:
.L_overlay_start_0:
0x88: {  	s2 =	sld [smem:$0x3FD9]  }
0x89: {  	s3 =	sld [smem:$0x3FFE];
	_ =	sdelay $0x1  }
0x8a: {  	s1 =	srdreg.scid  }
0x8b: {  	s0 =	sand.u32 $0x1, s1  }
0x8c: {  	s17 =	sshll.u32 s0, $0xA;
	s2 =	sadd.s32 s3, s2  }
0x8d: {  	s2 =	sadd.s32 s2, s17  }
0x8e: {  	[smem:$0x3FBA] =	sst s2  }
0x8f: {  	_ = 	snop  }
0x90: {  	(tm) =	ssettm $0x1  }
0x91: {  	s18 =	sld [smem:$0x3FFB];
	_ =	sdelay $0x3  }
0x92: {  	_ =	strace s18  }
0x93: {  	s2 =	sld [smem:$0x3FFC];
	_ =	sdelay $0x3  }
0x94: {  	_ =	strace s2  }
0x95: {  	s2 =	sld [smem:$0x3FFD];
	_ =	sdelay $0x3  }
0x96: {  	_ =	strace s2  }
0x97: {  	_ =	strace $0x8FFFFFFF  }
0x98: {  	s19 =	sld [smem:$0x3FDB];
	_ =	sdelay $0x1  }
0x99: {  	s20 =	simm.s32 $_scs_section_size  }
0x9a: {  	s4 =	simm.s32 $_size__tile_overlayer_lowered;
	s5 =	simm.s32 $_tile_overlayer_lowered  }
0x9b: {  	s6 =	simm.s32 $0x1BFF;
	s21 =	sshll.u32 s5, $0x1;
	s3 =	sadd.s32 s20, s19  }
0x9c: {  	s22 =	simm.s32 $0x0;
	s4 =	sshll.u32 s4, $0x1;
	s5 =	sadd.s32 s21, s3  }
0x9d: {  	[timem:s22], [sflag:s6] =	dma.local [hbm:s5], s4  }
0x9e: {  	_ =	swait.ge [sflag:s6], s4  }
0x9f: {  	s4 =	ssub.s32 $0x0, s4;
	[sflag:s6] =	ssyncset.done $0x0  }
0xa0: {  	[sflag:s6] =	ssyncadd.s32 s4;
	_ =	sdelay $0x1  }
0xa1: {  	s23 =	simm.s32 $0x1B8B  }
0xa2: {  	_ =	swait.ge [sflag:s23], $0x1  }
0xa3: {  	[sflag:s23] =	ssyncset.done $0x0  }
0xa4: {  	[sflag:s23] =	ssyncadd.s32 $0xFFFFFFFF  }
0xa5: {  	s4 =	sld [smem:$0x0]  }
0xa6: {  	s5 =	sand.u32 $0xFFFFFFFE, s1  }
0xa7: {  	p0 =	sne.s32 s1, s5  }
0xa8: {  	s5 =	sshll.u32 @p0 s5, $0xE  }
0xa9: {  	s5 =	sadd.s32 @p0 $0x11B8D, s5;
	s6 =	sshll.u32 @p0 s4, $0x11  }
0xaa: {  	s5 =	sor.u32 @p0 s6, s5  }
0xab: {  	[sflag:s5] =	ssyncadd.remote.s32 @p0 $0x1;
	_ =	sdelay $0x1  }
0xac: {  	s5 =	simm.s32 @p0 $0x1B8D  }
0xad: {  	_ =	swait.eq @p0 [sflag:s5], $0x1  }
0xae: {  	[sflag:s5] =	ssyncadd.s32 @p0 $0xFFFFFFFF  }
0xaf: {  	s6 =	sshll.u32 @!p0 s1, $0xE  }
0xb0: {  	s6 =	sor.u32 @!p0 $0x4000, s6;
	s5 =	simm.s32 @!p0 $0x1B8D  }
0xb1: {  	s4 =	sshll.u32 @!p0 s4, $0x11;
	s6 =	sadd.s32 @!p0 $0x11B8D, s6;
	_ =	swait.eq @!p0 [sflag:s5], $0x1  }
0xb2: {  	s4 =	sor.u32 @!p0 s4, s6;
	[sflag:s5] =	ssyncadd.s32 @!p0 $0xFFFFFFFF  }
0xb3: {  	s25 =	simm.s32 $0x1B8E;
	s24 =	sld [smem:$0x3FFE];
	[sflag:s4] =	ssyncadd.remote.s32 @!p0 $0x1  }
0xb4: {  	s26 =	simm.s32 $execute0_lowered;
	[smem:$0x3FD2] =	sst s25  }
0xb5: {  	s5 =	sshll.u32 s26, $0x1;
	_ =	strace $0x80000052;
	[dreg:$0x1] =	wrdreg $0xFFFFFFFF  }
0xb6: {  	s28 =	simm.s32 $_size_execute0_lowered;
	s3 =	sadd.s32 s3, s5;
	[dreg:$0x0] =	wrdreg $0x0  }
0xb7: {  	s5 =	sshll.u32 s28, $0x1;
	[dreg:$0x2] =	wrdreg s3  }
0xb8: {  	[dreg:$0x3] =	wrdreg s5  }
0xb9: {  	[dreg:$0x4] =	wrdreg $0xC0  }
0xba: {  	_ =	task [dreg:s22], $0x5FFFF  }
0xbb: {  	[dreg:$0x1] =	wrdreg $0xFFFFFFFF  }
0xbc: {  	[dreg:$0x0] =	wrdreg $0x60  }
0xbd: {  	[dreg:$0x2] =	wrdreg s24  }
0xbe: {  	[dreg:$0x3] =	wrdreg $0x0  }
0xbf: {  	[dreg:$0x4] =	wrdreg $0xA  }
0xc0: {  	_ =	task.clear_ibuf [dreg:s22], $0x5FFFF;
	_ =	strace $0x90000052  }
0xc1: {  	s29 =	simm.s32 $0xA;
	_ =	strace $0x80000054  }
0xc2: {  	_ =	swait.ge [sflag:s29], $0x1  }
0xc3: {  	[sflag:s29] =	ssyncadd.s32 $0xFFFFFFFF  }
0xc4: {  	_ =	strace $0x90000054  }
0xc5: {  	_ =	sfence  }
0xc6: {  	s30 =	sld [smem:$0x0];
	_ =	sdelay $0x2  }
0xc7: {  	s31 =	sshll.u32 s1, $0xD;
	s1 =	sshrl.u32 s1, $0x2  }
0xc8: {  	s4 =	sand.u32 $0x4000, s31;
	s1 =	sadd.s32 s1, s30  }
0xc9: {  	s0 =	sor.u32 s4, s0;
	s1 =	sshll.u32 s1, $0x11  }
0xca: {  	s0 =	sor.u32 s1, s0  }
0xcb: {  	s0 =	sadd.s32 $0x8F2B, s0  }
0xcc: {  	[sflag:s0] =	ssyncadd.remote.s32 $0x1  }
0xcd: {  	_ =	sfence.sel $0xFFFF  }
0xce: {  	[dreg:$0x0] =	wrdreg $0xFFFFFFFF;
	(pc) =	sbr.abs _section_cstart, $3  }
0xcf: {  	[dreg:$0x1] =	wrdreg $0xFFFFFFFF  }
0xd0: {  	_ =	task.clear_ibuf [dreg:s22], $0x2FFFF;
	_ =	strace $0x9FFFFFFF  }
0xd1: {  	(tm) =	ssettm $0x7FFFFFFF  }
tec
execute0_lowered:
.L_overlay_start_1:
0x0: {  	(tag) =	ssettag $0x1  }
0x1: {  	s0 =	srdreg.scid  }
0x2: {  	s9 =	stileid.u32;
	s1 =	rddreg [dreg:$0x0]  }
0x3: {  	s2 =	rddreg [dreg:$0x1];
	s3 =	simm.s32 $0x0;
	s10 =	simm.s32 $0x3  }
0x4: {  	s11 =	simm.s32 $0x18800;
	s12 =	simm.s32 $0x18C00;
	s13 =	simm.s32 $0x80  }
0x5: {  	s14 =	simm.s32 $0x19000;
	s23 =	simm.s32 $0x18880;
	s15 =	simm.s32 $0x19800  }
0x6: {  	s24 =	simm.s32 $0x18900;
	s16 =	simm.s32 $0x1A000;
	s25 =	simm.s32 $0x18980  }
0x7: {  	s17 =	simm.s32 $0x1A800;
	s26 =	simm.s32 $0x18A00;
	s18 =	simm.s32 $0x1B000  }
0x8: {  	s28 =	simm.s32 $0x18D00;
	s29 =	simm.s32 $0x18D80;
	s30 =	simm.s32 $0x18E00  }
0x9: {  	s31 =	simm.s32 $0x18E80;
	s0 =	sand.u32 $0x1, s0;
	[smem:$0x7FF] =	sst s3  }
0xa: {  	s5 =	smul.u32 $0x18800, s9;
	_ =	strace $0x80000053;
	[dreg:$0x5] =	wrdreg s23  }
0xb: {  	s20 =	sshll.u32 s9, $0x6;
	s4 =	smul.u32 $0xC400, s0;
	[dreg:$0x6] =	wrdreg s24  }
0xc: {  	s9 =	simm.s32 $0x0;
	s6 =	smul.u32 $0x188000, s0;
	[dreg:$0x7] =	wrdreg s25  }
0xd: {  	s0 =	ssub.s32 $0x2, s0;
	[dreg:$0x8] =	wrdreg s26;
	s23 =	simm.s32 $0x18B80  }
0xe: {  	s24 =	simm.s32 $0x1C800;
	s25 =	simm.s32 $0x1;
	s26 =	simm.s32 $0x18C80  }
0xf: {  	s8 =	sshrl.u32 s5, $0x3;
	s19 =	sshrl.u32 s0, $0x1;
	s4 =	sadd.s32 s4, s5  }
0x10: {  	s6 =	sadd.s32 s5, s6;
	s8 =	sadd.s32 s8, s1;
	s0 =	ssub.s32 s0, s19  }
0x11: {  	s5 =	sadd.s32 s5, s2;
	s19 =	simm.s32 $0x18A80;
	s7 =	sshrl.u32 s4, $0x3  }
0x12: {  	s4 =	sadd.s32 $0x27F400, s1;
	s6 =	sshrl.u32 s6, $0x3;
	s8 =	sadd.s32 $0x64400, s8  }
0x13: {  	s0 =	smax.u32 s0, $0x1;
	s7 =	sadd.s32 s7, s1;
	[dreg:$0x9] =	wrdreg s8  }
0x14: {  	s1 =	sadd.s32 s6, s1;
	s8 =	sor.u32 $0x1C03, s20;
	[dreg:$0xc] =	wrdreg s0  }
0x15: {  	s20 =	simm.s32 $0x1B800;
	s1 =	sadd.s32 $0x2B0400, s1;
	[dreg:$0xa] =	wrdreg s8  }
0x16: {  	s0 =	simm.s32 $0x18F80;
	s21 =	sadd.s32 $0x33400, s7;
	[dreg:$0xb] =	wrdreg s1  }
0x17: {  	s22 =	sadd.s32 $0x2400, s7;
	s7 =	sshrl.u32 s5, $0x3;
	[dreg:$0x3] =	wrdreg s21  }
0x18: {  	s5 =	simm.s32 $0x2;
	[dreg:$0x4] =	wrdreg s22;
	s21 =	simm.s32 $0x18B00  }
0x19: {  	s22 =	simm.s32 $0x1C000;
	s1 =	simm.s32 $0x18F00;
	[dreg:$0xd] =	wrdreg s7  }
.LBB2_1:
0x1a: {  	[dreg:$0xe] =	wrdreg s9  }
0x1b: {  	s6 =	rddreg [dreg:$0x9]  }
0x1c: {  	[spmem:s7], [sflag:s8] =	dma.local [hbm:s6], $0x3100  }
0x1d: {  	_ =	swait.ge [sflag:s10], $0x3100  }
0x1e: {  	[sflag:s10] =	ssyncset.done $0x0  }
0x1f: {  	[sflag:s10] =	ssyncadd.s32 $0xFFFFCF00  }
0x20: {  	[bflag:$0x0] =	sbarrier.arrive $0xFFFF  }
0x21: {  	s9 =	rddreg [dreg:$0x4]  }
0x22: {  	s6 =	sadd.s32 $0x0, s9  }
0x23: {  	[tilespmem:s11], [sflag:$0x3] =	stream.linear.gather [hbm4b:s6+s3], $0x400, $0x38;
	[tilespmem:$0x1D000] =	vst v63  }
0x24: {  	_ =	swait.ge [sflag:s10], $0x400  }
0x25: {  	s7 =	rddreg [dreg:$0x3];
	[sflag:s10] =	ssyncset.done $0x0  }
0x26: {  	[sflag:s10] =	ssyncadd.s32 $0xFFFFFC00;
	s6 =	sadd.s32 $0x0, s7  }
0x27: {  	[tilespmem:s12], [sflag:$0x3] =	stream.linear.gather [hbm4b:s6+s3], $0x400, $0x38;
	[tilespmem:$0x1D000] =	vst v63  }
0x28: {  	_ =	swait.ge [sflag:s10], $0x400  }
0x29: {  	[sflag:s10] =	ssyncset.done $0x0  }
0x2a: {  	[sflag:s10] =	ssyncadd.s32 $0xFFFFFC00  }
0x2b: {  	[tilespmem:s14], [sflag:$0x1] =	stream.indirect.gather [hbm4b:s4+s13], $0x10, s11, s13, $0xb8;
	[tilespmem:$0x1D000] =	vst v63  }
0x2c: {  	s8 =	rddreg [dreg:$0x5]  }
0x2d: {  	[tilespmem:s15], [sflag:$0x1] =	stream.indirect.gather [hbm4b:s4+s13], $0x10, s8, s13, $0xb8;
	[tilespmem:$0x1D000] =	vst v63  }
0x2e: {  	s9 =	rddreg [dreg:$0x6]  }
0x2f: {  	[tilespmem:s16], [sflag:$0x1] =	stream.indirect.gather [hbm4b:s4+s13], $0x10, s9, s13, $0xb8;
	[tilespmem:$0x1D000] =	vst v63  }
0x30: {  	s7 =	rddreg [dreg:$0x7]  }
0x31: {  	[tilespmem:s17], [sflag:$0x1] =	stream.indirect.gather [hbm4b:s4+s13], $0x10, s7, s13, $0xb8;
	[tilespmem:$0x1D000] =	vst v63  }
0x32: {  	s9 =	rddreg [dreg:$0x8]  }
0x33: {  	[tilespmem:s18], [sflag:$0x1] =	stream.indirect.gather [hbm4b:s4+s13], $0x10, s9, s13, $0xb8;
	[tilespmem:$0x1D000] =	vst v63  }
0x34: {  	_ = 	snop  }
0x35: {  	[tilespmem:s20], [sflag:$0x1] =	stream.indirect.gather [hbm4b:s4+s13], $0x10, s19, s13, $0xb8;
	[tilespmem:$0x1D000] =	vst v63  }
0x36: {  	_ = 	snop  }
0x37: {  	[tilespmem:s22], [sflag:$0x1] =	stream.indirect.gather [hbm4b:s4+s13], $0x10, s21, s13, $0xb8;
	[tilespmem:$0x1D000] =	vst v63  }
0x38: {  	_ = 	snop  }
0x39: {  	[tilespmem:s24], [sflag:$0x1] =	stream.indirect.gather [hbm4b:s4+s13], $0x10, s23, s13, $0xb8;
	[tilespmem:$0x1D000] =	vst v63  }
0x3a: {  	_ =	swait.ge [sflag:s25], $0x800  }
0x3b: {  	[sflag:s25] =	ssyncset.done $0x0  }
0x3c: {  	[sflag:s25] =	ssyncadd.s32 $0xFFFFF800  }
0x3d: {  	_ =	swait.ge [sflag:s25], $0x800  }
0x3e: {  	[sflag:s25] =	ssyncset.done $0x0  }
0x3f: {  	[sflag:s25] =	ssyncadd.s32 $0xFFFFF800  }
0x40: {  	_ =	swait.ge [sflag:s25], $0x800  }
0x41: {  	[sflag:s25] =	ssyncset.done $0x0  }
0x42: {  	[sflag:s25] =	ssyncadd.s32 $0xFFFFF800  }
0x43: {  	_ =	swait.ge [sflag:s25], $0x800  }
0x44: {  	[sflag:s25] =	ssyncset.done $0x0  }
0x45: {  	[sflag:s25] =	ssyncadd.s32 $0xFFFFF800  }
0x46: {  	_ =	swait.ge [sflag:s25], $0x800  }
0x47: {  	[sflag:s25] =	ssyncset.done $0x0  }
0x48: {  	[sflag:s25] =	ssyncadd.s32 $0xFFFFF800  }
0x49: {  	_ =	swait.ge [sflag:s25], $0x800  }
0x4a: {  	[sflag:s25] =	ssyncset.done $0x0  }
0x4b: {  	[sflag:s25] =	ssyncadd.s32 $0xFFFFF800  }
0x4c: {  	_ =	swait.ge [sflag:s25], $0x800  }
0x4d: {  	[sflag:s25] =	ssyncset.done $0x0  }
0x4e: {  	[sflag:s25] =	ssyncadd.s32 $0xFFFFF800  }
0x4f: {  	_ =	swait.ge [sflag:s25], $0x800  }
0x50: {  	[sflag:s25] =	ssyncset.done $0x0  }
0x51: {  	[sflag:s25] =	ssyncadd.s32 $0xFFFFF800  }
0x52: {  	[spmem:s2] =	stream.indirect.scatter.add.f32 [tilespmem:s14], [sflag:$0x2], $0x10, s12, s13, $0xb8;
	[tilespmem:$0x1D000] =	vst v63  }
0x53: {  	_ = 	snop  }
0x54: {  	[spmem:s2] =	stream.indirect.scatter.add.f32 [tilespmem:s15], [sflag:$0x2], $0x10, s26, s13, $0xb8;
	[tilespmem:$0x1D000] =	vst v63  }
0x55: {  	_ = 	snop  }
0x56: {  	[spmem:s2] =	stream.indirect.scatter.add.f32 [tilespmem:s16], [sflag:$0x2], $0x10, s28, s13, $0xb8;
	[tilespmem:$0x1D000] =	vst v63  }
0x57: {  	_ = 	snop  }
0x58: {  	[spmem:s2] =	stream.indirect.scatter.add.f32 [tilespmem:s17], [sflag:$0x2], $0x10, s29, s13, $0xb8;
	[tilespmem:$0x1D000] =	vst v63  }
0x59: {  	_ = 	snop  }
0x5a: {  	[spmem:s2] =	stream.indirect.scatter.add.f32 [tilespmem:s18], [sflag:$0x2], $0x10, s30, s13, $0xb8;
	[tilespmem:$0x1D000] =	vst v63  }
0x5b: {  	_ = 	snop  }
0x5c: {  	[spmem:s2] =	stream.indirect.scatter.add.f32 [tilespmem:s20], [sflag:$0x2], $0x10, s31, s13, $0xb8;
	[tilespmem:$0x1D000] =	vst v63  }
0x5d: {  	_ = 	snop  }
0x5e: {  	[spmem:s2] =	stream.indirect.scatter.add.f32 [tilespmem:s22], [sflag:$0x2], $0x10, s1, s13, $0xb8;
	[tilespmem:$0x1D000] =	vst v63  }
0x5f: {  	_ = 	snop  }
0x60: {  	[spmem:s2] =	stream.indirect.scatter.add.f32 [tilespmem:s24], [sflag:$0x2], $0x10, s0, s13, $0xb8;
	[tilespmem:$0x1D000] =	vst v63  }
0x61: {  	_ =	swait.ge [sflag:s5], $0x800  }
0x62: {  	[sflag:s5] =	ssyncset.done $0x0  }
0x63: {  	[sflag:s5] =	ssyncadd.s32 $0xFFFFF800  }
0x64: {  	_ =	swait.ge [sflag:s5], $0x800  }
0x65: {  	[sflag:s5] =	ssyncset.done $0x0  }
0x66: {  	[sflag:s5] =	ssyncadd.s32 $0xFFFFF800  }
0x67: {  	_ =	swait.ge [sflag:s5], $0x800  }
0x68: {  	[sflag:s5] =	ssyncset.done $0x0  }
0x69: {  	[sflag:s5] =	ssyncadd.s32 $0xFFFFF800  }
0x6a: {  	_ =	swait.ge [sflag:s5], $0x800  }
0x6b: {  	[sflag:s5] =	ssyncset.done $0x0  }
0x6c: {  	[sflag:s5] =	ssyncadd.s32 $0xFFFFF800  }
0x6d: {  	_ =	swait.ge [sflag:s5], $0x800  }
0x6e: {  	[sflag:s5] =	ssyncset.done $0x0  }
0x6f: {  	[sflag:s5] =	ssyncadd.s32 $0xFFFFF800  }
0x70: {  	_ =	swait.ge [sflag:s5], $0x800  }
0x71: {  	[sflag:s5] =	ssyncset.done $0x0  }
0x72: {  	[sflag:s5] =	ssyncadd.s32 $0xFFFFF800  }
0x73: {  	_ =	swait.ge [sflag:s5], $0x800  }
0x74: {  	[sflag:s5] =	ssyncset.done $0x0  }
0x75: {  	[sflag:s5] =	ssyncadd.s32 $0xFFFFF800  }
0x76: {  	s6 =	simm.s32 $0x100;
	_ =	swait.ge [sflag:s5], $0x800  }
0x77: {  	s8 =	simm.s32 $0x80;
	s9 =	rddreg [dreg:$0x4];
	[sflag:s5] =	ssyncset.done $0x0  }
.LBB2_2:
0x78: {  	[sflag:s5] =	ssyncadd.s32 $0xFFFFF800;
	s9 =	sadd.s32 s8, s9  }
0x79: {  	[tilespmem:s11], [sflag:$0x3] =	stream.linear.gather [hbm4b:s9+s3], $0x400, $0x38;
	[tilespmem:$0x1D000] =	vst v63  }
0x7a: {  	_ =	swait.ge [sflag:s10], $0x400  }
0x7b: {  	s9 =	rddreg [dreg:$0x3];
	[sflag:s10] =	ssyncset.done $0x0  }
0x7c: {  	[sflag:s10] =	ssyncadd.s32 $0xFFFFFC00;
	s9 =	sadd.s32 s8, s9  }
0x7d: {  	[tilespmem:s12], [sflag:$0x3] =	stream.linear.gather [hbm4b:s9+s3], $0x400, $0x38;
	[tilespmem:$0x1D000] =	vst v63  }
0x7e: {  	_ =	swait.ge [sflag:s10], $0x400  }
0x7f: {  	[sflag:s10] =	ssyncset.done $0x0  }
0x80: {  	s7 =	smov.u32 s6;
	[sflag:s10] =	ssyncadd.s32 $0xFFFFFC00  }
0x81: {  	[tilespmem:s14], [sflag:$0x1] =	stream.indirect.gather [hbm4b:s4+s13], $0x10, s11, s13, $0xb8;
	[tilespmem:$0x1D000] =	vst v63  }
0x82: {  	s8 =	smov.u32 s7;
	s7 =	rddreg [dreg:$0x5]  }
0x83: {  	[tilespmem:s15], [sflag:$0x1] =	stream.indirect.gather [hbm4b:s4+s13], $0x10, s7, s13, $0xb8;
	[tilespmem:$0x1D000] =	vst v63  }
0x84: {  	s9 =	rddreg [dreg:$0x6]  }
0x85: {  	[tilespmem:s16], [sflag:$0x1] =	stream.indirect.gather [hbm4b:s4+s13], $0x10, s9, s13, $0xb8;
	[tilespmem:$0x1D000] =	vst v63  }
0x86: {  	s7 =	rddreg [dreg:$0x7]  }
0x87: {  	[tilespmem:s17], [sflag:$0x1] =	stream.indirect.gather [hbm4b:s4+s13], $0x10, s7, s13, $0xb8;
	[tilespmem:$0x1D000] =	vst v63  }
0x88: {  	s9 =	rddreg [dreg:$0x8]  }
0x89: {  	[tilespmem:s18], [sflag:$0x1] =	stream.indirect.gather [hbm4b:s4+s13], $0x10, s9, s13, $0xb8;
	[tilespmem:$0x1D000] =	vst v63  }
0x8a: {  	_ = 	snop  }
0x8b: {  	[tilespmem:s20], [sflag:$0x1] =	stream.indirect.gather [hbm4b:s4+s13], $0x10, s19, s13, $0xb8;
	[tilespmem:$0x1D000] =	vst v63  }
0x8c: {  	_ = 	snop  }
0x8d: {  	[tilespmem:s22], [sflag:$0x1] =	stream.indirect.gather [hbm4b:s4+s13], $0x10, s21, s13, $0xb8;
	[tilespmem:$0x1D000] =	vst v63  }
0x8e: {  	_ = 	snop  }
0x8f: {  	[tilespmem:s24], [sflag:$0x1] =	stream.indirect.gather [hbm4b:s4+s13], $0x10, s23, s13, $0xb8;
	[tilespmem:$0x1D000] =	vst v63  }
0x90: {  	_ =	swait.ge [sflag:s25], $0x800  }
0x91: {  	[sflag:s25] =	ssyncset.done $0x0  }
0x92: {  	[sflag:s25] =	ssyncadd.s32 $0xFFFFF800  }
0x93: {  	_ =	swait.ge [sflag:s25], $0x800  }
0x94: {  	[sflag:s25] =	ssyncset.done $0x0  }
0x95: {  	[sflag:s25] =	ssyncadd.s32 $0xFFFFF800  }
0x96: {  	_ =	swait.ge [sflag:s25], $0x800  }
0x97: {  	[sflag:s25] =	ssyncset.done $0x0  }
0x98: {  	[sflag:s25] =	ssyncadd.s32 $0xFFFFF800  }
0x99: {  	_ =	swait.ge [sflag:s25], $0x800  }
0x9a: {  	[sflag:s25] =	ssyncset.done $0x0  }
0x9b: {  	[sflag:s25] =	ssyncadd.s32 $0xFFFFF800  }
0x9c: {  	_ =	swait.ge [sflag:s25], $0x800  }
0x9d: {  	[sflag:s25] =	ssyncset.done $0x0  }
0x9e: {  	[sflag:s25] =	ssyncadd.s32 $0xFFFFF800  }
0x9f: {  	_ =	swait.ge [sflag:s25], $0x800  }
0xa0: {  	[sflag:s25] =	ssyncset.done $0x0  }
0xa1: {  	[sflag:s25] =	ssyncadd.s32 $0xFFFFF800  }
0xa2: {  	_ =	swait.ge [sflag:s25], $0x800  }
0xa3: {  	[sflag:s25] =	ssyncset.done $0x0  }
0xa4: {  	[sflag:s25] =	ssyncadd.s32 $0xFFFFF800  }
0xa5: {  	_ =	swait.ge [sflag:s25], $0x800  }
0xa6: {  	[sflag:s25] =	ssyncset.done $0x0  }
0xa7: {  	[sflag:s25] =	ssyncadd.s32 $0xFFFFF800  }
0xa8: {  	[spmem:s2] =	stream.indirect.scatter.add.f32 [tilespmem:s14], [sflag:$0x2], $0x10, s12, s13, $0xb8;
	[tilespmem:$0x1D000] =	vst v63  }
0xa9: {  	_ = 	snop  }
0xaa: {  	[spmem:s2] =	stream.indirect.scatter.add.f32 [tilespmem:s15], [sflag:$0x2], $0x10, s26, s13, $0xb8;
	[tilespmem:$0x1D000] =	vst v63  }
0xab: {  	_ = 	snop  }
0xac: {  	[spmem:s2] =	stream.indirect.scatter.add.f32 [tilespmem:s16], [sflag:$0x2], $0x10, s28, s13, $0xb8;
	[tilespmem:$0x1D000] =	vst v63  }
0xad: {  	_ = 	snop  }
0xae: {  	[spmem:s2] =	stream.indirect.scatter.add.f32 [tilespmem:s17], [sflag:$0x2], $0x10, s29, s13, $0xb8;
	[tilespmem:$0x1D000] =	vst v63  }
0xaf: {  	_ = 	snop  }
0xb0: {  	[spmem:s2] =	stream.indirect.scatter.add.f32 [tilespmem:s18], [sflag:$0x2], $0x10, s30, s13, $0xb8;
	[tilespmem:$0x1D000] =	vst v63  }
0xb1: {  	_ = 	snop  }
0xb2: {  	[spmem:s2] =	stream.indirect.scatter.add.f32 [tilespmem:s20], [sflag:$0x2], $0x10, s31, s13, $0xb8;
	[tilespmem:$0x1D000] =	vst v63  }
0xb3: {  	_ = 	snop  }
0xb4: {  	[spmem:s2] =	stream.indirect.scatter.add.f32 [tilespmem:s22], [sflag:$0x2], $0x10, s1, s13, $0xb8;
	[tilespmem:$0x1D000] =	vst v63  }
0xb5: {  	_ = 	snop  }
0xb6: {  	[spmem:s2] =	stream.indirect.scatter.add.f32 [tilespmem:s24], [sflag:$0x2], $0x10, s0, s13, $0xb8;
	[tilespmem:$0x1D000] =	vst v63  }
0xb7: {  	_ =	swait.ge [sflag:s5], $0x800  }
0xb8: {  	[sflag:s5] =	ssyncset.done $0x0  }
0xb9: {  	[sflag:s5] =	ssyncadd.s32 $0xFFFFF800  }
0xba: {  	_ =	swait.ge [sflag:s5], $0x800  }
0xbb: {  	[sflag:s5] =	ssyncset.done $0x0  }
0xbc: {  	[sflag:s5] =	ssyncadd.s32 $0xFFFFF800  }
0xbd: {  	_ =	swait.ge [sflag:s5], $0x800  }
0xbe: {  	[sflag:s5] =	ssyncset.done $0x0  }
0xbf: {  	[sflag:s5] =	ssyncadd.s32 $0xFFFFF800  }
0xc0: {  	_ =	swait.ge [sflag:s5], $0x800  }
0xc1: {  	[sflag:s5] =	ssyncset.done $0x0  }
0xc2: {  	[sflag:s5] =	ssyncadd.s32 $0xFFFFF800  }
0xc3: {  	_ =	swait.ge [sflag:s5], $0x800  }
0xc4: {  	[sflag:s5] =	ssyncset.done $0x0  }
0xc5: {  	[sflag:s5] =	ssyncadd.s32 $0xFFFFF800  }
0xc6: {  	_ =	swait.ge [sflag:s5], $0x800  }
0xc7: {  	[sflag:s5] =	ssyncset.done $0x0  }
0xc8: {  	p0 =	sne.s32 s6, $0x1800;
	[sflag:s5] =	ssyncadd.s32 $0xFFFFF800  }
.Ltmp0:
0xc9: {  	_ =	swait.ge [sflag:s5], $0x800;
	(pc) =	sbr.rel @p0 .LBB2_2-.Ltmp0, $4  }
0xca: {  	[sflag:s5] =	ssyncset.done $0x0  }
0xcb: {  	[sflag:s5] =	ssyncadd.s32 $0xFFFFF800  }
0xcc: {  	_ =	swait.ge [sflag:s5], $0x800  }
0xcd: {  	s6 =	sadd.s32 $0x80, s6;
	s9 =	rddreg [dreg:$0x4];
	[sflag:s5] =	ssyncset.done $0x0  }
0xce: {  	[sflag:s5] =	ssyncadd.s32 $0xFFFFF800;
	s6 =	sadd.s32 s8, s9  }
0xcf: {  	[tilespmem:s11], [sflag:$0x3] =	stream.linear.gather [hbm4b:s6+s3], $0x400, $0x38;
	[tilespmem:$0x1D000] =	vst v63  }
0xd0: {  	_ =	swait.ge [sflag:s10], $0x400  }
0xd1: {  	s7 =	rddreg [dreg:$0x3];
	[sflag:s10] =	ssyncset.done $0x0  }
0xd2: {  	[sflag:s10] =	ssyncadd.s32 $0xFFFFFC00;
	s6 =	sadd.s32 s8, s7  }
0xd3: {  	[tilespmem:s12], [sflag:$0x3] =	stream.linear.gather [hbm4b:s6+s3], $0x400, $0x38;
	[tilespmem:$0x1D000] =	vst v63  }
0xd4: {  	_ =	swait.ge [sflag:s10], $0x400  }
0xd5: {  	[sflag:s10] =	ssyncset.done $0x0  }
0xd6: {  	[sflag:s10] =	ssyncadd.s32 $0xFFFFFC00  }
0xd7: {  	[tilespmem:s14], [sflag:$0x1] =	stream.indirect.gather [hbm4b:s4+s13], $0x10, s11, s13, $0xb8;
	[tilespmem:$0x1D000] =	vst v63  }
0xd8: {  	s8 =	rddreg [dreg:$0x5]  }
0xd9: {  	[tilespmem:s15], [sflag:$0x1] =	stream.indirect.gather [hbm4b:s4+s13], $0x10, s8, s13, $0xb8;
	[tilespmem:$0x1D000] =	vst v63  }
0xda: {  	s7 =	rddreg [dreg:$0x6]  }
0xdb: {  	[tilespmem:s16], [sflag:$0x1] =	stream.indirect.gather [hbm4b:s4+s13], $0x10, s7, s13, $0xb8;
	[tilespmem:$0x1D000] =	vst v63  }
0xdc: {  	s9 =	rddreg [dreg:$0x7]  }
0xdd: {  	[tilespmem:s17], [sflag:$0x1] =	stream.indirect.gather [hbm4b:s4+s13], $0x10, s9, s13, $0xb8;
	[tilespmem:$0x1D000] =	vst v63  }
0xde: {  	s8 =	rddreg [dreg:$0x8]  }
0xdf: {  	[tilespmem:s18], [sflag:$0x1] =	stream.indirect.gather [hbm4b:s4+s13], $0x10, s8, s13, $0xb8;
	[tilespmem:$0x1D000] =	vst v63  }
0xe0: {  	_ = 	snop  }
0xe1: {  	[tilespmem:s20], [sflag:$0x1] =	stream.indirect.gather [hbm4b:s4+s13], $0x10, s19, s13, $0xb8;
	[tilespmem:$0x1D000] =	vst v63  }
0xe2: {  	_ = 	snop  }
0xe3: {  	[tilespmem:s22], [sflag:$0x1] =	stream.indirect.gather [hbm4b:s4+s13], $0x10, s21, s13, $0xb8;
	[tilespmem:$0x1D000] =	vst v63  }
0xe4: {  	_ = 	snop  }
0xe5: {  	[tilespmem:s24], [sflag:$0x1] =	stream.indirect.gather [hbm4b:s4+s13], $0x10, s23, s13, $0xb8;
	[tilespmem:$0x1D000] =	vst v63  }
0xe6: {  	_ =	swait.ge [sflag:s25], $0x800  }
0xe7: {  	[sflag:s25] =	ssyncset.done $0x0  }
0xe8: {  	[sflag:s25] =	ssyncadd.s32 $0xFFFFF800  }
0xe9: {  	_ =	swait.ge [sflag:s25], $0x800  }
0xea: {  	[sflag:s25] =	ssyncset.done $0x0  }
0xeb: {  	[sflag:s25] =	ssyncadd.s32 $0xFFFFF800  }
0xec: {  	_ =	swait.ge [sflag:s25], $0x800  }
0xed: {  	[sflag:s25] =	ssyncset.done $0x0  }
0xee: {  	[sflag:s25] =	ssyncadd.s32 $0xFFFFF800  }
0xef: {  	_ =	swait.ge [sflag:s25], $0x800  }
0xf0: {  	[sflag:s25] =	ssyncset.done $0x0  }
0xf1: {  	[sflag:s25] =	ssyncadd.s32 $0xFFFFF800  }
0xf2: {  	_ =	swait.ge [sflag:s25], $0x800  }
0xf3: {  	[sflag:s25] =	ssyncset.done $0x0  }
0xf4: {  	[sflag:s25] =	ssyncadd.s32 $0xFFFFF800  }
0xf5: {  	_ =	swait.ge [sflag:s25], $0x800  }
0xf6: {  	[sflag:s25] =	ssyncset.done $0x0  }
0xf7: {  	[sflag:s25] =	ssyncadd.s32 $0xFFFFF800  }
0xf8: {  	_ =	swait.ge [sflag:s25], $0x800  }
0xf9: {  	[sflag:s25] =	ssyncset.done $0x0  }
0xfa: {  	[sflag:s25] =	ssyncadd.s32 $0xFFFFF800  }
0xfb: {  	_ =	swait.ge [sflag:s25], $0x800  }
0xfc: {  	[sflag:s25] =	ssyncset.done $0x0  }
0xfd: {  	[sflag:s25] =	ssyncadd.s32 $0xFFFFF800  }
0xfe: {  	[spmem:s2] =	stream.indirect.scatter.add.f32 [tilespmem:s14], [sflag:$0x2], $0x10, s12, s13, $0xb8;
	[tilespmem:$0x1D000] =	vst v63  }
0xff: {  	_ = 	snop  }
0x100: {  	[spmem:s2] =	stream.indirect.scatter.add.f32 [tilespmem:s15], [sflag:$0x2], $0x10, s26, s13, $0xb8;
	[tilespmem:$0x1D000] =	vst v63  }
0x101: {  	_ = 	snop  }
0x102: {  	[spmem:s2] =	stream.indirect.scatter.add.f32 [tilespmem:s16], [sflag:$0x2], $0x10, s28, s13, $0xb8;
	[tilespmem:$0x1D000] =	vst v63  }
0x103: {  	_ = 	snop  }
0x104: {  	[spmem:s2] =	stream.indirect.scatter.add.f32 [tilespmem:s17], [sflag:$0x2], $0x10, s29, s13, $0xb8;
	[tilespmem:$0x1D000] =	vst v63  }
0x105: {  	_ = 	snop  }
0x106: {  	[spmem:s2] =	stream.indirect.scatter.add.f32 [tilespmem:s18], [sflag:$0x2], $0x10, s30, s13, $0xb8;
	[tilespmem:$0x1D000] =	vst v63  }
0x107: {  	_ = 	snop  }
0x108: {  	[spmem:s2] =	stream.indirect.scatter.add.f32 [tilespmem:s20], [sflag:$0x2], $0x10, s31, s13, $0xb8;
	[tilespmem:$0x1D000] =	vst v63  }
0x109: {  	_ = 	snop  }
0x10a: {  	[spmem:s2] =	stream.indirect.scatter.add.f32 [tilespmem:s22], [sflag:$0x2], $0x10, s1, s13, $0xb8;
	[tilespmem:$0x1D000] =	vst v63  }
0x10b: {  	_ = 	snop  }
0x10c: {  	[spmem:s2] =	stream.indirect.scatter.add.f32 [tilespmem:s24], [sflag:$0x2], $0x10, s0, s13, $0xb8;
	[tilespmem:$0x1D000] =	vst v63  }
0x10d: {  	_ =	swait.ge [sflag:s5], $0x800  }
0x10e: {  	[sflag:s5] =	ssyncset.done $0x0  }
0x10f: {  	[sflag:s5] =	ssyncadd.s32 $0xFFFFF800  }
0x110: {  	_ =	swait.ge [sflag:s5], $0x800  }
0x111: {  	[sflag:s5] =	ssyncset.done $0x0  }
0x112: {  	[sflag:s5] =	ssyncadd.s32 $0xFFFFF800  }
0x113: {  	_ =	swait.ge [sflag:s5], $0x800  }
0x114: {  	[sflag:s5] =	ssyncset.done $0x0  }
0x115: {  	[sflag:s5] =	ssyncadd.s32 $0xFFFFF800  }
0x116: {  	_ =	swait.ge [sflag:s5], $0x800  }
0x117: {  	[sflag:s5] =	ssyncset.done $0x0  }
0x118: {  	[sflag:s5] =	ssyncadd.s32 $0xFFFFF800  }
0x119: {  	_ =	swait.ge [sflag:s5], $0x800  }
0x11a: {  	[sflag:s5] =	ssyncset.done $0x0  }
0x11b: {  	[sflag:s5] =	ssyncadd.s32 $0xFFFFF800  }
0x11c: {  	_ =	swait.ge [sflag:s5], $0x800  }
0x11d: {  	[sflag:s5] =	ssyncset.done $0x0  }
0x11e: {  	[sflag:s5] =	ssyncadd.s32 $0xFFFFF800  }
0x11f: {  	_ =	swait.ge [sflag:s5], $0x800  }
0x120: {  	[sflag:s5] =	ssyncset.done $0x0  }
0x121: {  	[sflag:s5] =	ssyncadd.s32 $0xFFFFF800  }
0x122: {  	_ =	swait.ge [sflag:s5], $0x800  }
0x123: {  	[sflag:s5] =	ssyncset.done $0x0  }
0x124: {  	[sflag:s5] =	ssyncadd.s32 $0xFFFFF800  }
0x125: {  	[bflag:$0x0] =	sbarrier.arrive $0xFFFF  }
0x126: {  	s8 =	rddreg [dreg:$0xa]  }
0x127: {  	s9 =	rddreg [dreg:$0xb]  }
0x128: {  	s7 =	rddreg [dreg:$0xd]  }
0x129: {  	[hbm:s9], [sflag:s8] =	dma.local [spmem:s7], $0x3100  }
0x12a: {  	_ =	swait.ge [sflag:s10], $0x3100  }
0x12b: {  	s6 =	rddreg [dreg:$0xe]  }
0x12c: {  	s9 =	sadd.s32 $0x1, s6;
	s6 =	rddreg [dreg:$0xc]  }
0x12d: {  	p0 =	sne.s32 s9, s6  }
.Ltmp1:
0x12e: {  	_ = 	snop;
	(pc) =	sbr.rel @p0 .LBB2_1-.Ltmp1, $3  }
0x12f: {  	_ =	sdelay $0x1  }
0x130: {  	[sflag:s10] =	ssyncset.done $0x0  }
0x131: {  	[sflag:s10] =	ssyncadd.s32 $0xFFFFCF00  }
0x132: {  	_ =	sfence.sel $0x180000  }
0x133: {  	[bflag:$0x0] =	sbarrier.arrive $0xFFFF  }
0x134: {  	_ =	strace $0x90000053  }
0x135: {  	s0 =	stileid.u32;
	[bflag:$0x2] =	sbarrier.arrive $0xFFFF  }
0x136: {  	p0 =	sne.s32 s0, $0x0;
	s0 =	rddreg [dreg:$0x2]  }
0x137: {  	s0 =	sadd.s32 @!p0 $0x100000, s0  }
0x138: {  	[sflag:s0] =	ssyncadd.tile.s32 @!p0 $0x1;
	_ =	shalt  }
.Lfunc_end2:
_tile_overlayer_lowered:
.L_overlay_start_2:
0x139: {  	(tag) =	ssettag $0x2  }
0x13a: {  	s0 =	rddreg [dreg:$0x0];
	s2 =	stileid.u32  }
0x13b: {  	s1 =	rddreg [dreg:$0x1];
	p0 =	sne.s32 s2, $0x0  }
0x13c: {  	s3 =	rddreg [dreg:$0x2];
	[bflag:$0x3] =	sbarrier.arrive $0xFFFF;
	s2 =	simm.s32 @!p0 $0x1C03  }
0x13d: {  	[timem:s3], [sflag:s2] =	dma.local @!p0 [hbm:s0], s1  }
0x13e: {  	s0 =	simm.s32 @!p0 $0x3  }
0x13f: {  	_ =	swait.ge @!p0 [sflag:s0], s1  }
0x140: {  	s1 =	ssub.s32 @!p0 $0x0, s1;
	[sflag:s0] =	ssyncset.done @!p0 $0x0  }
0x141: {  	[sflag:s0] =	ssyncadd.s32 @!p0 s1  }
0x142: {  	[bflag:$0x3] =	sbarrier.arrive $0xFFFF  }
0x143: {  	_ =	shalt  }

</sc_bundles>
